<compile_context>
chip_gen: v7x
topology: tpu7x:2x2x1
jax: 0.10.2.dev20260603
libtpu: 0.0.44.dev20260713+nightly
codegen_flags: <defaults>
</compile_context>

<pallas_src>
import math

import jax
import jax.numpy as jnp
from jax import lax
from jax.experimental import pallas as pl
from jax.experimental.pallas import tpu as pltpu
from jax.experimental.pallas import tpu_sc as plsc

D_MODEL = 64
SCALE = math.sqrt(D_MODEL)

NC = 2
NS = 16
NW = NC * NS
LANES = 16

GATHER = 128
NROWS = 4
NBLK = 2


def _build(B0, B1):
    assert B0 == GATHER * NW and B1 % NROWS == 0
    n_steps = B1
    mesh = plsc.VectorSubcoreMesh(
        core_axis_name="c", subcore_axis_name="s",
        num_cores=NC, num_subcores=NS)

    def body(xt_hbm, table_hbm, out_hbm, idx_all,
             rows0, rows1, rows2, rows3, blk0, blk1,
             sg0, sg1, sg2, sg3, sw0, sw1):
        rows = (rows0, rows1, rows2, rows3)
        blk = (blk0, blk1)
        sem_g = (sg0, sg1, sg2, sg3)
        sem_w = (sw0, sw1)
        wid = lax.axis_index("s") * NC + lax.axis_index("c")
        col0 = wid * GATHER

        pltpu.sync_copy(xt_hbm.at[:, pl.ds(col0, GATHER)], idx_all)

        ilane = lax.iota(jnp.int32, LANES)
        dvecs = [ilane + q * LANES for q in range(D_MODEL // LANES)]

        def fire_gather(b1, rb):
            pltpu.async_copy(table_hbm.at[idx_all.at[b1]], rows[rb],
                             sem_g[rb])

        def wait_gather(b1, rb):
            pltpu.make_async_copy(table_hbm.at[idx_all.at[b1]], rows[rb],
                                  sem_g[rb]).wait()

        def fire_wb(b1, kb):
            for di in range(D_MODEL // 8):
                pltpu.async_copy(
                    blk[kb].at[pl.ds(di * 8, 8), pl.ds(0, GATHER)],
                    out_hbm.at[b1, di, wid], sem_w[kb])

        def wait_wb(kb):
            for di in range(D_MODEL // 8):
                pltpu.make_async_copy(
                    blk[kb].at[pl.ds(di * 8, 8), pl.ds(0, GATHER)],
                    out_hbm.at[0, di, 0], sem_w[kb]).wait()

        def shuffle(rb, kb):
            src = rows[rb]
            dst = blk[kb]

            @plsc.parallel_loop(0, GATHER, unroll=4)
            def _(i):
                ivec = jnp.zeros((LANES,), jnp.int32) + i
                for q in range(D_MODEL // LANES):
                    v = src[i, pl.ds(q * LANES, LANES)]
                    plsc.store_scatter(dst, [dvecs[q], ivec], v * SCALE)

        for rb in range(NROWS):
            fire_gather(rb, rb)

        def quad_body(b1_0, carry):
            for b in range(NROWS):
                b1 = b1_0 + b
                rb = b
                kb = b % NBLK
                wait_gather(b1, rb)

                @pl.when(b1 >= NBLK)
                def _():
                    wait_wb(kb)

                shuffle(rb, kb)
                fire_wb(b1, kb)

                @pl.when(b1 + NROWS < n_steps)
                def _():
                    fire_gather(b1 + NROWS, rb)
            return carry

        lax.fori_loop(0, n_steps // NROWS,
                      lambda i, c: quad_body(i * NROWS, c), 0)
        for kb in range(NBLK):
            wait_wb(kb)

    kern = pl.kernel(
        body,
        out_type=jax.ShapeDtypeStruct((B1, D_MODEL // 8, B0 // GATHER, 8, 128),
                                      jnp.float32),
        mesh=mesh,
        scratch_types=[
            pltpu.VMEM((B1, GATHER), jnp.int32),
            pltpu.VMEM((GATHER, D_MODEL), jnp.float32),
            pltpu.VMEM((GATHER, D_MODEL), jnp.float32),
            pltpu.VMEM((GATHER, D_MODEL), jnp.float32),
            pltpu.VMEM((GATHER, D_MODEL), jnp.float32),
            pltpu.VMEM((D_MODEL, 129), jnp.float32),
            pltpu.VMEM((D_MODEL, 129), jnp.float32),
            pltpu.SemaphoreType.DMA,
            pltpu.SemaphoreType.DMA,
            pltpu.SemaphoreType.DMA,
            pltpu.SemaphoreType.DMA,
            pltpu.SemaphoreType.DMA,
            pltpu.SemaphoreType.DMA,
        ],
        compiler_params=pltpu.CompilerParams(use_tc_tiling_on_sc=False,
                                             needs_layout_passes=False,
                                             skip_device_barrier=True),
    )
    return kern


def kernel(x, table):
    B0, B1 = x.shape
    xt = x.T.astype(jnp.int32)
    out5 = _build(B0, B1)(xt, table)
    out = out5.transpose(2, 4, 0, 1, 3).reshape(B0, B1, D_MODEL)
    return out

# --- scband reference (transcript-rebuilt; emitter-appended) ---
"""Pipeline reference for scband-embedding-layer-17746804867181 (READ-ONLY COPY).

The authoritative reference and input builder live on the scoring server;
editing this copy changes nothing except your own understanding.
"""

import jax, jax.numpy as jnp
import numpy as np
import math

VOCAB = 1000000
D_MODEL = 64

def setup_inputs(seed: int = 0) -> dict:
    key = jax.random.key(seed)
    k1, k2 = jax.random.split(key)
    x = jax.random.randint(k1, (4096, 200), 0, VOCAB, dtype=jnp.int64 if jax.config.jax_enable_x64 else jnp.int32)
    table = jax.random.normal(k2, (VOCAB, D_MODEL), dtype=jnp.float32)
    return {"x": x, "table": table}

def reference(x, table):
    # nn.Embedding lookup followed by scaling by sqrt(d_model)
    emb = jnp.take(table, x, axis=0)
    return emb * math.sqrt(D_MODEL)

if __name__ == "__main__":
    import jax
    _d = setup_inputs()
    print(jax.jit(kernel)(*tuple(_d.values())))

</pallas_src>

<mosaic_0001>
#map = affine_map<(d0, d1) -> (0, 0)>
#map1 = affine_map<(d0, d1) -> (0, 0, 0, 0, 0)>
module attributes {stable_mosaic.version = 14 : i64} {
  func.func @body(%arg0: i32, %arg1: i32, %arg2: memref<200x4096xi32, #tpu.memory_space<hbm>>, %arg3: memref<1000000x64xf32, #tpu.memory_space<hbm>>, %arg4: memref<200x8x32x8x128xf32, #tpu.memory_space<hbm>>, %arg5: memref<200x128xi32, #tpu.memory_space<vmem>>, %arg6: memref<128x64xf32, #tpu.memory_space<vmem>>, %arg7: memref<128x64xf32, #tpu.memory_space<vmem>>, %arg8: memref<128x64xf32, #tpu.memory_space<vmem>>, %arg9: memref<128x64xf32, #tpu.memory_space<vmem>>, %arg10: memref<64x129xf32, #tpu.memory_space<vmem>>, %arg11: memref<64x129xf32, #tpu.memory_space<vmem>>, %arg12: memref<!tpu.dma_semaphore, #tpu.memory_space<semaphore_mem>>, %arg13: memref<!tpu.dma_semaphore, #tpu.memory_space<semaphore_mem>>, %arg14: memref<!tpu.dma_semaphore, #tpu.memory_space<semaphore_mem>>, %arg15: memref<!tpu.dma_semaphore, #tpu.memory_space<semaphore_mem>>, %arg16: memref<!tpu.dma_semaphore, #tpu.memory_space<semaphore_mem>>, %arg17: memref<!tpu.dma_semaphore, #tpu.memory_space<semaphore_mem>>) attributes {dimension_semantics = [#tpu.dimension_semantics<core_parallel>, #tpu.dimension_semantics<subcore_parallel>], iteration_bounds = array<i64: 2, 16>, scalar_prefetch = 0 : i64, scratch_operands = 13 : i64, tpu.core_type = #tpu.core_type<sc_vector_subcore>, window_params = [{transform_indices = #map}, {transform_indices = #map}, {transform_indices = #map1}]} {
    %mul3A = arith.constant 2 : i32
    %mul3A_0 = arith.muli %arg1, %mul3A : i32
    %add3A = arith.addi %mul3A_0, %arg0 : i32
    %mul3A_1 = arith.constant 128 : i32
    %mul3A_2 = arith.muli %add3A, %mul3A_1 : i32
    "tpu.region"() ({
      %run_scoped3A = tpu.sem_alloc : memref<!tpu.dma_semaphore, #tpu.memory_space<semaphore_mem>>
      %dma_start3A_318 = arith.constant 0 : i32
      %dma_start3A_319 = tpu.memref_slice %arg2[%dma_start3A_318, %mul3A_2] : memref<200x4096xi32, #tpu.memory_space<hbm>> -> memref<200x128xi32, #tpu.memory_space<hbm>>
      %dma_start3A_320 = arith.constant 0 : i32
      %dma_start3A_321 = tpu.memref_slice %arg2[%dma_start3A_320, %mul3A_2] : memref<200x4096xi32, #tpu.memory_space<hbm>> -> memref<200x128xi32, #tpu.memory_space<hbm>>
      tpu.enqueue_dma source(%dma_start3A_321 : memref<200x128xi32, #tpu.memory_space<hbm>>) target(%arg5 : memref<200x128xi32, #tpu.memory_space<vmem>>) target_semaphore(%run_scoped3A : memref<!tpu.dma_semaphore, #tpu.memory_space<semaphore_mem>>)
      %dma_wait3A_322 = arith.constant 0 : i32
      %dma_wait3A_323 = tpu.memref_slice %arg2[%dma_wait3A_322, %mul3A_2] : memref<200x4096xi32, #tpu.memory_space<hbm>> -> memref<200x128xi32, #tpu.memory_space<hbm>>
      %dma_wait3A_324 = arith.constant 0 : i32
      %dma_wait3A_325 = tpu.memref_slice %arg2[%dma_wait3A_324, %mul3A_2] : memref<200x4096xi32, #tpu.memory_space<hbm>> -> memref<200x128xi32, #tpu.memory_space<hbm>>
      tpu.wait_dma2 semaphore(%run_scoped3A : memref<!tpu.dma_semaphore, #tpu.memory_space<semaphore_mem>>) src(%dma_wait3A_325 : memref<200x128xi32, #tpu.memory_space<hbm>>) dst(%arg5 : memref<200x128xi32, #tpu.memory_space<vmem>>)
      tpu.yield
    }) : () -> ()
    %iota3A = tpu.iota {dimensions = array<i32: 0>} : vector<16xi32>
    %add3A_3 = arith.constant 0 : i32
    %add3A_4 = vector.broadcast %add3A_3 : i32 to vector<16xi32>
    %add3A_5 = arith.addi %iota3A, %add3A_4 : vector<16xi32>
    %add3A_6 = arith.constant 16 : i32
    %add3A_7 = vector.broadcast %add3A_6 : i32 to vector<16xi32>
    %add3A_8 = arith.addi %iota3A, %add3A_7 : vector<16xi32>
    %add3A_9 = arith.constant 32 : i32
    %add3A_10 = vector.broadcast %add3A_9 : i32 to vector<16xi32>
    %add3A_11 = arith.addi %iota3A, %add3A_10 : vector<16xi32>
    %add3A_12 = arith.constant 48 : i32
    %add3A_13 = vector.broadcast %add3A_12 : i32 to vector<16xi32>
    %add3A_14 = arith.addi %iota3A, %add3A_13 : vector<16xi32>
    %dma_start3A = arith.constant 0 : i32
    %dma_start3A_15 = arith.constant 0 : i32
    %dma_start3A_16 = tpu.memref_slice %arg5[%dma_start3A, %dma_start3A_15] : memref<200x128xi32, #tpu.memory_space<vmem>> -> memref<1x128xi32, #tpu.memory_space<vmem>>
    %dma_start3A_17 = tpu.memref_squeeze %dma_start3A_16 : memref<1x128xi32, #tpu.memory_space<vmem>> -> memref<128xi32, #tpu.memory_space<vmem>>
    %dma_start3A_18 = arith.constant 0 : i32
    %dma_start3A_19 = arith.constant 0 : i32
    %dma_start3A_20 = tpu.memref_slice %arg3[%dma_start3A_18, %dma_start3A_19] : memref<1000000x64xf32, #tpu.memory_space<hbm>> -> memref<1000000x64xf32, #tpu.memory_space<hbm>>
    tpu.enqueue_indirect_dma source(%dma_start3A_20 : memref<1000000x64xf32, #tpu.memory_space<hbm>>) target(%arg6 : memref<128x64xf32, #tpu.memory_space<vmem>>) offsets(%dma_start3A_17 : memref<128xi32, #tpu.memory_space<vmem>>) semaphore(%arg12 : memref<!tpu.dma_semaphore, #tpu.memory_space<semaphore_mem>>)
    %dma_start3A_21 = arith.constant 1 : i32
    %dma_start3A_22 = arith.constant 0 : i32
    %dma_start3A_23 = tpu.memref_slice %arg5[%dma_start3A_21, %dma_start3A_22] : memref<200x128xi32, #tpu.memory_space<vmem>> -> memref<1x128xi32, #tpu.memory_space<vmem>>
    %dma_start3A_24 = tpu.memref_squeeze %dma_start3A_23 : memref<1x128xi32, #tpu.memory_space<vmem>> -> memref<128xi32, #tpu.memory_space<vmem>>
    %dma_start3A_25 = arith.constant 0 : i32
    %dma_start3A_26 = arith.constant 0 : i32
    %dma_start3A_27 = tpu.memref_slice %arg3[%dma_start3A_25, %dma_start3A_26] : memref<1000000x64xf32, #tpu.memory_space<hbm>> -> memref<1000000x64xf32, #tpu.memory_space<hbm>>
    tpu.enqueue_indirect_dma source(%dma_start3A_27 : memref<1000000x64xf32, #tpu.memory_space<hbm>>) target(%arg7 : memref<128x64xf32, #tpu.memory_space<vmem>>) offsets(%dma_start3A_24 : memref<128xi32, #tpu.memory_space<vmem>>) semaphore(%arg13 : memref<!tpu.dma_semaphore, #tpu.memory_space<semaphore_mem>>)
    %dma_start3A_28 = arith.constant 2 : i32
    %dma_start3A_29 = arith.constant 0 : i32
    %dma_start3A_30 = tpu.memref_slice %arg5[%dma_start3A_28, %dma_start3A_29] : memref<200x128xi32, #tpu.memory_space<vmem>> -> memref<1x128xi32, #tpu.memory_space<vmem>>
    %dma_start3A_31 = tpu.memref_squeeze %dma_start3A_30 : memref<1x128xi32, #tpu.memory_space<vmem>> -> memref<128xi32, #tpu.memory_space<vmem>>
    %dma_start3A_32 = arith.constant 0 : i32
    %dma_start3A_33 = arith.constant 0 : i32
    %dma_start3A_34 = tpu.memref_slice %arg3[%dma_start3A_32, %dma_start3A_33] : memref<1000000x64xf32, #tpu.memory_space<hbm>> -> memref<1000000x64xf32, #tpu.memory_space<hbm>>
    tpu.enqueue_indirect_dma source(%dma_start3A_34 : memref<1000000x64xf32, #tpu.memory_space<hbm>>) target(%arg8 : memref<128x64xf32, #tpu.memory_space<vmem>>) offsets(%dma_start3A_31 : memref<128xi32, #tpu.memory_space<vmem>>) semaphore(%arg14 : memref<!tpu.dma_semaphore, #tpu.memory_space<semaphore_mem>>)
    %dma_start3A_35 = arith.constant 3 : i32
    %dma_start3A_36 = arith.constant 0 : i32
    %dma_start3A_37 = tpu.memref_slice %arg5[%dma_start3A_35, %dma_start3A_36] : memref<200x128xi32, #tpu.memory_space<vmem>> -> memref<1x128xi32, #tpu.memory_space<vmem>>
    %dma_start3A_38 = tpu.memref_squeeze %dma_start3A_37 : memref<1x128xi32, #tpu.memory_space<vmem>> -> memref<128xi32, #tpu.memory_space<vmem>>
    %dma_start3A_39 = arith.constant 0 : i32
    %dma_start3A_40 = arith.constant 0 : i32
    %dma_start3A_41 = tpu.memref_slice %arg3[%dma_start3A_39, %dma_start3A_40] : memref<1000000x64xf32, #tpu.memory_space<hbm>> -> memref<1000000x64xf32, #tpu.memory_space<hbm>>
    tpu.enqueue_indirect_dma source(%dma_start3A_41 : memref<1000000x64xf32, #tpu.memory_space<hbm>>) target(%arg9 : memref<128x64xf32, #tpu.memory_space<vmem>>) offsets(%dma_start3A_38 : memref<128xi32, #tpu.memory_space<vmem>>) semaphore(%arg15 : memref<!tpu.dma_semaphore, #tpu.memory_space<semaphore_mem>>)
    %scan3A = arith.constant 0 : i32
    %scan3A_42 = arith.constant 0 : i32
    %scan3A_43 = arith.constant 50 : i32
    %scan3A_44 = arith.addi %scan3A_42, %scan3A_43 : i32
    %scan3A_45 = arith.constant 1 : i32
    scf.for %scan3A_318 = %scan3A_42 to %scan3A_44 step %scan3A_45  : i32 {
      %mul3A_319 = arith.constant 4 : i32
      %mul3A_320 = arith.muli %scan3A_318, %mul3A_319 : i32
      %add3A_321 = arith.constant 0 : i32
      %add3A_322 = arith.addi %mul3A_320, %add3A_321 : i32
      %dma_wait3A_323 = arith.constant 0 : i32
      %dma_wait3A_324 = tpu.memref_slice %arg5[%add3A_322, %dma_wait3A_323] : memref<200x128xi32, #tpu.memory_space<vmem>> -> memref<1x128xi32, #tpu.memory_space<vmem>>
      %dma_wait3A_325 = tpu.memref_squeeze %dma_wait3A_324 : memref<1x128xi32, #tpu.memory_space<vmem>> -> memref<128xi32, #tpu.memory_space<vmem>>
      %dma_wait3A_326 = arith.constant 0 : i32
      %dma_wait3A_327 = arith.constant 0 : i32
      %dma_wait3A_328 = tpu.memref_slice %arg3[%dma_wait3A_326, %dma_wait3A_327] : memref<1000000x64xf32, #tpu.memory_space<hbm>> -> memref<1000000x64xf32, #tpu.memory_space<hbm>>
      tpu.wait_indirect_dma semaphore(%arg12 : memref<!tpu.dma_semaphore, #tpu.memory_space<semaphore_mem>>) src(%dma_wait3A_328 : memref<1000000x64xf32, #tpu.memory_space<hbm>>) dst(%arg6 : memref<128x64xf32, #tpu.memory_space<vmem>>)
      %ge3A = arith.constant 2 : i32
      %ge3A_329 = arith.cmpi sge, %add3A_322, %ge3A : i32
      %convert_element_type3A = arith.extui %ge3A_329 : i1 to i32
      %cond3A = arith.constant 0 : i32
      %cond3A_330 = arith.cmpi ne, %convert_element_type3A, %cond3A : i32
      scf.if %cond3A_330 {
        %dma_wait3A_888 = arith.constant 0 : i32
        %dma_wait3A_889 = arith.constant 0 : i32
        %dma_wait3A_890 = arith.constant 0 : i32
        %dma_wait3A_891 = arith.constant 0 : i32
        %dma_wait3A_892 = arith.constant 0 : i32
        %dma_wait3A_893 = tpu.memref_slice %arg10[%dma_wait3A_891, %dma_wait3A_892] : memref<64x129xf32, #tpu.memory_space<vmem>> -> memref<8x128xf32, #tpu.memory_space<vmem>>
        %dma_wait3A_894 = arith.constant 0 : i32
        %dma_wait3A_895 = arith.constant 0 : i32
        %dma_wait3A_896 = tpu.memref_slice %arg4[%dma_wait3A_888, %dma_wait3A_889, %dma_wait3A_890, %dma_wait3A_894, %dma_wait3A_895] : memref<200x8x32x8x128xf32, #tpu.memory_space<hbm>> -> memref<1x1x1x8x128xf32, #tpu.memory_space<hbm>>
        %dma_wait3A_897 = tpu.memref_squeeze %dma_wait3A_896 : memref<1x1x1x8x128xf32, #tpu.memory_space<hbm>> -> memref<8x128xf32, #tpu.memory_space<hbm>>
        %dma_wait3A_898 = arith.constant 0 : i32
        %dma_wait3A_899 = arith.constant 0 : i32
        %dma_wait3A_900 = tpu.memref_slice %arg4[%dma_wait3A_888, %dma_wait3A_889, %dma_wait3A_890, %dma_wait3A_898, %dma_wait3A_899] : memref<200x8x32x8x128xf32, #tpu.memory_space<hbm>> -> memref<1x1x1x8x128xf32, #tpu.memory_space<hbm>>
        %dma_wait3A_901 = tpu.memref_squeeze %dma_wait3A_900 : memref<1x1x1x8x128xf32, #tpu.memory_space<hbm>> -> memref<8x128xf32, #tpu.memory_space<hbm>>
        %dma_wait3A_902 = arith.constant 0 : i32
        %dma_wait3A_903 = arith.constant 0 : i32
        %dma_wait3A_904 = tpu.memref_slice %arg10[%dma_wait3A_902, %dma_wait3A_903] : memref<64x129xf32, #tpu.memory_space<vmem>> -> memref<8x128xf32, #tpu.memory_space<vmem>>
        tpu.wait_dma2 semaphore(%arg16 : memref<!tpu.dma_semaphore, #tpu.memory_space<semaphore_mem>>) src(%dma_wait3A_904 : memref<8x128xf32, #tpu.memory_space<vmem>>) dst(%dma_wait3A_901 : memref<8x128xf32, #tpu.memory_space<hbm>>)
        %dma_wait3A_905 = arith.constant 0 : i32
        %dma_wait3A_906 = arith.constant 1 : i32
        %dma_wait3A_907 = arith.constant 0 : i32
        %dma_wait3A_908 = arith.constant 8 : i32
        %dma_wait3A_909 = arith.constant 0 : i32
        %dma_wait3A_910 = tpu.memref_slice %arg10[%dma_wait3A_908, %dma_wait3A_909] : memref<64x129xf32, #tpu.memory_space<vmem>> -> memref<8x128xf32, #tpu.memory_space<vmem>>
        %dma_wait3A_911 = arith.constant 0 : i32
        %dma_wait3A_912 = arith.constant 0 : i32
        %dma_wait3A_913 = tpu.memref_slice %arg4[%dma_wait3A_905, %dma_wait3A_906, %dma_wait3A_907, %dma_wait3A_911, %dma_wait3A_912] : memref<200x8x32x8x128xf32, #tpu.memory_space<hbm>> -> memref<1x1x1x8x128xf32, #tpu.memory_space<hbm>>
        %dma_wait3A_914 = tpu.memref_squeeze %dma_wait3A_913 : memref<1x1x1x8x128xf32, #tpu.memory_space<hbm>> -> memref<8x128xf32, #tpu.memory_space<hbm>>
        %dma_wait3A_915 = arith.constant 0 : i32
        %dma_wait3A_916 = arith.constant 0 : i32
        %dma_wait3A_917 = tpu.memref_slice %arg4[%dma_wait3A_905, %dma_wait3A_906, %dma_wait3A_907, %dma_wait3A_915, %dma_wait3A_916] : memref<200x8x32x8x128xf32, #tpu.memory_space<hbm>> -> memref<1x1x1x8x128xf32, #tpu.memory_space<hbm>>
        %dma_wait3A_918 = tpu.memref_squeeze %dma_wait3A_917 : memref<1x1x1x8x128xf32, #tpu.memory_space<hbm>> -> memref<8x128xf32, #tpu.memory_space<hbm>>
        %dma_wait3A_919 = arith.constant 8 : i32
        %dma_wait3A_920 = arith.constant 0 : i32
        %dma_wait3A_921 = tpu.memref_slice %arg10[%dma_wait3A_919, %dma_wait3A_920] : memref<64x129xf32, #tpu.memory_space<vmem>> -> memref<8x128xf32, #tpu.memory_space<vmem>>
        tpu.wait_dma2 semaphore(%arg16 : memref<!tpu.dma_semaphore, #tpu.memory_space<semaphore_mem>>) src(%dma_wait3A_921 : memref<8x128xf32, #tpu.memory_space<vmem>>) dst(%dma_wait3A_918 : memref<8x128xf32, #tpu.memory_space<hbm>>)
        %dma_wait3A_922 = arith.constant 0 : i32
        %dma_wait3A_923 = arith.constant 2 : i32
        %dma_wait3A_924 = arith.constant 0 : i32
        %dma_wait3A_925 = arith.constant 16 : i32
        %dma_wait3A_926 = arith.constant 0 : i32
        %dma_wait3A_927 = tpu.memref_slice %arg10[%dma_wait3A_925, %dma_wait3A_926] : memref<64x129xf32, #tpu.memory_space<vmem>> -> memref<8x128xf32, #tpu.memory_space<vmem>>
        %dma_wait3A_928 = arith.constant 0 : i32
        %dma_wait3A_929 = arith.constant 0 : i32
        %dma_wait3A_930 = tpu.memref_slice %arg4[%dma_wait3A_922, %dma_wait3A_923, %dma_wait3A_924, %dma_wait3A_928, %dma_wait3A_929] : memref<200x8x32x8x128xf32, #tpu.memory_space<hbm>> -> memref<1x1x1x8x128xf32, #tpu.memory_space<hbm>>
        %dma_wait3A_931 = tpu.memref_squeeze %dma_wait3A_930 : memref<1x1x1x8x128xf32, #tpu.memory_space<hbm>> -> memref<8x128xf32, #tpu.memory_space<hbm>>
        %dma_wait3A_932 = arith.constant 0 : i32
        %dma_wait3A_933 = arith.constant 0 : i32
        %dma_wait3A_934 = tpu.memref_slice %arg4[%dma_wait3A_922, %dma_wait3A_923, %dma_wait3A_924, %dma_wait3A_932, %dma_wait3A_933] : memref<200x8x32x8x128xf32, #tpu.memory_space<hbm>> -> memref<1x1x1x8x128xf32, #tpu.memory_space<hbm>>
        %dma_wait3A_935 = tpu.memref_squeeze %dma_wait3A_934 : memref<1x1x1x8x128xf32, #tpu.memory_space<hbm>> -> memref<8x128xf32, #tpu.memory_space<hbm>>
        %dma_wait3A_936 = arith.constant 16 : i32
        %dma_wait3A_937 = arith.constant 0 : i32
        %dma_wait3A_938 = tpu.memref_slice %arg10[%dma_wait3A_936, %dma_wait3A_937] : memref<64x129xf32, #tpu.memory_space<vmem>> -> memref<8x128xf32, #tpu.memory_space<vmem>>
        tpu.wait_dma2 semaphore(%arg16 : memref<!tpu.dma_semaphore, #tpu.memory_space<semaphore_mem>>) src(%dma_wait3A_938 : memref<8x128xf32, #tpu.memory_space<vmem>>) dst(%dma_wait3A_935 : memref<8x128xf32, #tpu.memory_space<hbm>>)
        %dma_wait3A_939 = arith.constant 0 : i32
        %dma_wait3A_940 = arith.constant 3 : i32
        %dma_wait3A_941 = arith.constant 0 : i32
        %dma_wait3A_942 = arith.constant 24 : i32
        %dma_wait3A_943 = arith.constant 0 : i32
        %dma_wait3A_944 = tpu.memref_slice %arg10[%dma_wait3A_942, %dma_wait3A_943] : memref<64x129xf32, #tpu.memory_space<vmem>> -> memref<8x128xf32, #tpu.memory_space<vmem>>
        %dma_wait3A_945 = arith.constant 0 : i32
        %dma_wait3A_946 = arith.constant 0 : i32
        %dma_wait3A_947 = tpu.memref_slice %arg4[%dma_wait3A_939, %dma_wait3A_940, %dma_wait3A_941, %dma_wait3A_945, %dma_wait3A_946] : memref<200x8x32x8x128xf32, #tpu.memory_space<hbm>> -> memref<1x1x1x8x128xf32, #tpu.memory_space<hbm>>
        %dma_wait3A_948 = tpu.memref_squeeze %dma_wait3A_947 : memref<1x1x1x8x128xf32, #tpu.memory_space<hbm>> -> memref<8x128xf32, #tpu.memory_space<hbm>>
        %dma_wait3A_949 = arith.constant 0 : i32
        %dma_wait3A_950 = arith.constant 0 : i32
        %dma_wait3A_951 = tpu.memref_slice %arg4[%dma_wait3A_939, %dma_wait3A_940, %dma_wait3A_941, %dma_wait3A_949, %dma_wait3A_950] : memref<200x8x32x8x128xf32, #tpu.memory_space<hbm>> -> memref<1x1x1x8x128xf32, #tpu.memory_space<hbm>>
        %dma_wait3A_952 = tpu.memref_squeeze %dma_wait3A_951 : memref<1x1x1x8x128xf32, #tpu.memory_space<hbm>> -> memref<8x128xf32, #tpu.memory_space<hbm>>
        %dma_wait3A_953 = arith.constant 24 : i32
        %dma_wait3A_954 = arith.constant 0 : i32
        %dma_wait3A_955 = tpu.memref_slice %arg10[%dma_wait3A_953, %dma_wait3A_954] : memref<64x129xf32, #tpu.memory_space<vmem>> -> memref<8x128xf32, #tpu.memory_space<vmem>>
        tpu.wait_dma2 semaphore(%arg16 : memref<!tpu.dma_semaphore, #tpu.memory_space<semaphore_mem>>) src(%dma_wait3A_955 : memref<8x128xf32, #tpu.memory_space<vmem>>) dst(%dma_wait3A_952 : memref<8x128xf32, #tpu.memory_space<hbm>>)
        %dma_wait3A_956 = arith.constant 0 : i32
        %dma_wait3A_957 = arith.constant 4 : i32
        %dma_wait3A_958 = arith.constant 0 : i32
        %dma_wait3A_959 = arith.constant 32 : i32
        %dma_wait3A_960 = arith.constant 0 : i32
        %dma_wait3A_961 = tpu.memref_slice %arg10[%dma_wait3A_959, %dma_wait3A_960] : memref<64x129xf32, #tpu.memory_space<vmem>> -> memref<8x128xf32, #tpu.memory_space<vmem>>
        %dma_wait3A_962 = arith.constant 0 : i32
        %dma_wait3A_963 = arith.constant 0 : i32
        %dma_wait3A_964 = tpu.memref_slice %arg4[%dma_wait3A_956, %dma_wait3A_957, %dma_wait3A_958, %dma_wait3A_962, %dma_wait3A_963] : memref<200x8x32x8x128xf32, #tpu.memory_space<hbm>> -> memref<1x1x1x8x128xf32, #tpu.memory_space<hbm>>
        %dma_wait3A_965 = tpu.memref_squeeze %dma_wait3A_964 : memref<1x1x1x8x128xf32, #tpu.memory_space<hbm>> -> memref<8x128xf32, #tpu.memory_space<hbm>>
        %dma_wait3A_966 = arith.constant 0 : i32
        %dma_wait3A_967 = arith.constant 0 : i32
        %dma_wait3A_968 = tpu.memref_slice %arg4[%dma_wait3A_956, %dma_wait3A_957, %dma_wait3A_958, %dma_wait3A_966, %dma_wait3A_967] : memref<200x8x32x8x128xf32, #tpu.memory_space<hbm>> -> memref<1x1x1x8x128xf32, #tpu.memory_space<hbm>>
        %dma_wait3A_969 = tpu.memref_squeeze %dma_wait3A_968 : memref<1x1x1x8x128xf32, #tpu.memory_space<hbm>> -> memref<8x128xf32, #tpu.memory_space<hbm>>
        %dma_wait3A_970 = arith.constant 32 : i32
        %dma_wait3A_971 = arith.constant 0 : i32
        %dma_wait3A_972 = tpu.memref_slice %arg10[%dma_wait3A_970, %dma_wait3A_971] : memref<64x129xf32, #tpu.memory_space<vmem>> -> memref<8x128xf32, #tpu.memory_space<vmem>>
        tpu.wait_dma2 semaphore(%arg16 : memref<!tpu.dma_semaphore, #tpu.memory_space<semaphore_mem>>) src(%dma_wait3A_972 : memref<8x128xf32, #tpu.memory_space<vmem>>) dst(%dma_wait3A_969 : memref<8x128xf32, #tpu.memory_space<hbm>>)
        %dma_wait3A_973 = arith.constant 0 : i32
        %dma_wait3A_974 = arith.constant 5 : i32
        %dma_wait3A_975 = arith.constant 0 : i32
        %dma_wait3A_976 = arith.constant 40 : i32
        %dma_wait3A_977 = arith.constant 0 : i32
        %dma_wait3A_978 = tpu.memref_slice %arg10[%dma_wait3A_976, %dma_wait3A_977] : memref<64x129xf32, #tpu.memory_space<vmem>> -> memref<8x128xf32, #tpu.memory_space<vmem>>
        %dma_wait3A_979 = arith.constant 0 : i32
        %dma_wait3A_980 = arith.constant 0 : i32
        %dma_wait3A_981 = tpu.memref_slice %arg4[%dma_wait3A_973, %dma_wait3A_974, %dma_wait3A_975, %dma_wait3A_979, %dma_wait3A_980] : memref<200x8x32x8x128xf32, #tpu.memory_space<hbm>> -> memref<1x1x1x8x128xf32, #tpu.memory_space<hbm>>
        %dma_wait3A_982 = tpu.memref_squeeze %dma_wait3A_981 : memref<1x1x1x8x128xf32, #tpu.memory_space<hbm>> -> memref<8x128xf32, #tpu.memory_space<hbm>>
        %dma_wait3A_983 = arith.constant 0 : i32
        %dma_wait3A_984 = arith.constant 0 : i32
        %dma_wait3A_985 = tpu.memref_slice %arg4[%dma_wait3A_973, %dma_wait3A_974, %dma_wait3A_975, %dma_wait3A_983, %dma_wait3A_984] : memref<200x8x32x8x128xf32, #tpu.memory_space<hbm>> -> memref<1x1x1x8x128xf32, #tpu.memory_space<hbm>>
        %dma_wait3A_986 = tpu.memref_squeeze %dma_wait3A_985 : memref<1x1x1x8x128xf32, #tpu.memory_space<hbm>> -> memref<8x128xf32, #tpu.memory_space<hbm>>
        %dma_wait3A_987 = arith.constant 40 : i32
        %dma_wait3A_988 = arith.constant 0 : i32
        %dma_wait3A_989 = tpu.memref_slice %arg10[%dma_wait3A_987, %dma_wait3A_988] : memref<64x129xf32, #tpu.memory_space<vmem>> -> memref<8x128xf32, #tpu.memory_space<vmem>>
        tpu.wait_dma2 semaphore(%arg16 : memref<!tpu.dma_semaphore, #tpu.memory_space<semaphore_mem>>) src(%dma_wait3A_989 : memref<8x128xf32, #tpu.memory_space<vmem>>) dst(%dma_wait3A_986 : memref<8x128xf32, #tpu.memory_space<hbm>>)
        %dma_wait3A_990 = arith.constant 0 : i32
        %dma_wait3A_991 = arith.constant 6 : i32
        %dma_wait3A_992 = arith.constant 0 : i32
        %dma_wait3A_993 = arith.constant 48 : i32
        %dma_wait3A_994 = arith.constant 0 : i32
        %dma_wait3A_995 = tpu.memref_slice %arg10[%dma_wait3A_993, %dma_wait3A_994] : memref<64x129xf32, #tpu.memory_space<vmem>> -> memref<8x128xf32, #tpu.memory_space<vmem>>
        %dma_wait3A_996 = arith.constant 0 : i32
        %dma_wait3A_997 = arith.constant 0 : i32
        %dma_wait3A_998 = tpu.memref_slice %arg4[%dma_wait3A_990, %dma_wait3A_991, %dma_wait3A_992, %dma_wait3A_996, %dma_wait3A_997] : memref<200x8x32x8x128xf32, #tpu.memory_space<hbm>> -> memref<1x1x1x8x128xf32, #tpu.memory_space<hbm>>
        %dma_wait3A_999 = tpu.memref_squeeze %dma_wait3A_998 : memref<1x1x1x8x128xf32, #tpu.memory_space<hbm>> -> memref<8x128xf32, #tpu.memory_space<hbm>>
        %dma_wait3A_1000 = arith.constant 0 : i32
        %dma_wait3A_1001 = arith.constant 0 : i32
        %dma_wait3A_1002 = tpu.memref_slice %arg4[%dma_wait3A_990, %dma_wait3A_991, %dma_wait3A_992, %dma_wait3A_1000, %dma_wait3A_1001] : memref<200x8x32x8x128xf32, #tpu.memory_space<hbm>> -> memref<1x1x1x8x128xf32, #tpu.memory_space<hbm>>
        %dma_wait3A_1003 = tpu.memref_squeeze %dma_wait3A_1002 : memref<1x1x1x8x128xf32, #tpu.memory_space<hbm>> -> memref<8x128xf32, #tpu.memory_space<hbm>>
        %dma_wait3A_1004 = arith.constant 48 : i32
        %dma_wait3A_1005 = arith.constant 0 : i32
        %dma_wait3A_1006 = tpu.memref_slice %arg10[%dma_wait3A_1004, %dma_wait3A_1005] : memref<64x129xf32, #tpu.memory_space<vmem>> -> memref<8x128xf32, #tpu.memory_space<vmem>>
        tpu.wait_dma2 semaphore(%arg16 : memref<!tpu.dma_semaphore, #tpu.memory_space<semaphore_mem>>) src(%dma_wait3A_1006 : memref<8x128xf32, #tpu.memory_space<vmem>>) dst(%dma_wait3A_1003 : memref<8x128xf32, #tpu.memory_space<hbm>>)
        %dma_wait3A_1007 = arith.constant 0 : i32
        %dma_wait3A_1008 = arith.constant 7 : i32
        %dma_wait3A_1009 = arith.constant 0 : i32
        %dma_wait3A_1010 = arith.constant 56 : i32
        %dma_wait3A_1011 = arith.constant 0 : i32
        %dma_wait3A_1012 = tpu.memref_slice %arg10[%dma_wait3A_1010, %dma_wait3A_1011] : memref<64x129xf32, #tpu.memory_space<vmem>> -> memref<8x128xf32, #tpu.memory_space<vmem>>
        %dma_wait3A_1013 = arith.constant 0 : i32
        %dma_wait3A_1014 = arith.constant 0 : i32
        %dma_wait3A_1015 = tpu.memref_slice %arg4[%dma_wait3A_1007, %dma_wait3A_1008, %dma_wait3A_1009, %dma_wait3A_1013, %dma_wait3A_1014] : memref<200x8x32x8x128xf32, #tpu.memory_space<hbm>> -> memref<1x1x1x8x128xf32, #tpu.memory_space<hbm>>
        %dma_wait3A_1016 = tpu.memref_squeeze %dma_wait3A_1015 : memref<1x1x1x8x128xf32, #tpu.memory_space<hbm>> -> memref<8x128xf32, #tpu.memory_space<hbm>>
        %dma_wait3A_1017 = arith.constant 0 : i32
        %dma_wait3A_1018 = arith.constant 0 : i32
        %dma_wait3A_1019 = tpu.memref_slice %arg4[%dma_wait3A_1007, %dma_wait3A_1008, %dma_wait3A_1009, %dma_wait3A_1017, %dma_wait3A_1018] : memref<200x8x32x8x128xf32, #tpu.memory_space<hbm>> -> memref<1x1x1x8x128xf32, #tpu.memory_space<hbm>>
        %dma_wait3A_1020 = tpu.memref_squeeze %dma_wait3A_1019 : memref<1x1x1x8x128xf32, #tpu.memory_space<hbm>> -> memref<8x128xf32, #tpu.memory_space<hbm>>
        %dma_wait3A_1021 = arith.constant 56 : i32
        %dma_wait3A_1022 = arith.constant 0 : i32
        %dma_wait3A_1023 = tpu.memref_slice %arg10[%dma_wait3A_1021, %dma_wait3A_1022] : memref<64x129xf32, #tpu.memory_space<vmem>> -> memref<8x128xf32, #tpu.memory_space<vmem>>
        tpu.wait_dma2 semaphore(%arg16 : memref<!tpu.dma_semaphore, #tpu.memory_space<semaphore_mem>>) src(%dma_wait3A_1023 : memref<8x128xf32, #tpu.memory_space<vmem>>) dst(%dma_wait3A_1020 : memref<8x128xf32, #tpu.memory_space<hbm>>)
      } else {
      }
      %parallel_loop3A = arith.constant 0 : i32
      %parallel_loop3A_331 = arith.constant 128 : i32
      %parallel_loop3A_332 = arith.constant 1 : i32
      scf.for %parallel_loop3A_888 = %parallel_loop3A to %parallel_loop3A_331 step %parallel_loop3A_332  : i32 {
        %parallel_loop3A_889 = arith.constant 0 : i32
        %parallel_loop3A_890 = vector.broadcast %parallel_loop3A_889 : i32 to vector<16xi32>
        %parallel_loop3A_891 = vector.broadcast %parallel_loop3A_888 : i32 to vector<16xi32>
        %parallel_loop3A_892 = arith.addi %parallel_loop3A_890, %parallel_loop3A_891 : vector<16xi32>
        %parallel_loop3A_893 = arith.index_cast %parallel_loop3A_888 : i32 to index
        %parallel_loop3A_894 = arith.constant 0 : index
        %parallel_loop3A_895 = tpu.vector_load %arg6[%parallel_loop3A_893, %parallel_loop3A_894] {strides = array<i32>} : memref<128x64xf32, #tpu.memory_space<vmem>>, vector<16xf32>,
        %parallel_loop3A_896 = arith.constant 8.000000e+00 : f32
        %parallel_loop3A_897 = vector.broadcast %parallel_loop3A_896 : f32 to vector<16xf32>
        %parallel_loop3A_898 = arith.mulf %parallel_loop3A_895, %parallel_loop3A_897 : vector<16xf32>
        tpu.vector_store_idx %arg10[%add3A_5, %parallel_loop3A_892], %parallel_loop3A_898 : memref<64x129xf32, #tpu.memory_space<vmem>>[vector<16xi32>, vector<16xi32>], vector<16xf32>,
        %parallel_loop3A_899 = arith.index_cast %parallel_loop3A_888 : i32 to index
        %parallel_loop3A_900 = arith.constant 16 : index
        %parallel_loop3A_901 = tpu.vector_load %arg6[%parallel_loop3A_899, %parallel_loop3A_900] {strides = array<i32>} : memref<128x64xf32, #tpu.memory_space<vmem>>, vector<16xf32>,
        %parallel_loop3A_902 = arith.constant 8.000000e+00 : f32
        %parallel_loop3A_903 = vector.broadcast %parallel_loop3A_902 : f32 to vector<16xf32>
        %parallel_loop3A_904 = arith.mulf %parallel_loop3A_901, %parallel_loop3A_903 : vector<16xf32>
        tpu.vector_store_idx %arg10[%add3A_8, %parallel_loop3A_892], %parallel_loop3A_904 : memref<64x129xf32, #tpu.memory_space<vmem>>[vector<16xi32>, vector<16xi32>], vector<16xf32>,
        %parallel_loop3A_905 = arith.index_cast %parallel_loop3A_888 : i32 to index
        %parallel_loop3A_906 = arith.constant 32 : index
        %parallel_loop3A_907 = tpu.vector_load %arg6[%parallel_loop3A_905, %parallel_loop3A_906] {strides = array<i32>} : memref<128x64xf32, #tpu.memory_space<vmem>>, vector<16xf32>,
        %parallel_loop3A_908 = arith.constant 8.000000e+00 : f32
        %parallel_loop3A_909 = vector.broadcast %parallel_loop3A_908 : f32 to vector<16xf32>
        %parallel_loop3A_910 = arith.mulf %parallel_loop3A_907, %parallel_loop3A_909 : vector<16xf32>
        tpu.vector_store_idx %arg10[%add3A_11, %parallel_loop3A_892], %parallel_loop3A_910 : memref<64x129xf32, #tpu.memory_space<vmem>>[vector<16xi32>, vector<16xi32>], vector<16xf32>,
        %parallel_loop3A_911 = arith.index_cast %parallel_loop3A_888 : i32 to index
        %parallel_loop3A_912 = arith.constant 48 : index
        %parallel_loop3A_913 = tpu.vector_load %arg6[%parallel_loop3A_911, %parallel_loop3A_912] {strides = array<i32>} : memref<128x64xf32, #tpu.memory_space<vmem>>, vector<16xf32>,
        %parallel_loop3A_914 = arith.constant 8.000000e+00 : f32
        %parallel_loop3A_915 = vector.broadcast %parallel_loop3A_914 : f32 to vector<16xf32>
        %parallel_loop3A_916 = arith.mulf %parallel_loop3A_913, %parallel_loop3A_915 : vector<16xf32>
        tpu.vector_store_idx %arg10[%add3A_14, %parallel_loop3A_892], %parallel_loop3A_916 : memref<64x129xf32, #tpu.memory_space<vmem>>[vector<16xi32>, vector<16xi32>], vector<16xf32>,
      } {sc.loop_unroll_factor = 4 : i64, sc.parallel_access}
      %dma_start3A_333 = arith.constant 0 : i32
      %dma_start3A_334 = arith.constant 0 : i32
      %dma_start3A_335 = arith.constant 0 : i32
      %dma_start3A_336 = tpu.memref_slice %arg10[%dma_start3A_334, %dma_start3A_335] : memref<64x129xf32, #tpu.memory_space<vmem>> -> memref<8x128xf32, #tpu.memory_space<vmem>>
      %dma_start3A_337 = arith.constant 0 : i32
      %dma_start3A_338 = arith.constant 0 : i32
      %dma_start3A_339 = tpu.memref_slice %arg4[%add3A_322, %dma_start3A_333, %add3A, %dma_start3A_337, %dma_start3A_338] : memref<200x8x32x8x128xf32, #tpu.memory_space<hbm>> -> memref<1x1x1x8x128xf32, #tpu.memory_space<hbm>>
      %dma_start3A_340 = tpu.memref_squeeze %dma_start3A_339 : memref<1x1x1x8x128xf32, #tpu.memory_space<hbm>> -> memref<8x128xf32, #tpu.memory_space<hbm>>
      %dma_start3A_341 = arith.constant 0 : i32
      %dma_start3A_342 = arith.constant 0 : i32
      %dma_start3A_343 = tpu.memref_slice %arg4[%add3A_322, %dma_start3A_333, %add3A, %dma_start3A_341, %dma_start3A_342] : memref<200x8x32x8x128xf32, #tpu.memory_space<hbm>> -> memref<1x1x1x8x128xf32, #tpu.memory_space<hbm>>
      %dma_start3A_344 = tpu.memref_squeeze %dma_start3A_343 : memref<1x1x1x8x128xf32, #tpu.memory_space<hbm>> -> memref<8x128xf32, #tpu.memory_space<hbm>>
      %dma_start3A_345 = arith.constant 0 : i32
      %dma_start3A_346 = arith.constant 0 : i32
      %dma_start3A_347 = tpu.memref_slice %arg10[%dma_start3A_345, %dma_start3A_346] : memref<64x129xf32, #tpu.memory_space<vmem>> -> memref<8x128xf32, #tpu.memory_space<vmem>>
      tpu.enqueue_dma source(%dma_start3A_347 : memref<8x128xf32, #tpu.memory_space<vmem>>) target(%dma_start3A_344 : memref<8x128xf32, #tpu.memory_space<hbm>>) target_semaphore(%arg16 : memref<!tpu.dma_semaphore, #tpu.memory_space<semaphore_mem>>)
      %dma_start3A_348 = arith.constant 1 : i32
      %dma_start3A_349 = arith.constant 8 : i32
      %dma_start3A_350 = arith.constant 0 : i32
      %dma_start3A_351 = tpu.memref_slice %arg10[%dma_start3A_349, %dma_start3A_350] : memref<64x129xf32, #tpu.memory_space<vmem>> -> memref<8x128xf32, #tpu.memory_space<vmem>>
      %dma_start3A_352 = arith.constant 0 : i32
      %dma_start3A_353 = arith.constant 0 : i32
      %dma_start3A_354 = tpu.memref_slice %arg4[%add3A_322, %dma_start3A_348, %add3A, %dma_start3A_352, %dma_start3A_353] : memref<200x8x32x8x128xf32, #tpu.memory_space<hbm>> -> memref<1x1x1x8x128xf32, #tpu.memory_space<hbm>>
      %dma_start3A_355 = tpu.memref_squeeze %dma_start3A_354 : memref<1x1x1x8x128xf32, #tpu.memory_space<hbm>> -> memref<8x128xf32, #tpu.memory_space<hbm>>
      %dma_start3A_356 = arith.constant 0 : i32
      %dma_start3A_357 = arith.constant 0 : i32
      %dma_start3A_358 = tpu.memref_slice %arg4[%add3A_322, %dma_start3A_348, %add3A, %dma_start3A_356, %dma_start3A_357] : memref<200x8x32x8x128xf32, #tpu.memory_space<hbm>> -> memref<1x1x1x8x128xf32, #tpu.memory_space<hbm>>
      %dma_start3A_359 = tpu.memref_squeeze %dma_start3A_358 : memref<1x1x1x8x128xf32, #tpu.memory_space<hbm>> -> memref<8x128xf32, #tpu.memory_space<hbm>>
      %dma_start3A_360 = arith.constant 8 : i32
      %dma_start3A_361 = arith.constant 0 : i32
      %dma_start3A_362 = tpu.memref_slice %arg10[%dma_start3A_360, %dma_start3A_361] : memref<64x129xf32, #tpu.memory_space<vmem>> -> memref<8x128xf32, #tpu.memory_space<vmem>>
      tpu.enqueue_dma source(%dma_start3A_362 : memref<8x128xf32, #tpu.memory_space<vmem>>) target(%dma_start3A_359 : memref<8x128xf32, #tpu.memory_space<hbm>>) target_semaphore(%arg16 : memref<!tpu.dma_semaphore, #tpu.memory_space<semaphore_mem>>)
      %dma_start3A_363 = arith.constant 2 : i32
      %dma_start3A_364 = arith.constant 16 : i32
      %dma_start3A_365 = arith.constant 0 : i32
      %dma_start3A_366 = tpu.memref_slice %arg10[%dma_start3A_364, %dma_start3A_365] : memref<64x129xf32, #tpu.memory_space<vmem>> -> memref<8x128xf32, #tpu.memory_space<vmem>>
      %dma_start3A_367 = arith.constant 0 : i32
      %dma_start3A_368 = arith.constant 0 : i32
      %dma_start3A_369 = tpu.memref_slice %arg4[%add3A_322, %dma_start3A_363, %add3A, %dma_start3A_367, %dma_start3A_368] : memref<200x8x32x8x128xf32, #tpu.memory_space<hbm>> -> memref<1x1x1x8x128xf32, #tpu.memory_space<hbm>>
      %dma_start3A_370 = tpu.memref_squeeze %dma_start3A_369 : memref<1x1x1x8x128xf32, #tpu.memory_space<hbm>> -> memref<8x128xf32, #tpu.memory_space<hbm>>
      %dma_start3A_371 = arith.constant 0 : i32
      %dma_start3A_372 = arith.constant 0 : i32
      %dma_start3A_373 = tpu.memref_slice %arg4[%add3A_322, %dma_start3A_363, %add3A, %dma_start3A_371, %dma_start3A_372] : memref<200x8x32x8x128xf32, #tpu.memory_space<hbm>> -> memref<1x1x1x8x128xf32, #tpu.memory_space<hbm>>
      %dma_start3A_374 = tpu.memref_squeeze %dma_start3A_373 : memref<1x1x1x8x128xf32, #tpu.memory_space<hbm>> -> memref<8x128xf32, #tpu.memory_space<hbm>>
      %dma_start3A_375 = arith.constant 16 : i32
      %dma_start3A_376 = arith.constant 0 : i32
      %dma_start3A_377 = tpu.memref_slice %arg10[%dma_start3A_375, %dma_start3A_376] : memref<64x129xf32, #tpu.memory_space<vmem>> -> memref<8x128xf32, #tpu.memory_space<vmem>>
      tpu.enqueue_dma source(%dma_start3A_377 : memref<8x128xf32, #tpu.memory_space<vmem>>) target(%dma_start3A_374 : memref<8x128xf32, #tpu.memory_space<hbm>>) target_semaphore(%arg16 : memref<!tpu.dma_semaphore, #tpu.memory_space<semaphore_mem>>)
      %dma_start3A_378 = arith.constant 3 : i32
      %dma_start3A_379 = arith.constant 24 : i32
      %dma_start3A_380 = arith.constant 0 : i32
      %dma_start3A_381 = tpu.memref_slice %arg10[%dma_start3A_379, %dma_start3A_380] : memref<64x129xf32, #tpu.memory_space<vmem>> -> memref<8x128xf32, #tpu.memory_space<vmem>>
      %dma_start3A_382 = arith.constant 0 : i32
      %dma_start3A_383 = arith.constant 0 : i32
      %dma_start3A_384 = tpu.memref_slice %arg4[%add3A_322, %dma_start3A_378, %add3A, %dma_start3A_382, %dma_start3A_383] : memref<200x8x32x8x128xf32, #tpu.memory_space<hbm>> -> memref<1x1x1x8x128xf32, #tpu.memory_space<hbm>>
      %dma_start3A_385 = tpu.memref_squeeze %dma_start3A_384 : memref<1x1x1x8x128xf32, #tpu.memory_space<hbm>> -> memref<8x128xf32, #tpu.memory_space<hbm>>
      %dma_start3A_386 = arith.constant 0 : i32
      %dma_start3A_387 = arith.constant 0 : i32
      %dma_start3A_388 = tpu.memref_slice %arg4[%add3A_322, %dma_start3A_378, %add3A, %dma_start3A_386, %dma_start3A_387] : memref<200x8x32x8x128xf32, #tpu.memory_space<hbm>> -> memref<1x1x1x8x128xf32, #tpu.memory_space<hbm>>
      %dma_start3A_389 = tpu.memref_squeeze %dma_start3A_388 : memref<1x1x1x8x128xf32, #tpu.memory_space<hbm>> -> memref<8x128xf32, #tpu.memory_space<hbm>>
      %dma_start3A_390 = arith.constant 24 : i32
      %dma_start3A_391 = arith.constant 0 : i32
      %dma_start3A_392 = tpu.memref_slice %arg10[%dma_start3A_390, %dma_start3A_391] : memref<64x129xf32, #tpu.memory_space<vmem>> -> memref<8x128xf32, #tpu.memory_space<vmem>>
      tpu.enqueue_dma source(%dma_start3A_392 : memref<8x128xf32, #tpu.memory_space<vmem>>) target(%dma_start3A_389 : memref<8x128xf32, #tpu.memory_space<hbm>>) target_semaphore(%arg16 : memref<!tpu.dma_semaphore, #tpu.memory_space<semaphore_mem>>)
      %dma_start3A_393 = arith.constant 4 : i32
      %dma_start3A_394 = arith.constant 32 : i32
      %dma_start3A_395 = arith.constant 0 : i32
      %dma_start3A_396 = tpu.memref_slice %arg10[%dma_start3A_394, %dma_start3A_395] : memref<64x129xf32, #tpu.memory_space<vmem>> -> memref<8x128xf32, #tpu.memory_space<vmem>>
      %dma_start3A_397 = arith.constant 0 : i32
      %dma_start3A_398 = arith.constant 0 : i32
      %dma_start3A_399 = tpu.memref_slice %arg4[%add3A_322, %dma_start3A_393, %add3A, %dma_start3A_397, %dma_start3A_398] : memref<200x8x32x8x128xf32, #tpu.memory_space<hbm>> -> memref<1x1x1x8x128xf32, #tpu.memory_space<hbm>>
      %dma_start3A_400 = tpu.memref_squeeze %dma_start3A_399 : memref<1x1x1x8x128xf32, #tpu.memory_space<hbm>> -> memref<8x128xf32, #tpu.memory_space<hbm>>
      %dma_start3A_401 = arith.constant 0 : i32
      %dma_start3A_402 = arith.constant 0 : i32
      %dma_start3A_403 = tpu.memref_slice %arg4[%add3A_322, %dma_start3A_393, %add3A, %dma_start3A_401, %dma_start3A_402] : memref<200x8x32x8x128xf32, #tpu.memory_space<hbm>> -> memref<1x1x1x8x128xf32, #tpu.memory_space<hbm>>
      %dma_start3A_404 = tpu.memref_squeeze %dma_start3A_403 : memref<1x1x1x8x128xf32, #tpu.memory_space<hbm>> -> memref<8x128xf32, #tpu.memory_space<hbm>>
      %dma_start3A_405 = arith.constant 32 : i32
      %dma_start3A_406 = arith.constant 0 : i32
      %dma_start3A_407 = tpu.memref_slice %arg10[%dma_start3A_405, %dma_start3A_406] : memref<64x129xf32, #tpu.memory_space<vmem>> -> memref<8x128xf32, #tpu.memory_space<vmem>>
      tpu.enqueue_dma source(%dma_start3A_407 : memref<8x128xf32, #tpu.memory_space<vmem>>) target(%dma_start3A_404 : memref<8x128xf32, #tpu.memory_space<hbm>>) target_semaphore(%arg16 : memref<!tpu.dma_semaphore, #tpu.memory_space<semaphore_mem>>)
      %dma_start3A_408 = arith.constant 5 : i32
      %dma_start3A_409 = arith.constant 40 : i32
      %dma_start3A_410 = arith.constant 0 : i32
      %dma_start3A_411 = tpu.memref_slice %arg10[%dma_start3A_409, %dma_start3A_410] : memref<64x129xf32, #tpu.memory_space<vmem>> -> memref<8x128xf32, #tpu.memory_space<vmem>>
      %dma_start3A_412 = arith.constant 0 : i32
      %dma_start3A_413 = arith.constant 0 : i32
      %dma_start3A_414 = tpu.memref_slice %arg4[%add3A_322, %dma_start3A_408, %add3A, %dma_start3A_412, %dma_start3A_413] : memref<200x8x32x8x128xf32, #tpu.memory_space<hbm>> -> memref<1x1x1x8x128xf32, #tpu.memory_space<hbm>>
      %dma_start3A_415 = tpu.memref_squeeze %dma_start3A_414 : memref<1x1x1x8x128xf32, #tpu.memory_space<hbm>> -> memref<8x128xf32, #tpu.memory_space<hbm>>
      %dma_start3A_416 = arith.constant 0 : i32
      %dma_start3A_417 = arith.constant 0 : i32
      %dma_start3A_418 = tpu.memref_slice %arg4[%add3A_322, %dma_start3A_408, %add3A, %dma_start3A_416, %dma_start3A_417] : memref<200x8x32x8x128xf32, #tpu.memory_space<hbm>> -> memref<1x1x1x8x128xf32, #tpu.memory_space<hbm>>
      %dma_start3A_419 = tpu.memref_squeeze %dma_start3A_418 : memref<1x1x1x8x128xf32, #tpu.memory_space<hbm>> -> memref<8x128xf32, #tpu.memory_space<hbm>>
      %dma_start3A_420 = arith.constant 40 : i32
      %dma_start3A_421 = arith.constant 0 : i32
      %dma_start3A_422 = tpu.memref_slice %arg10[%dma_start3A_420, %dma_start3A_421] : memref<64x129xf32, #tpu.memory_space<vmem>> -> memref<8x128xf32, #tpu.memory_space<vmem>>
      tpu.enqueue_dma source(%dma_start3A_422 : memref<8x128xf32, #tpu.memory_space<vmem>>) target(%dma_start3A_419 : memref<8x128xf32, #tpu.memory_space<hbm>>) target_semaphore(%arg16 : memref<!tpu.dma_semaphore, #tpu.memory_space<semaphore_mem>>)
      %dma_start3A_423 = arith.constant 6 : i32
      %dma_start3A_424 = arith.constant 48 : i32
      %dma_start3A_425 = arith.constant 0 : i32
      %dma_start3A_426 = tpu.memref_slice %arg10[%dma_start3A_424, %dma_start3A_425] : memref<64x129xf32, #tpu.memory_space<vmem>> -> memref<8x128xf32, #tpu.memory_space<vmem>>
      %dma_start3A_427 = arith.constant 0 : i32
      %dma_start3A_428 = arith.constant 0 : i32
      %dma_start3A_429 = tpu.memref_slice %arg4[%add3A_322, %dma_start3A_423, %add3A, %dma_start3A_427, %dma_start3A_428] : memref<200x8x32x8x128xf32, #tpu.memory_space<hbm>> -> memref<1x1x1x8x128xf32, #tpu.memory_space<hbm>>
      %dma_start3A_430 = tpu.memref_squeeze %dma_start3A_429 : memref<1x1x1x8x128xf32, #tpu.memory_space<hbm>> -> memref<8x128xf32, #tpu.memory_space<hbm>>
      %dma_start3A_431 = arith.constant 0 : i32
      %dma_start3A_432 = arith.constant 0 : i32
      %dma_start3A_433 = tpu.memref_slice %arg4[%add3A_322, %dma_start3A_423, %add3A, %dma_start3A_431, %dma_start3A_432] : memref<200x8x32x8x128xf32, #tpu.memory_space<hbm>> -> memref<1x1x1x8x128xf32, #tpu.memory_space<hbm>>
      %dma_start3A_434 = tpu.memref_squeeze %dma_start3A_433 : memref<1x1x1x8x128xf32, #tpu.memory_space<hbm>> -> memref<8x128xf32, #tpu.memory_space<hbm>>
      %dma_start3A_435 = arith.constant 48 : i32
      %dma_start3A_436 = arith.constant 0 : i32
      %dma_start3A_437 = tpu.memref_slice %arg10[%dma_start3A_435, %dma_start3A_436] : memref<64x129xf32, #tpu.memory_space<vmem>> -> memref<8x128xf32, #tpu.memory_space<vmem>>
      tpu.enqueue_dma source(%dma_start3A_437 : memref<8x128xf32, #tpu.memory_space<vmem>>) target(%dma_start3A_434 : memref<8x128xf32, #tpu.memory_space<hbm>>) target_semaphore(%arg16 : memref<!tpu.dma_semaphore, #tpu.memory_space<semaphore_mem>>)
      %dma_start3A_438 = arith.constant 7 : i32
      %dma_start3A_439 = arith.constant 56 : i32
      %dma_start3A_440 = arith.constant 0 : i32
      %dma_start3A_441 = tpu.memref_slice %arg10[%dma_start3A_439, %dma_start3A_440] : memref<64x129xf32, #tpu.memory_space<vmem>> -> memref<8x128xf32, #tpu.memory_space<vmem>>
      %dma_start3A_442 = arith.constant 0 : i32
      %dma_start3A_443 = arith.constant 0 : i32
      %dma_start3A_444 = tpu.memref_slice %arg4[%add3A_322, %dma_start3A_438, %add3A, %dma_start3A_442, %dma_start3A_443] : memref<200x8x32x8x128xf32, #tpu.memory_space<hbm>> -> memref<1x1x1x8x128xf32, #tpu.memory_space<hbm>>
      %dma_start3A_445 = tpu.memref_squeeze %dma_start3A_444 : memref<1x1x1x8x128xf32, #tpu.memory_space<hbm>> -> memref<8x128xf32, #tpu.memory_space<hbm>>
      %dma_start3A_446 = arith.constant 0 : i32
      %dma_start3A_447 = arith.constant 0 : i32
      %dma_start3A_448 = tpu.memref_slice %arg4[%add3A_322, %dma_start3A_438, %add3A, %dma_start3A_446, %dma_start3A_447] : memref<200x8x32x8x128xf32, #tpu.memory_space<hbm>> -> memref<1x1x1x8x128xf32, #tpu.memory_space<hbm>>
      %dma_start3A_449 = tpu.memref_squeeze %dma_start3A_448 : memref<1x1x1x8x128xf32, #tpu.memory_space<hbm>> -> memref<8x128xf32, #tpu.memory_space<hbm>>
      %dma_start3A_450 = arith.constant 56 : i32
      %dma_start3A_451 = arith.constant 0 : i32
      %dma_start3A_452 = tpu.memref_slice %arg10[%dma_start3A_450, %dma_start3A_451] : memref<64x129xf32, #tpu.memory_space<vmem>> -> memref<8x128xf32, #tpu.memory_space<vmem>>
      tpu.enqueue_dma source(%dma_start3A_452 : memref<8x128xf32, #tpu.memory_space<vmem>>) target(%dma_start3A_449 : memref<8x128xf32, #tpu.memory_space<hbm>>) target_semaphore(%arg16 : memref<!tpu.dma_semaphore, #tpu.memory_space<semaphore_mem>>)
      %add3A_453 = arith.constant 4 : i32
      %add3A_454 = arith.addi %add3A_322, %add3A_453 : i32
      %lt3A = arith.constant 200 : i32
      %lt3A_455 = arith.cmpi slt, %add3A_454, %lt3A : i32
      %convert_element_type3A_456 = arith.extui %lt3A_455 : i1 to i32
      %cond3A_457 = arith.constant 0 : i32
      %cond3A_458 = arith.cmpi ne, %convert_element_type3A_456, %cond3A_457 : i32
      scf.if %cond3A_458 {
        %add3A_888 = arith.constant 4 : i32
        %add3A_889 = arith.addi %add3A_322, %add3A_888 : i32
        %dma_start3A_890 = arith.constant 0 : i32
        %dma_start3A_891 = tpu.memref_slice %arg5[%add3A_889, %dma_start3A_890] : memref<200x128xi32, #tpu.memory_space<vmem>> -> memref<1x128xi32, #tpu.memory_space<vmem>>
        %dma_start3A_892 = tpu.memref_squeeze %dma_start3A_891 : memref<1x128xi32, #tpu.memory_space<vmem>> -> memref<128xi32, #tpu.memory_space<vmem>>
        %dma_start3A_893 = arith.constant 0 : i32
        %dma_start3A_894 = arith.constant 0 : i32
        %dma_start3A_895 = tpu.memref_slice %arg3[%dma_start3A_893, %dma_start3A_894] : memref<1000000x64xf32, #tpu.memory_space<hbm>> -> memref<1000000x64xf32, #tpu.memory_space<hbm>>
        tpu.enqueue_indirect_dma source(%dma_start3A_895 : memref<1000000x64xf32, #tpu.memory_space<hbm>>) target(%arg6 : memref<128x64xf32, #tpu.memory_space<vmem>>) offsets(%dma_start3A_892 : memref<128xi32, #tpu.memory_space<vmem>>) semaphore(%arg12 : memref<!tpu.dma_semaphore, #tpu.memory_space<semaphore_mem>>)
      } else {
      }
      %add3A_459 = arith.constant 1 : i32
      %add3A_460 = arith.addi %mul3A_320, %add3A_459 : i32
      %dma_wait3A_461 = arith.constant 0 : i32
      %dma_wait3A_462 = tpu.memref_slice %arg5[%add3A_460, %dma_wait3A_461] : memref<200x128xi32, #tpu.memory_space<vmem>> -> memref<1x128xi32, #tpu.memory_space<vmem>>
      %dma_wait3A_463 = tpu.memref_squeeze %dma_wait3A_462 : memref<1x128xi32, #tpu.memory_space<vmem>> -> memref<128xi32, #tpu.memory_space<vmem>>
      %dma_wait3A_464 = arith.constant 0 : i32
      %dma_wait3A_465 = arith.constant 0 : i32
      %dma_wait3A_466 = tpu.memref_slice %arg3[%dma_wait3A_464, %dma_wait3A_465] : memref<1000000x64xf32, #tpu.memory_space<hbm>> -> memref<1000000x64xf32, #tpu.memory_space<hbm>>
      tpu.wait_indirect_dma semaphore(%arg13 : memref<!tpu.dma_semaphore, #tpu.memory_space<semaphore_mem>>) src(%dma_wait3A_466 : memref<1000000x64xf32, #tpu.memory_space<hbm>>) dst(%arg7 : memref<128x64xf32, #tpu.memory_space<vmem>>)
      %ge3A_467 = arith.constant 2 : i32
      %ge3A_468 = arith.cmpi sge, %add3A_460, %ge3A_467 : i32
      %convert_element_type3A_469 = arith.extui %ge3A_468 : i1 to i32
      %cond3A_470 = arith.constant 0 : i32
      %cond3A_471 = arith.cmpi ne, %convert_element_type3A_469, %cond3A_470 : i32
      scf.if %cond3A_471 {
        %dma_wait3A_888 = arith.constant 0 : i32
        %dma_wait3A_889 = arith.constant 0 : i32
        %dma_wait3A_890 = arith.constant 0 : i32
        %dma_wait3A_891 = arith.constant 0 : i32
        %dma_wait3A_892 = arith.constant 0 : i32
        %dma_wait3A_893 = tpu.memref_slice %arg11[%dma_wait3A_891, %dma_wait3A_892] : memref<64x129xf32, #tpu.memory_space<vmem>> -> memref<8x128xf32, #tpu.memory_space<vmem>>
        %dma_wait3A_894 = arith.constant 0 : i32
        %dma_wait3A_895 = arith.constant 0 : i32
        %dma_wait3A_896 = tpu.memref_slice %arg4[%dma_wait3A_888, %dma_wait3A_889, %dma_wait3A_890, %dma_wait3A_894, %dma_wait3A_895] : memref<200x8x32x8x128xf32, #tpu.memory_space<hbm>> -> memref<1x1x1x8x128xf32, #tpu.memory_space<hbm>>
        %dma_wait3A_897 = tpu.memref_squeeze %dma_wait3A_896 : memref<1x1x1x8x128xf32, #tpu.memory_space<hbm>> -> memref<8x128xf32, #tpu.memory_space<hbm>>
        %dma_wait3A_898 = arith.constant 0 : i32
        %dma_wait3A_899 = arith.constant 0 : i32
        %dma_wait3A_900 = tpu.memref_slice %arg4[%dma_wait3A_888, %dma_wait3A_889, %dma_wait3A_890, %dma_wait3A_898, %dma_wait3A_899] : memref<200x8x32x8x128xf32, #tpu.memory_space<hbm>> -> memref<1x1x1x8x128xf32, #tpu.memory_space<hbm>>
        %dma_wait3A_901 = tpu.memref_squeeze %dma_wait3A_900 : memref<1x1x1x8x128xf32, #tpu.memory_space<hbm>> -> memref<8x128xf32, #tpu.memory_space<hbm>>
        %dma_wait3A_902 = arith.constant 0 : i32
        %dma_wait3A_903 = arith.constant 0 : i32
        %dma_wait3A_904 = tpu.memref_slice %arg11[%dma_wait3A_902, %dma_wait3A_903] : memref<64x129xf32, #tpu.memory_space<vmem>> -> memref<8x128xf32, #tpu.memory_space<vmem>>
        tpu.wait_dma2 semaphore(%arg17 : memref<!tpu.dma_semaphore, #tpu.memory_space<semaphore_mem>>) src(%dma_wait3A_904 : memref<8x128xf32, #tpu.memory_space<vmem>>) dst(%dma_wait3A_901 : memref<8x128xf32, #tpu.memory_space<hbm>>)
        %dma_wait3A_905 = arith.constant 0 : i32
        %dma_wait3A_906 = arith.constant 1 : i32
        %dma_wait3A_907 = arith.constant 0 : i32
        %dma_wait3A_908 = arith.constant 8 : i32
        %dma_wait3A_909 = arith.constant 0 : i32
        %dma_wait3A_910 = tpu.memref_slice %arg11[%dma_wait3A_908, %dma_wait3A_909] : memref<64x129xf32, #tpu.memory_space<vmem>> -> memref<8x128xf32, #tpu.memory_space<vmem>>
        %dma_wait3A_911 = arith.constant 0 : i32
        %dma_wait3A_912 = arith.constant 0 : i32
        %dma_wait3A_913 = tpu.memref_slice %arg4[%dma_wait3A_905, %dma_wait3A_906, %dma_wait3A_907, %dma_wait3A_911, %dma_wait3A_912] : memref<200x8x32x8x128xf32, #tpu.memory_space<hbm>> -> memref<1x1x1x8x128xf32, #tpu.memory_space<hbm>>
        %dma_wait3A_914 = tpu.memref_squeeze %dma_wait3A_913 : memref<1x1x1x8x128xf32, #tpu.memory_space<hbm>> -> memref<8x128xf32, #tpu.memory_space<hbm>>
        %dma_wait3A_915 = arith.constant 0 : i32
        %dma_wait3A_916 = arith.constant 0 : i32
        %dma_wait3A_917 = tpu.memref_slice %arg4[%dma_wait3A_905, %dma_wait3A_906, %dma_wait3A_907, %dma_wait3A_915, %dma_wait3A_916] : memref<200x8x32x8x128xf32, #tpu.memory_space<hbm>> -> memref<1x1x1x8x128xf32, #tpu.memory_space<hbm>>
        %dma_wait3A_918 = tpu.memref_squeeze %dma_wait3A_917 : memref<1x1x1x8x128xf32, #tpu.memory_space<hbm>> -> memref<8x128xf32, #tpu.memory_space<hbm>>
        %dma_wait3A_919 = arith.constant 8 : i32
        %dma_wait3A_920 = arith.constant 0 : i32
        %dma_wait3A_921 = tpu.memref_slice %arg11[%dma_wait3A_919, %dma_wait3A_920] : memref<64x129xf32, #tpu.memory_space<vmem>> -> memref<8x128xf32, #tpu.memory_space<vmem>>
        tpu.wait_dma2 semaphore(%arg17 : memref<!tpu.dma_semaphore, #tpu.memory_space<semaphore_mem>>) src(%dma_wait3A_921 : memref<8x128xf32, #tpu.memory_space<vmem>>) dst(%dma_wait3A_918 : memref<8x128xf32, #tpu.memory_space<hbm>>)
        %dma_wait3A_922 = arith.constant 0 : i32
        %dma_wait3A_923 = arith.constant 2 : i32
        %dma_wait3A_924 = arith.constant 0 : i32
        %dma_wait3A_925 = arith.constant 16 : i32
        %dma_wait3A_926 = arith.constant 0 : i32
        %dma_wait3A_927 = tpu.memref_slice %arg11[%dma_wait3A_925, %dma_wait3A_926] : memref<64x129xf32, #tpu.memory_space<vmem>> -> memref<8x128xf32, #tpu.memory_space<vmem>>
        %dma_wait3A_928 = arith.constant 0 : i32
        %dma_wait3A_929 = arith.constant 0 : i32
        %dma_wait3A_930 = tpu.memref_slice %arg4[%dma_wait3A_922, %dma_wait3A_923, %dma_wait3A_924, %dma_wait3A_928, %dma_wait3A_929] : memref<200x8x32x8x128xf32, #tpu.memory_space<hbm>> -> memref<1x1x1x8x128xf32, #tpu.memory_space<hbm>>
        %dma_wait3A_931 = tpu.memref_squeeze %dma_wait3A_930 : memref<1x1x1x8x128xf32, #tpu.memory_space<hbm>> -> memref<8x128xf32, #tpu.memory_space<hbm>>
        %dma_wait3A_932 = arith.constant 0 : i32
        %dma_wait3A_933 = arith.constant 0 : i32
        %dma_wait3A_934 = tpu.memref_slice %arg4[%dma_wait3A_922, %dma_wait3A_923, %dma_wait3A_924, %dma_wait3A_932, %dma_wait3A_933] : memref<200x8x32x8x128xf32, #tpu.memory_space<hbm>> -> memref<1x1x1x8x128xf32, #tpu.memory_space<hbm>>
        %dma_wait3A_935 = tpu.memref_squeeze %dma_wait3A_934 : memref<1x1x1x8x128xf32, #tpu.memory_space<hbm>> -> memref<8x128xf32, #tpu.memory_space<hbm>>
        %dma_wait3A_936 = arith.constant 16 : i32
        %dma_wait3A_937 = arith.constant 0 : i32
        %dma_wait3A_938 = tpu.memref_slice %arg11[%dma_wait3A_936, %dma_wait3A_937] : memref<64x129xf32, #tpu.memory_space<vmem>> -> memref<8x128xf32, #tpu.memory_space<vmem>>
        tpu.wait_dma2 semaphore(%arg17 : memref<!tpu.dma_semaphore, #tpu.memory_space<semaphore_mem>>) src(%dma_wait3A_938 : memref<8x128xf32, #tpu.memory_space<vmem>>) dst(%dma_wait3A_935 : memref<8x128xf32, #tpu.memory_space<hbm>>)
        %dma_wait3A_939 = arith.constant 0 : i32
        %dma_wait3A_940 = arith.constant 3 : i32
        %dma_wait3A_941 = arith.constant 0 : i32
        %dma_wait3A_942 = arith.constant 24 : i32
        %dma_wait3A_943 = arith.constant 0 : i32
        %dma_wait3A_944 = tpu.memref_slice %arg11[%dma_wait3A_942, %dma_wait3A_943] : memref<64x129xf32, #tpu.memory_space<vmem>> -> memref<8x128xf32, #tpu.memory_space<vmem>>
        %dma_wait3A_945 = arith.constant 0 : i32
        %dma_wait3A_946 = arith.constant 0 : i32
        %dma_wait3A_947 = tpu.memref_slice %arg4[%dma_wait3A_939, %dma_wait3A_940, %dma_wait3A_941, %dma_wait3A_945, %dma_wait3A_946] : memref<200x8x32x8x128xf32, #tpu.memory_space<hbm>> -> memref<1x1x1x8x128xf32, #tpu.memory_space<hbm>>
        %dma_wait3A_948 = tpu.memref_squeeze %dma_wait3A_947 : memref<1x1x1x8x128xf32, #tpu.memory_space<hbm>> -> memref<8x128xf32, #tpu.memory_space<hbm>>
        %dma_wait3A_949 = arith.constant 0 : i32
        %dma_wait3A_950 = arith.constant 0 : i32
        %dma_wait3A_951 = tpu.memref_slice %arg4[%dma_wait3A_939, %dma_wait3A_940, %dma_wait3A_941, %dma_wait3A_949, %dma_wait3A_950] : memref<200x8x32x8x128xf32, #tpu.memory_space<hbm>> -> memref<1x1x1x8x128xf32, #tpu.memory_space<hbm>>
        %dma_wait3A_952 = tpu.memref_squeeze %dma_wait3A_951 : memref<1x1x1x8x128xf32, #tpu.memory_space<hbm>> -> memref<8x128xf32, #tpu.memory_space<hbm>>
        %dma_wait3A_953 = arith.constant 24 : i32
        %dma_wait3A_954 = arith.constant 0 : i32
        %dma_wait3A_955 = tpu.memref_slice %arg11[%dma_wait3A_953, %dma_wait3A_954] : memref<64x129xf32, #tpu.memory_space<vmem>> -> memref<8x128xf32, #tpu.memory_space<vmem>>
        tpu.wait_dma2 semaphore(%arg17 : memref<!tpu.dma_semaphore, #tpu.memory_space<semaphore_mem>>) src(%dma_wait3A_955 : memref<8x128xf32, #tpu.memory_space<vmem>>) dst(%dma_wait3A_952 : memref<8x128xf32, #tpu.memory_space<hbm>>)
        %dma_wait3A_956 = arith.constant 0 : i32
        %dma_wait3A_957 = arith.constant 4 : i32
        %dma_wait3A_958 = arith.constant 0 : i32
        %dma_wait3A_959 = arith.constant 32 : i32
        %dma_wait3A_960 = arith.constant 0 : i32
        %dma_wait3A_961 = tpu.memref_slice %arg11[%dma_wait3A_959, %dma_wait3A_960] : memref<64x129xf32, #tpu.memory_space<vmem>> -> memref<8x128xf32, #tpu.memory_space<vmem>>
        %dma_wait3A_962 = arith.constant 0 : i32
        %dma_wait3A_963 = arith.constant 0 : i32
        %dma_wait3A_964 = tpu.memref_slice %arg4[%dma_wait3A_956, %dma_wait3A_957, %dma_wait3A_958, %dma_wait3A_962, %dma_wait3A_963] : memref<200x8x32x8x128xf32, #tpu.memory_space<hbm>> -> memref<1x1x1x8x128xf32, #tpu.memory_space<hbm>>
        %dma_wait3A_965 = tpu.memref_squeeze %dma_wait3A_964 : memref<1x1x1x8x128xf32, #tpu.memory_space<hbm>> -> memref<8x128xf32, #tpu.memory_space<hbm>>
        %dma_wait3A_966 = arith.constant 0 : i32
        %dma_wait3A_967 = arith.constant 0 : i32
        %dma_wait3A_968 = tpu.memref_slice %arg4[%dma_wait3A_956, %dma_wait3A_957, %dma_wait3A_958, %dma_wait3A_966, %dma_wait3A_967] : memref<200x8x32x8x128xf32, #tpu.memory_space<hbm>> -> memref<1x1x1x8x128xf32, #tpu.memory_space<hbm>>
        %dma_wait3A_969 = tpu.memref_squeeze %dma_wait3A_968 : memref<1x1x1x8x128xf32, #tpu.memory_space<hbm>> -> memref<8x128xf32, #tpu.memory_space<hbm>>
        %dma_wait3A_970 = arith.constant 32 : i32
        %dma_wait3A_971 = arith.constant 0 : i32
        %dma_wait3A_972 = tpu.memref_slice %arg11[%dma_wait3A_970, %dma_wait3A_971] : memref<64x129xf32, #tpu.memory_space<vmem>> -> memref<8x128xf32, #tpu.memory_space<vmem>>
        tpu.wait_dma2 semaphore(%arg17 : memref<!tpu.dma_semaphore, #tpu.memory_space<semaphore_mem>>) src(%dma_wait3A_972 : memref<8x128xf32, #tpu.memory_space<vmem>>) dst(%dma_wait3A_969 : memref<8x128xf32, #tpu.memory_space<hbm>>)
        %dma_wait3A_973 = arith.constant 0 : i32
        %dma_wait3A_974 = arith.constant 5 : i32
        %dma_wait3A_975 = arith.constant 0 : i32
        %dma_wait3A_976 = arith.constant 40 : i32
        %dma_wait3A_977 = arith.constant 0 : i32
        %dma_wait3A_978 = tpu.memref_slice %arg11[%dma_wait3A_976, %dma_wait3A_977] : memref<64x129xf32, #tpu.memory_space<vmem>> -> memref<8x128xf32, #tpu.memory_space<vmem>>
        %dma_wait3A_979 = arith.constant 0 : i32
        %dma_wait3A_980 = arith.constant 0 : i32
        %dma_wait3A_981 = tpu.memref_slice %arg4[%dma_wait3A_973, %dma_wait3A_974, %dma_wait3A_975, %dma_wait3A_979, %dma_wait3A_980] : memref<200x8x32x8x128xf32, #tpu.memory_space<hbm>> -> memref<1x1x1x8x128xf32, #tpu.memory_space<hbm>>
        %dma_wait3A_982 = tpu.memref_squeeze %dma_wait3A_981 : memref<1x1x1x8x128xf32, #tpu.memory_space<hbm>> -> memref<8x128xf32, #tpu.memory_space<hbm>>
        %dma_wait3A_983 = arith.constant 0 : i32
        %dma_wait3A_984 = arith.constant 0 : i32
        %dma_wait3A_985 = tpu.memref_slice %arg4[%dma_wait3A_973, %dma_wait3A_974, %dma_wait3A_975, %dma_wait3A_983, %dma_wait3A_984] : memref<200x8x32x8x128xf32, #tpu.memory_space<hbm>> -> memref<1x1x1x8x128xf32, #tpu.memory_space<hbm>>
        %dma_wait3A_986 = tpu.memref_squeeze %dma_wait3A_985 : memref<1x1x1x8x128xf32, #tpu.memory_space<hbm>> -> memref<8x128xf32, #tpu.memory_space<hbm>>
        %dma_wait3A_987 = arith.constant 40 : i32
        %dma_wait3A_988 = arith.constant 0 : i32
        %dma_wait3A_989 = tpu.memref_slice %arg11[%dma_wait3A_987, %dma_wait3A_988] : memref<64x129xf32, #tpu.memory_space<vmem>> -> memref<8x128xf32, #tpu.memory_space<vmem>>
        tpu.wait_dma2 semaphore(%arg17 : memref<!tpu.dma_semaphore, #tpu.memory_space<semaphore_mem>>) src(%dma_wait3A_989 : memref<8x128xf32, #tpu.memory_space<vmem>>) dst(%dma_wait3A_986 : memref<8x128xf32, #tpu.memory_space<hbm>>)
        %dma_wait3A_990 = arith.constant 0 : i32
        %dma_wait3A_991 = arith.constant 6 : i32
        %dma_wait3A_992 = arith.constant 0 : i32
        %dma_wait3A_993 = arith.constant 48 : i32
        %dma_wait3A_994 = arith.constant 0 : i32
        %dma_wait3A_995 = tpu.memref_slice %arg11[%dma_wait3A_993, %dma_wait3A_994] : memref<64x129xf32, #tpu.memory_space<vmem>> -> memref<8x128xf32, #tpu.memory_space<vmem>>
        %dma_wait3A_996 = arith.constant 0 : i32
        %dma_wait3A_997 = arith.constant 0 : i32
        %dma_wait3A_998 = tpu.memref_slice %arg4[%dma_wait3A_990, %dma_wait3A_991, %dma_wait3A_992, %dma_wait3A_996, %dma_wait3A_997] : memref<200x8x32x8x128xf32, #tpu.memory_space<hbm>> -> memref<1x1x1x8x128xf32, #tpu.memory_space<hbm>>
        %dma_wait3A_999 = tpu.memref_squeeze %dma_wait3A_998 : memref<1x1x1x8x128xf32, #tpu.memory_space<hbm>> -> memref<8x128xf32, #tpu.memory_space<hbm>>
        %dma_wait3A_1000 = arith.constant 0 : i32
        %dma_wait3A_1001 = arith.constant 0 : i32
        %dma_wait3A_1002 = tpu.memref_slice %arg4[%dma_wait3A_990, %dma_wait3A_991, %dma_wait3A_992, %dma_wait3A_1000, %dma_wait3A_1001] : memref<200x8x32x8x128xf32, #tpu.memory_space<hbm>> -> memref<1x1x1x8x128xf32, #tpu.memory_space<hbm>>
        %dma_wait3A_1003 = tpu.memref_squeeze %dma_wait3A_1002 : memref<1x1x1x8x128xf32, #tpu.memory_space<hbm>> -> memref<8x128xf32, #tpu.memory_space<hbm>>
        %dma_wait3A_1004 = arith.constant 48 : i32
        %dma_wait3A_1005 = arith.constant 0 : i32
        %dma_wait3A_1006 = tpu.memref_slice %arg11[%dma_wait3A_1004, %dma_wait3A_1005] : memref<64x129xf32, #tpu.memory_space<vmem>> -> memref<8x128xf32, #tpu.memory_space<vmem>>
        tpu.wait_dma2 semaphore(%arg17 : memref<!tpu.dma_semaphore, #tpu.memory_space<semaphore_mem>>) src(%dma_wait3A_1006 : memref<8x128xf32, #tpu.memory_space<vmem>>) dst(%dma_wait3A_1003 : memref<8x128xf32, #tpu.memory_space<hbm>>)
        %dma_wait3A_1007 = arith.constant 0 : i32
        %dma_wait3A_1008 = arith.constant 7 : i32
        %dma_wait3A_1009 = arith.constant 0 : i32
        %dma_wait3A_1010 = arith.constant 56 : i32
        %dma_wait3A_1011 = arith.constant 0 : i32
        %dma_wait3A_1012 = tpu.memref_slice %arg11[%dma_wait3A_1010, %dma_wait3A_1011] : memref<64x129xf32, #tpu.memory_space<vmem>> -> memref<8x128xf32, #tpu.memory_space<vmem>>
        %dma_wait3A_1013 = arith.constant 0 : i32
        %dma_wait3A_1014 = arith.constant 0 : i32
        %dma_wait3A_1015 = tpu.memref_slice %arg4[%dma_wait3A_1007, %dma_wait3A_1008, %dma_wait3A_1009, %dma_wait3A_1013, %dma_wait3A_1014] : memref<200x8x32x8x128xf32, #tpu.memory_space<hbm>> -> memref<1x1x1x8x128xf32, #tpu.memory_space<hbm>>
        %dma_wait3A_1016 = tpu.memref_squeeze %dma_wait3A_1015 : memref<1x1x1x8x128xf32, #tpu.memory_space<hbm>> -> memref<8x128xf32, #tpu.memory_space<hbm>>
        %dma_wait3A_1017 = arith.constant 0 : i32
        %dma_wait3A_1018 = arith.constant 0 : i32
        %dma_wait3A_1019 = tpu.memref_slice %arg4[%dma_wait3A_1007, %dma_wait3A_1008, %dma_wait3A_1009, %dma_wait3A_1017, %dma_wait3A_1018] : memref<200x8x32x8x128xf32, #tpu.memory_space<hbm>> -> memref<1x1x1x8x128xf32, #tpu.memory_space<hbm>>
        %dma_wait3A_1020 = tpu.memref_squeeze %dma_wait3A_1019 : memref<1x1x1x8x128xf32, #tpu.memory_space<hbm>> -> memref<8x128xf32, #tpu.memory_space<hbm>>
        %dma_wait3A_1021 = arith.constant 56 : i32
        %dma_wait3A_1022 = arith.constant 0 : i32
        %dma_wait3A_1023 = tpu.memref_slice %arg11[%dma_wait3A_1021, %dma_wait3A_1022] : memref<64x129xf32, #tpu.memory_space<vmem>> -> memref<8x128xf32, #tpu.memory_space<vmem>>
        tpu.wait_dma2 semaphore(%arg17 : memref<!tpu.dma_semaphore, #tpu.memory_space<semaphore_mem>>) src(%dma_wait3A_1023 : memref<8x128xf32, #tpu.memory_space<vmem>>) dst(%dma_wait3A_1020 : memref<8x128xf32, #tpu.memory_space<hbm>>)
      } else {
      }
      %parallel_loop3A_472 = arith.constant 0 : i32
      %parallel_loop3A_473 = arith.constant 128 : i32
      %parallel_loop3A_474 = arith.constant 1 : i32
      scf.for %parallel_loop3A_888 = %parallel_loop3A_472 to %parallel_loop3A_473 step %parallel_loop3A_474  : i32 {
        %parallel_loop3A_889 = arith.constant 0 : i32
        %parallel_loop3A_890 = vector.broadcast %parallel_loop3A_889 : i32 to vector<16xi32>
        %parallel_loop3A_891 = vector.broadcast %parallel_loop3A_888 : i32 to vector<16xi32>
        %parallel_loop3A_892 = arith.addi %parallel_loop3A_890, %parallel_loop3A_891 : vector<16xi32>
        %parallel_loop3A_893 = arith.index_cast %parallel_loop3A_888 : i32 to index
        %parallel_loop3A_894 = arith.constant 0 : index
        %parallel_loop3A_895 = tpu.vector_load %arg7[%parallel_loop3A_893, %parallel_loop3A_894] {strides = array<i32>} : memref<128x64xf32, #tpu.memory_space<vmem>>, vector<16xf32>,
        %parallel_loop3A_896 = arith.constant 8.000000e+00 : f32
        %parallel_loop3A_897 = vector.broadcast %parallel_loop3A_896 : f32 to vector<16xf32>
        %parallel_loop3A_898 = arith.mulf %parallel_loop3A_895, %parallel_loop3A_897 : vector<16xf32>
        tpu.vector_store_idx %arg11[%add3A_5, %parallel_loop3A_892], %parallel_loop3A_898 : memref<64x129xf32, #tpu.memory_space<vmem>>[vector<16xi32>, vector<16xi32>], vector<16xf32>,
        %parallel_loop3A_899 = arith.index_cast %parallel_loop3A_888 : i32 to index
        %parallel_loop3A_900 = arith.constant 16 : index
        %parallel_loop3A_901 = tpu.vector_load %arg7[%parallel_loop3A_899, %parallel_loop3A_900] {strides = array<i32>} : memref<128x64xf32, #tpu.memory_space<vmem>>, vector<16xf32>,
        %parallel_loop3A_902 = arith.constant 8.000000e+00 : f32
        %parallel_loop3A_903 = vector.broadcast %parallel_loop3A_902 : f32 to vector<16xf32>
        %parallel_loop3A_904 = arith.mulf %parallel_loop3A_901, %parallel_loop3A_903 : vector<16xf32>
        tpu.vector_store_idx %arg11[%add3A_8, %parallel_loop3A_892], %parallel_loop3A_904 : memref<64x129xf32, #tpu.memory_space<vmem>>[vector<16xi32>, vector<16xi32>], vector<16xf32>,
        %parallel_loop3A_905 = arith.index_cast %parallel_loop3A_888 : i32 to index
        %parallel_loop3A_906 = arith.constant 32 : index
        %parallel_loop3A_907 = tpu.vector_load %arg7[%parallel_loop3A_905, %parallel_loop3A_906] {strides = array<i32>} : memref<128x64xf32, #tpu.memory_space<vmem>>, vector<16xf32>,
        %parallel_loop3A_908 = arith.constant 8.000000e+00 : f32
        %parallel_loop3A_909 = vector.broadcast %parallel_loop3A_908 : f32 to vector<16xf32>
        %parallel_loop3A_910 = arith.mulf %parallel_loop3A_907, %parallel_loop3A_909 : vector<16xf32>
        tpu.vector_store_idx %arg11[%add3A_11, %parallel_loop3A_892], %parallel_loop3A_910 : memref<64x129xf32, #tpu.memory_space<vmem>>[vector<16xi32>, vector<16xi32>], vector<16xf32>,
        %parallel_loop3A_911 = arith.index_cast %parallel_loop3A_888 : i32 to index
        %parallel_loop3A_912 = arith.constant 48 : index
        %parallel_loop3A_913 = tpu.vector_load %arg7[%parallel_loop3A_911, %parallel_loop3A_912] {strides = array<i32>} : memref<128x64xf32, #tpu.memory_space<vmem>>, vector<16xf32>,
        %parallel_loop3A_914 = arith.constant 8.000000e+00 : f32
        %parallel_loop3A_915 = vector.broadcast %parallel_loop3A_914 : f32 to vector<16xf32>
        %parallel_loop3A_916 = arith.mulf %parallel_loop3A_913, %parallel_loop3A_915 : vector<16xf32>
        tpu.vector_store_idx %arg11[%add3A_14, %parallel_loop3A_892], %parallel_loop3A_916 : memref<64x129xf32, #tpu.memory_space<vmem>>[vector<16xi32>, vector<16xi32>], vector<16xf32>,
      } {sc.loop_unroll_factor = 4 : i64, sc.parallel_access}
      %dma_start3A_475 = arith.constant 0 : i32
      %dma_start3A_476 = arith.constant 0 : i32
      %dma_start3A_477 = arith.constant 0 : i32
      %dma_start3A_478 = tpu.memref_slice %arg11[%dma_start3A_476, %dma_start3A_477] : memref<64x129xf32, #tpu.memory_space<vmem>> -> memref<8x128xf32, #tpu.memory_space<vmem>>
      %dma_start3A_479 = arith.constant 0 : i32
      %dma_start3A_480 = arith.constant 0 : i32
      %dma_start3A_481 = tpu.memref_slice %arg4[%add3A_460, %dma_start3A_475, %add3A, %dma_start3A_479, %dma_start3A_480] : memref<200x8x32x8x128xf32, #tpu.memory_space<hbm>> -> memref<1x1x1x8x128xf32, #tpu.memory_space<hbm>>
      %dma_start3A_482 = tpu.memref_squeeze %dma_start3A_481 : memref<1x1x1x8x128xf32, #tpu.memory_space<hbm>> -> memref<8x128xf32, #tpu.memory_space<hbm>>
      %dma_start3A_483 = arith.constant 0 : i32
      %dma_start3A_484 = arith.constant 0 : i32
      %dma_start3A_485 = tpu.memref_slice %arg4[%add3A_460, %dma_start3A_475, %add3A, %dma_start3A_483, %dma_start3A_484] : memref<200x8x32x8x128xf32, #tpu.memory_space<hbm>> -> memref<1x1x1x8x128xf32, #tpu.memory_space<hbm>>
      %dma_start3A_486 = tpu.memref_squeeze %dma_start3A_485 : memref<1x1x1x8x128xf32, #tpu.memory_space<hbm>> -> memref<8x128xf32, #tpu.memory_space<hbm>>
      %dma_start3A_487 = arith.constant 0 : i32
      %dma_start3A_488 = arith.constant 0 : i32
      %dma_start3A_489 = tpu.memref_slice %arg11[%dma_start3A_487, %dma_start3A_488] : memref<64x129xf32, #tpu.memory_space<vmem>> -> memref<8x128xf32, #tpu.memory_space<vmem>>
      tpu.enqueue_dma source(%dma_start3A_489 : memref<8x128xf32, #tpu.memory_space<vmem>>) target(%dma_start3A_486 : memref<8x128xf32, #tpu.memory_space<hbm>>) target_semaphore(%arg17 : memref<!tpu.dma_semaphore, #tpu.memory_space<semaphore_mem>>)
      %dma_start3A_490 = arith.constant 1 : i32
      %dma_start3A_491 = arith.constant 8 : i32
      %dma_start3A_492 = arith.constant 0 : i32
      %dma_start3A_493 = tpu.memref_slice %arg11[%dma_start3A_491, %dma_start3A_492] : memref<64x129xf32, #tpu.memory_space<vmem>> -> memref<8x128xf32, #tpu.memory_space<vmem>>
      %dma_start3A_494 = arith.constant 0 : i32
      %dma_start3A_495 = arith.constant 0 : i32
      %dma_start3A_496 = tpu.memref_slice %arg4[%add3A_460, %dma_start3A_490, %add3A, %dma_start3A_494, %dma_start3A_495] : memref<200x8x32x8x128xf32, #tpu.memory_space<hbm>> -> memref<1x1x1x8x128xf32, #tpu.memory_space<hbm>>
      %dma_start3A_497 = tpu.memref_squeeze %dma_start3A_496 : memref<1x1x1x8x128xf32, #tpu.memory_space<hbm>> -> memref<8x128xf32, #tpu.memory_space<hbm>>
      %dma_start3A_498 = arith.constant 0 : i32
      %dma_start3A_499 = arith.constant 0 : i32
      %dma_start3A_500 = tpu.memref_slice %arg4[%add3A_460, %dma_start3A_490, %add3A, %dma_start3A_498, %dma_start3A_499] : memref<200x8x32x8x128xf32, #tpu.memory_space<hbm>> -> memref<1x1x1x8x128xf32, #tpu.memory_space<hbm>>
      %dma_start3A_501 = tpu.memref_squeeze %dma_start3A_500 : memref<1x1x1x8x128xf32, #tpu.memory_space<hbm>> -> memref<8x128xf32, #tpu.memory_space<hbm>>
      %dma_start3A_502 = arith.constant 8 : i32
      %dma_start3A_503 = arith.constant 0 : i32
      %dma_start3A_504 = tpu.memref_slice %arg11[%dma_start3A_502, %dma_start3A_503] : memref<64x129xf32, #tpu.memory_space<vmem>> -> memref<8x128xf32, #tpu.memory_space<vmem>>
      tpu.enqueue_dma source(%dma_start3A_504 : memref<8x128xf32, #tpu.memory_space<vmem>>) target(%dma_start3A_501 : memref<8x128xf32, #tpu.memory_space<hbm>>) target_semaphore(%arg17 : memref<!tpu.dma_semaphore, #tpu.memory_space<semaphore_mem>>)
      %dma_start3A_505 = arith.constant 2 : i32
      %dma_start3A_506 = arith.constant 16 : i32
      %dma_start3A_507 = arith.constant 0 : i32
      %dma_start3A_508 = tpu.memref_slice %arg11[%dma_start3A_506, %dma_start3A_507] : memref<64x129xf32, #tpu.memory_space<vmem>> -> memref<8x128xf32, #tpu.memory_space<vmem>>
      %dma_start3A_509 = arith.constant 0 : i32
      %dma_start3A_510 = arith.constant 0 : i32
      %dma_start3A_511 = tpu.memref_slice %arg4[%add3A_460, %dma_start3A_505, %add3A, %dma_start3A_509, %dma_start3A_510] : memref<200x8x32x8x128xf32, #tpu.memory_space<hbm>> -> memref<1x1x1x8x128xf32, #tpu.memory_space<hbm>>
      %dma_start3A_512 = tpu.memref_squeeze %dma_start3A_511 : memref<1x1x1x8x128xf32, #tpu.memory_space<hbm>> -> memref<8x128xf32, #tpu.memory_space<hbm>>
      %dma_start3A_513 = arith.constant 0 : i32
      %dma_start3A_514 = arith.constant 0 : i32
      %dma_start3A_515 = tpu.memref_slice %arg4[%add3A_460, %dma_start3A_505, %add3A, %dma_start3A_513, %dma_start3A_514] : memref<200x8x32x8x128xf32, #tpu.memory_space<hbm>> -> memref<1x1x1x8x128xf32, #tpu.memory_space<hbm>>
      %dma_start3A_516 = tpu.memref_squeeze %dma_start3A_515 : memref<1x1x1x8x128xf32, #tpu.memory_space<hbm>> -> memref<8x128xf32, #tpu.memory_space<hbm>>
      %dma_start3A_517 = arith.constant 16 : i32
      %dma_start3A_518 = arith.constant 0 : i32
      %dma_start3A_519 = tpu.memref_slice %arg11[%dma_start3A_517, %dma_start3A_518] : memref<64x129xf32, #tpu.memory_space<vmem>> -> memref<8x128xf32, #tpu.memory_space<vmem>>
      tpu.enqueue_dma source(%dma_start3A_519 : memref<8x128xf32, #tpu.memory_space<vmem>>) target(%dma_start3A_516 : memref<8x128xf32, #tpu.memory_space<hbm>>) target_semaphore(%arg17 : memref<!tpu.dma_semaphore, #tpu.memory_space<semaphore_mem>>)
      %dma_start3A_520 = arith.constant 3 : i32
      %dma_start3A_521 = arith.constant 24 : i32
      %dma_start3A_522 = arith.constant 0 : i32
      %dma_start3A_523 = tpu.memref_slice %arg11[%dma_start3A_521, %dma_start3A_522] : memref<64x129xf32, #tpu.memory_space<vmem>> -> memref<8x128xf32, #tpu.memory_space<vmem>>
      %dma_start3A_524 = arith.constant 0 : i32
      %dma_start3A_525 = arith.constant 0 : i32
      %dma_start3A_526 = tpu.memref_slice %arg4[%add3A_460, %dma_start3A_520, %add3A, %dma_start3A_524, %dma_start3A_525] : memref<200x8x32x8x128xf32, #tpu.memory_space<hbm>> -> memref<1x1x1x8x128xf32, #tpu.memory_space<hbm>>
      %dma_start3A_527 = tpu.memref_squeeze %dma_start3A_526 : memref<1x1x1x8x128xf32, #tpu.memory_space<hbm>> -> memref<8x128xf32, #tpu.memory_space<hbm>>
      %dma_start3A_528 = arith.constant 0 : i32
      %dma_start3A_529 = arith.constant 0 : i32
      %dma_start3A_530 = tpu.memref_slice %arg4[%add3A_460, %dma_start3A_520, %add3A, %dma_start3A_528, %dma_start3A_529] : memref<200x8x32x8x128xf32, #tpu.memory_space<hbm>> -> memref<1x1x1x8x128xf32, #tpu.memory_space<hbm>>
      %dma_start3A_531 = tpu.memref_squeeze %dma_start3A_530 : memref<1x1x1x8x128xf32, #tpu.memory_space<hbm>> -> memref<8x128xf32, #tpu.memory_space<hbm>>
      %dma_start3A_532 = arith.constant 24 : i32
      %dma_start3A_533 = arith.constant 0 : i32
      %dma_start3A_534 = tpu.memref_slice %arg11[%dma_start3A_532, %dma_start3A_533] : memref<64x129xf32, #tpu.memory_space<vmem>> -> memref<8x128xf32, #tpu.memory_space<vmem>>
      tpu.enqueue_dma source(%dma_start3A_534 : memref<8x128xf32, #tpu.memory_space<vmem>>) target(%dma_start3A_531 : memref<8x128xf32, #tpu.memory_space<hbm>>) target_semaphore(%arg17 : memref<!tpu.dma_semaphore, #tpu.memory_space<semaphore_mem>>)
      %dma_start3A_535 = arith.constant 4 : i32
      %dma_start3A_536 = arith.constant 32 : i32
      %dma_start3A_537 = arith.constant 0 : i32
      %dma_start3A_538 = tpu.memref_slice %arg11[%dma_start3A_536, %dma_start3A_537] : memref<64x129xf32, #tpu.memory_space<vmem>> -> memref<8x128xf32, #tpu.memory_space<vmem>>
      %dma_start3A_539 = arith.constant 0 : i32
      %dma_start3A_540 = arith.constant 0 : i32
      %dma_start3A_541 = tpu.memref_slice %arg4[%add3A_460, %dma_start3A_535, %add3A, %dma_start3A_539, %dma_start3A_540] : memref<200x8x32x8x128xf32, #tpu.memory_space<hbm>> -> memref<1x1x1x8x128xf32, #tpu.memory_space<hbm>>
      %dma_start3A_542 = tpu.memref_squeeze %dma_start3A_541 : memref<1x1x1x8x128xf32, #tpu.memory_space<hbm>> -> memref<8x128xf32, #tpu.memory_space<hbm>>
      %dma_start3A_543 = arith.constant 0 : i32
      %dma_start3A_544 = arith.constant 0 : i32
      %dma_start3A_545 = tpu.memref_slice %arg4[%add3A_460, %dma_start3A_535, %add3A, %dma_start3A_543, %dma_start3A_544] : memref<200x8x32x8x128xf32, #tpu.memory_space<hbm>> -> memref<1x1x1x8x128xf32, #tpu.memory_space<hbm>>
      %dma_start3A_546 = tpu.memref_squeeze %dma_start3A_545 : memref<1x1x1x8x128xf32, #tpu.memory_space<hbm>> -> memref<8x128xf32, #tpu.memory_space<hbm>>
      %dma_start3A_547 = arith.constant 32 : i32
      %dma_start3A_548 = arith.constant 0 : i32
      %dma_start3A_549 = tpu.memref_slice %arg11[%dma_start3A_547, %dma_start3A_548] : memref<64x129xf32, #tpu.memory_space<vmem>> -> memref<8x128xf32, #tpu.memory_space<vmem>>
      tpu.enqueue_dma source(%dma_start3A_549 : memref<8x128xf32, #tpu.memory_space<vmem>>) target(%dma_start3A_546 : memref<8x128xf32, #tpu.memory_space<hbm>>) target_semaphore(%arg17 : memref<!tpu.dma_semaphore, #tpu.memory_space<semaphore_mem>>)
      %dma_start3A_550 = arith.constant 5 : i32
      %dma_start3A_551 = arith.constant 40 : i32
      %dma_start3A_552 = arith.constant 0 : i32
      %dma_start3A_553 = tpu.memref_slice %arg11[%dma_start3A_551, %dma_start3A_552] : memref<64x129xf32, #tpu.memory_space<vmem>> -> memref<8x128xf32, #tpu.memory_space<vmem>>
      %dma_start3A_554 = arith.constant 0 : i32
      %dma_start3A_555 = arith.constant 0 : i32
      %dma_start3A_556 = tpu.memref_slice %arg4[%add3A_460, %dma_start3A_550, %add3A, %dma_start3A_554, %dma_start3A_555] : memref<200x8x32x8x128xf32, #tpu.memory_space<hbm>> -> memref<1x1x1x8x128xf32, #tpu.memory_space<hbm>>
      %dma_start3A_557 = tpu.memref_squeeze %dma_start3A_556 : memref<1x1x1x8x128xf32, #tpu.memory_space<hbm>> -> memref<8x128xf32, #tpu.memory_space<hbm>>
      %dma_start3A_558 = arith.constant 0 : i32
      %dma_start3A_559 = arith.constant 0 : i32
      %dma_start3A_560 = tpu.memref_slice %arg4[%add3A_460, %dma_start3A_550, %add3A, %dma_start3A_558, %dma_start3A_559] : memref<200x8x32x8x128xf32, #tpu.memory_space<hbm>> -> memref<1x1x1x8x128xf32, #tpu.memory_space<hbm>>
      %dma_start3A_561 = tpu.memref_squeeze %dma_start3A_560 : memref<1x1x1x8x128xf32, #tpu.memory_space<hbm>> -> memref<8x128xf32, #tpu.memory_space<hbm>>
      %dma_start3A_562 = arith.constant 40 : i32
      %dma_start3A_563 = arith.constant 0 : i32
      %dma_start3A_564 = tpu.memref_slice %arg11[%dma_start3A_562, %dma_start3A_563] : memref<64x129xf32, #tpu.memory_space<vmem>> -> memref<8x128xf32, #tpu.memory_space<vmem>>
      tpu.enqueue_dma source(%dma_start3A_564 : memref<8x128xf32, #tpu.memory_space<vmem>>) target(%dma_start3A_561 : memref<8x128xf32, #tpu.memory_space<hbm>>) target_semaphore(%arg17 : memref<!tpu.dma_semaphore, #tpu.memory_space<semaphore_mem>>)
      %dma_start3A_565 = arith.constant 6 : i32
      %dma_start3A_566 = arith.constant 48 : i32
      %dma_start3A_567 = arith.constant 0 : i32
      %dma_start3A_568 = tpu.memref_slice %arg11[%dma_start3A_566, %dma_start3A_567] : memref<64x129xf32, #tpu.memory_space<vmem>> -> memref<8x128xf32, #tpu.memory_space<vmem>>
      %dma_start3A_569 = arith.constant 0 : i32
      %dma_start3A_570 = arith.constant 0 : i32
      %dma_start3A_571 = tpu.memref_slice %arg4[%add3A_460, %dma_start3A_565, %add3A, %dma_start3A_569, %dma_start3A_570] : memref<200x8x32x8x128xf32, #tpu.memory_space<hbm>> -> memref<1x1x1x8x128xf32, #tpu.memory_space<hbm>>
      %dma_start3A_572 = tpu.memref_squeeze %dma_start3A_571 : memref<1x1x1x8x128xf32, #tpu.memory_space<hbm>> -> memref<8x128xf32, #tpu.memory_space<hbm>>
      %dma_start3A_573 = arith.constant 0 : i32
      %dma_start3A_574 = arith.constant 0 : i32
      %dma_start3A_575 = tpu.memref_slice %arg4[%add3A_460, %dma_start3A_565, %add3A, %dma_start3A_573, %dma_start3A_574] : memref<200x8x32x8x128xf32, #tpu.memory_space<hbm>> -> memref<1x1x1x8x128xf32, #tpu.memory_space<hbm>>
      %dma_start3A_576 = tpu.memref_squeeze %dma_start3A_575 : memref<1x1x1x8x128xf32, #tpu.memory_space<hbm>> -> memref<8x128xf32, #tpu.memory_space<hbm>>
      %dma_start3A_577 = arith.constant 48 : i32
      %dma_start3A_578 = arith.constant 0 : i32
      %dma_start3A_579 = tpu.memref_slice %arg11[%dma_start3A_577, %dma_start3A_578] : memref<64x129xf32, #tpu.memory_space<vmem>> -> memref<8x128xf32, #tpu.memory_space<vmem>>
      tpu.enqueue_dma source(%dma_start3A_579 : memref<8x128xf32, #tpu.memory_space<vmem>>) target(%dma_start3A_576 : memref<8x128xf32, #tpu.memory_space<hbm>>) target_semaphore(%arg17 : memref<!tpu.dma_semaphore, #tpu.memory_space<semaphore_mem>>)
      %dma_start3A_580 = arith.constant 7 : i32
      %dma_start3A_581 = arith.constant 56 : i32
      %dma_start3A_582 = arith.constant 0 : i32
      %dma_start3A_583 = tpu.memref_slice %arg11[%dma_start3A_581, %dma_start3A_582] : memref<64x129xf32, #tpu.memory_space<vmem>> -> memref<8x128xf32, #tpu.memory_space<vmem>>
      %dma_start3A_584 = arith.constant 0 : i32
      %dma_start3A_585 = arith.constant 0 : i32
      %dma_start3A_586 = tpu.memref_slice %arg4[%add3A_460, %dma_start3A_580, %add3A, %dma_start3A_584, %dma_start3A_585] : memref<200x8x32x8x128xf32, #tpu.memory_space<hbm>> -> memref<1x1x1x8x128xf32, #tpu.memory_space<hbm>>
      %dma_start3A_587 = tpu.memref_squeeze %dma_start3A_586 : memref<1x1x1x8x128xf32, #tpu.memory_space<hbm>> -> memref<8x128xf32, #tpu.memory_space<hbm>>
      %dma_start3A_588 = arith.constant 0 : i32
      %dma_start3A_589 = arith.constant 0 : i32
      %dma_start3A_590 = tpu.memref_slice %arg4[%add3A_460, %dma_start3A_580, %add3A, %dma_start3A_588, %dma_start3A_589] : memref<200x8x32x8x128xf32, #tpu.memory_space<hbm>> -> memref<1x1x1x8x128xf32, #tpu.memory_space<hbm>>
      %dma_start3A_591 = tpu.memref_squeeze %dma_start3A_590 : memref<1x1x1x8x128xf32, #tpu.memory_space<hbm>> -> memref<8x128xf32, #tpu.memory_space<hbm>>
      %dma_start3A_592 = arith.constant 56 : i32
      %dma_start3A_593 = arith.constant 0 : i32
      %dma_start3A_594 = tpu.memref_slice %arg11[%dma_start3A_592, %dma_start3A_593] : memref<64x129xf32, #tpu.memory_space<vmem>> -> memref<8x128xf32, #tpu.memory_space<vmem>>
      tpu.enqueue_dma source(%dma_start3A_594 : memref<8x128xf32, #tpu.memory_space<vmem>>) target(%dma_start3A_591 : memref<8x128xf32, #tpu.memory_space<hbm>>) target_semaphore(%arg17 : memref<!tpu.dma_semaphore, #tpu.memory_space<semaphore_mem>>)
      %add3A_595 = arith.constant 4 : i32
      %add3A_596 = arith.addi %add3A_460, %add3A_595 : i32
      %lt3A_597 = arith.constant 200 : i32
      %lt3A_598 = arith.cmpi slt, %add3A_596, %lt3A_597 : i32
      %convert_element_type3A_599 = arith.extui %lt3A_598 : i1 to i32
      %cond3A_600 = arith.constant 0 : i32
      %cond3A_601 = arith.cmpi ne, %convert_element_type3A_599, %cond3A_600 : i32
      scf.if %cond3A_601 {
        %add3A_888 = arith.constant 4 : i32
        %add3A_889 = arith.addi %add3A_460, %add3A_888 : i32
        %dma_start3A_890 = arith.constant 0 : i32
        %dma_start3A_891 = tpu.memref_slice %arg5[%add3A_889, %dma_start3A_890] : memref<200x128xi32, #tpu.memory_space<vmem>> -> memref<1x128xi32, #tpu.memory_space<vmem>>
        %dma_start3A_892 = tpu.memref_squeeze %dma_start3A_891 : memref<1x128xi32, #tpu.memory_space<vmem>> -> memref<128xi32, #tpu.memory_space<vmem>>
        %dma_start3A_893 = arith.constant 0 : i32
        %dma_start3A_894 = arith.constant 0 : i32
        %dma_start3A_895 = tpu.memref_slice %arg3[%dma_start3A_893, %dma_start3A_894] : memref<1000000x64xf32, #tpu.memory_space<hbm>> -> memref<1000000x64xf32, #tpu.memory_space<hbm>>
        tpu.enqueue_indirect_dma source(%dma_start3A_895 : memref<1000000x64xf32, #tpu.memory_space<hbm>>) target(%arg7 : memref<128x64xf32, #tpu.memory_space<vmem>>) offsets(%dma_start3A_892 : memref<128xi32, #tpu.memory_space<vmem>>) semaphore(%arg13 : memref<!tpu.dma_semaphore, #tpu.memory_space<semaphore_mem>>)
      } else {
      }
      %add3A_602 = arith.constant 2 : i32
      %add3A_603 = arith.addi %mul3A_320, %add3A_602 : i32
      %dma_wait3A_604 = arith.constant 0 : i32
      %dma_wait3A_605 = tpu.memref_slice %arg5[%add3A_603, %dma_wait3A_604] : memref<200x128xi32, #tpu.memory_space<vmem>> -> memref<1x128xi32, #tpu.memory_space<vmem>>
      %dma_wait3A_606 = tpu.memref_squeeze %dma_wait3A_605 : memref<1x128xi32, #tpu.memory_space<vmem>> -> memref<128xi32, #tpu.memory_space<vmem>>
      %dma_wait3A_607 = arith.constant 0 : i32
      %dma_wait3A_608 = arith.constant 0 : i32
      %dma_wait3A_609 = tpu.memref_slice %arg3[%dma_wait3A_607, %dma_wait3A_608] : memref<1000000x64xf32, #tpu.memory_space<hbm>> -> memref<1000000x64xf32, #tpu.memory_space<hbm>>
      tpu.wait_indirect_dma semaphore(%arg14 : memref<!tpu.dma_semaphore, #tpu.memory_space<semaphore_mem>>) src(%dma_wait3A_609 : memref<1000000x64xf32, #tpu.memory_space<hbm>>) dst(%arg8 : memref<128x64xf32, #tpu.memory_space<vmem>>)
      %ge3A_610 = arith.constant 2 : i32
      %ge3A_611 = arith.cmpi sge, %add3A_603, %ge3A_610 : i32
      %convert_element_type3A_612 = arith.extui %ge3A_611 : i1 to i32
      %cond3A_613 = arith.constant 0 : i32
      %cond3A_614 = arith.cmpi ne, %convert_element_type3A_612, %cond3A_613 : i32
      scf.if %cond3A_614 {
        %dma_wait3A_888 = arith.constant 0 : i32
        %dma_wait3A_889 = arith.constant 0 : i32
        %dma_wait3A_890 = arith.constant 0 : i32
        %dma_wait3A_891 = arith.constant 0 : i32
        %dma_wait3A_892 = arith.constant 0 : i32
        %dma_wait3A_893 = tpu.memref_slice %arg10[%dma_wait3A_891, %dma_wait3A_892] : memref<64x129xf32, #tpu.memory_space<vmem>> -> memref<8x128xf32, #tpu.memory_space<vmem>>
        %dma_wait3A_894 = arith.constant 0 : i32
        %dma_wait3A_895 = arith.constant 0 : i32
        %dma_wait3A_896 = tpu.memref_slice %arg4[%dma_wait3A_888, %dma_wait3A_889, %dma_wait3A_890, %dma_wait3A_894, %dma_wait3A_895] : memref<200x8x32x8x128xf32, #tpu.memory_space<hbm>> -> memref<1x1x1x8x128xf32, #tpu.memory_space<hbm>>
        %dma_wait3A_897 = tpu.memref_squeeze %dma_wait3A_896 : memref<1x1x1x8x128xf32, #tpu.memory_space<hbm>> -> memref<8x128xf32, #tpu.memory_space<hbm>>
        %dma_wait3A_898 = arith.constant 0 : i32
        %dma_wait3A_899 = arith.constant 0 : i32
        %dma_wait3A_900 = tpu.memref_slice %arg4[%dma_wait3A_888, %dma_wait3A_889, %dma_wait3A_890, %dma_wait3A_898, %dma_wait3A_899] : memref<200x8x32x8x128xf32, #tpu.memory_space<hbm>> -> memref<1x1x1x8x128xf32, #tpu.memory_space<hbm>>
        %dma_wait3A_901 = tpu.memref_squeeze %dma_wait3A_900 : memref<1x1x1x8x128xf32, #tpu.memory_space<hbm>> -> memref<8x128xf32, #tpu.memory_space<hbm>>
        %dma_wait3A_902 = arith.constant 0 : i32
        %dma_wait3A_903 = arith.constant 0 : i32
        %dma_wait3A_904 = tpu.memref_slice %arg10[%dma_wait3A_902, %dma_wait3A_903] : memref<64x129xf32, #tpu.memory_space<vmem>> -> memref<8x128xf32, #tpu.memory_space<vmem>>
        tpu.wait_dma2 semaphore(%arg16 : memref<!tpu.dma_semaphore, #tpu.memory_space<semaphore_mem>>) src(%dma_wait3A_904 : memref<8x128xf32, #tpu.memory_space<vmem>>) dst(%dma_wait3A_901 : memref<8x128xf32, #tpu.memory_space<hbm>>)
        %dma_wait3A_905 = arith.constant 0 : i32
        %dma_wait3A_906 = arith.constant 1 : i32
        %dma_wait3A_907 = arith.constant 0 : i32
        %dma_wait3A_908 = arith.constant 8 : i32
        %dma_wait3A_909 = arith.constant 0 : i32
        %dma_wait3A_910 = tpu.memref_slice %arg10[%dma_wait3A_908, %dma_wait3A_909] : memref<64x129xf32, #tpu.memory_space<vmem>> -> memref<8x128xf32, #tpu.memory_space<vmem>>
        %dma_wait3A_911 = arith.constant 0 : i32
        %dma_wait3A_912 = arith.constant 0 : i32
        %dma_wait3A_913 = tpu.memref_slice %arg4[%dma_wait3A_905, %dma_wait3A_906, %dma_wait3A_907, %dma_wait3A_911, %dma_wait3A_912] : memref<200x8x32x8x128xf32, #tpu.memory_space<hbm>> -> memref<1x1x1x8x128xf32, #tpu.memory_space<hbm>>
        %dma_wait3A_914 = tpu.memref_squeeze %dma_wait3A_913 : memref<1x1x1x8x128xf32, #tpu.memory_space<hbm>> -> memref<8x128xf32, #tpu.memory_space<hbm>>
        %dma_wait3A_915 = arith.constant 0 : i32
        %dma_wait3A_916 = arith.constant 0 : i32
        %dma_wait3A_917 = tpu.memref_slice %arg4[%dma_wait3A_905, %dma_wait3A_906, %dma_wait3A_907, %dma_wait3A_915, %dma_wait3A_916] : memref<200x8x32x8x128xf32, #tpu.memory_space<hbm>> -> memref<1x1x1x8x128xf32, #tpu.memory_space<hbm>>
        %dma_wait3A_918 = tpu.memref_squeeze %dma_wait3A_917 : memref<1x1x1x8x128xf32, #tpu.memory_space<hbm>> -> memref<8x128xf32, #tpu.memory_space<hbm>>
        %dma_wait3A_919 = arith.constant 8 : i32
        %dma_wait3A_920 = arith.constant 0 : i32
        %dma_wait3A_921 = tpu.memref_slice %arg10[%dma_wait3A_919, %dma_wait3A_920] : memref<64x129xf32, #tpu.memory_space<vmem>> -> memref<8x128xf32, #tpu.memory_space<vmem>>
        tpu.wait_dma2 semaphore(%arg16 : memref<!tpu.dma_semaphore, #tpu.memory_space<semaphore_mem>>) src(%dma_wait3A_921 : memref<8x128xf32, #tpu.memory_space<vmem>>) dst(%dma_wait3A_918 : memref<8x128xf32, #tpu.memory_space<hbm>>)
        %dma_wait3A_922 = arith.constant 0 : i32
        %dma_wait3A_923 = arith.constant 2 : i32
        %dma_wait3A_924 = arith.constant 0 : i32
        %dma_wait3A_925 = arith.constant 16 : i32
        %dma_wait3A_926 = arith.constant 0 : i32
        %dma_wait3A_927 = tpu.memref_slice %arg10[%dma_wait3A_925, %dma_wait3A_926] : memref<64x129xf32, #tpu.memory_space<vmem>> -> memref<8x128xf32, #tpu.memory_space<vmem>>
        %dma_wait3A_928 = arith.constant 0 : i32
        %dma_wait3A_929 = arith.constant 0 : i32
        %dma_wait3A_930 = tpu.memref_slice %arg4[%dma_wait3A_922, %dma_wait3A_923, %dma_wait3A_924, %dma_wait3A_928, %dma_wait3A_929] : memref<200x8x32x8x128xf32, #tpu.memory_space<hbm>> -> memref<1x1x1x8x128xf32, #tpu.memory_space<hbm>>
        %dma_wait3A_931 = tpu.memref_squeeze %dma_wait3A_930 : memref<1x1x1x8x128xf32, #tpu.memory_space<hbm>> -> memref<8x128xf32, #tpu.memory_space<hbm>>
        %dma_wait3A_932 = arith.constant 0 : i32
        %dma_wait3A_933 = arith.constant 0 : i32
        %dma_wait3A_934 = tpu.memref_slice %arg4[%dma_wait3A_922, %dma_wait3A_923, %dma_wait3A_924, %dma_wait3A_932, %dma_wait3A_933] : memref<200x8x32x8x128xf32, #tpu.memory_space<hbm>> -> memref<1x1x1x8x128xf32, #tpu.memory_space<hbm>>
        %dma_wait3A_935 = tpu.memref_squeeze %dma_wait3A_934 : memref<1x1x1x8x128xf32, #tpu.memory_space<hbm>> -> memref<8x128xf32, #tpu.memory_space<hbm>>
        %dma_wait3A_936 = arith.constant 16 : i32
        %dma_wait3A_937 = arith.constant 0 : i32
        %dma_wait3A_938 = tpu.memref_slice %arg10[%dma_wait3A_936, %dma_wait3A_937] : memref<64x129xf32, #tpu.memory_space<vmem>> -> memref<8x128xf32, #tpu.memory_space<vmem>>
        tpu.wait_dma2 semaphore(%arg16 : memref<!tpu.dma_semaphore, #tpu.memory_space<semaphore_mem>>) src(%dma_wait3A_938 : memref<8x128xf32, #tpu.memory_space<vmem>>) dst(%dma_wait3A_935 : memref<8x128xf32, #tpu.memory_space<hbm>>)
        %dma_wait3A_939 = arith.constant 0 : i32
        %dma_wait3A_940 = arith.constant 3 : i32
        %dma_wait3A_941 = arith.constant 0 : i32
        %dma_wait3A_942 = arith.constant 24 : i32
        %dma_wait3A_943 = arith.constant 0 : i32
        %dma_wait3A_944 = tpu.memref_slice %arg10[%dma_wait3A_942, %dma_wait3A_943] : memref<64x129xf32, #tpu.memory_space<vmem>> -> memref<8x128xf32, #tpu.memory_space<vmem>>
        %dma_wait3A_945 = arith.constant 0 : i32
        %dma_wait3A_946 = arith.constant 0 : i32
        %dma_wait3A_947 = tpu.memref_slice %arg4[%dma_wait3A_939, %dma_wait3A_940, %dma_wait3A_941, %dma_wait3A_945, %dma_wait3A_946] : memref<200x8x32x8x128xf32, #tpu.memory_space<hbm>> -> memref<1x1x1x8x128xf32, #tpu.memory_space<hbm>>
        %dma_wait3A_948 = tpu.memref_squeeze %dma_wait3A_947 : memref<1x1x1x8x128xf32, #tpu.memory_space<hbm>> -> memref<8x128xf32, #tpu.memory_space<hbm>>
        %dma_wait3A_949 = arith.constant 0 : i32
        %dma_wait3A_950 = arith.constant 0 : i32
        %dma_wait3A_951 = tpu.memref_slice %arg4[%dma_wait3A_939, %dma_wait3A_940, %dma_wait3A_941, %dma_wait3A_949, %dma_wait3A_950] : memref<200x8x32x8x128xf32, #tpu.memory_space<hbm>> -> memref<1x1x1x8x128xf32, #tpu.memory_space<hbm>>
        %dma_wait3A_952 = tpu.memref_squeeze %dma_wait3A_951 : memref<1x1x1x8x128xf32, #tpu.memory_space<hbm>> -> memref<8x128xf32, #tpu.memory_space<hbm>>
        %dma_wait3A_953 = arith.constant 24 : i32
        %dma_wait3A_954 = arith.constant 0 : i32
        %dma_wait3A_955 = tpu.memref_slice %arg10[%dma_wait3A_953, %dma_wait3A_954] : memref<64x129xf32, #tpu.memory_space<vmem>> -> memref<8x128xf32, #tpu.memory_space<vmem>>
        tpu.wait_dma2 semaphore(%arg16 : memref<!tpu.dma_semaphore, #tpu.memory_space<semaphore_mem>>) src(%dma_wait3A_955 : memref<8x128xf32, #tpu.memory_space<vmem>>) dst(%dma_wait3A_952 : memref<8x128xf32, #tpu.memory_space<hbm>>)
        %dma_wait3A_956 = arith.constant 0 : i32
        %dma_wait3A_957 = arith.constant 4 : i32
        %dma_wait3A_958 = arith.constant 0 : i32
        %dma_wait3A_959 = arith.constant 32 : i32
        %dma_wait3A_960 = arith.constant 0 : i32
        %dma_wait3A_961 = tpu.memref_slice %arg10[%dma_wait3A_959, %dma_wait3A_960] : memref<64x129xf32, #tpu.memory_space<vmem>> -> memref<8x128xf32, #tpu.memory_space<vmem>>
        %dma_wait3A_962 = arith.constant 0 : i32
        %dma_wait3A_963 = arith.constant 0 : i32
        %dma_wait3A_964 = tpu.memref_slice %arg4[%dma_wait3A_956, %dma_wait3A_957, %dma_wait3A_958, %dma_wait3A_962, %dma_wait3A_963] : memref<200x8x32x8x128xf32, #tpu.memory_space<hbm>> -> memref<1x1x1x8x128xf32, #tpu.memory_space<hbm>>
        %dma_wait3A_965 = tpu.memref_squeeze %dma_wait3A_964 : memref<1x1x1x8x128xf32, #tpu.memory_space<hbm>> -> memref<8x128xf32, #tpu.memory_space<hbm>>
        %dma_wait3A_966 = arith.constant 0 : i32
        %dma_wait3A_967 = arith.constant 0 : i32
        %dma_wait3A_968 = tpu.memref_slice %arg4[%dma_wait3A_956, %dma_wait3A_957, %dma_wait3A_958, %dma_wait3A_966, %dma_wait3A_967] : memref<200x8x32x8x128xf32, #tpu.memory_space<hbm>> -> memref<1x1x1x8x128xf32, #tpu.memory_space<hbm>>
        %dma_wait3A_969 = tpu.memref_squeeze %dma_wait3A_968 : memref<1x1x1x8x128xf32, #tpu.memory_space<hbm>> -> memref<8x128xf32, #tpu.memory_space<hbm>>
        %dma_wait3A_970 = arith.constant 32 : i32
        %dma_wait3A_971 = arith.constant 0 : i32
        %dma_wait3A_972 = tpu.memref_slice %arg10[%dma_wait3A_970, %dma_wait3A_971] : memref<64x129xf32, #tpu.memory_space<vmem>> -> memref<8x128xf32, #tpu.memory_space<vmem>>
        tpu.wait_dma2 semaphore(%arg16 : memref<!tpu.dma_semaphore, #tpu.memory_space<semaphore_mem>>) src(%dma_wait3A_972 : memref<8x128xf32, #tpu.memory_space<vmem>>) dst(%dma_wait3A_969 : memref<8x128xf32, #tpu.memory_space<hbm>>)
        %dma_wait3A_973 = arith.constant 0 : i32
        %dma_wait3A_974 = arith.constant 5 : i32
        %dma_wait3A_975 = arith.constant 0 : i32
        %dma_wait3A_976 = arith.constant 40 : i32
        %dma_wait3A_977 = arith.constant 0 : i32
        %dma_wait3A_978 = tpu.memref_slice %arg10[%dma_wait3A_976, %dma_wait3A_977] : memref<64x129xf32, #tpu.memory_space<vmem>> -> memref<8x128xf32, #tpu.memory_space<vmem>>
        %dma_wait3A_979 = arith.constant 0 : i32
        %dma_wait3A_980 = arith.constant 0 : i32
        %dma_wait3A_981 = tpu.memref_slice %arg4[%dma_wait3A_973, %dma_wait3A_974, %dma_wait3A_975, %dma_wait3A_979, %dma_wait3A_980] : memref<200x8x32x8x128xf32, #tpu.memory_space<hbm>> -> memref<1x1x1x8x128xf32, #tpu.memory_space<hbm>>
        %dma_wait3A_982 = tpu.memref_squeeze %dma_wait3A_981 : memref<1x1x1x8x128xf32, #tpu.memory_space<hbm>> -> memref<8x128xf32, #tpu.memory_space<hbm>>
        %dma_wait3A_983 = arith.constant 0 : i32
        %dma_wait3A_984 = arith.constant 0 : i32
        %dma_wait3A_985 = tpu.memref_slice %arg4[%dma_wait3A_973, %dma_wait3A_974, %dma_wait3A_975, %dma_wait3A_983, %dma_wait3A_984] : memref<200x8x32x8x128xf32, #tpu.memory_space<hbm>> -> memref<1x1x1x8x128xf32, #tpu.memory_space<hbm>>
        %dma_wait3A_986 = tpu.memref_squeeze %dma_wait3A_985 : memref<1x1x1x8x128xf32, #tpu.memory_space<hbm>> -> memref<8x128xf32, #tpu.memory_space<hbm>>
        %dma_wait3A_987 = arith.constant 40 : i32
        %dma_wait3A_988 = arith.constant 0 : i32
        %dma_wait3A_989 = tpu.memref_slice %arg10[%dma_wait3A_987, %dma_wait3A_988] : memref<64x129xf32, #tpu.memory_space<vmem>> -> memref<8x128xf32, #tpu.memory_space<vmem>>
        tpu.wait_dma2 semaphore(%arg16 : memref<!tpu.dma_semaphore, #tpu.memory_space<semaphore_mem>>) src(%dma_wait3A_989 : memref<8x128xf32, #tpu.memory_space<vmem>>) dst(%dma_wait3A_986 : memref<8x128xf32, #tpu.memory_space<hbm>>)
        %dma_wait3A_990 = arith.constant 0 : i32
        %dma_wait3A_991 = arith.constant 6 : i32
        %dma_wait3A_992 = arith.constant 0 : i32
        %dma_wait3A_993 = arith.constant 48 : i32
        %dma_wait3A_994 = arith.constant 0 : i32
        %dma_wait3A_995 = tpu.memref_slice %arg10[%dma_wait3A_993, %dma_wait3A_994] : memref<64x129xf32, #tpu.memory_space<vmem>> -> memref<8x128xf32, #tpu.memory_space<vmem>>
        %dma_wait3A_996 = arith.constant 0 : i32
        %dma_wait3A_997 = arith.constant 0 : i32
        %dma_wait3A_998 = tpu.memref_slice %arg4[%dma_wait3A_990, %dma_wait3A_991, %dma_wait3A_992, %dma_wait3A_996, %dma_wait3A_997] : memref<200x8x32x8x128xf32, #tpu.memory_space<hbm>> -> memref<1x1x1x8x128xf32, #tpu.memory_space<hbm>>
        %dma_wait3A_999 = tpu.memref_squeeze %dma_wait3A_998 : memref<1x1x1x8x128xf32, #tpu.memory_space<hbm>> -> memref<8x128xf32, #tpu.memory_space<hbm>>
        %dma_wait3A_1000 = arith.constant 0 : i32
        %dma_wait3A_1001 = arith.constant 0 : i32
        %dma_wait3A_1002 = tpu.memref_slice %arg4[%dma_wait3A_990, %dma_wait3A_991, %dma_wait3A_992, %dma_wait3A_1000, %dma_wait3A_1001] : memref<200x8x32x8x128xf32, #tpu.memory_space<hbm>> -> memref<1x1x1x8x128xf32, #tpu.memory_space<hbm>>
        %dma_wait3A_1003 = tpu.memref_squeeze %dma_wait3A_1002 : memref<1x1x1x8x128xf32, #tpu.memory_space<hbm>> -> memref<8x128xf32, #tpu.memory_space<hbm>>
        %dma_wait3A_1004 = arith.constant 48 : i32
        %dma_wait3A_1005 = arith.constant 0 : i32
        %dma_wait3A_1006 = tpu.memref_slice %arg10[%dma_wait3A_1004, %dma_wait3A_1005] : memref<64x129xf32, #tpu.memory_space<vmem>> -> memref<8x128xf32, #tpu.memory_space<vmem>>
        tpu.wait_dma2 semaphore(%arg16 : memref<!tpu.dma_semaphore, #tpu.memory_space<semaphore_mem>>) src(%dma_wait3A_1006 : memref<8x128xf32, #tpu.memory_space<vmem>>) dst(%dma_wait3A_1003 : memref<8x128xf32, #tpu.memory_space<hbm>>)
        %dma_wait3A_1007 = arith.constant 0 : i32
        %dma_wait3A_1008 = arith.constant 7 : i32
        %dma_wait3A_1009 = arith.constant 0 : i32
        %dma_wait3A_1010 = arith.constant 56 : i32
        %dma_wait3A_1011 = arith.constant 0 : i32
        %dma_wait3A_1012 = tpu.memref_slice %arg10[%dma_wait3A_1010, %dma_wait3A_1011] : memref<64x129xf32, #tpu.memory_space<vmem>> -> memref<8x128xf32, #tpu.memory_space<vmem>>
        %dma_wait3A_1013 = arith.constant 0 : i32
        %dma_wait3A_1014 = arith.constant 0 : i32
        %dma_wait3A_1015 = tpu.memref_slice %arg4[%dma_wait3A_1007, %dma_wait3A_1008, %dma_wait3A_1009, %dma_wait3A_1013, %dma_wait3A_1014] : memref<200x8x32x8x128xf32, #tpu.memory_space<hbm>> -> memref<1x1x1x8x128xf32, #tpu.memory_space<hbm>>
        %dma_wait3A_1016 = tpu.memref_squeeze %dma_wait3A_1015 : memref<1x1x1x8x128xf32, #tpu.memory_space<hbm>> -> memref<8x128xf32, #tpu.memory_space<hbm>>
        %dma_wait3A_1017 = arith.constant 0 : i32
        %dma_wait3A_1018 = arith.constant 0 : i32
        %dma_wait3A_1019 = tpu.memref_slice %arg4[%dma_wait3A_1007, %dma_wait3A_1008, %dma_wait3A_1009, %dma_wait3A_1017, %dma_wait3A_1018] : memref<200x8x32x8x128xf32, #tpu.memory_space<hbm>> -> memref<1x1x1x8x128xf32, #tpu.memory_space<hbm>>
        %dma_wait3A_1020 = tpu.memref_squeeze %dma_wait3A_1019 : memref<1x1x1x8x128xf32, #tpu.memory_space<hbm>> -> memref<8x128xf32, #tpu.memory_space<hbm>>
        %dma_wait3A_1021 = arith.constant 56 : i32
        %dma_wait3A_1022 = arith.constant 0 : i32
        %dma_wait3A_1023 = tpu.memref_slice %arg10[%dma_wait3A_1021, %dma_wait3A_1022] : memref<64x129xf32, #tpu.memory_space<vmem>> -> memref<8x128xf32, #tpu.memory_space<vmem>>
        tpu.wait_dma2 semaphore(%arg16 : memref<!tpu.dma_semaphore, #tpu.memory_space<semaphore_mem>>) src(%dma_wait3A_1023 : memref<8x128xf32, #tpu.memory_space<vmem>>) dst(%dma_wait3A_1020 : memref<8x128xf32, #tpu.memory_space<hbm>>)
      } else {
      }
      %parallel_loop3A_615 = arith.constant 0 : i32
      %parallel_loop3A_616 = arith.constant 128 : i32
      %parallel_loop3A_617 = arith.constant 1 : i32
      scf.for %parallel_loop3A_888 = %parallel_loop3A_615 to %parallel_loop3A_616 step %parallel_loop3A_617  : i32 {
        %parallel_loop3A_889 = arith.constant 0 : i32
        %parallel_loop3A_890 = vector.broadcast %parallel_loop3A_889 : i32 to vector<16xi32>
        %parallel_loop3A_891 = vector.broadcast %parallel_loop3A_888 : i32 to vector<16xi32>
        %parallel_loop3A_892 = arith.addi %parallel_loop3A_890, %parallel_loop3A_891 : vector<16xi32>
        %parallel_loop3A_893 = arith.index_cast %parallel_loop3A_888 : i32 to index
        %parallel_loop3A_894 = arith.constant 0 : index
        %parallel_loop3A_895 = tpu.vector_load %arg8[%parallel_loop3A_893, %parallel_loop3A_894] {strides = array<i32>} : memref<128x64xf32, #tpu.memory_space<vmem>>, vector<16xf32>,
        %parallel_loop3A_896 = arith.constant 8.000000e+00 : f32
        %parallel_loop3A_897 = vector.broadcast %parallel_loop3A_896 : f32 to vector<16xf32>
        %parallel_loop3A_898 = arith.mulf %parallel_loop3A_895, %parallel_loop3A_897 : vector<16xf32>
        tpu.vector_store_idx %arg10[%add3A_5, %parallel_loop3A_892], %parallel_loop3A_898 : memref<64x129xf32, #tpu.memory_space<vmem>>[vector<16xi32>, vector<16xi32>], vector<16xf32>,
        %parallel_loop3A_899 = arith.index_cast %parallel_loop3A_888 : i32 to index
        %parallel_loop3A_900 = arith.constant 16 : index
        %parallel_loop3A_901 = tpu.vector_load %arg8[%parallel_loop3A_899, %parallel_loop3A_900] {strides = array<i32>} : memref<128x64xf32, #tpu.memory_space<vmem>>, vector<16xf32>,
        %parallel_loop3A_902 = arith.constant 8.000000e+00 : f32
        %parallel_loop3A_903 = vector.broadcast %parallel_loop3A_902 : f32 to vector<16xf32>
        %parallel_loop3A_904 = arith.mulf %parallel_loop3A_901, %parallel_loop3A_903 : vector<16xf32>
        tpu.vector_store_idx %arg10[%add3A_8, %parallel_loop3A_892], %parallel_loop3A_904 : memref<64x129xf32, #tpu.memory_space<vmem>>[vector<16xi32>, vector<16xi32>], vector<16xf32>,
        %parallel_loop3A_905 = arith.index_cast %parallel_loop3A_888 : i32 to index
        %parallel_loop3A_906 = arith.constant 32 : index
        %parallel_loop3A_907 = tpu.vector_load %arg8[%parallel_loop3A_905, %parallel_loop3A_906] {strides = array<i32>} : memref<128x64xf32, #tpu.memory_space<vmem>>, vector<16xf32>,
        %parallel_loop3A_908 = arith.constant 8.000000e+00 : f32
        %parallel_loop3A_909 = vector.broadcast %parallel_loop3A_908 : f32 to vector<16xf32>
        %parallel_loop3A_910 = arith.mulf %parallel_loop3A_907, %parallel_loop3A_909 : vector<16xf32>
        tpu.vector_store_idx %arg10[%add3A_11, %parallel_loop3A_892], %parallel_loop3A_910 : memref<64x129xf32, #tpu.memory_space<vmem>>[vector<16xi32>, vector<16xi32>], vector<16xf32>,
        %parallel_loop3A_911 = arith.index_cast %parallel_loop3A_888 : i32 to index
        %parallel_loop3A_912 = arith.constant 48 : index
        %parallel_loop3A_913 = tpu.vector_load %arg8[%parallel_loop3A_911, %parallel_loop3A_912] {strides = array<i32>} : memref<128x64xf32, #tpu.memory_space<vmem>>, vector<16xf32>,
        %parallel_loop3A_914 = arith.constant 8.000000e+00 : f32
        %parallel_loop3A_915 = vector.broadcast %parallel_loop3A_914 : f32 to vector<16xf32>
        %parallel_loop3A_916 = arith.mulf %parallel_loop3A_913, %parallel_loop3A_915 : vector<16xf32>
        tpu.vector_store_idx %arg10[%add3A_14, %parallel_loop3A_892], %parallel_loop3A_916 : memref<64x129xf32, #tpu.memory_space<vmem>>[vector<16xi32>, vector<16xi32>], vector<16xf32>,
      } {sc.loop_unroll_factor = 4 : i64, sc.parallel_access}
      %dma_start3A_618 = arith.constant 0 : i32
      %dma_start3A_619 = arith.constant 0 : i32
      %dma_start3A_620 = arith.constant 0 : i32
      %dma_start3A_621 = tpu.memref_slice %arg10[%dma_start3A_619, %dma_start3A_620] : memref<64x129xf32, #tpu.memory_space<vmem>> -> memref<8x128xf32, #tpu.memory_space<vmem>>
      %dma_start3A_622 = arith.constant 0 : i32
      %dma_start3A_623 = arith.constant 0 : i32
      %dma_start3A_624 = tpu.memref_slice %arg4[%add3A_603, %dma_start3A_618, %add3A, %dma_start3A_622, %dma_start3A_623] : memref<200x8x32x8x128xf32, #tpu.memory_space<hbm>> -> memref<1x1x1x8x128xf32, #tpu.memory_space<hbm>>
      %dma_start3A_625 = tpu.memref_squeeze %dma_start3A_624 : memref<1x1x1x8x128xf32, #tpu.memory_space<hbm>> -> memref<8x128xf32, #tpu.memory_space<hbm>>
      %dma_start3A_626 = arith.constant 0 : i32
      %dma_start3A_627 = arith.constant 0 : i32
      %dma_start3A_628 = tpu.memref_slice %arg4[%add3A_603, %dma_start3A_618, %add3A, %dma_start3A_626, %dma_start3A_627] : memref<200x8x32x8x128xf32, #tpu.memory_space<hbm>> -> memref<1x1x1x8x128xf32, #tpu.memory_space<hbm>>
      %dma_start3A_629 = tpu.memref_squeeze %dma_start3A_628 : memref<1x1x1x8x128xf32, #tpu.memory_space<hbm>> -> memref<8x128xf32, #tpu.memory_space<hbm>>
      %dma_start3A_630 = arith.constant 0 : i32
      %dma_start3A_631 = arith.constant 0 : i32
      %dma_start3A_632 = tpu.memref_slice %arg10[%dma_start3A_630, %dma_start3A_631] : memref<64x129xf32, #tpu.memory_space<vmem>> -> memref<8x128xf32, #tpu.memory_space<vmem>>
      tpu.enqueue_dma source(%dma_start3A_632 : memref<8x128xf32, #tpu.memory_space<vmem>>) target(%dma_start3A_629 : memref<8x128xf32, #tpu.memory_space<hbm>>) target_semaphore(%arg16 : memref<!tpu.dma_semaphore, #tpu.memory_space<semaphore_mem>>)
      %dma_start3A_633 = arith.constant 1 : i32
      %dma_start3A_634 = arith.constant 8 : i32
      %dma_start3A_635 = arith.constant 0 : i32
      %dma_start3A_636 = tpu.memref_slice %arg10[%dma_start3A_634, %dma_start3A_635] : memref<64x129xf32, #tpu.memory_space<vmem>> -> memref<8x128xf32, #tpu.memory_space<vmem>>
      %dma_start3A_637 = arith.constant 0 : i32
      %dma_start3A_638 = arith.constant 0 : i32
      %dma_start3A_639 = tpu.memref_slice %arg4[%add3A_603, %dma_start3A_633, %add3A, %dma_start3A_637, %dma_start3A_638] : memref<200x8x32x8x128xf32, #tpu.memory_space<hbm>> -> memref<1x1x1x8x128xf32, #tpu.memory_space<hbm>>
      %dma_start3A_640 = tpu.memref_squeeze %dma_start3A_639 : memref<1x1x1x8x128xf32, #tpu.memory_space<hbm>> -> memref<8x128xf32, #tpu.memory_space<hbm>>
      %dma_start3A_641 = arith.constant 0 : i32
      %dma_start3A_642 = arith.constant 0 : i32
      %dma_start3A_643 = tpu.memref_slice %arg4[%add3A_603, %dma_start3A_633, %add3A, %dma_start3A_641, %dma_start3A_642] : memref<200x8x32x8x128xf32, #tpu.memory_space<hbm>> -> memref<1x1x1x8x128xf32, #tpu.memory_space<hbm>>
      %dma_start3A_644 = tpu.memref_squeeze %dma_start3A_643 : memref<1x1x1x8x128xf32, #tpu.memory_space<hbm>> -> memref<8x128xf32, #tpu.memory_space<hbm>>
      %dma_start3A_645 = arith.constant 8 : i32
      %dma_start3A_646 = arith.constant 0 : i32
      %dma_start3A_647 = tpu.memref_slice %arg10[%dma_start3A_645, %dma_start3A_646] : memref<64x129xf32, #tpu.memory_space<vmem>> -> memref<8x128xf32, #tpu.memory_space<vmem>>
      tpu.enqueue_dma source(%dma_start3A_647 : memref<8x128xf32, #tpu.memory_space<vmem>>) target(%dma_start3A_644 : memref<8x128xf32, #tpu.memory_space<hbm>>) target_semaphore(%arg16 : memref<!tpu.dma_semaphore, #tpu.memory_space<semaphore_mem>>)
      %dma_start3A_648 = arith.constant 2 : i32
      %dma_start3A_649 = arith.constant 16 : i32
      %dma_start3A_650 = arith.constant 0 : i32
      %dma_start3A_651 = tpu.memref_slice %arg10[%dma_start3A_649, %dma_start3A_650] : memref<64x129xf32, #tpu.memory_space<vmem>> -> memref<8x128xf32, #tpu.memory_space<vmem>>
      %dma_start3A_652 = arith.constant 0 : i32
      %dma_start3A_653 = arith.constant 0 : i32
      %dma_start3A_654 = tpu.memref_slice %arg4[%add3A_603, %dma_start3A_648, %add3A, %dma_start3A_652, %dma_start3A_653] : memref<200x8x32x8x128xf32, #tpu.memory_space<hbm>> -> memref<1x1x1x8x128xf32, #tpu.memory_space<hbm>>
      %dma_start3A_655 = tpu.memref_squeeze %dma_start3A_654 : memref<1x1x1x8x128xf32, #tpu.memory_space<hbm>> -> memref<8x128xf32, #tpu.memory_space<hbm>>
      %dma_start3A_656 = arith.constant 0 : i32
      %dma_start3A_657 = arith.constant 0 : i32
      %dma_start3A_658 = tpu.memref_slice %arg4[%add3A_603, %dma_start3A_648, %add3A, %dma_start3A_656, %dma_start3A_657] : memref<200x8x32x8x128xf32, #tpu.memory_space<hbm>> -> memref<1x1x1x8x128xf32, #tpu.memory_space<hbm>>
      %dma_start3A_659 = tpu.memref_squeeze %dma_start3A_658 : memref<1x1x1x8x128xf32, #tpu.memory_space<hbm>> -> memref<8x128xf32, #tpu.memory_space<hbm>>
      %dma_start3A_660 = arith.constant 16 : i32
      %dma_start3A_661 = arith.constant 0 : i32
      %dma_start3A_662 = tpu.memref_slice %arg10[%dma_start3A_660, %dma_start3A_661] : memref<64x129xf32, #tpu.memory_space<vmem>> -> memref<8x128xf32, #tpu.memory_space<vmem>>
      tpu.enqueue_dma source(%dma_start3A_662 : memref<8x128xf32, #tpu.memory_space<vmem>>) target(%dma_start3A_659 : memref<8x128xf32, #tpu.memory_space<hbm>>) target_semaphore(%arg16 : memref<!tpu.dma_semaphore, #tpu.memory_space<semaphore_mem>>)
      %dma_start3A_663 = arith.constant 3 : i32
      %dma_start3A_664 = arith.constant 24 : i32
      %dma_start3A_665 = arith.constant 0 : i32
      %dma_start3A_666 = tpu.memref_slice %arg10[%dma_start3A_664, %dma_start3A_665] : memref<64x129xf32, #tpu.memory_space<vmem>> -> memref<8x128xf32, #tpu.memory_space<vmem>>
      %dma_start3A_667 = arith.constant 0 : i32
      %dma_start3A_668 = arith.constant 0 : i32
      %dma_start3A_669 = tpu.memref_slice %arg4[%add3A_603, %dma_start3A_663, %add3A, %dma_start3A_667, %dma_start3A_668] : memref<200x8x32x8x128xf32, #tpu.memory_space<hbm>> -> memref<1x1x1x8x128xf32, #tpu.memory_space<hbm>>
      %dma_start3A_670 = tpu.memref_squeeze %dma_start3A_669 : memref<1x1x1x8x128xf32, #tpu.memory_space<hbm>> -> memref<8x128xf32, #tpu.memory_space<hbm>>
      %dma_start3A_671 = arith.constant 0 : i32
      %dma_start3A_672 = arith.constant 0 : i32
      %dma_start3A_673 = tpu.memref_slice %arg4[%add3A_603, %dma_start3A_663, %add3A, %dma_start3A_671, %dma_start3A_672] : memref<200x8x32x8x128xf32, #tpu.memory_space<hbm>> -> memref<1x1x1x8x128xf32, #tpu.memory_space<hbm>>
      %dma_start3A_674 = tpu.memref_squeeze %dma_start3A_673 : memref<1x1x1x8x128xf32, #tpu.memory_space<hbm>> -> memref<8x128xf32, #tpu.memory_space<hbm>>
      %dma_start3A_675 = arith.constant 24 : i32
      %dma_start3A_676 = arith.constant 0 : i32
      %dma_start3A_677 = tpu.memref_slice %arg10[%dma_start3A_675, %dma_start3A_676] : memref<64x129xf32, #tpu.memory_space<vmem>> -> memref<8x128xf32, #tpu.memory_space<vmem>>
      tpu.enqueue_dma source(%dma_start3A_677 : memref<8x128xf32, #tpu.memory_space<vmem>>) target(%dma_start3A_674 : memref<8x128xf32, #tpu.memory_space<hbm>>) target_semaphore(%arg16 : memref<!tpu.dma_semaphore, #tpu.memory_space<semaphore_mem>>)
      %dma_start3A_678 = arith.constant 4 : i32
      %dma_start3A_679 = arith.constant 32 : i32
      %dma_start3A_680 = arith.constant 0 : i32
      %dma_start3A_681 = tpu.memref_slice %arg10[%dma_start3A_679, %dma_start3A_680] : memref<64x129xf32, #tpu.memory_space<vmem>> -> memref<8x128xf32, #tpu.memory_space<vmem>>
      %dma_start3A_682 = arith.constant 0 : i32
      %dma_start3A_683 = arith.constant 0 : i32
      %dma_start3A_684 = tpu.memref_slice %arg4[%add3A_603, %dma_start3A_678, %add3A, %dma_start3A_682, %dma_start3A_683] : memref<200x8x32x8x128xf32, #tpu.memory_space<hbm>> -> memref<1x1x1x8x128xf32, #tpu.memory_space<hbm>>
      %dma_start3A_685 = tpu.memref_squeeze %dma_start3A_684 : memref<1x1x1x8x128xf32, #tpu.memory_space<hbm>> -> memref<8x128xf32, #tpu.memory_space<hbm>>
      %dma_start3A_686 = arith.constant 0 : i32
      %dma_start3A_687 = arith.constant 0 : i32
      %dma_start3A_688 = tpu.memref_slice %arg4[%add3A_603, %dma_start3A_678, %add3A, %dma_start3A_686, %dma_start3A_687] : memref<200x8x32x8x128xf32, #tpu.memory_space<hbm>> -> memref<1x1x1x8x128xf32, #tpu.memory_space<hbm>>
      %dma_start3A_689 = tpu.memref_squeeze %dma_start3A_688 : memref<1x1x1x8x128xf32, #tpu.memory_space<hbm>> -> memref<8x128xf32, #tpu.memory_space<hbm>>
      %dma_start3A_690 = arith.constant 32 : i32
      %dma_start3A_691 = arith.constant 0 : i32
      %dma_start3A_692 = tpu.memref_slice %arg10[%dma_start3A_690, %dma_start3A_691] : memref<64x129xf32, #tpu.memory_space<vmem>> -> memref<8x128xf32, #tpu.memory_space<vmem>>
      tpu.enqueue_dma source(%dma_start3A_692 : memref<8x128xf32, #tpu.memory_space<vmem>>) target(%dma_start3A_689 : memref<8x128xf32, #tpu.memory_space<hbm>>) target_semaphore(%arg16 : memref<!tpu.dma_semaphore, #tpu.memory_space<semaphore_mem>>)
      %dma_start3A_693 = arith.constant 5 : i32
      %dma_start3A_694 = arith.constant 40 : i32
      %dma_start3A_695 = arith.constant 0 : i32
      %dma_start3A_696 = tpu.memref_slice %arg10[%dma_start3A_694, %dma_start3A_695] : memref<64x129xf32, #tpu.memory_space<vmem>> -> memref<8x128xf32, #tpu.memory_space<vmem>>
      %dma_start3A_697 = arith.constant 0 : i32
      %dma_start3A_698 = arith.constant 0 : i32
      %dma_start3A_699 = tpu.memref_slice %arg4[%add3A_603, %dma_start3A_693, %add3A, %dma_start3A_697, %dma_start3A_698] : memref<200x8x32x8x128xf32, #tpu.memory_space<hbm>> -> memref<1x1x1x8x128xf32, #tpu.memory_space<hbm>>
      %dma_start3A_700 = tpu.memref_squeeze %dma_start3A_699 : memref<1x1x1x8x128xf32, #tpu.memory_space<hbm>> -> memref<8x128xf32, #tpu.memory_space<hbm>>
      %dma_start3A_701 = arith.constant 0 : i32
      %dma_start3A_702 = arith.constant 0 : i32
      %dma_start3A_703 = tpu.memref_slice %arg4[%add3A_603, %dma_start3A_693, %add3A, %dma_start3A_701, %dma_start3A_702] : memref<200x8x32x8x128xf32, #tpu.memory_space<hbm>> -> memref<1x1x1x8x128xf32, #tpu.memory_space<hbm>>
      %dma_start3A_704 = tpu.memref_squeeze %dma_start3A_703 : memref<1x1x1x8x128xf32, #tpu.memory_space<hbm>> -> memref<8x128xf32, #tpu.memory_space<hbm>>
      %dma_start3A_705 = arith.constant 40 : i32
      %dma_start3A_706 = arith.constant 0 : i32
      %dma_start3A_707 = tpu.memref_slice %arg10[%dma_start3A_705, %dma_start3A_706] : memref<64x129xf32, #tpu.memory_space<vmem>> -> memref<8x128xf32, #tpu.memory_space<vmem>>
      tpu.enqueue_dma source(%dma_start3A_707 : memref<8x128xf32, #tpu.memory_space<vmem>>) target(%dma_start3A_704 : memref<8x128xf32, #tpu.memory_space<hbm>>) target_semaphore(%arg16 : memref<!tpu.dma_semaphore, #tpu.memory_space<semaphore_mem>>)
      %dma_start3A_708 = arith.constant 6 : i32
      %dma_start3A_709 = arith.constant 48 : i32
      %dma_start3A_710 = arith.constant 0 : i32
      %dma_start3A_711 = tpu.memref_slice %arg10[%dma_start3A_709, %dma_start3A_710] : memref<64x129xf32, #tpu.memory_space<vmem>> -> memref<8x128xf32, #tpu.memory_space<vmem>>
      %dma_start3A_712 = arith.constant 0 : i32
      %dma_start3A_713 = arith.constant 0 : i32
      %dma_start3A_714 = tpu.memref_slice %arg4[%add3A_603, %dma_start3A_708, %add3A, %dma_start3A_712, %dma_start3A_713] : memref<200x8x32x8x128xf32, #tpu.memory_space<hbm>> -> memref<1x1x1x8x128xf32, #tpu.memory_space<hbm>>
      %dma_start3A_715 = tpu.memref_squeeze %dma_start3A_714 : memref<1x1x1x8x128xf32, #tpu.memory_space<hbm>> -> memref<8x128xf32, #tpu.memory_space<hbm>>
      %dma_start3A_716 = arith.constant 0 : i32
      %dma_start3A_717 = arith.constant 0 : i32
      %dma_start3A_718 = tpu.memref_slice %arg4[%add3A_603, %dma_start3A_708, %add3A, %dma_start3A_716, %dma_start3A_717] : memref<200x8x32x8x128xf32, #tpu.memory_space<hbm>> -> memref<1x1x1x8x128xf32, #tpu.memory_space<hbm>>
      %dma_start3A_719 = tpu.memref_squeeze %dma_start3A_718 : memref<1x1x1x8x128xf32, #tpu.memory_space<hbm>> -> memref<8x128xf32, #tpu.memory_space<hbm>>
      %dma_start3A_720 = arith.constant 48 : i32
      %dma_start3A_721 = arith.constant 0 : i32
      %dma_start3A_722 = tpu.memref_slice %arg10[%dma_start3A_720, %dma_start3A_721] : memref<64x129xf32, #tpu.memory_space<vmem>> -> memref<8x128xf32, #tpu.memory_space<vmem>>
      tpu.enqueue_dma source(%dma_start3A_722 : memref<8x128xf32, #tpu.memory_space<vmem>>) target(%dma_start3A_719 : memref<8x128xf32, #tpu.memory_space<hbm>>) target_semaphore(%arg16 : memref<!tpu.dma_semaphore, #tpu.memory_space<semaphore_mem>>)
      %dma_start3A_723 = arith.constant 7 : i32
      %dma_start3A_724 = arith.constant 56 : i32
      %dma_start3A_725 = arith.constant 0 : i32
      %dma_start3A_726 = tpu.memref_slice %arg10[%dma_start3A_724, %dma_start3A_725] : memref<64x129xf32, #tpu.memory_space<vmem>> -> memref<8x128xf32, #tpu.memory_space<vmem>>
      %dma_start3A_727 = arith.constant 0 : i32
      %dma_start3A_728 = arith.constant 0 : i32
      %dma_start3A_729 = tpu.memref_slice %arg4[%add3A_603, %dma_start3A_723, %add3A, %dma_start3A_727, %dma_start3A_728] : memref<200x8x32x8x128xf32, #tpu.memory_space<hbm>> -> memref<1x1x1x8x128xf32, #tpu.memory_space<hbm>>
      %dma_start3A_730 = tpu.memref_squeeze %dma_start3A_729 : memref<1x1x1x8x128xf32, #tpu.memory_space<hbm>> -> memref<8x128xf32, #tpu.memory_space<hbm>>
      %dma_start3A_731 = arith.constant 0 : i32
      %dma_start3A_732 = arith.constant 0 : i32
      %dma_start3A_733 = tpu.memref_slice %arg4[%add3A_603, %dma_start3A_723, %add3A, %dma_start3A_731, %dma_start3A_732] : memref<200x8x32x8x128xf32, #tpu.memory_space<hbm>> -> memref<1x1x1x8x128xf32, #tpu.memory_space<hbm>>
      %dma_start3A_734 = tpu.memref_squeeze %dma_start3A_733 : memref<1x1x1x8x128xf32, #tpu.memory_space<hbm>> -> memref<8x128xf32, #tpu.memory_space<hbm>>
      %dma_start3A_735 = arith.constant 56 : i32
      %dma_start3A_736 = arith.constant 0 : i32
      %dma_start3A_737 = tpu.memref_slice %arg10[%dma_start3A_735, %dma_start3A_736] : memref<64x129xf32, #tpu.memory_space<vmem>> -> memref<8x128xf32, #tpu.memory_space<vmem>>
      tpu.enqueue_dma source(%dma_start3A_737 : memref<8x128xf32, #tpu.memory_space<vmem>>) target(%dma_start3A_734 : memref<8x128xf32, #tpu.memory_space<hbm>>) target_semaphore(%arg16 : memref<!tpu.dma_semaphore, #tpu.memory_space<semaphore_mem>>)
      %add3A_738 = arith.constant 4 : i32
      %add3A_739 = arith.addi %add3A_603, %add3A_738 : i32
      %lt3A_740 = arith.constant 200 : i32
      %lt3A_741 = arith.cmpi slt, %add3A_739, %lt3A_740 : i32
      %convert_element_type3A_742 = arith.extui %lt3A_741 : i1 to i32
      %cond3A_743 = arith.constant 0 : i32
      %cond3A_744 = arith.cmpi ne, %convert_element_type3A_742, %cond3A_743 : i32
      scf.if %cond3A_744 {
        %add3A_888 = arith.constant 4 : i32
        %add3A_889 = arith.addi %add3A_603, %add3A_888 : i32
        %dma_start3A_890 = arith.constant 0 : i32
        %dma_start3A_891 = tpu.memref_slice %arg5[%add3A_889, %dma_start3A_890] : memref<200x128xi32, #tpu.memory_space<vmem>> -> memref<1x128xi32, #tpu.memory_space<vmem>>
        %dma_start3A_892 = tpu.memref_squeeze %dma_start3A_891 : memref<1x128xi32, #tpu.memory_space<vmem>> -> memref<128xi32, #tpu.memory_space<vmem>>
        %dma_start3A_893 = arith.constant 0 : i32
        %dma_start3A_894 = arith.constant 0 : i32
        %dma_start3A_895 = tpu.memref_slice %arg3[%dma_start3A_893, %dma_start3A_894] : memref<1000000x64xf32, #tpu.memory_space<hbm>> -> memref<1000000x64xf32, #tpu.memory_space<hbm>>
        tpu.enqueue_indirect_dma source(%dma_start3A_895 : memref<1000000x64xf32, #tpu.memory_space<hbm>>) target(%arg8 : memref<128x64xf32, #tpu.memory_space<vmem>>) offsets(%dma_start3A_892 : memref<128xi32, #tpu.memory_space<vmem>>) semaphore(%arg14 : memref<!tpu.dma_semaphore, #tpu.memory_space<semaphore_mem>>)
      } else {
      }
      %add3A_745 = arith.constant 3 : i32
      %add3A_746 = arith.addi %mul3A_320, %add3A_745 : i32
      %dma_wait3A_747 = arith.constant 0 : i32
      %dma_wait3A_748 = tpu.memref_slice %arg5[%add3A_746, %dma_wait3A_747] : memref<200x128xi32, #tpu.memory_space<vmem>> -> memref<1x128xi32, #tpu.memory_space<vmem>>
      %dma_wait3A_749 = tpu.memref_squeeze %dma_wait3A_748 : memref<1x128xi32, #tpu.memory_space<vmem>> -> memref<128xi32, #tpu.memory_space<vmem>>
      %dma_wait3A_750 = arith.constant 0 : i32
      %dma_wait3A_751 = arith.constant 0 : i32
      %dma_wait3A_752 = tpu.memref_slice %arg3[%dma_wait3A_750, %dma_wait3A_751] : memref<1000000x64xf32, #tpu.memory_space<hbm>> -> memref<1000000x64xf32, #tpu.memory_space<hbm>>
      tpu.wait_indirect_dma semaphore(%arg15 : memref<!tpu.dma_semaphore, #tpu.memory_space<semaphore_mem>>) src(%dma_wait3A_752 : memref<1000000x64xf32, #tpu.memory_space<hbm>>) dst(%arg9 : memref<128x64xf32, #tpu.memory_space<vmem>>)
      %ge3A_753 = arith.constant 2 : i32
      %ge3A_754 = arith.cmpi sge, %add3A_746, %ge3A_753 : i32
      %convert_element_type3A_755 = arith.extui %ge3A_754 : i1 to i32
      %cond3A_756 = arith.constant 0 : i32
      %cond3A_757 = arith.cmpi ne, %convert_element_type3A_755, %cond3A_756 : i32
      scf.if %cond3A_757 {
        %dma_wait3A_888 = arith.constant 0 : i32
        %dma_wait3A_889 = arith.constant 0 : i32
        %dma_wait3A_890 = arith.constant 0 : i32
        %dma_wait3A_891 = arith.constant 0 : i32
        %dma_wait3A_892 = arith.constant 0 : i32
        %dma_wait3A_893 = tpu.memref_slice %arg11[%dma_wait3A_891, %dma_wait3A_892] : memref<64x129xf32, #tpu.memory_space<vmem>> -> memref<8x128xf32, #tpu.memory_space<vmem>>
        %dma_wait3A_894 = arith.constant 0 : i32
        %dma_wait3A_895 = arith.constant 0 : i32
        %dma_wait3A_896 = tpu.memref_slice %arg4[%dma_wait3A_888, %dma_wait3A_889, %dma_wait3A_890, %dma_wait3A_894, %dma_wait3A_895] : memref<200x8x32x8x128xf32, #tpu.memory_space<hbm>> -> memref<1x1x1x8x128xf32, #tpu.memory_space<hbm>>
        %dma_wait3A_897 = tpu.memref_squeeze %dma_wait3A_896 : memref<1x1x1x8x128xf32, #tpu.memory_space<hbm>> -> memref<8x128xf32, #tpu.memory_space<hbm>>
        %dma_wait3A_898 = arith.constant 0 : i32
        %dma_wait3A_899 = arith.constant 0 : i32
        %dma_wait3A_900 = tpu.memref_slice %arg4[%dma_wait3A_888, %dma_wait3A_889, %dma_wait3A_890, %dma_wait3A_898, %dma_wait3A_899] : memref<200x8x32x8x128xf32, #tpu.memory_space<hbm>> -> memref<1x1x1x8x128xf32, #tpu.memory_space<hbm>>
        %dma_wait3A_901 = tpu.memref_squeeze %dma_wait3A_900 : memref<1x1x1x8x128xf32, #tpu.memory_space<hbm>> -> memref<8x128xf32, #tpu.memory_space<hbm>>
        %dma_wait3A_902 = arith.constant 0 : i32
        %dma_wait3A_903 = arith.constant 0 : i32
        %dma_wait3A_904 = tpu.memref_slice %arg11[%dma_wait3A_902, %dma_wait3A_903] : memref<64x129xf32, #tpu.memory_space<vmem>> -> memref<8x128xf32, #tpu.memory_space<vmem>>
        tpu.wait_dma2 semaphore(%arg17 : memref<!tpu.dma_semaphore, #tpu.memory_space<semaphore_mem>>) src(%dma_wait3A_904 : memref<8x128xf32, #tpu.memory_space<vmem>>) dst(%dma_wait3A_901 : memref<8x128xf32, #tpu.memory_space<hbm>>)
        %dma_wait3A_905 = arith.constant 0 : i32
        %dma_wait3A_906 = arith.constant 1 : i32
        %dma_wait3A_907 = arith.constant 0 : i32
        %dma_wait3A_908 = arith.constant 8 : i32
        %dma_wait3A_909 = arith.constant 0 : i32
        %dma_wait3A_910 = tpu.memref_slice %arg11[%dma_wait3A_908, %dma_wait3A_909] : memref<64x129xf32, #tpu.memory_space<vmem>> -> memref<8x128xf32, #tpu.memory_space<vmem>>
        %dma_wait3A_911 = arith.constant 0 : i32
        %dma_wait3A_912 = arith.constant 0 : i32
        %dma_wait3A_913 = tpu.memref_slice %arg4[%dma_wait3A_905, %dma_wait3A_906, %dma_wait3A_907, %dma_wait3A_911, %dma_wait3A_912] : memref<200x8x32x8x128xf32, #tpu.memory_space<hbm>> -> memref<1x1x1x8x128xf32, #tpu.memory_space<hbm>>
        %dma_wait3A_914 = tpu.memref_squeeze %dma_wait3A_913 : memref<1x1x1x8x128xf32, #tpu.memory_space<hbm>> -> memref<8x128xf32, #tpu.memory_space<hbm>>
        %dma_wait3A_915 = arith.constant 0 : i32
        %dma_wait3A_916 = arith.constant 0 : i32
        %dma_wait3A_917 = tpu.memref_slice %arg4[%dma_wait3A_905, %dma_wait3A_906, %dma_wait3A_907, %dma_wait3A_915, %dma_wait3A_916] : memref<200x8x32x8x128xf32, #tpu.memory_space<hbm>> -> memref<1x1x1x8x128xf32, #tpu.memory_space<hbm>>
        %dma_wait3A_918 = tpu.memref_squeeze %dma_wait3A_917 : memref<1x1x1x8x128xf32, #tpu.memory_space<hbm>> -> memref<8x128xf32, #tpu.memory_space<hbm>>
        %dma_wait3A_919 = arith.constant 8 : i32
        %dma_wait3A_920 = arith.constant 0 : i32
        %dma_wait3A_921 = tpu.memref_slice %arg11[%dma_wait3A_919, %dma_wait3A_920] : memref<64x129xf32, #tpu.memory_space<vmem>> -> memref<8x128xf32, #tpu.memory_space<vmem>>
        tpu.wait_dma2 semaphore(%arg17 : memref<!tpu.dma_semaphore, #tpu.memory_space<semaphore_mem>>) src(%dma_wait3A_921 : memref<8x128xf32, #tpu.memory_space<vmem>>) dst(%dma_wait3A_918 : memref<8x128xf32, #tpu.memory_space<hbm>>)
        %dma_wait3A_922 = arith.constant 0 : i32
        %dma_wait3A_923 = arith.constant 2 : i32
        %dma_wait3A_924 = arith.constant 0 : i32
        %dma_wait3A_925 = arith.constant 16 : i32
        %dma_wait3A_926 = arith.constant 0 : i32
        %dma_wait3A_927 = tpu.memref_slice %arg11[%dma_wait3A_925, %dma_wait3A_926] : memref<64x129xf32, #tpu.memory_space<vmem>> -> memref<8x128xf32, #tpu.memory_space<vmem>>
        %dma_wait3A_928 = arith.constant 0 : i32
        %dma_wait3A_929 = arith.constant 0 : i32
        %dma_wait3A_930 = tpu.memref_slice %arg4[%dma_wait3A_922, %dma_wait3A_923, %dma_wait3A_924, %dma_wait3A_928, %dma_wait3A_929] : memref<200x8x32x8x128xf32, #tpu.memory_space<hbm>> -> memref<1x1x1x8x128xf32, #tpu.memory_space<hbm>>
        %dma_wait3A_931 = tpu.memref_squeeze %dma_wait3A_930 : memref<1x1x1x8x128xf32, #tpu.memory_space<hbm>> -> memref<8x128xf32, #tpu.memory_space<hbm>>
        %dma_wait3A_932 = arith.constant 0 : i32
        %dma_wait3A_933 = arith.constant 0 : i32
        %dma_wait3A_934 = tpu.memref_slice %arg4[%dma_wait3A_922, %dma_wait3A_923, %dma_wait3A_924, %dma_wait3A_932, %dma_wait3A_933] : memref<200x8x32x8x128xf32, #tpu.memory_space<hbm>> -> memref<1x1x1x8x128xf32, #tpu.memory_space<hbm>>
        %dma_wait3A_935 = tpu.memref_squeeze %dma_wait3A_934 : memref<1x1x1x8x128xf32, #tpu.memory_space<hbm>> -> memref<8x128xf32, #tpu.memory_space<hbm>>
        %dma_wait3A_936 = arith.constant 16 : i32
        %dma_wait3A_937 = arith.constant 0 : i32
        %dma_wait3A_938 = tpu.memref_slice %arg11[%dma_wait3A_936, %dma_wait3A_937] : memref<64x129xf32, #tpu.memory_space<vmem>> -> memref<8x128xf32, #tpu.memory_space<vmem>>
        tpu.wait_dma2 semaphore(%arg17 : memref<!tpu.dma_semaphore, #tpu.memory_space<semaphore_mem>>) src(%dma_wait3A_938 : memref<8x128xf32, #tpu.memory_space<vmem>>) dst(%dma_wait3A_935 : memref<8x128xf32, #tpu.memory_space<hbm>>)
        %dma_wait3A_939 = arith.constant 0 : i32
        %dma_wait3A_940 = arith.constant 3 : i32
        %dma_wait3A_941 = arith.constant 0 : i32
        %dma_wait3A_942 = arith.constant 24 : i32
        %dma_wait3A_943 = arith.constant 0 : i32
        %dma_wait3A_944 = tpu.memref_slice %arg11[%dma_wait3A_942, %dma_wait3A_943] : memref<64x129xf32, #tpu.memory_space<vmem>> -> memref<8x128xf32, #tpu.memory_space<vmem>>
        %dma_wait3A_945 = arith.constant 0 : i32
        %dma_wait3A_946 = arith.constant 0 : i32
        %dma_wait3A_947 = tpu.memref_slice %arg4[%dma_wait3A_939, %dma_wait3A_940, %dma_wait3A_941, %dma_wait3A_945, %dma_wait3A_946] : memref<200x8x32x8x128xf32, #tpu.memory_space<hbm>> -> memref<1x1x1x8x128xf32, #tpu.memory_space<hbm>>
        %dma_wait3A_948 = tpu.memref_squeeze %dma_wait3A_947 : memref<1x1x1x8x128xf32, #tpu.memory_space<hbm>> -> memref<8x128xf32, #tpu.memory_space<hbm>>
        %dma_wait3A_949 = arith.constant 0 : i32
        %dma_wait3A_950 = arith.constant 0 : i32
        %dma_wait3A_951 = tpu.memref_slice %arg4[%dma_wait3A_939, %dma_wait3A_940, %dma_wait3A_941, %dma_wait3A_949, %dma_wait3A_950] : memref<200x8x32x8x128xf32, #tpu.memory_space<hbm>> -> memref<1x1x1x8x128xf32, #tpu.memory_space<hbm>>
        %dma_wait3A_952 = tpu.memref_squeeze %dma_wait3A_951 : memref<1x1x1x8x128xf32, #tpu.memory_space<hbm>> -> memref<8x128xf32, #tpu.memory_space<hbm>>
        %dma_wait3A_953 = arith.constant 24 : i32
        %dma_wait3A_954 = arith.constant 0 : i32
        %dma_wait3A_955 = tpu.memref_slice %arg11[%dma_wait3A_953, %dma_wait3A_954] : memref<64x129xf32, #tpu.memory_space<vmem>> -> memref<8x128xf32, #tpu.memory_space<vmem>>
        tpu.wait_dma2 semaphore(%arg17 : memref<!tpu.dma_semaphore, #tpu.memory_space<semaphore_mem>>) src(%dma_wait3A_955 : memref<8x128xf32, #tpu.memory_space<vmem>>) dst(%dma_wait3A_952 : memref<8x128xf32, #tpu.memory_space<hbm>>)
        %dma_wait3A_956 = arith.constant 0 : i32
        %dma_wait3A_957 = arith.constant 4 : i32
        %dma_wait3A_958 = arith.constant 0 : i32
        %dma_wait3A_959 = arith.constant 32 : i32
        %dma_wait3A_960 = arith.constant 0 : i32
        %dma_wait3A_961 = tpu.memref_slice %arg11[%dma_wait3A_959, %dma_wait3A_960] : memref<64x129xf32, #tpu.memory_space<vmem>> -> memref<8x128xf32, #tpu.memory_space<vmem>>
        %dma_wait3A_962 = arith.constant 0 : i32
        %dma_wait3A_963 = arith.constant 0 : i32
        %dma_wait3A_964 = tpu.memref_slice %arg4[%dma_wait3A_956, %dma_wait3A_957, %dma_wait3A_958, %dma_wait3A_962, %dma_wait3A_963] : memref<200x8x32x8x128xf32, #tpu.memory_space<hbm>> -> memref<1x1x1x8x128xf32, #tpu.memory_space<hbm>>
        %dma_wait3A_965 = tpu.memref_squeeze %dma_wait3A_964 : memref<1x1x1x8x128xf32, #tpu.memory_space<hbm>> -> memref<8x128xf32, #tpu.memory_space<hbm>>
        %dma_wait3A_966 = arith.constant 0 : i32
        %dma_wait3A_967 = arith.constant 0 : i32
        %dma_wait3A_968 = tpu.memref_slice %arg4[%dma_wait3A_956, %dma_wait3A_957, %dma_wait3A_958, %dma_wait3A_966, %dma_wait3A_967] : memref<200x8x32x8x128xf32, #tpu.memory_space<hbm>> -> memref<1x1x1x8x128xf32, #tpu.memory_space<hbm>>
        %dma_wait3A_969 = tpu.memref_squeeze %dma_wait3A_968 : memref<1x1x1x8x128xf32, #tpu.memory_space<hbm>> -> memref<8x128xf32, #tpu.memory_space<hbm>>
        %dma_wait3A_970 = arith.constant 32 : i32
        %dma_wait3A_971 = arith.constant 0 : i32
        %dma_wait3A_972 = tpu.memref_slice %arg11[%dma_wait3A_970, %dma_wait3A_971] : memref<64x129xf32, #tpu.memory_space<vmem>> -> memref<8x128xf32, #tpu.memory_space<vmem>>
        tpu.wait_dma2 semaphore(%arg17 : memref<!tpu.dma_semaphore, #tpu.memory_space<semaphore_mem>>) src(%dma_wait3A_972 : memref<8x128xf32, #tpu.memory_space<vmem>>) dst(%dma_wait3A_969 : memref<8x128xf32, #tpu.memory_space<hbm>>)
        %dma_wait3A_973 = arith.constant 0 : i32
        %dma_wait3A_974 = arith.constant 5 : i32
        %dma_wait3A_975 = arith.constant 0 : i32
        %dma_wait3A_976 = arith.constant 40 : i32
        %dma_wait3A_977 = arith.constant 0 : i32
        %dma_wait3A_978 = tpu.memref_slice %arg11[%dma_wait3A_976, %dma_wait3A_977] : memref<64x129xf32, #tpu.memory_space<vmem>> -> memref<8x128xf32, #tpu.memory_space<vmem>>
        %dma_wait3A_979 = arith.constant 0 : i32
        %dma_wait3A_980 = arith.constant 0 : i32
        %dma_wait3A_981 = tpu.memref_slice %arg4[%dma_wait3A_973, %dma_wait3A_974, %dma_wait3A_975, %dma_wait3A_979, %dma_wait3A_980] : memref<200x8x32x8x128xf32, #tpu.memory_space<hbm>> -> memref<1x1x1x8x128xf32, #tpu.memory_space<hbm>>
        %dma_wait3A_982 = tpu.memref_squeeze %dma_wait3A_981 : memref<1x1x1x8x128xf32, #tpu.memory_space<hbm>> -> memref<8x128xf32, #tpu.memory_space<hbm>>
        %dma_wait3A_983 = arith.constant 0 : i32
        %dma_wait3A_984 = arith.constant 0 : i32
        %dma_wait3A_985 = tpu.memref_slice %arg4[%dma_wait3A_973, %dma_wait3A_974, %dma_wait3A_975, %dma_wait3A_983, %dma_wait3A_984] : memref<200x8x32x8x128xf32, #tpu.memory_space<hbm>> -> memref<1x1x1x8x128xf32, #tpu.memory_space<hbm>>
        %dma_wait3A_986 = tpu.memref_squeeze %dma_wait3A_985 : memref<1x1x1x8x128xf32, #tpu.memory_space<hbm>> -> memref<8x128xf32, #tpu.memory_space<hbm>>
        %dma_wait3A_987 = arith.constant 40 : i32
        %dma_wait3A_988 = arith.constant 0 : i32
        %dma_wait3A_989 = tpu.memref_slice %arg11[%dma_wait3A_987, %dma_wait3A_988] : memref<64x129xf32, #tpu.memory_space<vmem>> -> memref<8x128xf32, #tpu.memory_space<vmem>>
        tpu.wait_dma2 semaphore(%arg17 : memref<!tpu.dma_semaphore, #tpu.memory_space<semaphore_mem>>) src(%dma_wait3A_989 : memref<8x128xf32, #tpu.memory_space<vmem>>) dst(%dma_wait3A_986 : memref<8x128xf32, #tpu.memory_space<hbm>>)
        %dma_wait3A_990 = arith.constant 0 : i32
        %dma_wait3A_991 = arith.constant 6 : i32
        %dma_wait3A_992 = arith.constant 0 : i32
        %dma_wait3A_993 = arith.constant 48 : i32
        %dma_wait3A_994 = arith.constant 0 : i32
        %dma_wait3A_995 = tpu.memref_slice %arg11[%dma_wait3A_993, %dma_wait3A_994] : memref<64x129xf32, #tpu.memory_space<vmem>> -> memref<8x128xf32, #tpu.memory_space<vmem>>
        %dma_wait3A_996 = arith.constant 0 : i32
        %dma_wait3A_997 = arith.constant 0 : i32
        %dma_wait3A_998 = tpu.memref_slice %arg4[%dma_wait3A_990, %dma_wait3A_991, %dma_wait3A_992, %dma_wait3A_996, %dma_wait3A_997] : memref<200x8x32x8x128xf32, #tpu.memory_space<hbm>> -> memref<1x1x1x8x128xf32, #tpu.memory_space<hbm>>
        %dma_wait3A_999 = tpu.memref_squeeze %dma_wait3A_998 : memref<1x1x1x8x128xf32, #tpu.memory_space<hbm>> -> memref<8x128xf32, #tpu.memory_space<hbm>>
        %dma_wait3A_1000 = arith.constant 0 : i32
        %dma_wait3A_1001 = arith.constant 0 : i32
        %dma_wait3A_1002 = tpu.memref_slice %arg4[%dma_wait3A_990, %dma_wait3A_991, %dma_wait3A_992, %dma_wait3A_1000, %dma_wait3A_1001] : memref<200x8x32x8x128xf32, #tpu.memory_space<hbm>> -> memref<1x1x1x8x128xf32, #tpu.memory_space<hbm>>
        %dma_wait3A_1003 = tpu.memref_squeeze %dma_wait3A_1002 : memref<1x1x1x8x128xf32, #tpu.memory_space<hbm>> -> memref<8x128xf32, #tpu.memory_space<hbm>>
        %dma_wait3A_1004 = arith.constant 48 : i32
        %dma_wait3A_1005 = arith.constant 0 : i32
        %dma_wait3A_1006 = tpu.memref_slice %arg11[%dma_wait3A_1004, %dma_wait3A_1005] : memref<64x129xf32, #tpu.memory_space<vmem>> -> memref<8x128xf32, #tpu.memory_space<vmem>>
        tpu.wait_dma2 semaphore(%arg17 : memref<!tpu.dma_semaphore, #tpu.memory_space<semaphore_mem>>) src(%dma_wait3A_1006 : memref<8x128xf32, #tpu.memory_space<vmem>>) dst(%dma_wait3A_1003 : memref<8x128xf32, #tpu.memory_space<hbm>>)
        %dma_wait3A_1007 = arith.constant 0 : i32
        %dma_wait3A_1008 = arith.constant 7 : i32
        %dma_wait3A_1009 = arith.constant 0 : i32
        %dma_wait3A_1010 = arith.constant 56 : i32
        %dma_wait3A_1011 = arith.constant 0 : i32
        %dma_wait3A_1012 = tpu.memref_slice %arg11[%dma_wait3A_1010, %dma_wait3A_1011] : memref<64x129xf32, #tpu.memory_space<vmem>> -> memref<8x128xf32, #tpu.memory_space<vmem>>
        %dma_wait3A_1013 = arith.constant 0 : i32
        %dma_wait3A_1014 = arith.constant 0 : i32
        %dma_wait3A_1015 = tpu.memref_slice %arg4[%dma_wait3A_1007, %dma_wait3A_1008, %dma_wait3A_1009, %dma_wait3A_1013, %dma_wait3A_1014] : memref<200x8x32x8x128xf32, #tpu.memory_space<hbm>> -> memref<1x1x1x8x128xf32, #tpu.memory_space<hbm>>
        %dma_wait3A_1016 = tpu.memref_squeeze %dma_wait3A_1015 : memref<1x1x1x8x128xf32, #tpu.memory_space<hbm>> -> memref<8x128xf32, #tpu.memory_space<hbm>>
        %dma_wait3A_1017 = arith.constant 0 : i32
        %dma_wait3A_1018 = arith.constant 0 : i32
        %dma_wait3A_1019 = tpu.memref_slice %arg4[%dma_wait3A_1007, %dma_wait3A_1008, %dma_wait3A_1009, %dma_wait3A_1017, %dma_wait3A_1018] : memref<200x8x32x8x128xf32, #tpu.memory_space<hbm>> -> memref<1x1x1x8x128xf32, #tpu.memory_space<hbm>>
        %dma_wait3A_1020 = tpu.memref_squeeze %dma_wait3A_1019 : memref<1x1x1x8x128xf32, #tpu.memory_space<hbm>> -> memref<8x128xf32, #tpu.memory_space<hbm>>
        %dma_wait3A_1021 = arith.constant 56 : i32
        %dma_wait3A_1022 = arith.constant 0 : i32
        %dma_wait3A_1023 = tpu.memref_slice %arg11[%dma_wait3A_1021, %dma_wait3A_1022] : memref<64x129xf32, #tpu.memory_space<vmem>> -> memref<8x128xf32, #tpu.memory_space<vmem>>
        tpu.wait_dma2 semaphore(%arg17 : memref<!tpu.dma_semaphore, #tpu.memory_space<semaphore_mem>>) src(%dma_wait3A_1023 : memref<8x128xf32, #tpu.memory_space<vmem>>) dst(%dma_wait3A_1020 : memref<8x128xf32, #tpu.memory_space<hbm>>)
      } else {
      }
      %parallel_loop3A_758 = arith.constant 0 : i32
      %parallel_loop3A_759 = arith.constant 128 : i32
      %parallel_loop3A_760 = arith.constant 1 : i32
      scf.for %parallel_loop3A_888 = %parallel_loop3A_758 to %parallel_loop3A_759 step %parallel_loop3A_760  : i32 {
        %parallel_loop3A_889 = arith.constant 0 : i32
        %parallel_loop3A_890 = vector.broadcast %parallel_loop3A_889 : i32 to vector<16xi32>
        %parallel_loop3A_891 = vector.broadcast %parallel_loop3A_888 : i32 to vector<16xi32>
        %parallel_loop3A_892 = arith.addi %parallel_loop3A_890, %parallel_loop3A_891 : vector<16xi32>
        %parallel_loop3A_893 = arith.index_cast %parallel_loop3A_888 : i32 to index
        %parallel_loop3A_894 = arith.constant 0 : index
        %parallel_loop3A_895 = tpu.vector_load %arg9[%parallel_loop3A_893, %parallel_loop3A_894] {strides = array<i32>} : memref<128x64xf32, #tpu.memory_space<vmem>>, vector<16xf32>,
        %parallel_loop3A_896 = arith.constant 8.000000e+00 : f32
        %parallel_loop3A_897 = vector.broadcast %parallel_loop3A_896 : f32 to vector<16xf32>
        %parallel_loop3A_898 = arith.mulf %parallel_loop3A_895, %parallel_loop3A_897 : vector<16xf32>
        tpu.vector_store_idx %arg11[%add3A_5, %parallel_loop3A_892], %parallel_loop3A_898 : memref<64x129xf32, #tpu.memory_space<vmem>>[vector<16xi32>, vector<16xi32>], vector<16xf32>,
        %parallel_loop3A_899 = arith.index_cast %parallel_loop3A_888 : i32 to index
        %parallel_loop3A_900 = arith.constant 16 : index
        %parallel_loop3A_901 = tpu.vector_load %arg9[%parallel_loop3A_899, %parallel_loop3A_900] {strides = array<i32>} : memref<128x64xf32, #tpu.memory_space<vmem>>, vector<16xf32>,
        %parallel_loop3A_902 = arith.constant 8.000000e+00 : f32
        %parallel_loop3A_903 = vector.broadcast %parallel_loop3A_902 : f32 to vector<16xf32>
        %parallel_loop3A_904 = arith.mulf %parallel_loop3A_901, %parallel_loop3A_903 : vector<16xf32>
        tpu.vector_store_idx %arg11[%add3A_8, %parallel_loop3A_892], %parallel_loop3A_904 : memref<64x129xf32, #tpu.memory_space<vmem>>[vector<16xi32>, vector<16xi32>], vector<16xf32>,
        %parallel_loop3A_905 = arith.index_cast %parallel_loop3A_888 : i32 to index
        %parallel_loop3A_906 = arith.constant 32 : index
        %parallel_loop3A_907 = tpu.vector_load %arg9[%parallel_loop3A_905, %parallel_loop3A_906] {strides = array<i32>} : memref<128x64xf32, #tpu.memory_space<vmem>>, vector<16xf32>,
        %parallel_loop3A_908 = arith.constant 8.000000e+00 : f32
        %parallel_loop3A_909 = vector.broadcast %parallel_loop3A_908 : f32 to vector<16xf32>
        %parallel_loop3A_910 = arith.mulf %parallel_loop3A_907, %parallel_loop3A_909 : vector<16xf32>
        tpu.vector_store_idx %arg11[%add3A_11, %parallel_loop3A_892], %parallel_loop3A_910 : memref<64x129xf32, #tpu.memory_space<vmem>>[vector<16xi32>, vector<16xi32>], vector<16xf32>,
        %parallel_loop3A_911 = arith.index_cast %parallel_loop3A_888 : i32 to index
        %parallel_loop3A_912 = arith.constant 48 : index
        %parallel_loop3A_913 = tpu.vector_load %arg9[%parallel_loop3A_911, %parallel_loop3A_912] {strides = array<i32>} : memref<128x64xf32, #tpu.memory_space<vmem>>, vector<16xf32>,
        %parallel_loop3A_914 = arith.constant 8.000000e+00 : f32
        %parallel_loop3A_915 = vector.broadcast %parallel_loop3A_914 : f32 to vector<16xf32>
        %parallel_loop3A_916 = arith.mulf %parallel_loop3A_913, %parallel_loop3A_915 : vector<16xf32>
        tpu.vector_store_idx %arg11[%add3A_14, %parallel_loop3A_892], %parallel_loop3A_916 : memref<64x129xf32, #tpu.memory_space<vmem>>[vector<16xi32>, vector<16xi32>], vector<16xf32>,
      } {sc.loop_unroll_factor = 4 : i64, sc.parallel_access}
      %dma_start3A_761 = arith.constant 0 : i32
      %dma_start3A_762 = arith.constant 0 : i32
      %dma_start3A_763 = arith.constant 0 : i32
      %dma_start3A_764 = tpu.memref_slice %arg11[%dma_start3A_762, %dma_start3A_763] : memref<64x129xf32, #tpu.memory_space<vmem>> -> memref<8x128xf32, #tpu.memory_space<vmem>>
      %dma_start3A_765 = arith.constant 0 : i32
      %dma_start3A_766 = arith.constant 0 : i32
      %dma_start3A_767 = tpu.memref_slice %arg4[%add3A_746, %dma_start3A_761, %add3A, %dma_start3A_765, %dma_start3A_766] : memref<200x8x32x8x128xf32, #tpu.memory_space<hbm>> -> memref<1x1x1x8x128xf32, #tpu.memory_space<hbm>>
      %dma_start3A_768 = tpu.memref_squeeze %dma_start3A_767 : memref<1x1x1x8x128xf32, #tpu.memory_space<hbm>> -> memref<8x128xf32, #tpu.memory_space<hbm>>
      %dma_start3A_769 = arith.constant 0 : i32
      %dma_start3A_770 = arith.constant 0 : i32
      %dma_start3A_771 = tpu.memref_slice %arg4[%add3A_746, %dma_start3A_761, %add3A, %dma_start3A_769, %dma_start3A_770] : memref<200x8x32x8x128xf32, #tpu.memory_space<hbm>> -> memref<1x1x1x8x128xf32, #tpu.memory_space<hbm>>
      %dma_start3A_772 = tpu.memref_squeeze %dma_start3A_771 : memref<1x1x1x8x128xf32, #tpu.memory_space<hbm>> -> memref<8x128xf32, #tpu.memory_space<hbm>>
      %dma_start3A_773 = arith.constant 0 : i32
      %dma_start3A_774 = arith.constant 0 : i32
      %dma_start3A_775 = tpu.memref_slice %arg11[%dma_start3A_773, %dma_start3A_774] : memref<64x129xf32, #tpu.memory_space<vmem>> -> memref<8x128xf32, #tpu.memory_space<vmem>>
      tpu.enqueue_dma source(%dma_start3A_775 : memref<8x128xf32, #tpu.memory_space<vmem>>) target(%dma_start3A_772 : memref<8x128xf32, #tpu.memory_space<hbm>>) target_semaphore(%arg17 : memref<!tpu.dma_semaphore, #tpu.memory_space<semaphore_mem>>)
      %dma_start3A_776 = arith.constant 1 : i32
      %dma_start3A_777 = arith.constant 8 : i32
      %dma_start3A_778 = arith.constant 0 : i32
      %dma_start3A_779 = tpu.memref_slice %arg11[%dma_start3A_777, %dma_start3A_778] : memref<64x129xf32, #tpu.memory_space<vmem>> -> memref<8x128xf32, #tpu.memory_space<vmem>>
      %dma_start3A_780 = arith.constant 0 : i32
      %dma_start3A_781 = arith.constant 0 : i32
      %dma_start3A_782 = tpu.memref_slice %arg4[%add3A_746, %dma_start3A_776, %add3A, %dma_start3A_780, %dma_start3A_781] : memref<200x8x32x8x128xf32, #tpu.memory_space<hbm>> -> memref<1x1x1x8x128xf32, #tpu.memory_space<hbm>>
      %dma_start3A_783 = tpu.memref_squeeze %dma_start3A_782 : memref<1x1x1x8x128xf32, #tpu.memory_space<hbm>> -> memref<8x128xf32, #tpu.memory_space<hbm>>
      %dma_start3A_784 = arith.constant 0 : i32
      %dma_start3A_785 = arith.constant 0 : i32
      %dma_start3A_786 = tpu.memref_slice %arg4[%add3A_746, %dma_start3A_776, %add3A, %dma_start3A_784, %dma_start3A_785] : memref<200x8x32x8x128xf32, #tpu.memory_space<hbm>> -> memref<1x1x1x8x128xf32, #tpu.memory_space<hbm>>
      %dma_start3A_787 = tpu.memref_squeeze %dma_start3A_786 : memref<1x1x1x8x128xf32, #tpu.memory_space<hbm>> -> memref<8x128xf32, #tpu.memory_space<hbm>>
      %dma_start3A_788 = arith.constant 8 : i32
      %dma_start3A_789 = arith.constant 0 : i32
      %dma_start3A_790 = tpu.memref_slice %arg11[%dma_start3A_788, %dma_start3A_789] : memref<64x129xf32, #tpu.memory_space<vmem>> -> memref<8x128xf32, #tpu.memory_space<vmem>>
      tpu.enqueue_dma source(%dma_start3A_790 : memref<8x128xf32, #tpu.memory_space<vmem>>) target(%dma_start3A_787 : memref<8x128xf32, #tpu.memory_space<hbm>>) target_semaphore(%arg17 : memref<!tpu.dma_semaphore, #tpu.memory_space<semaphore_mem>>)
      %dma_start3A_791 = arith.constant 2 : i32
      %dma_start3A_792 = arith.constant 16 : i32
      %dma_start3A_793 = arith.constant 0 : i32
      %dma_start3A_794 = tpu.memref_slice %arg11[%dma_start3A_792, %dma_start3A_793] : memref<64x129xf32, #tpu.memory_space<vmem>> -> memref<8x128xf32, #tpu.memory_space<vmem>>
      %dma_start3A_795 = arith.constant 0 : i32
      %dma_start3A_796 = arith.constant 0 : i32
      %dma_start3A_797 = tpu.memref_slice %arg4[%add3A_746, %dma_start3A_791, %add3A, %dma_start3A_795, %dma_start3A_796] : memref<200x8x32x8x128xf32, #tpu.memory_space<hbm>> -> memref<1x1x1x8x128xf32, #tpu.memory_space<hbm>>
      %dma_start3A_798 = tpu.memref_squeeze %dma_start3A_797 : memref<1x1x1x8x128xf32, #tpu.memory_space<hbm>> -> memref<8x128xf32, #tpu.memory_space<hbm>>
      %dma_start3A_799 = arith.constant 0 : i32
      %dma_start3A_800 = arith.constant 0 : i32
      %dma_start3A_801 = tpu.memref_slice %arg4[%add3A_746, %dma_start3A_791, %add3A, %dma_start3A_799, %dma_start3A_800] : memref<200x8x32x8x128xf32, #tpu.memory_space<hbm>> -> memref<1x1x1x8x128xf32, #tpu.memory_space<hbm>>
      %dma_start3A_802 = tpu.memref_squeeze %dma_start3A_801 : memref<1x1x1x8x128xf32, #tpu.memory_space<hbm>> -> memref<8x128xf32, #tpu.memory_space<hbm>>
      %dma_start3A_803 = arith.constant 16 : i32
      %dma_start3A_804 = arith.constant 0 : i32
      %dma_start3A_805 = tpu.memref_slice %arg11[%dma_start3A_803, %dma_start3A_804] : memref<64x129xf32, #tpu.memory_space<vmem>> -> memref<8x128xf32, #tpu.memory_space<vmem>>
      tpu.enqueue_dma source(%dma_start3A_805 : memref<8x128xf32, #tpu.memory_space<vmem>>) target(%dma_start3A_802 : memref<8x128xf32, #tpu.memory_space<hbm>>) target_semaphore(%arg17 : memref<!tpu.dma_semaphore, #tpu.memory_space<semaphore_mem>>)
      %dma_start3A_806 = arith.constant 3 : i32
      %dma_start3A_807 = arith.constant 24 : i32
      %dma_start3A_808 = arith.constant 0 : i32
      %dma_start3A_809 = tpu.memref_slice %arg11[%dma_start3A_807, %dma_start3A_808] : memref<64x129xf32, #tpu.memory_space<vmem>> -> memref<8x128xf32, #tpu.memory_space<vmem>>
      %dma_start3A_810 = arith.constant 0 : i32
      %dma_start3A_811 = arith.constant 0 : i32
      %dma_start3A_812 = tpu.memref_slice %arg4[%add3A_746, %dma_start3A_806, %add3A, %dma_start3A_810, %dma_start3A_811] : memref<200x8x32x8x128xf32, #tpu.memory_space<hbm>> -> memref<1x1x1x8x128xf32, #tpu.memory_space<hbm>>
      %dma_start3A_813 = tpu.memref_squeeze %dma_start3A_812 : memref<1x1x1x8x128xf32, #tpu.memory_space<hbm>> -> memref<8x128xf32, #tpu.memory_space<hbm>>
      %dma_start3A_814 = arith.constant 0 : i32
      %dma_start3A_815 = arith.constant 0 : i32
      %dma_start3A_816 = tpu.memref_slice %arg4[%add3A_746, %dma_start3A_806, %add3A, %dma_start3A_814, %dma_start3A_815] : memref<200x8x32x8x128xf32, #tpu.memory_space<hbm>> -> memref<1x1x1x8x128xf32, #tpu.memory_space<hbm>>
      %dma_start3A_817 = tpu.memref_squeeze %dma_start3A_816 : memref<1x1x1x8x128xf32, #tpu.memory_space<hbm>> -> memref<8x128xf32, #tpu.memory_space<hbm>>
      %dma_start3A_818 = arith.constant 24 : i32
      %dma_start3A_819 = arith.constant 0 : i32
      %dma_start3A_820 = tpu.memref_slice %arg11[%dma_start3A_818, %dma_start3A_819] : memref<64x129xf32, #tpu.memory_space<vmem>> -> memref<8x128xf32, #tpu.memory_space<vmem>>
      tpu.enqueue_dma source(%dma_start3A_820 : memref<8x128xf32, #tpu.memory_space<vmem>>) target(%dma_start3A_817 : memref<8x128xf32, #tpu.memory_space<hbm>>) target_semaphore(%arg17 : memref<!tpu.dma_semaphore, #tpu.memory_space<semaphore_mem>>)
      %dma_start3A_821 = arith.constant 4 : i32
      %dma_start3A_822 = arith.constant 32 : i32
      %dma_start3A_823 = arith.constant 0 : i32
      %dma_start3A_824 = tpu.memref_slice %arg11[%dma_start3A_822, %dma_start3A_823] : memref<64x129xf32, #tpu.memory_space<vmem>> -> memref<8x128xf32, #tpu.memory_space<vmem>>
      %dma_start3A_825 = arith.constant 0 : i32
      %dma_start3A_826 = arith.constant 0 : i32
      %dma_start3A_827 = tpu.memref_slice %arg4[%add3A_746, %dma_start3A_821, %add3A, %dma_start3A_825, %dma_start3A_826] : memref<200x8x32x8x128xf32, #tpu.memory_space<hbm>> -> memref<1x1x1x8x128xf32, #tpu.memory_space<hbm>>
      %dma_start3A_828 = tpu.memref_squeeze %dma_start3A_827 : memref<1x1x1x8x128xf32, #tpu.memory_space<hbm>> -> memref<8x128xf32, #tpu.memory_space<hbm>>
      %dma_start3A_829 = arith.constant 0 : i32
      %dma_start3A_830 = arith.constant 0 : i32
      %dma_start3A_831 = tpu.memref_slice %arg4[%add3A_746, %dma_start3A_821, %add3A, %dma_start3A_829, %dma_start3A_830] : memref<200x8x32x8x128xf32, #tpu.memory_space<hbm>> -> memref<1x1x1x8x128xf32, #tpu.memory_space<hbm>>
      %dma_start3A_832 = tpu.memref_squeeze %dma_start3A_831 : memref<1x1x1x8x128xf32, #tpu.memory_space<hbm>> -> memref<8x128xf32, #tpu.memory_space<hbm>>
      %dma_start3A_833 = arith.constant 32 : i32
      %dma_start3A_834 = arith.constant 0 : i32
      %dma_start3A_835 = tpu.memref_slice %arg11[%dma_start3A_833, %dma_start3A_834] : memref<64x129xf32, #tpu.memory_space<vmem>> -> memref<8x128xf32, #tpu.memory_space<vmem>>
      tpu.enqueue_dma source(%dma_start3A_835 : memref<8x128xf32, #tpu.memory_space<vmem>>) target(%dma_start3A_832 : memref<8x128xf32, #tpu.memory_space<hbm>>) target_semaphore(%arg17 : memref<!tpu.dma_semaphore, #tpu.memory_space<semaphore_mem>>)
      %dma_start3A_836 = arith.constant 5 : i32
      %dma_start3A_837 = arith.constant 40 : i32
      %dma_start3A_838 = arith.constant 0 : i32
      %dma_start3A_839 = tpu.memref_slice %arg11[%dma_start3A_837, %dma_start3A_838] : memref<64x129xf32, #tpu.memory_space<vmem>> -> memref<8x128xf32, #tpu.memory_space<vmem>>
      %dma_start3A_840 = arith.constant 0 : i32
      %dma_start3A_841 = arith.constant 0 : i32
      %dma_start3A_842 = tpu.memref_slice %arg4[%add3A_746, %dma_start3A_836, %add3A, %dma_start3A_840, %dma_start3A_841] : memref<200x8x32x8x128xf32, #tpu.memory_space<hbm>> -> memref<1x1x1x8x128xf32, #tpu.memory_space<hbm>>
      %dma_start3A_843 = tpu.memref_squeeze %dma_start3A_842 : memref<1x1x1x8x128xf32, #tpu.memory_space<hbm>> -> memref<8x128xf32, #tpu.memory_space<hbm>>
      %dma_start3A_844 = arith.constant 0 : i32
      %dma_start3A_845 = arith.constant 0 : i32
      %dma_start3A_846 = tpu.memref_slice %arg4[%add3A_746, %dma_start3A_836, %add3A, %dma_start3A_844, %dma_start3A_845] : memref<200x8x32x8x128xf32, #tpu.memory_space<hbm>> -> memref<1x1x1x8x128xf32, #tpu.memory_space<hbm>>
      %dma_start3A_847 = tpu.memref_squeeze %dma_start3A_846 : memref<1x1x1x8x128xf32, #tpu.memory_space<hbm>> -> memref<8x128xf32, #tpu.memory_space<hbm>>
      %dma_start3A_848 = arith.constant 40 : i32
      %dma_start3A_849 = arith.constant 0 : i32
      %dma_start3A_850 = tpu.memref_slice %arg11[%dma_start3A_848, %dma_start3A_849] : memref<64x129xf32, #tpu.memory_space<vmem>> -> memref<8x128xf32, #tpu.memory_space<vmem>>
      tpu.enqueue_dma source(%dma_start3A_850 : memref<8x128xf32, #tpu.memory_space<vmem>>) target(%dma_start3A_847 : memref<8x128xf32, #tpu.memory_space<hbm>>) target_semaphore(%arg17 : memref<!tpu.dma_semaphore, #tpu.memory_space<semaphore_mem>>)
      %dma_start3A_851 = arith.constant 6 : i32
      %dma_start3A_852 = arith.constant 48 : i32
      %dma_start3A_853 = arith.constant 0 : i32
      %dma_start3A_854 = tpu.memref_slice %arg11[%dma_start3A_852, %dma_start3A_853] : memref<64x129xf32, #tpu.memory_space<vmem>> -> memref<8x128xf32, #tpu.memory_space<vmem>>
      %dma_start3A_855 = arith.constant 0 : i32
      %dma_start3A_856 = arith.constant 0 : i32
      %dma_start3A_857 = tpu.memref_slice %arg4[%add3A_746, %dma_start3A_851, %add3A, %dma_start3A_855, %dma_start3A_856] : memref<200x8x32x8x128xf32, #tpu.memory_space<hbm>> -> memref<1x1x1x8x128xf32, #tpu.memory_space<hbm>>
      %dma_start3A_858 = tpu.memref_squeeze %dma_start3A_857 : memref<1x1x1x8x128xf32, #tpu.memory_space<hbm>> -> memref<8x128xf32, #tpu.memory_space<hbm>>
      %dma_start3A_859 = arith.constant 0 : i32
      %dma_start3A_860 = arith.constant 0 : i32
      %dma_start3A_861 = tpu.memref_slice %arg4[%add3A_746, %dma_start3A_851, %add3A, %dma_start3A_859, %dma_start3A_860] : memref<200x8x32x8x128xf32, #tpu.memory_space<hbm>> -> memref<1x1x1x8x128xf32, #tpu.memory_space<hbm>>
      %dma_start3A_862 = tpu.memref_squeeze %dma_start3A_861 : memref<1x1x1x8x128xf32, #tpu.memory_space<hbm>> -> memref<8x128xf32, #tpu.memory_space<hbm>>
      %dma_start3A_863 = arith.constant 48 : i32
      %dma_start3A_864 = arith.constant 0 : i32
      %dma_start3A_865 = tpu.memref_slice %arg11[%dma_start3A_863, %dma_start3A_864] : memref<64x129xf32, #tpu.memory_space<vmem>> -> memref<8x128xf32, #tpu.memory_space<vmem>>
      tpu.enqueue_dma source(%dma_start3A_865 : memref<8x128xf32, #tpu.memory_space<vmem>>) target(%dma_start3A_862 : memref<8x128xf32, #tpu.memory_space<hbm>>) target_semaphore(%arg17 : memref<!tpu.dma_semaphore, #tpu.memory_space<semaphore_mem>>)
      %dma_start3A_866 = arith.constant 7 : i32
      %dma_start3A_867 = arith.constant 56 : i32
      %dma_start3A_868 = arith.constant 0 : i32
      %dma_start3A_869 = tpu.memref_slice %arg11[%dma_start3A_867, %dma_start3A_868] : memref<64x129xf32, #tpu.memory_space<vmem>> -> memref<8x128xf32, #tpu.memory_space<vmem>>
      %dma_start3A_870 = arith.constant 0 : i32
      %dma_start3A_871 = arith.constant 0 : i32
      %dma_start3A_872 = tpu.memref_slice %arg4[%add3A_746, %dma_start3A_866, %add3A, %dma_start3A_870, %dma_start3A_871] : memref<200x8x32x8x128xf32, #tpu.memory_space<hbm>> -> memref<1x1x1x8x128xf32, #tpu.memory_space<hbm>>
      %dma_start3A_873 = tpu.memref_squeeze %dma_start3A_872 : memref<1x1x1x8x128xf32, #tpu.memory_space<hbm>> -> memref<8x128xf32, #tpu.memory_space<hbm>>
      %dma_start3A_874 = arith.constant 0 : i32
      %dma_start3A_875 = arith.constant 0 : i32
      %dma_start3A_876 = tpu.memref_slice %arg4[%add3A_746, %dma_start3A_866, %add3A, %dma_start3A_874, %dma_start3A_875] : memref<200x8x32x8x128xf32, #tpu.memory_space<hbm>> -> memref<1x1x1x8x128xf32, #tpu.memory_space<hbm>>
      %dma_start3A_877 = tpu.memref_squeeze %dma_start3A_876 : memref<1x1x1x8x128xf32, #tpu.memory_space<hbm>> -> memref<8x128xf32, #tpu.memory_space<hbm>>
      %dma_start3A_878 = arith.constant 56 : i32
      %dma_start3A_879 = arith.constant 0 : i32
      %dma_start3A_880 = tpu.memref_slice %arg11[%dma_start3A_878, %dma_start3A_879] : memref<64x129xf32, #tpu.memory_space<vmem>> -> memref<8x128xf32, #tpu.memory_space<vmem>>
      tpu.enqueue_dma source(%dma_start3A_880 : memref<8x128xf32, #tpu.memory_space<vmem>>) target(%dma_start3A_877 : memref<8x128xf32, #tpu.memory_space<hbm>>) target_semaphore(%arg17 : memref<!tpu.dma_semaphore, #tpu.memory_space<semaphore_mem>>)
      %add3A_881 = arith.constant 4 : i32
      %add3A_882 = arith.addi %add3A_746, %add3A_881 : i32
      %lt3A_883 = arith.constant 200 : i32
      %lt3A_884 = arith.cmpi slt, %add3A_882, %lt3A_883 : i32
      %convert_element_type3A_885 = arith.extui %lt3A_884 : i1 to i32
      %cond3A_886 = arith.constant 0 : i32
      %cond3A_887 = arith.cmpi ne, %convert_element_type3A_885, %cond3A_886 : i32
      scf.if %cond3A_887 {
        %add3A_888 = arith.constant 4 : i32
        %add3A_889 = arith.addi %add3A_746, %add3A_888 : i32
        %dma_start3A_890 = arith.constant 0 : i32
        %dma_start3A_891 = tpu.memref_slice %arg5[%add3A_889, %dma_start3A_890] : memref<200x128xi32, #tpu.memory_space<vmem>> -> memref<1x128xi32, #tpu.memory_space<vmem>>
        %dma_start3A_892 = tpu.memref_squeeze %dma_start3A_891 : memref<1x128xi32, #tpu.memory_space<vmem>> -> memref<128xi32, #tpu.memory_space<vmem>>
        %dma_start3A_893 = arith.constant 0 : i32
        %dma_start3A_894 = arith.constant 0 : i32
        %dma_start3A_895 = tpu.memref_slice %arg3[%dma_start3A_893, %dma_start3A_894] : memref<1000000x64xf32, #tpu.memory_space<hbm>> -> memref<1000000x64xf32, #tpu.memory_space<hbm>>
        tpu.enqueue_indirect_dma source(%dma_start3A_895 : memref<1000000x64xf32, #tpu.memory_space<hbm>>) target(%arg9 : memref<128x64xf32, #tpu.memory_space<vmem>>) offsets(%dma_start3A_892 : memref<128xi32, #tpu.memory_space<vmem>>) semaphore(%arg15 : memref<!tpu.dma_semaphore, #tpu.memory_space<semaphore_mem>>)
      } else {
      }
    }
    %scan3A_46 = arith.constant 50 : i32
    %dma_wait3A = arith.constant 0 : i32
    %dma_wait3A_47 = arith.constant 0 : i32
    %dma_wait3A_48 = arith.constant 0 : i32
    %dma_wait3A_49 = arith.constant 0 : i32
    %dma_wait3A_50 = arith.constant 0 : i32
    %dma_wait3A_51 = tpu.memref_slice %arg10[%dma_wait3A_49, %dma_wait3A_50] : memref<64x129xf32, #tpu.memory_space<vmem>> -> memref<8x128xf32, #tpu.memory_space<vmem>>
    %dma_wait3A_52 = arith.constant 0 : i32
    %dma_wait3A_53 = arith.constant 0 : i32
    %dma_wait3A_54 = tpu.memref_slice %arg4[%dma_wait3A, %dma_wait3A_47, %dma_wait3A_48, %dma_wait3A_52, %dma_wait3A_53] : memref<200x8x32x8x128xf32, #tpu.memory_space<hbm>> -> memref<1x1x1x8x128xf32, #tpu.memory_space<hbm>>
    %dma_wait3A_55 = tpu.memref_squeeze %dma_wait3A_54 : memref<1x1x1x8x128xf32, #tpu.memory_space<hbm>> -> memref<8x128xf32, #tpu.memory_space<hbm>>
    %dma_wait3A_56 = arith.constant 0 : i32
    %dma_wait3A_57 = arith.constant 0 : i32
    %dma_wait3A_58 = tpu.memref_slice %arg4[%dma_wait3A, %dma_wait3A_47, %dma_wait3A_48, %dma_wait3A_56, %dma_wait3A_57] : memref<200x8x32x8x128xf32, #tpu.memory_space<hbm>> -> memref<1x1x1x8x128xf32, #tpu.memory_space<hbm>>
    %dma_wait3A_59 = tpu.memref_squeeze %dma_wait3A_58 : memref<1x1x1x8x128xf32, #tpu.memory_space<hbm>> -> memref<8x128xf32, #tpu.memory_space<hbm>>
    %dma_wait3A_60 = arith.constant 0 : i32
    %dma_wait3A_61 = arith.constant 0 : i32
    %dma_wait3A_62 = tpu.memref_slice %arg10[%dma_wait3A_60, %dma_wait3A_61] : memref<64x129xf32, #tpu.memory_space<vmem>> -> memref<8x128xf32, #tpu.memory_space<vmem>>
    tpu.wait_dma2 semaphore(%arg16 : memref<!tpu.dma_semaphore, #tpu.memory_space<semaphore_mem>>) src(%dma_wait3A_62 : memref<8x128xf32, #tpu.memory_space<vmem>>) dst(%dma_wait3A_59 : memref<8x128xf32, #tpu.memory_space<hbm>>)
    %dma_wait3A_63 = arith.constant 0 : i32
    %dma_wait3A_64 = arith.constant 1 : i32
    %dma_wait3A_65 = arith.constant 0 : i32
    %dma_wait3A_66 = arith.constant 8 : i32
    %dma_wait3A_67 = arith.constant 0 : i32
    %dma_wait3A_68 = tpu.memref_slice %arg10[%dma_wait3A_66, %dma_wait3A_67] : memref<64x129xf32, #tpu.memory_space<vmem>> -> memref<8x128xf32, #tpu.memory_space<vmem>>
    %dma_wait3A_69 = arith.constant 0 : i32
    %dma_wait3A_70 = arith.constant 0 : i32
    %dma_wait3A_71 = tpu.memref_slice %arg4[%dma_wait3A_63, %dma_wait3A_64, %dma_wait3A_65, %dma_wait3A_69, %dma_wait3A_70] : memref<200x8x32x8x128xf32, #tpu.memory_space<hbm>> -> memref<1x1x1x8x128xf32, #tpu.memory_space<hbm>>
    %dma_wait3A_72 = tpu.memref_squeeze %dma_wait3A_71 : memref<1x1x1x8x128xf32, #tpu.memory_space<hbm>> -> memref<8x128xf32, #tpu.memory_space<hbm>>
    %dma_wait3A_73 = arith.constant 0 : i32
    %dma_wait3A_74 = arith.constant 0 : i32
    %dma_wait3A_75 = tpu.memref_slice %arg4[%dma_wait3A_63, %dma_wait3A_64, %dma_wait3A_65, %dma_wait3A_73, %dma_wait3A_74] : memref<200x8x32x8x128xf32, #tpu.memory_space<hbm>> -> memref<1x1x1x8x128xf32, #tpu.memory_space<hbm>>
    %dma_wait3A_76 = tpu.memref_squeeze %dma_wait3A_75 : memref<1x1x1x8x128xf32, #tpu.memory_space<hbm>> -> memref<8x128xf32, #tpu.memory_space<hbm>>
    %dma_wait3A_77 = arith.constant 8 : i32
    %dma_wait3A_78 = arith.constant 0 : i32
    %dma_wait3A_79 = tpu.memref_slice %arg10[%dma_wait3A_77, %dma_wait3A_78] : memref<64x129xf32, #tpu.memory_space<vmem>> -> memref<8x128xf32, #tpu.memory_space<vmem>>
    tpu.wait_dma2 semaphore(%arg16 : memref<!tpu.dma_semaphore, #tpu.memory_space<semaphore_mem>>) src(%dma_wait3A_79 : memref<8x128xf32, #tpu.memory_space<vmem>>) dst(%dma_wait3A_76 : memref<8x128xf32, #tpu.memory_space<hbm>>)
    %dma_wait3A_80 = arith.constant 0 : i32
    %dma_wait3A_81 = arith.constant 2 : i32
    %dma_wait3A_82 = arith.constant 0 : i32
    %dma_wait3A_83 = arith.constant 16 : i32
    %dma_wait3A_84 = arith.constant 0 : i32
    %dma_wait3A_85 = tpu.memref_slice %arg10[%dma_wait3A_83, %dma_wait3A_84] : memref<64x129xf32, #tpu.memory_space<vmem>> -> memref<8x128xf32, #tpu.memory_space<vmem>>
    %dma_wait3A_86 = arith.constant 0 : i32
    %dma_wait3A_87 = arith.constant 0 : i32
    %dma_wait3A_88 = tpu.memref_slice %arg4[%dma_wait3A_80, %dma_wait3A_81, %dma_wait3A_82, %dma_wait3A_86, %dma_wait3A_87] : memref<200x8x32x8x128xf32, #tpu.memory_space<hbm>> -> memref<1x1x1x8x128xf32, #tpu.memory_space<hbm>>
    %dma_wait3A_89 = tpu.memref_squeeze %dma_wait3A_88 : memref<1x1x1x8x128xf32, #tpu.memory_space<hbm>> -> memref<8x128xf32, #tpu.memory_space<hbm>>
    %dma_wait3A_90 = arith.constant 0 : i32
    %dma_wait3A_91 = arith.constant 0 : i32
    %dma_wait3A_92 = tpu.memref_slice %arg4[%dma_wait3A_80, %dma_wait3A_81, %dma_wait3A_82, %dma_wait3A_90, %dma_wait3A_91] : memref<200x8x32x8x128xf32, #tpu.memory_space<hbm>> -> memref<1x1x1x8x128xf32, #tpu.memory_space<hbm>>
    %dma_wait3A_93 = tpu.memref_squeeze %dma_wait3A_92 : memref<1x1x1x8x128xf32, #tpu.memory_space<hbm>> -> memref<8x128xf32, #tpu.memory_space<hbm>>
    %dma_wait3A_94 = arith.constant 16 : i32
    %dma_wait3A_95 = arith.constant 0 : i32
    %dma_wait3A_96 = tpu.memref_slice %arg10[%dma_wait3A_94, %dma_wait3A_95] : memref<64x129xf32, #tpu.memory_space<vmem>> -> memref<8x128xf32, #tpu.memory_space<vmem>>
    tpu.wait_dma2 semaphore(%arg16 : memref<!tpu.dma_semaphore, #tpu.memory_space<semaphore_mem>>) src(%dma_wait3A_96 : memref<8x128xf32, #tpu.memory_space<vmem>>) dst(%dma_wait3A_93 : memref<8x128xf32, #tpu.memory_space<hbm>>)
    %dma_wait3A_97 = arith.constant 0 : i32
    %dma_wait3A_98 = arith.constant 3 : i32
    %dma_wait3A_99 = arith.constant 0 : i32
    %dma_wait3A_100 = arith.constant 24 : i32
    %dma_wait3A_101 = arith.constant 0 : i32
    %dma_wait3A_102 = tpu.memref_slice %arg10[%dma_wait3A_100, %dma_wait3A_101] : memref<64x129xf32, #tpu.memory_space<vmem>> -> memref<8x128xf32, #tpu.memory_space<vmem>>
    %dma_wait3A_103 = arith.constant 0 : i32
    %dma_wait3A_104 = arith.constant 0 : i32
    %dma_wait3A_105 = tpu.memref_slice %arg4[%dma_wait3A_97, %dma_wait3A_98, %dma_wait3A_99, %dma_wait3A_103, %dma_wait3A_104] : memref<200x8x32x8x128xf32, #tpu.memory_space<hbm>> -> memref<1x1x1x8x128xf32, #tpu.memory_space<hbm>>
    %dma_wait3A_106 = tpu.memref_squeeze %dma_wait3A_105 : memref<1x1x1x8x128xf32, #tpu.memory_space<hbm>> -> memref<8x128xf32, #tpu.memory_space<hbm>>
    %dma_wait3A_107 = arith.constant 0 : i32
    %dma_wait3A_108 = arith.constant 0 : i32
    %dma_wait3A_109 = tpu.memref_slice %arg4[%dma_wait3A_97, %dma_wait3A_98, %dma_wait3A_99, %dma_wait3A_107, %dma_wait3A_108] : memref<200x8x32x8x128xf32, #tpu.memory_space<hbm>> -> memref<1x1x1x8x128xf32, #tpu.memory_space<hbm>>
    %dma_wait3A_110 = tpu.memref_squeeze %dma_wait3A_109 : memref<1x1x1x8x128xf32, #tpu.memory_space<hbm>> -> memref<8x128xf32, #tpu.memory_space<hbm>>
    %dma_wait3A_111 = arith.constant 24 : i32
    %dma_wait3A_112 = arith.constant 0 : i32
    %dma_wait3A_113 = tpu.memref_slice %arg10[%dma_wait3A_111, %dma_wait3A_112] : memref<64x129xf32, #tpu.memory_space<vmem>> -> memref<8x128xf32, #tpu.memory_space<vmem>>
    tpu.wait_dma2 semaphore(%arg16 : memref<!tpu.dma_semaphore, #tpu.memory_space<semaphore_mem>>) src(%dma_wait3A_113 : memref<8x128xf32, #tpu.memory_space<vmem>>) dst(%dma_wait3A_110 : memref<8x128xf32, #tpu.memory_space<hbm>>)
    %dma_wait3A_114 = arith.constant 0 : i32
    %dma_wait3A_115 = arith.constant 4 : i32
    %dma_wait3A_116 = arith.constant 0 : i32
    %dma_wait3A_117 = arith.constant 32 : i32
    %dma_wait3A_118 = arith.constant 0 : i32
    %dma_wait3A_119 = tpu.memref_slice %arg10[%dma_wait3A_117, %dma_wait3A_118] : memref<64x129xf32, #tpu.memory_space<vmem>> -> memref<8x128xf32, #tpu.memory_space<vmem>>
    %dma_wait3A_120 = arith.constant 0 : i32
    %dma_wait3A_121 = arith.constant 0 : i32
    %dma_wait3A_122 = tpu.memref_slice %arg4[%dma_wait3A_114, %dma_wait3A_115, %dma_wait3A_116, %dma_wait3A_120, %dma_wait3A_121] : memref<200x8x32x8x128xf32, #tpu.memory_space<hbm>> -> memref<1x1x1x8x128xf32, #tpu.memory_space<hbm>>
    %dma_wait3A_123 = tpu.memref_squeeze %dma_wait3A_122 : memref<1x1x1x8x128xf32, #tpu.memory_space<hbm>> -> memref<8x128xf32, #tpu.memory_space<hbm>>
    %dma_wait3A_124 = arith.constant 0 : i32
    %dma_wait3A_125 = arith.constant 0 : i32
    %dma_wait3A_126 = tpu.memref_slice %arg4[%dma_wait3A_114, %dma_wait3A_115, %dma_wait3A_116, %dma_wait3A_124, %dma_wait3A_125] : memref<200x8x32x8x128xf32, #tpu.memory_space<hbm>> -> memref<1x1x1x8x128xf32, #tpu.memory_space<hbm>>
    %dma_wait3A_127 = tpu.memref_squeeze %dma_wait3A_126 : memref<1x1x1x8x128xf32, #tpu.memory_space<hbm>> -> memref<8x128xf32, #tpu.memory_space<hbm>>
    %dma_wait3A_128 = arith.constant 32 : i32
    %dma_wait3A_129 = arith.constant 0 : i32
    %dma_wait3A_130 = tpu.memref_slice %arg10[%dma_wait3A_128, %dma_wait3A_129] : memref<64x129xf32, #tpu.memory_space<vmem>> -> memref<8x128xf32, #tpu.memory_space<vmem>>
    tpu.wait_dma2 semaphore(%arg16 : memref<!tpu.dma_semaphore, #tpu.memory_space<semaphore_mem>>) src(%dma_wait3A_130 : memref<8x128xf32, #tpu.memory_space<vmem>>) dst(%dma_wait3A_127 : memref<8x128xf32, #tpu.memory_space<hbm>>)
    %dma_wait3A_131 = arith.constant 0 : i32
    %dma_wait3A_132 = arith.constant 5 : i32
    %dma_wait3A_133 = arith.constant 0 : i32
    %dma_wait3A_134 = arith.constant 40 : i32
    %dma_wait3A_135 = arith.constant 0 : i32
    %dma_wait3A_136 = tpu.memref_slice %arg10[%dma_wait3A_134, %dma_wait3A_135] : memref<64x129xf32, #tpu.memory_space<vmem>> -> memref<8x128xf32, #tpu.memory_space<vmem>>
    %dma_wait3A_137 = arith.constant 0 : i32
    %dma_wait3A_138 = arith.constant 0 : i32
    %dma_wait3A_139 = tpu.memref_slice %arg4[%dma_wait3A_131, %dma_wait3A_132, %dma_wait3A_133, %dma_wait3A_137, %dma_wait3A_138] : memref<200x8x32x8x128xf32, #tpu.memory_space<hbm>> -> memref<1x1x1x8x128xf32, #tpu.memory_space<hbm>>
    %dma_wait3A_140 = tpu.memref_squeeze %dma_wait3A_139 : memref<1x1x1x8x128xf32, #tpu.memory_space<hbm>> -> memref<8x128xf32, #tpu.memory_space<hbm>>
    %dma_wait3A_141 = arith.constant 0 : i32
    %dma_wait3A_142 = arith.constant 0 : i32
    %dma_wait3A_143 = tpu.memref_slice %arg4[%dma_wait3A_131, %dma_wait3A_132, %dma_wait3A_133, %dma_wait3A_141, %dma_wait3A_142] : memref<200x8x32x8x128xf32, #tpu.memory_space<hbm>> -> memref<1x1x1x8x128xf32, #tpu.memory_space<hbm>>
    %dma_wait3A_144 = tpu.memref_squeeze %dma_wait3A_143 : memref<1x1x1x8x128xf32, #tpu.memory_space<hbm>> -> memref<8x128xf32, #tpu.memory_space<hbm>>
    %dma_wait3A_145 = arith.constant 40 : i32
    %dma_wait3A_146 = arith.constant 0 : i32
    %dma_wait3A_147 = tpu.memref_slice %arg10[%dma_wait3A_145, %dma_wait3A_146] : memref<64x129xf32, #tpu.memory_space<vmem>> -> memref<8x128xf32, #tpu.memory_space<vmem>>
    tpu.wait_dma2 semaphore(%arg16 : memref<!tpu.dma_semaphore, #tpu.memory_space<semaphore_mem>>) src(%dma_wait3A_147 : memref<8x128xf32, #tpu.memory_space<vmem>>) dst(%dma_wait3A_144 : memref<8x128xf32, #tpu.memory_space<hbm>>)
    %dma_wait3A_148 = arith.constant 0 : i32
    %dma_wait3A_149 = arith.constant 6 : i32
    %dma_wait3A_150 = arith.constant 0 : i32
    %dma_wait3A_151 = arith.constant 48 : i32
    %dma_wait3A_152 = arith.constant 0 : i32
    %dma_wait3A_153 = tpu.memref_slice %arg10[%dma_wait3A_151, %dma_wait3A_152] : memref<64x129xf32, #tpu.memory_space<vmem>> -> memref<8x128xf32, #tpu.memory_space<vmem>>
    %dma_wait3A_154 = arith.constant 0 : i32
    %dma_wait3A_155 = arith.constant 0 : i32
    %dma_wait3A_156 = tpu.memref_slice %arg4[%dma_wait3A_148, %dma_wait3A_149, %dma_wait3A_150, %dma_wait3A_154, %dma_wait3A_155] : memref<200x8x32x8x128xf32, #tpu.memory_space<hbm>> -> memref<1x1x1x8x128xf32, #tpu.memory_space<hbm>>
    %dma_wait3A_157 = tpu.memref_squeeze %dma_wait3A_156 : memref<1x1x1x8x128xf32, #tpu.memory_space<hbm>> -> memref<8x128xf32, #tpu.memory_space<hbm>>
    %dma_wait3A_158 = arith.constant 0 : i32
    %dma_wait3A_159 = arith.constant 0 : i32
    %dma_wait3A_160 = tpu.memref_slice %arg4[%dma_wait3A_148, %dma_wait3A_149, %dma_wait3A_150, %dma_wait3A_158, %dma_wait3A_159] : memref<200x8x32x8x128xf32, #tpu.memory_space<hbm>> -> memref<1x1x1x8x128xf32, #tpu.memory_space<hbm>>
    %dma_wait3A_161 = tpu.memref_squeeze %dma_wait3A_160 : memref<1x1x1x8x128xf32, #tpu.memory_space<hbm>> -> memref<8x128xf32, #tpu.memory_space<hbm>>
    %dma_wait3A_162 = arith.constant 48 : i32
    %dma_wait3A_163 = arith.constant 0 : i32
    %dma_wait3A_164 = tpu.memref_slice %arg10[%dma_wait3A_162, %dma_wait3A_163] : memref<64x129xf32, #tpu.memory_space<vmem>> -> memref<8x128xf32, #tpu.memory_space<vmem>>
    tpu.wait_dma2 semaphore(%arg16 : memref<!tpu.dma_semaphore, #tpu.memory_space<semaphore_mem>>) src(%dma_wait3A_164 : memref<8x128xf32, #tpu.memory_space<vmem>>) dst(%dma_wait3A_161 : memref<8x128xf32, #tpu.memory_space<hbm>>)
    %dma_wait3A_165 = arith.constant 0 : i32
    %dma_wait3A_166 = arith.constant 7 : i32
    %dma_wait3A_167 = arith.constant 0 : i32
    %dma_wait3A_168 = arith.constant 56 : i32
    %dma_wait3A_169 = arith.constant 0 : i32
    %dma_wait3A_170 = tpu.memref_slice %arg10[%dma_wait3A_168, %dma_wait3A_169] : memref<64x129xf32, #tpu.memory_space<vmem>> -> memref<8x128xf32, #tpu.memory_space<vmem>>
    %dma_wait3A_171 = arith.constant 0 : i32
    %dma_wait3A_172 = arith.constant 0 : i32
    %dma_wait3A_173 = tpu.memref_slice %arg4[%dma_wait3A_165, %dma_wait3A_166, %dma_wait3A_167, %dma_wait3A_171, %dma_wait3A_172] : memref<200x8x32x8x128xf32, #tpu.memory_space<hbm>> -> memref<1x1x1x8x128xf32, #tpu.memory_space<hbm>>
    %dma_wait3A_174 = tpu.memref_squeeze %dma_wait3A_173 : memref<1x1x1x8x128xf32, #tpu.memory_space<hbm>> -> memref<8x128xf32, #tpu.memory_space<hbm>>
    %dma_wait3A_175 = arith.constant 0 : i32
    %dma_wait3A_176 = arith.constant 0 : i32
    %dma_wait3A_177 = tpu.memref_slice %arg4[%dma_wait3A_165, %dma_wait3A_166, %dma_wait3A_167, %dma_wait3A_175, %dma_wait3A_176] : memref<200x8x32x8x128xf32, #tpu.memory_space<hbm>> -> memref<1x1x1x8x128xf32, #tpu.memory_space<hbm>>
    %dma_wait3A_178 = tpu.memref_squeeze %dma_wait3A_177 : memref<1x1x1x8x128xf32, #tpu.memory_space<hbm>> -> memref<8x128xf32, #tpu.memory_space<hbm>>
    %dma_wait3A_179 = arith.constant 56 : i32
    %dma_wait3A_180 = arith.constant 0 : i32
    %dma_wait3A_181 = tpu.memref_slice %arg10[%dma_wait3A_179, %dma_wait3A_180] : memref<64x129xf32, #tpu.memory_space<vmem>> -> memref<8x128xf32, #tpu.memory_space<vmem>>
    tpu.wait_dma2 semaphore(%arg16 : memref<!tpu.dma_semaphore, #tpu.memory_space<semaphore_mem>>) src(%dma_wait3A_181 : memref<8x128xf32, #tpu.memory_space<vmem>>) dst(%dma_wait3A_178 : memref<8x128xf32, #tpu.memory_space<hbm>>)
    %dma_wait3A_182 = arith.constant 0 : i32
    %dma_wait3A_183 = arith.constant 0 : i32
    %dma_wait3A_184 = arith.constant 0 : i32
    %dma_wait3A_185 = arith.constant 0 : i32
    %dma_wait3A_186 = arith.constant 0 : i32
    %dma_wait3A_187 = tpu.memref_slice %arg11[%dma_wait3A_185, %dma_wait3A_186] : memref<64x129xf32, #tpu.memory_space<vmem>> -> memref<8x128xf32, #tpu.memory_space<vmem>>
    %dma_wait3A_188 = arith.constant 0 : i32
    %dma_wait3A_189 = arith.constant 0 : i32
    %dma_wait3A_190 = tpu.memref_slice %arg4[%dma_wait3A_182, %dma_wait3A_183, %dma_wait3A_184, %dma_wait3A_188, %dma_wait3A_189] : memref<200x8x32x8x128xf32, #tpu.memory_space<hbm>> -> memref<1x1x1x8x128xf32, #tpu.memory_space<hbm>>
    %dma_wait3A_191 = tpu.memref_squeeze %dma_wait3A_190 : memref<1x1x1x8x128xf32, #tpu.memory_space<hbm>> -> memref<8x128xf32, #tpu.memory_space<hbm>>
    %dma_wait3A_192 = arith.constant 0 : i32
    %dma_wait3A_193 = arith.constant 0 : i32
    %dma_wait3A_194 = tpu.memref_slice %arg4[%dma_wait3A_182, %dma_wait3A_183, %dma_wait3A_184, %dma_wait3A_192, %dma_wait3A_193] : memref<200x8x32x8x128xf32, #tpu.memory_space<hbm>> -> memref<1x1x1x8x128xf32, #tpu.memory_space<hbm>>
    %dma_wait3A_195 = tpu.memref_squeeze %dma_wait3A_194 : memref<1x1x1x8x128xf32, #tpu.memory_space<hbm>> -> memref<8x128xf32, #tpu.memory_space<hbm>>
    %dma_wait3A_196 = arith.constant 0 : i32
    %dma_wait3A_197 = arith.constant 0 : i32
    %dma_wait3A_198 = tpu.memref_slice %arg11[%dma_wait3A_196, %dma_wait3A_197] : memref<64x129xf32, #tpu.memory_space<vmem>> -> memref<8x128xf32, #tpu.memory_space<vmem>>
    tpu.wait_dma2 semaphore(%arg17 : memref<!tpu.dma_semaphore, #tpu.memory_space<semaphore_mem>>) src(%dma_wait3A_198 : memref<8x128xf32, #tpu.memory_space<vmem>>) dst(%dma_wait3A_195 : memref<8x128xf32, #tpu.memory_space<hbm>>)
    %dma_wait3A_199 = arith.constant 0 : i32
    %dma_wait3A_200 = arith.constant 1 : i32
    %dma_wait3A_201 = arith.constant 0 : i32
    %dma_wait3A_202 = arith.constant 8 : i32
    %dma_wait3A_203 = arith.constant 0 : i32
    %dma_wait3A_204 = tpu.memref_slice %arg11[%dma_wait3A_202, %dma_wait3A_203] : memref<64x129xf32, #tpu.memory_space<vmem>> -> memref<8x128xf32, #tpu.memory_space<vmem>>
    %dma_wait3A_205 = arith.constant 0 : i32
    %dma_wait3A_206 = arith.constant 0 : i32
    %dma_wait3A_207 = tpu.memref_slice %arg4[%dma_wait3A_199, %dma_wait3A_200, %dma_wait3A_201, %dma_wait3A_205, %dma_wait3A_206] : memref<200x8x32x8x128xf32, #tpu.memory_space<hbm>> -> memref<1x1x1x8x128xf32, #tpu.memory_space<hbm>>
    %dma_wait3A_208 = tpu.memref_squeeze %dma_wait3A_207 : memref<1x1x1x8x128xf32, #tpu.memory_space<hbm>> -> memref<8x128xf32, #tpu.memory_space<hbm>>
    %dma_wait3A_209 = arith.constant 0 : i32
    %dma_wait3A_210 = arith.constant 0 : i32
    %dma_wait3A_211 = tpu.memref_slice %arg4[%dma_wait3A_199, %dma_wait3A_200, %dma_wait3A_201, %dma_wait3A_209, %dma_wait3A_210] : memref<200x8x32x8x128xf32, #tpu.memory_space<hbm>> -> memref<1x1x1x8x128xf32, #tpu.memory_space<hbm>>
    %dma_wait3A_212 = tpu.memref_squeeze %dma_wait3A_211 : memref<1x1x1x8x128xf32, #tpu.memory_space<hbm>> -> memref<8x128xf32, #tpu.memory_space<hbm>>
    %dma_wait3A_213 = arith.constant 8 : i32
    %dma_wait3A_214 = arith.constant 0 : i32
    %dma_wait3A_215 = tpu.memref_slice %arg11[%dma_wait3A_213, %dma_wait3A_214] : memref<64x129xf32, #tpu.memory_space<vmem>> -> memref<8x128xf32, #tpu.memory_space<vmem>>
    tpu.wait_dma2 semaphore(%arg17 : memref<!tpu.dma_semaphore, #tpu.memory_space<semaphore_mem>>) src(%dma_wait3A_215 : memref<8x128xf32, #tpu.memory_space<vmem>>) dst(%dma_wait3A_212 : memref<8x128xf32, #tpu.memory_space<hbm>>)
    %dma_wait3A_216 = arith.constant 0 : i32
    %dma_wait3A_217 = arith.constant 2 : i32
    %dma_wait3A_218 = arith.constant 0 : i32
    %dma_wait3A_219 = arith.constant 16 : i32
    %dma_wait3A_220 = arith.constant 0 : i32
    %dma_wait3A_221 = tpu.memref_slice %arg11[%dma_wait3A_219, %dma_wait3A_220] : memref<64x129xf32, #tpu.memory_space<vmem>> -> memref<8x128xf32, #tpu.memory_space<vmem>>
    %dma_wait3A_222 = arith.constant 0 : i32
    %dma_wait3A_223 = arith.constant 0 : i32
    %dma_wait3A_224 = tpu.memref_slice %arg4[%dma_wait3A_216, %dma_wait3A_217, %dma_wait3A_218, %dma_wait3A_222, %dma_wait3A_223] : memref<200x8x32x8x128xf32, #tpu.memory_space<hbm>> -> memref<1x1x1x8x128xf32, #tpu.memory_space<hbm>>
    %dma_wait3A_225 = tpu.memref_squeeze %dma_wait3A_224 : memref<1x1x1x8x128xf32, #tpu.memory_space<hbm>> -> memref<8x128xf32, #tpu.memory_space<hbm>>
    %dma_wait3A_226 = arith.constant 0 : i32
    %dma_wait3A_227 = arith.constant 0 : i32
    %dma_wait3A_228 = tpu.memref_slice %arg4[%dma_wait3A_216, %dma_wait3A_217, %dma_wait3A_218, %dma_wait3A_226, %dma_wait3A_227] : memref<200x8x32x8x128xf32, #tpu.memory_space<hbm>> -> memref<1x1x1x8x128xf32, #tpu.memory_space<hbm>>
    %dma_wait3A_229 = tpu.memref_squeeze %dma_wait3A_228 : memref<1x1x1x8x128xf32, #tpu.memory_space<hbm>> -> memref<8x128xf32, #tpu.memory_space<hbm>>
    %dma_wait3A_230 = arith.constant 16 : i32
    %dma_wait3A_231 = arith.constant 0 : i32
    %dma_wait3A_232 = tpu.memref_slice %arg11[%dma_wait3A_230, %dma_wait3A_231] : memref<64x129xf32, #tpu.memory_space<vmem>> -> memref<8x128xf32, #tpu.memory_space<vmem>>
    tpu.wait_dma2 semaphore(%arg17 : memref<!tpu.dma_semaphore, #tpu.memory_space<semaphore_mem>>) src(%dma_wait3A_232 : memref<8x128xf32, #tpu.memory_space<vmem>>) dst(%dma_wait3A_229 : memref<8x128xf32, #tpu.memory_space<hbm>>)
    %dma_wait3A_233 = arith.constant 0 : i32
    %dma_wait3A_234 = arith.constant 3 : i32
    %dma_wait3A_235 = arith.constant 0 : i32
    %dma_wait3A_236 = arith.constant 24 : i32
    %dma_wait3A_237 = arith.constant 0 : i32
    %dma_wait3A_238 = tpu.memref_slice %arg11[%dma_wait3A_236, %dma_wait3A_237] : memref<64x129xf32, #tpu.memory_space<vmem>> -> memref<8x128xf32, #tpu.memory_space<vmem>>
    %dma_wait3A_239 = arith.constant 0 : i32
    %dma_wait3A_240 = arith.constant 0 : i32
    %dma_wait3A_241 = tpu.memref_slice %arg4[%dma_wait3A_233, %dma_wait3A_234, %dma_wait3A_235, %dma_wait3A_239, %dma_wait3A_240] : memref<200x8x32x8x128xf32, #tpu.memory_space<hbm>> -> memref<1x1x1x8x128xf32, #tpu.memory_space<hbm>>
    %dma_wait3A_242 = tpu.memref_squeeze %dma_wait3A_241 : memref<1x1x1x8x128xf32, #tpu.memory_space<hbm>> -> memref<8x128xf32, #tpu.memory_space<hbm>>
    %dma_wait3A_243 = arith.constant 0 : i32
    %dma_wait3A_244 = arith.constant 0 : i32
    %dma_wait3A_245 = tpu.memref_slice %arg4[%dma_wait3A_233, %dma_wait3A_234, %dma_wait3A_235, %dma_wait3A_243, %dma_wait3A_244] : memref<200x8x32x8x128xf32, #tpu.memory_space<hbm>> -> memref<1x1x1x8x128xf32, #tpu.memory_space<hbm>>
    %dma_wait3A_246 = tpu.memref_squeeze %dma_wait3A_245 : memref<1x1x1x8x128xf32, #tpu.memory_space<hbm>> -> memref<8x128xf32, #tpu.memory_space<hbm>>
    %dma_wait3A_247 = arith.constant 24 : i32
    %dma_wait3A_248 = arith.constant 0 : i32
    %dma_wait3A_249 = tpu.memref_slice %arg11[%dma_wait3A_247, %dma_wait3A_248] : memref<64x129xf32, #tpu.memory_space<vmem>> -> memref<8x128xf32, #tpu.memory_space<vmem>>
    tpu.wait_dma2 semaphore(%arg17 : memref<!tpu.dma_semaphore, #tpu.memory_space<semaphore_mem>>) src(%dma_wait3A_249 : memref<8x128xf32, #tpu.memory_space<vmem>>) dst(%dma_wait3A_246 : memref<8x128xf32, #tpu.memory_space<hbm>>)
    %dma_wait3A_250 = arith.constant 0 : i32
    %dma_wait3A_251 = arith.constant 4 : i32
    %dma_wait3A_252 = arith.constant 0 : i32
    %dma_wait3A_253 = arith.constant 32 : i32
    %dma_wait3A_254 = arith.constant 0 : i32
    %dma_wait3A_255 = tpu.memref_slice %arg11[%dma_wait3A_253, %dma_wait3A_254] : memref<64x129xf32, #tpu.memory_space<vmem>> -> memref<8x128xf32, #tpu.memory_space<vmem>>
    %dma_wait3A_256 = arith.constant 0 : i32
    %dma_wait3A_257 = arith.constant 0 : i32
    %dma_wait3A_258 = tpu.memref_slice %arg4[%dma_wait3A_250, %dma_wait3A_251, %dma_wait3A_252, %dma_wait3A_256, %dma_wait3A_257] : memref<200x8x32x8x128xf32, #tpu.memory_space<hbm>> -> memref<1x1x1x8x128xf32, #tpu.memory_space<hbm>>
    %dma_wait3A_259 = tpu.memref_squeeze %dma_wait3A_258 : memref<1x1x1x8x128xf32, #tpu.memory_space<hbm>> -> memref<8x128xf32, #tpu.memory_space<hbm>>
    %dma_wait3A_260 = arith.constant 0 : i32
    %dma_wait3A_261 = arith.constant 0 : i32
    %dma_wait3A_262 = tpu.memref_slice %arg4[%dma_wait3A_250, %dma_wait3A_251, %dma_wait3A_252, %dma_wait3A_260, %dma_wait3A_261] : memref<200x8x32x8x128xf32, #tpu.memory_space<hbm>> -> memref<1x1x1x8x128xf32, #tpu.memory_space<hbm>>
    %dma_wait3A_263 = tpu.memref_squeeze %dma_wait3A_262 : memref<1x1x1x8x128xf32, #tpu.memory_space<hbm>> -> memref<8x128xf32, #tpu.memory_space<hbm>>
    %dma_wait3A_264 = arith.constant 32 : i32
    %dma_wait3A_265 = arith.constant 0 : i32
    %dma_wait3A_266 = tpu.memref_slice %arg11[%dma_wait3A_264, %dma_wait3A_265] : memref<64x129xf32, #tpu.memory_space<vmem>> -> memref<8x128xf32, #tpu.memory_space<vmem>>
    tpu.wait_dma2 semaphore(%arg17 : memref<!tpu.dma_semaphore, #tpu.memory_space<semaphore_mem>>) src(%dma_wait3A_266 : memref<8x128xf32, #tpu.memory_space<vmem>>) dst(%dma_wait3A_263 : memref<8x128xf32, #tpu.memory_space<hbm>>)
    %dma_wait3A_267 = arith.constant 0 : i32
    %dma_wait3A_268 = arith.constant 5 : i32
    %dma_wait3A_269 = arith.constant 0 : i32
    %dma_wait3A_270 = arith.constant 40 : i32
    %dma_wait3A_271 = arith.constant 0 : i32
    %dma_wait3A_272 = tpu.memref_slice %arg11[%dma_wait3A_270, %dma_wait3A_271] : memref<64x129xf32, #tpu.memory_space<vmem>> -> memref<8x128xf32, #tpu.memory_space<vmem>>
    %dma_wait3A_273 = arith.constant 0 : i32
    %dma_wait3A_274 = arith.constant 0 : i32
    %dma_wait3A_275 = tpu.memref_slice %arg4[%dma_wait3A_267, %dma_wait3A_268, %dma_wait3A_269, %dma_wait3A_273, %dma_wait3A_274] : memref<200x8x32x8x128xf32, #tpu.memory_space<hbm>> -> memref<1x1x1x8x128xf32, #tpu.memory_space<hbm>>
    %dma_wait3A_276 = tpu.memref_squeeze %dma_wait3A_275 : memref<1x1x1x8x128xf32, #tpu.memory_space<hbm>> -> memref<8x128xf32, #tpu.memory_space<hbm>>
    %dma_wait3A_277 = arith.constant 0 : i32
    %dma_wait3A_278 = arith.constant 0 : i32
    %dma_wait3A_279 = tpu.memref_slice %arg4[%dma_wait3A_267, %dma_wait3A_268, %dma_wait3A_269, %dma_wait3A_277, %dma_wait3A_278] : memref<200x8x32x8x128xf32, #tpu.memory_space<hbm>> -> memref<1x1x1x8x128xf32, #tpu.memory_space<hbm>>
    %dma_wait3A_280 = tpu.memref_squeeze %dma_wait3A_279 : memref<1x1x1x8x128xf32, #tpu.memory_space<hbm>> -> memref<8x128xf32, #tpu.memory_space<hbm>>
    %dma_wait3A_281 = arith.constant 40 : i32
    %dma_wait3A_282 = arith.constant 0 : i32
    %dma_wait3A_283 = tpu.memref_slice %arg11[%dma_wait3A_281, %dma_wait3A_282] : memref<64x129xf32, #tpu.memory_space<vmem>> -> memref<8x128xf32, #tpu.memory_space<vmem>>
    tpu.wait_dma2 semaphore(%arg17 : memref<!tpu.dma_semaphore, #tpu.memory_space<semaphore_mem>>) src(%dma_wait3A_283 : memref<8x128xf32, #tpu.memory_space<vmem>>) dst(%dma_wait3A_280 : memref<8x128xf32, #tpu.memory_space<hbm>>)
    %dma_wait3A_284 = arith.constant 0 : i32
    %dma_wait3A_285 = arith.constant 6 : i32
    %dma_wait3A_286 = arith.constant 0 : i32
    %dma_wait3A_287 = arith.constant 48 : i32
    %dma_wait3A_288 = arith.constant 0 : i32
    %dma_wait3A_289 = tpu.memref_slice %arg11[%dma_wait3A_287, %dma_wait3A_288] : memref<64x129xf32, #tpu.memory_space<vmem>> -> memref<8x128xf32, #tpu.memory_space<vmem>>
    %dma_wait3A_290 = arith.constant 0 : i32
    %dma_wait3A_291 = arith.constant 0 : i32
    %dma_wait3A_292 = tpu.memref_slice %arg4[%dma_wait3A_284, %dma_wait3A_285, %dma_wait3A_286, %dma_wait3A_290, %dma_wait3A_291] : memref<200x8x32x8x128xf32, #tpu.memory_space<hbm>> -> memref<1x1x1x8x128xf32, #tpu.memory_space<hbm>>
    %dma_wait3A_293 = tpu.memref_squeeze %dma_wait3A_292 : memref<1x1x1x8x128xf32, #tpu.memory_space<hbm>> -> memref<8x128xf32, #tpu.memory_space<hbm>>
    %dma_wait3A_294 = arith.constant 0 : i32
    %dma_wait3A_295 = arith.constant 0 : i32
    %dma_wait3A_296 = tpu.memref_slice %arg4[%dma_wait3A_284, %dma_wait3A_285, %dma_wait3A_286, %dma_wait3A_294, %dma_wait3A_295] : memref<200x8x32x8x128xf32, #tpu.memory_space<hbm>> -> memref<1x1x1x8x128xf32, #tpu.memory_space<hbm>>
    %dma_wait3A_297 = tpu.memref_squeeze %dma_wait3A_296 : memref<1x1x1x8x128xf32, #tpu.memory_space<hbm>> -> memref<8x128xf32, #tpu.memory_space<hbm>>
    %dma_wait3A_298 = arith.constant 48 : i32
    %dma_wait3A_299 = arith.constant 0 : i32
    %dma_wait3A_300 = tpu.memref_slice %arg11[%dma_wait3A_298, %dma_wait3A_299] : memref<64x129xf32, #tpu.memory_space<vmem>> -> memref<8x128xf32, #tpu.memory_space<vmem>>
    tpu.wait_dma2 semaphore(%arg17 : memref<!tpu.dma_semaphore, #tpu.memory_space<semaphore_mem>>) src(%dma_wait3A_300 : memref<8x128xf32, #tpu.memory_space<vmem>>) dst(%dma_wait3A_297 : memref<8x128xf32, #tpu.memory_space<hbm>>)
    %dma_wait3A_301 = arith.constant 0 : i32
    %dma_wait3A_302 = arith.constant 7 : i32
    %dma_wait3A_303 = arith.constant 0 : i32
    %dma_wait3A_304 = arith.constant 56 : i32
    %dma_wait3A_305 = arith.constant 0 : i32
    %dma_wait3A_306 = tpu.memref_slice %arg11[%dma_wait3A_304, %dma_wait3A_305] : memref<64x129xf32, #tpu.memory_space<vmem>> -> memref<8x128xf32, #tpu.memory_space<vmem>>
    %dma_wait3A_307 = arith.constant 0 : i32
    %dma_wait3A_308 = arith.constant 0 : i32
    %dma_wait3A_309 = tpu.memref_slice %arg4[%dma_wait3A_301, %dma_wait3A_302, %dma_wait3A_303, %dma_wait3A_307, %dma_wait3A_308] : memref<200x8x32x8x128xf32, #tpu.memory_space<hbm>> -> memref<1x1x1x8x128xf32, #tpu.memory_space<hbm>>
    %dma_wait3A_310 = tpu.memref_squeeze %dma_wait3A_309 : memref<1x1x1x8x128xf32, #tpu.memory_space<hbm>> -> memref<8x128xf32, #tpu.memory_space<hbm>>
    %dma_wait3A_311 = arith.constant 0 : i32
    %dma_wait3A_312 = arith.constant 0 : i32
    %dma_wait3A_313 = tpu.memref_slice %arg4[%dma_wait3A_301, %dma_wait3A_302, %dma_wait3A_303, %dma_wait3A_311, %dma_wait3A_312] : memref<200x8x32x8x128xf32, #tpu.memory_space<hbm>> -> memref<1x1x1x8x128xf32, #tpu.memory_space<hbm>>
    %dma_wait3A_314 = tpu.memref_squeeze %dma_wait3A_313 : memref<1x1x1x8x128xf32, #tpu.memory_space<hbm>> -> memref<8x128xf32, #tpu.memory_space<hbm>>
    %dma_wait3A_315 = arith.constant 56 : i32
    %dma_wait3A_316 = arith.constant 0 : i32
    %dma_wait3A_317 = tpu.memref_slice %arg11[%dma_wait3A_315, %dma_wait3A_316] : memref<64x129xf32, #tpu.memory_space<vmem>> -> memref<8x128xf32, #tpu.memory_space<vmem>>
    tpu.wait_dma2 semaphore(%arg17 : memref<!tpu.dma_semaphore, #tpu.memory_space<semaphore_mem>>) src(%dma_wait3A_317 : memref<8x128xf32, #tpu.memory_space<vmem>>) dst(%dma_wait3A_314 : memref<8x128xf32, #tpu.memory_space<hbm>>)
    return
  }
}

</mosaic_0001>

<sc_bundles>
// kernel: kernel.3.cloned.1.call-start
scs
__scs_entry_jumppad:
0x0: {  	(pc) =	sbr.rel $0x88, $3  }
0x1: {  	(tag) =	ssettag $0x0;
	lr =	simm.s32 $0x1  }
0x2: {  	[smem:$0x3F9F] =	sst lr;
	_ =	strace $0xD0000000  }
0x3: {  	_ = 	snop  }
0x4: {  	_ = 	snop  }
0x5: {  	_ = 	snop  }
0x6: {  	_ = 	snop  }
0x7: {  	_ = 	snop  }
__scs_overlays_trampoline_lowered:
0x8: {  	[smem:$0x3FAE] =	sst s0  }
0x9: {  	[smem:$0x3FAF] =	sst s1  }
0xa: {  	[smem:$0x3FB0] =	sst s2  }
0xb: {  	[smem:$0x3FB1] =	sst s3  }
0xc: {  	[smem:$0x3FB2] =	sst s4  }
0xd: {  	[smem:$0x3FB3] =	sst s5  }
0xe: {  	[smem:$0x3FB4] =	sst s6  }
0xf: {  	[smem:$0x3FB5] =	sst s7  }
0x10: {  	[smem:$0x3FB6] =	sst s8  }
0x11: {  	[smem:$0x3FB7] =	sst s9;
	s0 =	simm.s32 @!p0 $0x0  }
0x12: {  	s1 =	sld [smem:$0x3F9D];
	s0 =	simm.s32 @p0 $0x1  }
0x13: {  	[smem:$0x3FB8] =	sst s0;
	s0 =	simm.s32 @!p1 $0x0  }
0x14: {  	s2 =	sld [smem:$0x3F9C];
	s0 =	simm.s32 @p1 $0x1  }
0x15: {  	[smem:$0x3FB9] =	sst s0;
	s0 =	simm.s32 @!p2 $0x0  }
0x16: {  	s3 =	sld [smem:$0x3FDB];
	s0 =	simm.s32 @p2 $0x1  }
0x17: {  	s4 =	simm.s32 $0x1BF5;
	[smem:$0x3FBB] =	sst s0  }
0x18: {  	s0 =	sld [smem:$0x3F9E];
	_ =	swait.ge [sflag:s4], $0x0  }
0x19: {  	s7 =	sld [smem:$0x3F9F]  }
0x1a: {  	s8 =	sadd.s32 $0xFFFFE003, lr  }
0x1b: {  	s9 =	sadd.s32 $0xFFFFFEF7, lr;
	s5 =	simm.s32 $0xFFFFFFFF;
	p2 =	slt.u32 s8, $0xFFFFF086  }
0x1c: {  	p1 =	slt.u32 s9, $0xF7A;
	s5 =	simm.s32 @!p2 $0x0  }
0x1d: {  	s5 =	simm.s32 @p1 $0x1;
	p0 =	seq.s32 s7, s2  }
0x1e: {  	s7 =	smul.u32 @!p0 $0xF7A, s2;
	p2 =	seq.s32 @!p0 s5, $0x0  }
0x1f: {  	s9 =	smul.u32 $0xF7A, s1;
	s8 =	simm.s32 @!p0 $0x1BF5;
	p2 =	por !p2, p0  }
0x20: {  	[sflag:s8] =	ssyncset.s32 @!p0 $0xFFFFF086;
	s6 =	sadd.s32 @!p0 s3, s7;
	s7 =	simm.s32 @!p0 $0x108  }
0x21: {  	s3 =	sadd.s32 s3, s9;
	s6 =	sadd.s32 @!p0 $0x88, s6;
	s7 =	simm.s32 @p2 $0x1082  }
0x22: {  	[simem:s7], [sflag:s8] =	dma.local @!p0 [hbm:s6], $0xF7A  }
0x23: {  	s9 =	sor.u32 $0xD0000000, s2;
	s6 =	simm.s32 $0x108;
	_ =	swait.ge @!p0 [sflag:s8], $0x0  }
0x24: {  	s3 =	sadd.s32 $0x88, s3;
	s6 =	simm.s32 @!p1 $0x1082;
	[sflag:s4] =	ssyncset.s32 $0xFFFFF086  }
0x25: {  	[simem:s6], [sflag:s4] =	dma.local [hbm:s3], $0xF7A  }
0x26: {  	[smem:$0x3F9F] =	sst s1;
	(tag) =	ssettag s2;
	_ =	strace s9  }
0x27: {  	s1 =	sld [smem:$0x3FAF]  }
0x28: {  	s2 =	sld [smem:$0x3FB0]  }
0x29: {  	s4 =	sld [smem:$0x3FB2]  }
0x2a: {  	p0 =	seq.s32 s5, $0x0;
	s5 =	sld [smem:$0x3FB3]  }
0x2b: {  	s6 =	sld [smem:$0x3FB4]  }
0x2c: {  	s7 =	sld [smem:$0x3FB5]  }
0x2d: {  	s3 =	simm.s32 $0x108;
	s8 =	sld [smem:$0x3FB6]  }
0x2e: {  	s3 =	simm.s32 @!p0 $0x1082;
	s9 =	sld [smem:$0x3FB7]  }
0x2f: {  	lr =	sadd.s32 s0, s3;
	s0 =	sld [smem:$0x3FAE]  }
0x30: {  	s3 =	sld [smem:$0x3FB1]  }
0x31: {  	[smem:$0x3FBA] =	sst s10  }
0x32: {  	s10 =	sld [smem:$0x3FB8];
	_ =	sdelay $0x3  }
0x33: {  	p0 =	seq.s32 s10, $0x1;
	s10 =	sld [smem:$0x3FBA];
	_ =	sdelay $0x3  }
0x34: {  	[smem:$0x3FBA] =	sst s10  }
0x35: {  	s10 =	sld [smem:$0x3FB9];
	_ =	sdelay $0x3  }
0x36: {  	p1 =	seq.s32 s10, $0x1;
	s10 =	sld [smem:$0x3FBA];
	_ =	sdelay $0x3  }
0x37: {  	[smem:$0x3FBA] =	sst s10  }
0x38: {  	s10 =	sld [smem:$0x3FBB]  }
0x39: {  	_ = 	snop;
	(pc) =	sbr.ind lr, $3  }
0x3a: {  	_ = 	snop  }
0x3b: {  	_ = 	snop  }
0x3c: {  	p2 =	seq.s32 s10, $0x1;
	s10 =	sld [smem:$0x3FBA]  }
0x3d: {  	_ =	shalt  }
0x3e: {  	_ =	shalt  }
0x3f: {  	_ =	shalt  }
0x40: {  	_ =	shalt  }
0x41: {  	_ =	shalt  }
0x42: {  	_ =	shalt  }
0x43: {  	_ =	shalt  }
0x44: {  	_ =	shalt  }
0x45: {  	_ =	shalt  }
0x46: {  	_ =	shalt  }
0x47: {  	_ =	shalt  }
0x48: {  	_ =	shalt  }
0x49: {  	_ =	shalt  }
0x4a: {  	_ =	shalt  }
0x4b: {  	_ =	shalt  }
0x4c: {  	_ =	shalt  }
0x4d: {  	_ =	shalt  }
0x4e: {  	_ =	shalt  }
0x4f: {  	_ =	shalt  }
0x50: {  	_ =	shalt  }
0x51: {  	_ =	shalt  }
0x52: {  	_ =	shalt  }
0x53: {  	_ =	shalt  }
0x54: {  	_ =	shalt  }
0x55: {  	_ =	shalt  }
0x56: {  	_ =	shalt  }
0x57: {  	_ =	shalt  }
0x58: {  	_ =	shalt  }
0x59: {  	_ =	shalt  }
0x5a: {  	_ =	shalt  }
0x5b: {  	_ =	shalt  }
0x5c: {  	_ =	shalt  }
0x5d: {  	_ =	shalt  }
0x5e: {  	_ =	shalt  }
0x5f: {  	_ =	shalt  }
0x60: {  	_ =	shalt  }
0x61: {  	_ =	shalt  }
0x62: {  	_ =	shalt  }
0x63: {  	_ =	shalt  }
0x64: {  	_ =	shalt  }
0x65: {  	_ =	shalt  }
0x66: {  	_ =	shalt  }
0x67: {  	_ =	shalt  }
0x68: {  	_ =	shalt  }
0x69: {  	_ =	shalt  }
0x6a: {  	_ =	shalt  }
0x6b: {  	_ =	shalt  }
0x6c: {  	_ =	shalt  }
0x6d: {  	_ =	shalt  }
0x6e: {  	_ =	shalt  }
0x6f: {  	_ =	shalt  }
0x70: {  	_ =	shalt  }
0x71: {  	_ =	shalt  }
0x72: {  	_ =	shalt  }
0x73: {  	_ =	shalt  }
0x74: {  	_ =	shalt  }
0x75: {  	_ =	shalt  }
0x76: {  	_ =	shalt  }
0x77: {  	_ =	shalt  }
0x78: {  	_ =	shalt  }
0x79: {  	_ =	shalt  }
0x7a: {  	_ =	shalt  }
0x7b: {  	_ =	shalt  }
0x7c: {  	_ =	shalt  }
0x7d: {  	_ =	shalt  }
0x7e: {  	_ =	shalt  }
0x7f: {  	_ =	shalt  }
0x80: {  	_ =	shalt  }
0x81: {  	_ =	shalt  }
0x82: {  	_ =	shalt  }
0x83: {  	_ =	shalt  }
0x84: {  	_ =	shalt  }
0x85: {  	_ =	shalt  }
0x86: {  	_ =	shalt  }
0x87: {  	_ =	shalt  }
.Lfunc_end0:
.L_simem_size_0:
called_computation_lowered:
.L_overlay_start_0:
0x88: {  	s2 =	sld [smem:$0x3FD9]  }
0x89: {  	s3 =	sld [smem:$0x3FFE];
	_ =	sdelay $0x1  }
0x8a: {  	s1 =	srdreg.scid  }
0x8b: {  	s0 =	sand.u32 $0x1, s1  }
0x8c: {  	s17 =	sshll.u32 s0, $0xA;
	s2 =	sadd.s32 s3, s2  }
0x8d: {  	s2 =	sadd.s32 s2, s17  }
0x8e: {  	[smem:$0x3FC6] =	sst s2  }
0x8f: {  	_ = 	snop  }
0x90: {  	s2 =	sld [smem:$0x3FD0];
	(tm) =	ssettm $0x1  }
0x91: {  	s18 =	sld [smem:$0x3FFB];
	_ =	sdelay $0x3  }
0x92: {  	_ =	strace s18  }
0x93: {  	s3 =	sld [smem:$0x3FFC];
	_ =	sdelay $0x3  }
0x94: {  	_ =	strace s3  }
0x95: {  	s3 =	sld [smem:$0x3FFD];
	_ =	sdelay $0x3  }
0x96: {  	_ =	strace s3  }
0x97: {  	_ =	strace $0x8FFFFFFF  }
0x98: {  	s19 =	sld [smem:$0x3FDB];
	_ =	sdelay $0x1  }
0x99: {  	s4 =	simm.s32 $_scs_section_size  }
0x9a: {  	s5 =	simm.s32 $_size__tile_overlayer_lowered;
	s6 =	simm.s32 $_tile_overlayer_lowered  }
0x9b: {  	s22 =	simm.s32 $0x1BFF;
	s21 =	sshll.u32 s6, $0x1;
	s3 =	sadd.s32 s4, s19  }
0x9c: {  	s7 =	simm.s32 $0x0;
	s20 =	sshll.u32 s5, $0x1;
	s5 =	sadd.s32 s21, s3  }
0x9d: {  	[timem:s7], [sflag:s22] =	dma.local [hbm:s5], s20  }
0x9e: {  	_ =	swait.ge [sflag:s22], s20  }
0x9f: {  	s4 =	ssub.s32 $0x0, s20;
	[sflag:s22] =	ssyncset.done $0x0  }
0xa0: {  	[sflag:s22] =	ssyncadd.s32 s4;
	_ =	sdelay $0x1  }
0xa1: {  	s23 =	simm.s32 $0x1B8B  }
0xa2: {  	_ =	swait.ge [sflag:s23], $0x1  }
0xa3: {  	[sflag:s23] =	ssyncset.done $0x0  }
0xa4: {  	s25 =	simm.s32 $0x1B8E;
	s24 =	sld [smem:$0x3FFE];
	[sflag:s23] =	ssyncadd.s32 $0xFFFFFFFF  }
0xa5: {  	s26 =	simm.s32 $execute0_lowered;
	[smem:$0x3FD2] =	sst s25  }
0xa6: {  	s5 =	sshll.u32 s26, $0x1;
	_ =	strace $0x80000046;
	[dreg:$0x1] =	wrdreg $0xFFFFFFFF  }
0xa7: {  	s28 =	simm.s32 $_size_execute0_lowered;
	s3 =	sadd.s32 s3, s5;
	[dreg:$0x0] =	wrdreg $0x0  }
0xa8: {  	s5 =	sshll.u32 s28, $0x1;
	[dreg:$0x2] =	wrdreg s3  }
0xa9: {  	[dreg:$0x3] =	wrdreg s5  }
0xaa: {  	[dreg:$0x4] =	wrdreg $0xC0  }
0xab: {  	_ =	task [dreg:s7], $0x5FFFF  }
0xac: {  	[dreg:$0x1] =	wrdreg $0xFFFFFFFF  }
0xad: {  	[dreg:$0x0] =	wrdreg $0x60  }
0xae: {  	[dreg:$0x2] =	wrdreg s24  }
0xaf: {  	[dreg:$0x3] =	wrdreg s2  }
0xb0: {  	[dreg:$0x4] =	wrdreg $0x9  }
0xb1: {  	_ =	task.clear_ibuf [dreg:s7], $0x5FFFF;
	_ =	strace $0x90000046  }
0xb2: {  	s29 =	simm.s32 $0x9;
	_ =	strace $0x80000048  }
0xb3: {  	_ =	swait.ge [sflag:s29], $0x1  }
0xb4: {  	[sflag:s29] =	ssyncadd.s32 $0xFFFFFFFF  }
0xb5: {  	_ =	strace $0x90000048  }
0xb6: {  	_ =	sfence  }
0xb7: {  	s30 =	sld [smem:$0x0];
	_ =	sdelay $0x2  }
0xb8: {  	s31 =	sshll.u32 s1, $0xD;
	s1 =	sshrl.u32 s1, $0x2  }
0xb9: {  	s3 =	sand.u32 $0x4000, s31;
	s1 =	sadd.s32 s1, s30  }
0xba: {  	s0 =	sor.u32 s3, s0;
	s1 =	sshll.u32 s1, $0x11  }
0xbb: {  	s0 =	sor.u32 s1, s0  }
0xbc: {  	s0 =	sadd.s32 $0x8F2B, s0  }
0xbd: {  	[sflag:s0] =	ssyncadd.remote.s32 $0x1  }
0xbe: {  	_ =	sfence.sel $0xFFFF  }
0xbf: {  	[dreg:$0x0] =	wrdreg $0xFFFFFFFF;
	(pc) =	sbr.abs _section_cstart, $3  }
0xc0: {  	[dreg:$0x1] =	wrdreg $0xFFFFFFFF  }
0xc1: {  	_ =	task.clear_ibuf [dreg:s7], $0x2FFFF;
	_ =	strace $0x9FFFFFFF  }
0xc2: {  	(tm) =	ssettm $0x7FFFFFFF  }
0xc3: {  	_ =	shalt  }
tec
execute0_lowered:
.L_overlay_start_1:
0x0: {  	(tag) =	ssettag $0x1  }
0x1: {  	s0 =	rddreg [dreg:$0x0]  }
0x2: {  	s7 =	rddreg [dreg:$0x1];
	s3 =	simm.s32 $0x0  }
0x3: {  	[smem:$0x7FF] =	sst s3;
	s18 =	sadd.s32 $0x1000, s7  }
0x4: {  	s19 =	sadd.s32 $0x2000, s7;
	_ =	strace $0x80000047;
	[dreg:$0x5] =	wrdreg s18  }
0x5: {  	s20 =	sadd.s32 $0x3000, s7;
	[dreg:$0x6] =	wrdreg s19  }
0x6: {  	s21 =	sadd.s32 $0x4000, s7;
	[dreg:$0x7] =	wrdreg s20  }
0x7: {  	s22 =	sadd.s32 $0x5000, s7;
	[dreg:$0x8] =	wrdreg s21  }
0x8: {  	s23 =	sadd.s32 $0x6000, s7;
	[dreg:$0x9] =	wrdreg s22  }
0x9: {  	s24 =	sadd.s32 $0x7000, s7;
	[dreg:$0xa] =	wrdreg s23  }
0xa: {  	s25 =	sadd.s32 $0x8000, s7;
	[dreg:$0xb] =	wrdreg s24  }
0xb: {  	s1 =	srdreg.scid;
	s26 =	sadd.s32 $0x9000, s7;
	[dreg:$0xc] =	wrdreg s25  }
0xc: {  	s2 =	stileid.u32;
	s8 =	sadd.s32 $0xD000, s7;
	[dreg:$0xd] =	wrdreg s26  }
0xd: {  	s28 =	simm.s32 $0x121A0;
	s9 =	sadd.s32 $0xE000, s7;
	[dreg:$0x11] =	wrdreg s8  }
0xe: {  	s29 =	simm.s32 $0x12228;
	s10 =	sadd.s32 $0xF000, s7;
	[dreg:$0x12] =	wrdreg s9  }
0xf: {  	s30 =	simm.s32 $0x122B0;
	s11 =	sadd.s32 $0x10000, s7;
	[dreg:$0x13] =	wrdreg s10  }
0x10: {  	s31 =	simm.s32 $0x12338;
	s12 =	sadd.s32 $0x11000, s7;
	[dreg:$0x14] =	wrdreg s11  }
0x11: {  	s1 =	sand.u32 $0x1, s1;
	s13 =	sadd.s32 $0x12000, s7;
	[dreg:$0x15] =	wrdreg s12  }
0x12: {  	s2 =	sshll.u32 s2, $0x1;
	s14 =	sadd.s32 $0x13000, s7;
	[dreg:$0x16] =	wrdreg s13  }
0x13: {  	s2 =	sor.u32 s1, s2;
	s1 =	ssub.s32 $0x2, s1;
	[dreg:$0x18] =	wrdreg s14  }
0x14: {  	s18 =	sadd.s32 $0x17000, s7;
	s19 =	sadd.s32 $0x18000, s7;
	s20 =	sadd.s32 $0x19000, s7  }
0x15: {  	s21 =	sadd.s32 $0x1A000, s7;
	s22 =	sadd.s32 $0x1B000, s7;
	[dreg:$0x1c] =	wrdreg s18  }
0x16: {  	s23 =	sadd.s32 $0x1C000, s7;
	s24 =	sadd.s32 $0x1D000, s7;
	[dreg:$0x1d] =	wrdreg s19  }
0x17: {  	s25 =	sadd.s32 $0x1E000, s7;
	s26 =	sadd.s32 $0x1F000, s7;
	[dreg:$0x1e] =	wrdreg s20  }
0x18: {  	s9 =	simm.s32 $0x1;
	s10 =	simm.s32 $0xE400;
	[dreg:$0x1f] =	wrdreg s21  }
0x19: {  	s8 =	simm.s32 $0x12778;
	s11 =	simm.s32 $0x3;
	[smem:$0x7F9] =	sst s22  }
0x1a: {  	s12 =	simm.s32 $0x5;
	s13 =	simm.s32 $0x4;
	[smem:$0x7FA] =	sst s23  }
0x1b: {  	s4 =	sshll.u32 s2, $0x4;
	s6 =	sshrl.u32 s1, $0x1;
	[smem:$0x7FB] =	sst s24  }
0x1c: {  	s17 =	sshll.u32 s2, $0x7;
	s2 =	sadd.s32 $0xA000, s7;
	[smem:$0x7FC] =	sst s25  }
0x1d: {  	[smem:$0x7FD] =	sst s26;
	s26 =	simm.s32 $0xE488;
	s20 =	simm.s32 $0x2  }
0x1e: {  	s21 =	simm.s32 $0x6;
	s22 =	simm.s32 $0x10600;
	[dreg:$0x4] =	wrdreg s17  }
0x1f: {  	s15 =	ssub.s32 s1, s6;
	[dreg:$0xe] =	wrdreg s2;
	s6 =	sadd.s32 $0xC000, s7  }
0x20: {  	s5 =	sadd.s32 s4, s0;
	s17 =	sadd.s32 $0x16000, s7;
	[dreg:$0x10] =	wrdreg s6  }
0x21: {  	s25 =	simm.s32 $0x12558;
	s16 =	sadd.s32 $0x600, s5;
	[dreg:$0x1b] =	wrdreg s17  }
0x22: {  	s4 =	sadd.s32 $0xF42A00, s0;
	s5 =	sadd.s32 $0xB000, s7;
	[dreg:$0x3] =	wrdreg s16  }
.Ltmp0:
0x23: {  	s0 =	smax.u32 s15, $0x1;
	[dreg:$0xf] =	wrdreg s5;
	(pc) =	sbr.rel .LBB2_1-.Ltmp0, $4  }
0x24: {  	v0 =	vlaneseq.u32;
	s1 =	simm.s32 $0x123C0;
	s15 =	sadd.s32 $0x14000, s7;
	[dreg:$0x17] =	wrdreg s0  }
0x25: {  	v0 =	vmul.u32 $0x88, v0;
	s2 =	simm.s32 $0x125E0;
	s6 =	simm.s32 $0x12668;
	[dreg:$0x19] =	wrdreg s15  }
0x26: {  	s16 =	sadd.s32 $0x15000, s7;
	s0 =	simm.s32 $0x12448;
	s5 =	simm.s32 $0x124D0  }
0x27: {  	v1 =	vadd.s32 $0x880, v0;
	v2 =	vadd.s32 $0x1100, v0;
	v3 =	vadd.s32 $0x1980, v0;
	s7 =	simm.s32 $0x126F0;
	s15 =	simm.s32 $0x0;
	[dreg:$0x1a] =	wrdreg s16  }
.LBB2_16:
0x28: {  	_ =	swait.ge [sflag:s12], $0x400  }
0x29: {  	[sflag:s12] =	ssyncset.done $0x0  }
0x2a: {  	[sflag:s12] =	ssyncadd.s32 $0xFFFFFC00  }
0x2b: {  	_ =	swait.ge [sflag:s12], $0x400  }
0x2c: {  	[sflag:s12] =	ssyncset.done $0x0  }
0x2d: {  	[sflag:s12] =	ssyncadd.s32 $0xFFFFFC00  }
0x2e: {  	_ =	swait.ge [sflag:s12], $0x400  }
0x2f: {  	[sflag:s12] =	ssyncset.done $0x0  }
0x30: {  	[sflag:s12] =	ssyncadd.s32 $0xFFFFFC00  }
0x31: {  	_ =	swait.ge [sflag:s12], $0x400  }
0x32: {  	[sflag:s12] =	ssyncset.done $0x0  }
0x33: {  	[sflag:s12] =	ssyncadd.s32 $0xFFFFFC00  }
0x34: {  	_ =	swait.ge [sflag:s12], $0x400  }
0x35: {  	[sflag:s12] =	ssyncset.done $0x0  }
0x36: {  	[sflag:s12] =	ssyncadd.s32 $0xFFFFFC00  }
0x37: {  	_ =	swait.ge [sflag:s12], $0x400  }
0x38: {  	[sflag:s12] =	ssyncset.done $0x0  }
0x39: {  	[sflag:s12] =	ssyncadd.s32 $0xFFFFFC00  }
0x3a: {  	_ =	swait.ge [sflag:s12], $0x400  }
0x3b: {  	[sflag:s12] =	ssyncset.done $0x0  }
0x3c: {  	[sflag:s12] =	ssyncadd.s32 $0xFFFFFC00  }
0x3d: {  	_ =	swait.ge [sflag:s12], $0x400  }
0x3e: {  	[sflag:s12] =	ssyncset.done $0x0  }
0x3f: {  	[sflag:s12] =	ssyncadd.s32 $0xFFFFFC00  }
0x40: {  	_ =	swait.ge [sflag:s21], $0x400  }
0x41: {  	[sflag:s21] =	ssyncset.done $0x0  }
0x42: {  	[sflag:s21] =	ssyncadd.s32 $0xFFFFFC00  }
0x43: {  	_ =	swait.ge [sflag:s21], $0x400  }
0x44: {  	[sflag:s21] =	ssyncset.done $0x0  }
0x45: {  	[sflag:s21] =	ssyncadd.s32 $0xFFFFFC00  }
0x46: {  	_ =	swait.ge [sflag:s21], $0x400  }
0x47: {  	[sflag:s21] =	ssyncset.done $0x0  }
0x48: {  	[sflag:s21] =	ssyncadd.s32 $0xFFFFFC00  }
0x49: {  	_ =	swait.ge [sflag:s21], $0x400  }
0x4a: {  	[sflag:s21] =	ssyncset.done $0x0  }
0x4b: {  	[sflag:s21] =	ssyncadd.s32 $0xFFFFFC00  }
0x4c: {  	_ =	swait.ge [sflag:s21], $0x400  }
0x4d: {  	[sflag:s21] =	ssyncset.done $0x0  }
0x4e: {  	[sflag:s21] =	ssyncadd.s32 $0xFFFFFC00  }
0x4f: {  	_ =	swait.ge [sflag:s21], $0x400  }
0x50: {  	[sflag:s21] =	ssyncset.done $0x0  }
0x51: {  	[sflag:s21] =	ssyncadd.s32 $0xFFFFFC00  }
0x52: {  	_ =	swait.ge [sflag:s21], $0x400  }
0x53: {  	[sflag:s21] =	ssyncset.done $0x0  }
0x54: {  	[sflag:s21] =	ssyncadd.s32 $0xFFFFFC00  }
0x55: {  	_ =	swait.ge [sflag:s21], $0x400  }
0x56: {  	s15 =	sld [smem:$0x7F8];
	_ =	sdelay $0x2  }
0x57: {  	s14 =	rddreg [dreg:$0x17];
	s15 =	sadd.s32 $0x1, s15  }
0x58: {  	p0 =	sne.s32 s15, s14  }
.Ltmp1:
0x59: {  	_ = 	snop;
	(pc) =	sbr.rel @!p0 .LBB2_17-.Ltmp1, $3  }
0x5a: {  	_ =	sdelay $0x1  }
0x5b: {  	[sflag:s21] =	ssyncset.done $0x0  }
0x5c: {  	[sflag:s21] =	ssyncadd.s32 $0xFFFFFC00  }
.LBB2_1:
0x5d: {  	[smem:$0x7F8] =	sst s15  }
0x5e: {  	s14 =	rddreg [dreg:$0x3]  }
0x5f: {  	s15 =	simm.s32 $0x80;
	s16 =	simm.s32 $0x1000;
	s24 =	simm.s32 $0x7  }
0x60: {  	[tilespmem:s3], [sflag:$0x7] =	stream.strided.gather [hbm4b:s14+s15], $0x6400, s16, s15, $0x38;
	[tilespmem:$0x12800] =	vst v63  }
0x61: {  	_ =	swait.ge [sflag:s24], $0x6400  }
0x62: {  	[sflag:s24] =	ssyncset.done $0x0  }
0x63: {  	s16 =	simm.s32 $0x6400;
	[sflag:s24] =	ssyncadd.s32 $0xFFFF9C00  }
0x64: {  	[tilespmem:s16], [sflag:$0x1] =	stream.indirect.gather [hbm4b:s4+s15], $0x40, s3, s15, $0xb8;
	[tilespmem:$0x12800] =	vst v63  }
0x65: {  	s17 =	simm.s32 $0x8400  }
0x66: {  	[tilespmem:s17], [sflag:$0x2] =	stream.indirect.gather [hbm4b:s4+s15], $0x40, s15, s15, $0xb8;
	[tilespmem:$0x12800] =	vst v63  }
0x67: {  	s18 =	simm.s32 $0x100;
	s19 =	simm.s32 $0xA400  }
0x68: {  	[tilespmem:s19], [sflag:$0x3] =	stream.indirect.gather [hbm4b:s4+s15], $0x40, s18, s15, $0xb8;
	[tilespmem:$0x12800] =	vst v63  }
0x69: {  	s23 =	simm.s32 $0x180;
	s14 =	simm.s32 $0x0;
	s24 =	simm.s32 $0xC400  }
0x6a: {  	[tilespmem:s24], [sflag:$0x4] =	stream.indirect.gather [hbm4b:s4+s15], $0x40, s23, s15, $0xb8;
	[tilespmem:$0x12800] =	vst v63  }
.LBB2_2:
0x6b: {  	_ =	swait.ge [sflag:s9], $0x2000  }
0x6c: {  	p0 =	seq.s32 s14, $0x0;
	[sflag:s9] =	ssyncset.done $0x0  }
0x6d: {  	s15 =	simm.s32 @!p0 $0x5;
	[sflag:s9] =	ssyncadd.s32 $0xFFFFE000  }
0x6e: {  	_ =	swait.ge @!p0 [sflag:s15], $0x400  }
0x6f: {  	[sflag:s15] =	ssyncset.done @!p0 $0x0  }
0x70: {  	[sflag:s15] =	ssyncadd.s32 @!p0 $0xFFFFFC00  }
0x71: {  	_ =	swait.ge @!p0 [sflag:s15], $0x400  }
0x72: {  	[sflag:s15] =	ssyncset.done @!p0 $0x0  }
0x73: {  	[sflag:s15] =	ssyncadd.s32 @!p0 $0xFFFFFC00  }
0x74: {  	_ =	swait.ge @!p0 [sflag:s15], $0x400  }
0x75: {  	[sflag:s15] =	ssyncset.done @!p0 $0x0  }
0x76: {  	[sflag:s15] =	ssyncadd.s32 @!p0 $0xFFFFFC00  }
0x77: {  	_ =	swait.ge @!p0 [sflag:s15], $0x400  }
0x78: {  	[sflag:s15] =	ssyncset.done @!p0 $0x0  }
0x79: {  	[sflag:s15] =	ssyncadd.s32 @!p0 $0xFFFFFC00  }
0x7a: {  	_ =	swait.ge @!p0 [sflag:s15], $0x400  }
0x7b: {  	[sflag:s15] =	ssyncset.done @!p0 $0x0  }
0x7c: {  	[sflag:s15] =	ssyncadd.s32 @!p0 $0xFFFFFC00  }
0x7d: {  	_ =	swait.ge @!p0 [sflag:s15], $0x400  }
0x7e: {  	[sflag:s15] =	ssyncset.done @!p0 $0x0  }
0x7f: {  	[sflag:s15] =	ssyncadd.s32 @!p0 $0xFFFFFC00  }
0x80: {  	_ =	swait.ge @!p0 [sflag:s15], $0x400  }
0x81: {  	[sflag:s15] =	ssyncset.done @!p0 $0x0  }
0x82: {  	[sflag:s15] =	ssyncadd.s32 @!p0 $0xFFFFFC00  }
0x83: {  	_ =	swait.ge @!p0 [sflag:s15], $0x400  }
0x84: {  	[sflag:s15] =	ssyncset.done @!p0 $0x0  }
0x85: {  	s16 =	simm.s32 $0x3;
	[sflag:s15] =	ssyncadd.s32 @!p0 $0xFFFFFC00;
	s15 =	simm.s32 $0x6480  }
0x86: {  	v4 =	vmov s16;
	v5 =	vld [tilespmem:s15+$0x40]  }
0x87: {  	v9 =	vand.u32 $0x7F, v4  }
0x88: {  	s17 =	simm.s32 $0x0;
	v4 =	vadd.s32 v0, v9  }
0x89: {  	s18 =	simm.s32 $0x1;
	v6 =	vmov s17;
	s17 =	simm.s32 $0x2;
	v7 =	vld [tilespmem:s15+$0xFFFFFF80]  }
0x8a: {  	v8 =	vand.u32 $0x7C, v6;
	v6 =	vmov s18;
	v11 =	vmov s17;
	v10 =	vld [tilespmem:s15+$0xFFFFFFC0]  }
0x8b: {  	v12 =	vadd.s32 v0, v8;
	v15 =	vand.u32 $0x7D, v6;
	v6 =	vld [tilespmem:s15+$0x0];
	v5 =	vmul.f32 $8.000000000e+00, v5  }
0x8c: {  	v17 =	vand.u32 $0x7E, v11;
	v13 =	vadd.s32 v0, v15  }
0x8d: {  	v11 =	vadd.s32 v0, v17;
	[tilespmem:v4+s10+$0x0] =	vst.idx.msk $0xffff, v5  }
0x8e: {  	v4 =	vmul.f32 $8.000000000e+00, v7;
	v5 =	vld [tilespmem:s15+$0x50]  }
0x8f: {  	v7 =	vmul.f32 $8.000000000e+00, v10  }
0x90: {  	[tilespmem:v12+s10+$0x0] =	vst.idx.msk $0xffff, v4;
	v4 =	vmul.f32 $8.000000000e+00, v6;
	v6 =	vadd.s32 v1, v9  }
0x91: {  	[tilespmem:v13+s10+$0x0] =	vst.idx.msk $0xffff, v7;
	v10 =	vld [tilespmem:s15+$0xFFFFFF90]  }
0x92: {  	v7 =	vld [tilespmem:s15+$0xFFFFFFD0];
	[tilespmem:v11+s10+$0x0] =	vst.idx.msk $0xffff, v4  }
0x93: {  	v11 =	vld [tilespmem:s15+$0x10];
	v4 =	vmul.f32 $8.000000000e+00, v5  }
0x94: {  	s19 =	simm.s32 $0x4;
	s16 =	simm.s32 $0x6580;
	s18 =	simm.s32 $0x7;
	v12 =	vadd.s32 v1, v15  }
0x95: {  	v14 =	vld [tilespmem:s16+$0x40];
	v13 =	vadd.s32 v1, v17;
	v5 =	vmov s19;
	[tilespmem:v6+s10+$0x0] =	vst.idx.msk $0xffff, v4;
	v6 =	vmov s18  }
0x96: {  	v16 =	vadd.s32 v1, v8;
	v4 =	vand.u32 $0x7C, v5;
	v5 =	vand.u32 $0x7F, v6;
	v18 =	vld [tilespmem:s15+$0x60]  }
0x97: {  	s23 =	simm.s32 $0x5;
	v22 =	vadd.s32 v2, v9;
	v19 =	vld [tilespmem:s16+$0xFFFFFF80];
	v6 =	vmul.f32 $8.000000000e+00, v7;
	v20 =	vadd.s32 v0, v5  }
0x98: {  	s24 =	simm.s32 $0x6;
	v21 =	vld [tilespmem:s16+$0xFFFFFFC0];
	v10 =	vmul.f32 $8.000000000e+00, v10;
	v7 =	vmul.f32 $8.000000000e+00, v11;
	v11 =	vmov s23  }
0x99: {  	v23 =	vadd.s32 v0, v4;
	[tilespmem:v12+s10+$0x0] =	vst.idx.msk $0xffff, v6;
	v12 =	vmov s24;
	v6 =	vand.u32 $0x7D, v11;
	v11 =	vld [tilespmem:s16+$0x0]  }
0x9a: {  	[tilespmem:v13+s10+$0x0] =	vst.idx.msk $0xffff, v7;
	v13 =	vadd.s32 v0, v6;
	v7 =	vand.u32 $0x7E, v12;
	v12 =	vmul.f32 $8.000000000e+00, v14;
	v14 =	vld [tilespmem:s15+$0xFFFFFFE0]  }
0x9b: {  	[tilespmem:v16+s10+$0x0] =	vst.idx.msk $0xffff, v10;
	v10 =	vadd.s32 v0, v7;
	v16 =	vld [tilespmem:s15+$0x20];
	v18 =	vmul.f32 $8.000000000e+00, v18  }
0x9c: {  	v19 =	vmul.f32 $8.000000000e+00, v19;
	[tilespmem:v20+s10+$0x0] =	vst.idx.msk $0xffff, v12;
	v12 =	vld [tilespmem:s15+$0xFFFFFFA0];
	v20 =	vadd.s32 v2, v15  }
0x9d: {  	v25 =	vadd.s32 v2, v17;
	v21 =	vmul.f32 $8.000000000e+00, v21;
	v24 =	vld [tilespmem:s16+$0x50];
	[tilespmem:v22+s10+$0x0] =	vst.idx.msk $0xffff, v18  }
0x9e: {  	[tilespmem:v23+s10+$0x0] =	vst.idx.msk $0xffff, v19;
	v19 =	vadd.s32 v2, v8;
	v11 =	vmul.f32 $8.000000000e+00, v11;
	v22 =	vld [tilespmem:s15+$0x70]  }
0x9f: {  	v23 =	vld [tilespmem:s16+$0xFFFFFF90];
	[tilespmem:v13+s10+$0x0] =	vst.idx.msk $0xffff, v21;
	v21 =	vadd.s32 v1, v5;
	v14 =	vmul.f32 $8.000000000e+00, v14  }
0xa0: {  	v27 =	vadd.s32 v3, v9;
	v26 =	vld [tilespmem:s16+$0xFFFFFFD0];
	[tilespmem:v10+s10+$0x0] =	vst.idx.msk $0xffff, v11;
	v10 =	vmul.f32 $8.000000000e+00, v16  }
0xa1: {  	v18 =	vadd.s32 v1, v4;
	v13 =	vld [tilespmem:s16+$0x10];
	v9 =	vmul.f32 $8.000000000e+00, v12;
	[tilespmem:v20+s10+$0x0] =	vst.idx.msk $0xffff, v14  }
0xa2: {  	s18 =	simm.s32 $0x8;
	v16 =	vadd.s32 v1, v6;
	[tilespmem:v25+s10+$0x0] =	vst.idx.msk $0xffff, v10;
	v14 =	vmul.f32 $8.000000000e+00, v24;
	v12 =	vld [tilespmem:s15+$0xFFFFFFF0]  }
0xa3: {  	v20 =	vmov s18;
	v10 =	vadd.s32 v1, v7;
	v11 =	vld [tilespmem:s15+$0x30];
	[tilespmem:v19+s10+$0x0] =	vst.idx.msk $0xffff, v9;
	v63 =	vmul.f32 $8.000000000e+00, v22  }
0xa4: {  	s17 =	simm.s32 $0x6680;
	s19 =	simm.s32 $0xB;
	v15 =	vadd.s32 v3, v15;
	v9 =	vand.u32 $0x7C, v20;
	v20 =	vmul.f32 $8.000000000e+00, v23;
	[tilespmem:v21+s10+$0x0] =	vst.idx.msk $0xffff, v14;
	v14 =	vld [tilespmem:s15+$0xFFFFFFB0]  }
0xa5: {  	v17 =	vadd.s32 v3, v17;
	v22 =	vmov s19;
	v19 =	vld [tilespmem:s17+$0x40];
	s19 =	simm.s32 $0xC;
	s15 =	sshll.u32 s14, $0xB;
	v21 =	vmul.f32 $8.000000000e+00, v26;
	[tilespmem:v27+s10+$0x0] =	vst.idx.msk $0xffff, v63  }
.LBB2_3:
0xa6: {  	p1 =	slt.u32 s19, $0x7C;
	s23 =	sadd.s32 $0x1, s18;
	v22 =	vand.u32 $0x7F, v22;
	[tilespmem:v18+s10+$0x0] =	vst.idx.msk $0xffff, v20;
	v13 =	vmul.f32 $8.000000000e+00, v13;
	v18 =	vld [tilespmem:s16+$0x60];
	v20 =	vadd.s32 v3, v8;
	v8 =	vmovc v4  }
0xa7: {  	v4 =	vmovc v9;
	v23 =	vld [tilespmem:s17+$0xFFFFFF80];
	v24 =	vmov s23;
	s23 =	sadd.s32 $0x2, s18;
	v25 =	vadd.s32 v0, v22;
	[tilespmem:v16+s10+$0x0] =	vst.idx.msk $0xffff, v21;
	v12 =	vmul.f32 $8.000000000e+00, v12;
	s18 =	smov.u32 s19  }
0xa8: {  	v9 =	vld [tilespmem:s17+$0xFFFFFFC0];
	v16 =	vmov s23;
	[tilespmem:v10+s10+$0x0] =	vst.idx.msk $0xffff, v13;
	v10 =	vadd.s32 v2, v5;
	v11 =	vmul.f32 $8.000000000e+00, v11  }
0xa9: {  	v13 =	vadd.s32 v0, v4;
	v21 =	vand.u32 $0x7D, v24;
	v24 =	vld [tilespmem:s17+$0x0];
	v14 =	vmul.f32 $8.000000000e+00, v14;
	[tilespmem:v15+s10+$0x0] =	vst.idx.msk $0xffff, v12  }
0xaa: {  	v12 =	vadd.s32 v0, v21;
	v26 =	vand.u32 $0x7E, v16;
	v15 =	vmul.f32 $8.000000000e+00, v19;
	v16 =	vld [tilespmem:s16+$0xFFFFFFE0];
	[tilespmem:v17+s10+$0x0] =	vst.idx.msk $0xffff, v11  }
0xab: {  	v11 =	vadd.s32 v0, v26;
	v17 =	vld [tilespmem:s16+$0x20];
	v18 =	vmul.f32 $8.000000000e+00, v18;
	[tilespmem:v20+s10+$0x0] =	vst.idx.msk $0xffff, v14  }
0xac: {  	v19 =	vadd.s32 v2, v6;
	v14 =	vmul.f32 $8.000000000e+00, v23;
	[tilespmem:v25+s10+$0x0] =	vst.idx.msk $0xffff, v15;
	v15 =	vld [tilespmem:s16+$0xFFFFFFA0]  }
0xad: {  	v23 =	vadd.s32 v2, v7;
	v9 =	vmul.f32 $8.000000000e+00, v9;
	v20 =	vld [tilespmem:s17+$0x50];
	[tilespmem:v10+s10+$0x0] =	vst.idx.msk $0xffff, v18  }
0xae: {  	[tilespmem:v13+s10+$0x0] =	vst.idx.msk $0xffff, v14;
	v10 =	vmul.f32 $8.000000000e+00, v24;
	v14 =	vadd.s32 v2, v8;
	v24 =	vld [tilespmem:s16+$0x70]  }
0xaf: {  	v27 =	vadd.s32 v1, v22;
	v25 =	vld [tilespmem:s17+$0xFFFFFF90];
	[tilespmem:v12+s10+$0x0] =	vst.idx.msk $0xffff, v9;
	v9 =	vmul.f32 $8.000000000e+00, v16  }
0xb0: {  	v29 =	vadd.s32 v3, v5;
	v5 =	vmov v22;
	v28 =	vld [tilespmem:s17+$0xFFFFFFD0];
	[tilespmem:v11+s10+$0x0] =	vst.idx.msk $0xffff, v10;
	v10 =	vmul.f32 $8.000000000e+00, v17  }
.Ltmp2:
0xb1: {  	v18 =	vadd.s32 v1, v4;
	v13 =	vld [tilespmem:s17+$0x10];
	v11 =	vmul.f32 $8.000000000e+00, v15;
	[tilespmem:v19+s10+$0x0] =	vst.idx.msk $0xffff, v9;
	(pc) =	sbr.rel @p1 .LBB2_3-.Ltmp2, $4  }
0xb2: {  	v16 =	vadd.s32 v1, v21;
	v15 =	vmul.f32 $8.000000000e+00, v20;
	v12 =	vld [tilespmem:s16+$0xFFFFFFF0];
	[tilespmem:v23+s10+$0x0] =	vst.idx.msk $0xffff, v10  }
0xb3: {  	v9 =	vmov s19;
	v10 =	vadd.s32 v1, v26;
	[tilespmem:v14+s10+$0x0] =	vst.idx.msk $0xffff, v11;
	v11 =	vld [tilespmem:s16+$0x30];
	v23 =	vmul.f32 $8.000000000e+00, v24  }
0xb4: {  	s23 =	sadd.s32 $0x3, s19;
	v9 =	vand.u32 $0x7C, v9;
	v20 =	vmul.f32 $8.000000000e+00, v25;
	[tilespmem:v27+s10+$0x0] =	vst.idx.msk $0xffff, v15;
	v14 =	vld [tilespmem:s16+$0xFFFFFFB0];
	v15 =	vadd.s32 v3, v6;
	v6 =	vmovc v21;
	s16 =	smov.u32 s17;
	s17 =	sadd.s32 $0x100, s17  }
0xb5: {  	v22 =	vmov s23;
	v17 =	vadd.s32 v3, v7;
	v7 =	vmovc v26;
	s19 =	sadd.s32 $0x4, s19;
	v19 =	vld [tilespmem:s17+$0x40];
	v21 =	vmul.f32 $8.000000000e+00, v28;
	[tilespmem:v29+s10+$0x0] =	vst.idx.msk $0xffff, v23  }
0xb6: {  	s19 =	sadd.s32 $0x1, s18  }
0xb7: {  	v22 =	vand.u32 $0x7F, v22;
	s24 =	sadd.s32 $0x2, s18;
	v24 =	vld [tilespmem:s17+$0xFFFFFFC0];
	v23 =	vmov s19  }
0xb8: {  	v27 =	vld [tilespmem:s17+$0x0];
	v25 =	vadd.s32 v0, v22;
	v26 =	vmov s24;
	v23 =	vand.u32 $0x7D, v23  }
0xb9: {  	v26 =	vand.u32 $0x7E, v26;
	v29 =	vadd.s32 v0, v23  }
0xba: {  	v30 =	vadd.s32 v0, v26  }
0xbb: {  	v28 =	vld [tilespmem:s17+$0xFFFFFF80];
	[tilespmem:v18+s10+$0x0] =	vst.idx.msk $0xffff, v20;
	v19 =	vmul.f32 $8.000000000e+00, v19  }
0xbc: {  	[tilespmem:v16+s10+$0x0] =	vst.idx.msk $0xffff, v21;
	v52 =	vmul.f32 $8.000000000e+00, v24  }
0xbd: {  	v51 =	vadd.s32 v0, v9;
	v53 =	vmul.f32 $8.000000000e+00, v27;
	[tilespmem:v25+s10+$0x0] =	vst.idx.msk $0xffff, v19  }
0xbe: {  	v13 =	vmul.f32 $8.000000000e+00, v13;
	v55 =	vld [tilespmem:s17+$0x50];
	[tilespmem:v29+s10+$0x0] =	vst.idx.msk $0xffff, v52  }
0xbf: {  	v8 =	vadd.s32 v3, v8;
	v12 =	vmul.f32 $8.000000000e+00, v12;
	[tilespmem:v30+s10+$0x0] =	vst.idx.msk $0xffff, v53;
	v56 =	vld [tilespmem:s17+$0xFFFFFFD0]  }
0xc0: {  	v57 =	vadd.s32 v1, v22;
	[tilespmem:v10+s10+$0x0] =	vst.idx.msk $0xffff, v13;
	v54 =	vmul.f32 $8.000000000e+00, v28;
	v19 =	vld [tilespmem:s17+$0x10]  }
0xc1: {  	v32 =	vld [tilespmem:s16+$0xFFFFFFA0];
	v58 =	vmul.f32 $8.000000000e+00, v11;
	v60 =	vadd.s32 v1, v23;
	[tilespmem:v15+s10+$0x0] =	vst.idx.msk $0xffff, v12  }
0xc2: {  	v61 =	vld [tilespmem:s16+$0x60];
	v14 =	vmul.f32 $8.000000000e+00, v14;
	v62 =	vadd.s32 v1, v26;
	[tilespmem:v51+s10+$0x0] =	vst.idx.msk $0xffff, v54  }
0xc3: {  	v38 =	vadd.s32 v2, v4;
	[tilespmem:v17+s10+$0x0] =	vst.idx.msk $0xffff, v58;
	v59 =	vld [tilespmem:s17+$0xFFFFFF90];
	v16 =	vmul.f32 $8.000000000e+00, v55  }
0xc4: {  	[tilespmem:v8+s10+$0x0] =	vst.idx.msk $0xffff, v14;
	v29 =	vadd.s32 v2, v5;
	v30 =	vld [tilespmem:s16+$0x20];
	v31 =	vmul.f32 $8.000000000e+00, v56  }
0xc5: {  	v63 =	vld [tilespmem:s16+$0xFFFFFFE0];
	v28 =	vadd.s32 v1, v9;
	[tilespmem:v57+s10+$0x0] =	vst.idx.msk $0xffff, v16;
	v34 =	vmul.f32 $8.000000000e+00, v19  }
0xc6: {  	v35 =	vadd.s32 v2, v7;
	v14 =	vmul.f32 $8.000000000e+00, v32;
	v36 =	vld [tilespmem:s17+$0x60];
	[tilespmem:v60+s10+$0x0] =	vst.idx.msk $0xffff, v31  }
0xc7: {  	v33 =	vadd.s32 v2, v6;
	v37 =	vmul.f32 $8.000000000e+00, v61;
	[tilespmem:v62+s10+$0x0] =	vst.idx.msk $0xffff, v34;
	v39 =	vld [tilespmem:s17+$0xFFFFFFE0]  }
0xc8: {  	v40 =	vadd.s32 v2, v22;
	[tilespmem:v38+s10+$0x0] =	vst.idx.msk $0xffff, v14;
	v11 =	vmul.f32 $8.000000000e+00, v59;
	v41 =	vld [tilespmem:s17+$0x20]  }
0xc9: {  	v44 =	vadd.s32 v2, v23;
	v14 =	vld [tilespmem:s16+$0xFFFFFFB0];
	[tilespmem:v29+s10+$0x0] =	vst.idx.msk $0xffff, v37;
	v42 =	vmul.f32 $8.000000000e+00, v30  }
0xca: {  	v46 =	vadd.s32 v2, v26;
	v15 =	vmul.f32 $8.000000000e+00, v63;
	v45 =	vld [tilespmem:s16+$0x70];
	[tilespmem:v28+s10+$0x0] =	vst.idx.msk $0xffff, v11  }
0xcb: {  	v4 =	vadd.s32 v3, v4;
	[tilespmem:v35+s10+$0x0] =	vst.idx.msk $0xffff, v42;
	v43 =	vld [tilespmem:s17+$0xFFFFFFA0];
	v47 =	vmul.f32 $8.000000000e+00, v36  }
0xcc: {  	v5 =	vadd.s32 v3, v5;
	[tilespmem:v33+s10+$0x0] =	vst.idx.msk $0xffff, v15;
	v49 =	vld [tilespmem:s16+$0x30];
	v12 =	vmul.f32 $8.000000000e+00, v39  }
0xcd: {  	v48 =	vadd.s32 v2, v9;
	v21 =	vld [tilespmem:s16+$0xFFFFFFF0];
	[tilespmem:v40+s10+$0x0] =	vst.idx.msk $0xffff, v47;
	v51 =	vmul.f32 $8.000000000e+00, v41  }
0xce: {  	v52 =	vadd.s32 v3, v7;
	v14 =	vmul.f32 $8.000000000e+00, v14;
	v10 =	vld [tilespmem:s17+$0x70];
	[tilespmem:v44+s10+$0x0] =	vst.idx.msk $0xffff, v12  }
0xcf: {  	v50 =	vadd.s32 v3, v6;
	v54 =	vmul.f32 $8.000000000e+00, v45;
	[tilespmem:v46+s10+$0x0] =	vst.idx.msk $0xffff, v51;
	v55 =	vld [tilespmem:s17+$0xFFFFFFF0]  }
0xd0: {  	v57 =	vadd.s32 v3, v22;
	[tilespmem:v4+s10+$0x0] =	vst.idx.msk $0xffff, v14;
	v53 =	vmul.f32 $8.000000000e+00, v43;
	v58 =	vld [tilespmem:s17+$0x30]  }
0xd1: {  	v60 =	vadd.s32 v3, v23;
	[tilespmem:v5+s10+$0x0] =	vst.idx.msk $0xffff, v54;
	v5 =	vmul.f32 $8.000000000e+00, v49  }
0xd2: {  	v61 =	vadd.s32 v3, v26;
	v56 =	vmul.f32 $8.000000000e+00, v21;
	[tilespmem:v48+s10+$0x0] =	vst.idx.msk $0xffff, v53  }
0xd3: {  	[tilespmem:v52+s10+$0x0] =	vst.idx.msk $0xffff, v5;
	v59 =	vld [tilespmem:s17+$0xFFFFFFB0];
	v5 =	vmul.f32 $8.000000000e+00, v10  }
0xd4: {  	[tilespmem:v50+s10+$0x0] =	vst.idx.msk $0xffff, v56;
	v4 =	vmul.f32 $8.000000000e+00, v55  }
0xd5: {  	v62 =	vadd.s32 v3, v9;
	[tilespmem:v57+s10+$0x0] =	vst.idx.msk $0xffff, v5;
	v5 =	vmul.f32 $8.000000000e+00, v58  }
0xd6: {  	[tilespmem:v60+s10+$0x0] =	vst.idx.msk $0xffff, v4  }
0xd7: {  	[tilespmem:v61+s10+$0x0] =	vst.idx.msk $0xffff, v5  }
0xd8: {  	s18 =	sshll.u32 s14, $0x11;
	v63 =	vmul.f32 $8.000000000e+00, v59;
	s19 =	rddreg [dreg:$0x4]  }
0xd9: {  	s23 =	rddreg [dreg:$0x1];
	s16 =	sor.u32 s19, s18  }
0xda: {  	[tilespmem:v62+s10+$0x0] =	vst.idx.msk $0xffff, v63;
	s17 =	sadd.s32 s23, s16  }
0xdb: {  	[hbm4b:s17+s3] =	stream.linear.scatter [tilespmem:s10], [sflag:$0x5], $0x80, $0x38;
	[tilespmem:$0x12800] =	vst v63  }
0xdc: {  	s24 =	sadd.s32 $0x10, s17  }
0xdd: {  	[hbm4b:s24+s3] =	stream.linear.scatter [tilespmem:s26], [sflag:$0x5], $0x80, $0x38;
	[tilespmem:$0x12800] =	vst v63  }
0xde: {  	s23 =	simm.s32 $0xE510;
	s19 =	sadd.s32 $0x20, s17  }
0xdf: {  	[hbm4b:s19+s3] =	stream.linear.scatter [tilespmem:s23], [sflag:$0x5], $0x80, $0x38;
	[tilespmem:$0x12800] =	vst v63  }
0xe0: {  	s24 =	sadd.s32 $0x30, s17;
	s26 =	simm.s32 $0xE598  }
0xe1: {  	[hbm4b:s24+s3] =	stream.linear.scatter [tilespmem:s26], [sflag:$0x5], $0x80, $0x38;
	[tilespmem:$0x12800] =	vst v63  }
0xe2: {  	s19 =	sadd.s32 $0x40, s17;
	s23 =	simm.s32 $0xE620  }
0xe3: {  	[hbm4b:s19+s3] =	stream.linear.scatter [tilespmem:s23], [sflag:$0x5], $0x80, $0x38;
	[tilespmem:$0x12800] =	vst v63  }
0xe4: {  	s24 =	sadd.s32 $0x50, s17;
	s26 =	simm.s32 $0xE6A8  }
0xe5: {  	[hbm4b:s24+s3] =	stream.linear.scatter [tilespmem:s26], [sflag:$0x5], $0x80, $0x38;
	[tilespmem:$0x12800] =	vst v63  }
0xe6: {  	s23 =	sadd.s32 $0x60, s17;
	s24 =	simm.s32 $0xE730  }
0xe7: {  	[hbm4b:s23+s3] =	stream.linear.scatter [tilespmem:s24], [sflag:$0x5], $0x80, $0x38;
	[tilespmem:$0x12800] =	vst v63  }
0xe8: {  	s17 =	sadd.s32 $0x70, s17;
	s19 =	rddreg [dreg:$0x5];
	s26 =	simm.s32 $0xE7B8  }
0xe9: {  	[hbm4b:s17+s3] =	stream.linear.scatter [tilespmem:s26], [sflag:$0x5], $0x80, $0x38;
	[tilespmem:$0x12800] =	vst v63  }
0xea: {  	s23 =	simm.s32 $0xE840;
	s17 =	sadd.s32 s16, s19  }
0xeb: {  	[hbm4b:s17+s3] =	stream.linear.scatter [tilespmem:s23], [sflag:$0x5], $0x80, $0x38;
	[tilespmem:$0x12800] =	vst v63  }
0xec: {  	s26 =	simm.s32 $0xE8C8;
	s24 =	sadd.s32 $0x10, s17  }
0xed: {  	[hbm4b:s24+s3] =	stream.linear.scatter [tilespmem:s26], [sflag:$0x5], $0x80, $0x38;
	[tilespmem:$0x12800] =	vst v63  }
0xee: {  	s19 =	sadd.s32 $0x20, s17;
	s23 =	simm.s32 $0xE950  }
0xef: {  	[hbm4b:s19+s3] =	stream.linear.scatter [tilespmem:s23], [sflag:$0x5], $0x80, $0x38;
	[tilespmem:$0x12800] =	vst v63  }
0xf0: {  	s24 =	sadd.s32 $0x30, s17;
	s26 =	simm.s32 $0xE9D8  }
0xf1: {  	[hbm4b:s24+s3] =	stream.linear.scatter [tilespmem:s26], [sflag:$0x5], $0x80, $0x38;
	[tilespmem:$0x12800] =	vst v63  }
0xf2: {  	s19 =	sadd.s32 $0x40, s17;
	s23 =	simm.s32 $0xEA60  }
0xf3: {  	[hbm4b:s19+s3] =	stream.linear.scatter [tilespmem:s23], [sflag:$0x5], $0x80, $0x38;
	[tilespmem:$0x12800] =	vst v63  }
0xf4: {  	s24 =	sadd.s32 $0x50, s17;
	s26 =	simm.s32 $0xEAE8  }
0xf5: {  	[hbm4b:s24+s3] =	stream.linear.scatter [tilespmem:s26], [sflag:$0x5], $0x80, $0x38;
	[tilespmem:$0x12800] =	vst v63  }
0xf6: {  	s23 =	sadd.s32 $0x60, s17;
	s24 =	simm.s32 $0xEB70  }
0xf7: {  	[hbm4b:s23+s3] =	stream.linear.scatter [tilespmem:s24], [sflag:$0x5], $0x80, $0x38;
	[tilespmem:$0x12800] =	vst v63  }
0xf8: {  	s17 =	sadd.s32 $0x70, s17;
	s19 =	rddreg [dreg:$0x6];
	s26 =	simm.s32 $0xEBF8  }
0xf9: {  	[hbm4b:s17+s3] =	stream.linear.scatter [tilespmem:s26], [sflag:$0x5], $0x80, $0x38;
	[tilespmem:$0x12800] =	vst v63  }
0xfa: {  	s23 =	simm.s32 $0xEC80;
	s17 =	sadd.s32 s16, s19  }
0xfb: {  	[hbm4b:s17+s3] =	stream.linear.scatter [tilespmem:s23], [sflag:$0x5], $0x80, $0x38;
	[tilespmem:$0x12800] =	vst v63  }
0xfc: {  	s26 =	simm.s32 $0xED08;
	s24 =	sadd.s32 $0x10, s17  }
0xfd: {  	[hbm4b:s24+s3] =	stream.linear.scatter [tilespmem:s26], [sflag:$0x5], $0x80, $0x38;
	[tilespmem:$0x12800] =	vst v63  }
0xfe: {  	s19 =	sadd.s32 $0x20, s17;
	s23 =	simm.s32 $0xED90  }
0xff: {  	[hbm4b:s19+s3] =	stream.linear.scatter [tilespmem:s23], [sflag:$0x5], $0x80, $0x38;
	[tilespmem:$0x12800] =	vst v63  }
0x100: {  	s24 =	sadd.s32 $0x30, s17;
	s26 =	simm.s32 $0xEE18  }
0x101: {  	[hbm4b:s24+s3] =	stream.linear.scatter [tilespmem:s26], [sflag:$0x5], $0x80, $0x38;
	[tilespmem:$0x12800] =	vst v63  }
0x102: {  	s19 =	sadd.s32 $0x40, s17;
	s23 =	simm.s32 $0xEEA0  }
0x103: {  	[hbm4b:s19+s3] =	stream.linear.scatter [tilespmem:s23], [sflag:$0x5], $0x80, $0x38;
	[tilespmem:$0x12800] =	vst v63  }
0x104: {  	s24 =	sadd.s32 $0x50, s17;
	s26 =	simm.s32 $0xEF28  }
0x105: {  	[hbm4b:s24+s3] =	stream.linear.scatter [tilespmem:s26], [sflag:$0x5], $0x80, $0x38;
	[tilespmem:$0x12800] =	vst v63  }
0x106: {  	s23 =	sadd.s32 $0x60, s17;
	s24 =	simm.s32 $0xEFB0  }
0x107: {  	[hbm4b:s23+s3] =	stream.linear.scatter [tilespmem:s24], [sflag:$0x5], $0x80, $0x38;
	[tilespmem:$0x12800] =	vst v63  }
0x108: {  	s17 =	sadd.s32 $0x70, s17;
	s19 =	rddreg [dreg:$0x7];
	s26 =	simm.s32 $0xF038  }
0x109: {  	[hbm4b:s17+s3] =	stream.linear.scatter [tilespmem:s26], [sflag:$0x5], $0x80, $0x38;
	[tilespmem:$0x12800] =	vst v63  }
0x10a: {  	s23 =	simm.s32 $0xF0C0;
	s17 =	sadd.s32 s16, s19  }
0x10b: {  	[hbm4b:s17+s3] =	stream.linear.scatter [tilespmem:s23], [sflag:$0x5], $0x80, $0x38;
	[tilespmem:$0x12800] =	vst v63  }
0x10c: {  	s26 =	simm.s32 $0xF148;
	s24 =	sadd.s32 $0x10, s17  }
0x10d: {  	[hbm4b:s24+s3] =	stream.linear.scatter [tilespmem:s26], [sflag:$0x5], $0x80, $0x38;
	[tilespmem:$0x12800] =	vst v63  }
0x10e: {  	s19 =	sadd.s32 $0x20, s17;
	s23 =	simm.s32 $0xF1D0  }
0x10f: {  	[hbm4b:s19+s3] =	stream.linear.scatter [tilespmem:s23], [sflag:$0x5], $0x80, $0x38;
	[tilespmem:$0x12800] =	vst v63  }
0x110: {  	s24 =	sadd.s32 $0x30, s17;
	s26 =	simm.s32 $0xF258  }
0x111: {  	[hbm4b:s24+s3] =	stream.linear.scatter [tilespmem:s26], [sflag:$0x5], $0x80, $0x38;
	[tilespmem:$0x12800] =	vst v63  }
0x112: {  	s19 =	sadd.s32 $0x40, s17;
	s23 =	simm.s32 $0xF2E0  }
0x113: {  	[hbm4b:s19+s3] =	stream.linear.scatter [tilespmem:s23], [sflag:$0x5], $0x80, $0x38;
	[tilespmem:$0x12800] =	vst v63  }
0x114: {  	s24 =	sadd.s32 $0x50, s17;
	s26 =	simm.s32 $0xF368  }
0x115: {  	[hbm4b:s24+s3] =	stream.linear.scatter [tilespmem:s26], [sflag:$0x5], $0x80, $0x38;
	[tilespmem:$0x12800] =	vst v63  }
0x116: {  	s23 =	sadd.s32 $0x60, s17;
	s24 =	simm.s32 $0xF3F0  }
0x117: {  	[hbm4b:s23+s3] =	stream.linear.scatter [tilespmem:s24], [sflag:$0x5], $0x80, $0x38;
	[tilespmem:$0x12800] =	vst v63  }
0x118: {  	s17 =	sadd.s32 $0x70, s17;
	s19 =	rddreg [dreg:$0x8];
	s26 =	simm.s32 $0xF478  }
0x119: {  	[hbm4b:s17+s3] =	stream.linear.scatter [tilespmem:s26], [sflag:$0x5], $0x80, $0x38;
	[tilespmem:$0x12800] =	vst v63  }
0x11a: {  	s23 =	simm.s32 $0xF500;
	s17 =	sadd.s32 s16, s19  }
0x11b: {  	[hbm4b:s17+s3] =	stream.linear.scatter [tilespmem:s23], [sflag:$0x5], $0x80, $0x38;
	[tilespmem:$0x12800] =	vst v63  }
0x11c: {  	s26 =	simm.s32 $0xF588;
	s24 =	sadd.s32 $0x10, s17  }
0x11d: {  	[hbm4b:s24+s3] =	stream.linear.scatter [tilespmem:s26], [sflag:$0x5], $0x80, $0x38;
	[tilespmem:$0x12800] =	vst v63  }
0x11e: {  	s19 =	sadd.s32 $0x20, s17;
	s23 =	simm.s32 $0xF610  }
0x11f: {  	[hbm4b:s19+s3] =	stream.linear.scatter [tilespmem:s23], [sflag:$0x5], $0x80, $0x38;
	[tilespmem:$0x12800] =	vst v63  }
0x120: {  	s24 =	sadd.s32 $0x30, s17;
	s26 =	simm.s32 $0xF698  }
0x121: {  	[hbm4b:s24+s3] =	stream.linear.scatter [tilespmem:s26], [sflag:$0x5], $0x80, $0x38;
	[tilespmem:$0x12800] =	vst v63  }
0x122: {  	s19 =	sadd.s32 $0x40, s17;
	s23 =	simm.s32 $0xF720  }
0x123: {  	[hbm4b:s19+s3] =	stream.linear.scatter [tilespmem:s23], [sflag:$0x5], $0x80, $0x38;
	[tilespmem:$0x12800] =	vst v63  }
0x124: {  	s24 =	sadd.s32 $0x50, s17;
	s26 =	simm.s32 $0xF7A8  }
0x125: {  	[hbm4b:s24+s3] =	stream.linear.scatter [tilespmem:s26], [sflag:$0x5], $0x80, $0x38;
	[tilespmem:$0x12800] =	vst v63  }
0x126: {  	s23 =	sadd.s32 $0x60, s17;
	s24 =	simm.s32 $0xF830  }
0x127: {  	[hbm4b:s23+s3] =	stream.linear.scatter [tilespmem:s24], [sflag:$0x5], $0x80, $0x38;
	[tilespmem:$0x12800] =	vst v63  }
0x128: {  	s17 =	sadd.s32 $0x70, s17;
	s19 =	rddreg [dreg:$0x9];
	s26 =	simm.s32 $0xF8B8  }
0x129: {  	[hbm4b:s17+s3] =	stream.linear.scatter [tilespmem:s26], [sflag:$0x5], $0x80, $0x38;
	[tilespmem:$0x12800] =	vst v63  }
0x12a: {  	s23 =	simm.s32 $0xF940;
	s17 =	sadd.s32 s16, s19  }
0x12b: {  	[hbm4b:s17+s3] =	stream.linear.scatter [tilespmem:s23], [sflag:$0x5], $0x80, $0x38;
	[tilespmem:$0x12800] =	vst v63  }
0x12c: {  	s26 =	simm.s32 $0xF9C8;
	s24 =	sadd.s32 $0x10, s17  }
0x12d: {  	[hbm4b:s24+s3] =	stream.linear.scatter [tilespmem:s26], [sflag:$0x5], $0x80, $0x38;
	[tilespmem:$0x12800] =	vst v63  }
0x12e: {  	s19 =	sadd.s32 $0x20, s17;
	s23 =	simm.s32 $0xFA50  }
0x12f: {  	[hbm4b:s19+s3] =	stream.linear.scatter [tilespmem:s23], [sflag:$0x5], $0x80, $0x38;
	[tilespmem:$0x12800] =	vst v63  }
0x130: {  	s24 =	sadd.s32 $0x30, s17;
	s26 =	simm.s32 $0xFAD8  }
0x131: {  	[hbm4b:s24+s3] =	stream.linear.scatter [tilespmem:s26], [sflag:$0x5], $0x80, $0x38;
	[tilespmem:$0x12800] =	vst v63  }
0x132: {  	s19 =	sadd.s32 $0x40, s17;
	s23 =	simm.s32 $0xFB60  }
0x133: {  	[hbm4b:s19+s3] =	stream.linear.scatter [tilespmem:s23], [sflag:$0x5], $0x80, $0x38;
	[tilespmem:$0x12800] =	vst v63  }
0x134: {  	s24 =	sadd.s32 $0x50, s17;
	s26 =	simm.s32 $0xFBE8  }
0x135: {  	[hbm4b:s24+s3] =	stream.linear.scatter [tilespmem:s26], [sflag:$0x5], $0x80, $0x38;
	[tilespmem:$0x12800] =	vst v63  }
0x136: {  	s23 =	sadd.s32 $0x60, s17;
	s24 =	simm.s32 $0xFC70  }
0x137: {  	[hbm4b:s23+s3] =	stream.linear.scatter [tilespmem:s24], [sflag:$0x5], $0x80, $0x38;
	[tilespmem:$0x12800] =	vst v63  }
0x138: {  	s17 =	sadd.s32 $0x70, s17;
	s19 =	rddreg [dreg:$0xa];
	s26 =	simm.s32 $0xFCF8  }
0x139: {  	[hbm4b:s17+s3] =	stream.linear.scatter [tilespmem:s26], [sflag:$0x5], $0x80, $0x38;
	[tilespmem:$0x12800] =	vst v63  }
0x13a: {  	s23 =	simm.s32 $0xFD80;
	s17 =	sadd.s32 s16, s19  }
0x13b: {  	[hbm4b:s17+s3] =	stream.linear.scatter [tilespmem:s23], [sflag:$0x5], $0x80, $0x38;
	[tilespmem:$0x12800] =	vst v63  }
0x13c: {  	s26 =	simm.s32 $0xFE08;
	s24 =	sadd.s32 $0x10, s17  }
0x13d: {  	[hbm4b:s24+s3] =	stream.linear.scatter [tilespmem:s26], [sflag:$0x5], $0x80, $0x38;
	[tilespmem:$0x12800] =	vst v63  }
0x13e: {  	s19 =	sadd.s32 $0x20, s17;
	s23 =	simm.s32 $0xFE90  }
0x13f: {  	[hbm4b:s19+s3] =	stream.linear.scatter [tilespmem:s23], [sflag:$0x5], $0x80, $0x38;
	[tilespmem:$0x12800] =	vst v63  }
0x140: {  	s24 =	sadd.s32 $0x30, s17;
	s26 =	simm.s32 $0xFF18  }
0x141: {  	[hbm4b:s24+s3] =	stream.linear.scatter [tilespmem:s26], [sflag:$0x5], $0x80, $0x38;
	[tilespmem:$0x12800] =	vst v63  }
0x142: {  	s19 =	sadd.s32 $0x40, s17;
	s23 =	simm.s32 $0xFFA0  }
0x143: {  	[hbm4b:s19+s3] =	stream.linear.scatter [tilespmem:s23], [sflag:$0x5], $0x80, $0x38;
	[tilespmem:$0x12800] =	vst v63  }
0x144: {  	s24 =	sadd.s32 $0x50, s17;
	s26 =	simm.s32 $0x10028  }
0x145: {  	[hbm4b:s24+s3] =	stream.linear.scatter [tilespmem:s26], [sflag:$0x5], $0x80, $0x38;
	[tilespmem:$0x12800] =	vst v63  }
0x146: {  	s23 =	sadd.s32 $0x60, s17;
	s24 =	simm.s32 $0x100B0  }
0x147: {  	[hbm4b:s23+s3] =	stream.linear.scatter [tilespmem:s24], [sflag:$0x5], $0x80, $0x38;
	[tilespmem:$0x12800] =	vst v63  }
0x148: {  	s17 =	sadd.s32 $0x70, s17;
	s19 =	rddreg [dreg:$0xb];
	s26 =	simm.s32 $0x10138  }
0x149: {  	[hbm4b:s17+s3] =	stream.linear.scatter [tilespmem:s26], [sflag:$0x5], $0x80, $0x38;
	[tilespmem:$0x12800] =	vst v63  }
0x14a: {  	s23 =	simm.s32 $0x101C0;
	s17 =	sadd.s32 s16, s19  }
0x14b: {  	[hbm4b:s17+s3] =	stream.linear.scatter [tilespmem:s23], [sflag:$0x5], $0x80, $0x38;
	[tilespmem:$0x12800] =	vst v63  }
0x14c: {  	s26 =	simm.s32 $0x10248;
	s24 =	sadd.s32 $0x10, s17  }
0x14d: {  	[hbm4b:s24+s3] =	stream.linear.scatter [tilespmem:s26], [sflag:$0x5], $0x80, $0x38;
	[tilespmem:$0x12800] =	vst v63  }
0x14e: {  	s19 =	sadd.s32 $0x20, s17;
	s23 =	simm.s32 $0x102D0  }
0x14f: {  	[hbm4b:s19+s3] =	stream.linear.scatter [tilespmem:s23], [sflag:$0x5], $0x80, $0x38;
	[tilespmem:$0x12800] =	vst v63  }
0x150: {  	s24 =	sadd.s32 $0x30, s17;
	s26 =	simm.s32 $0x10358  }
0x151: {  	[hbm4b:s24+s3] =	stream.linear.scatter [tilespmem:s26], [sflag:$0x5], $0x80, $0x38;
	[tilespmem:$0x12800] =	vst v63  }
0x152: {  	s19 =	sadd.s32 $0x40, s17;
	s23 =	simm.s32 $0x103E0  }
0x153: {  	[hbm4b:s19+s3] =	stream.linear.scatter [tilespmem:s23], [sflag:$0x5], $0x80, $0x38;
	[tilespmem:$0x12800] =	vst v63  }
0x154: {  	p1 =	sne.s32 s14, $0x31;
	s24 =	sadd.s32 $0x50, s17;
	s26 =	simm.s32 $0x10468  }
0x155: {  	[hbm4b:s24+s3] =	stream.linear.scatter [tilespmem:s26], [sflag:$0x5], $0x80, $0x38;
	[tilespmem:$0x12800] =	vst v63  }
.Ltmp3:
0x156: {  	_ = 	snop;
	(pc) =	sbr.rel @p1 .LBB2_6-.Ltmp3, $4  }
0x157: {  	s23 =	sadd.s32 $0x60, s17;
	s24 =	simm.s32 $0x104F0  }
0x158: {  	[hbm4b:s23+s3] =	stream.linear.scatter [tilespmem:s24], [sflag:$0x5], $0x80, $0x38;
	[tilespmem:$0x12800] =	vst v63  }
0x159: {  	s17 =	sadd.s32 $0x70, s17;
	s26 =	simm.s32 $0x10578  }
0x15a: {  	[hbm4b:s17+s3] =	stream.linear.scatter [tilespmem:s26], [sflag:$0x5], $0x80, $0x38;
	[tilespmem:$0x12800] =	vst v63  }
.Ltmp4:
0x15b: {  	(pc) =	sbr.rel .LBB2_7-.Ltmp4, $4  }
0x15c: {  	_ = 	snop  }
0x15d: {  	_ =	swait.ge [sflag:s20], $0x2000  }
0x15e: {  	[sflag:s20] =	ssyncset.done $0x0  }
0x15f: {  	[sflag:s20] =	ssyncadd.s32 $0xFFFFE000  }
.LBB2_6:
0x160: {  	s17 =	sshrl.u32 s15, $0x2;
	s18 =	simm.s32 $0x80  }
.Ltmp5:
0x161: {  	s19 =	simm.s32 $0x6400;
	s17 =	sadd.s32 $0x200, s17;
	(pc) =	sbr.rel @p0 .LBB2_8-.Ltmp5, $4  }
0x162: {  	[tilespmem:s19], [sflag:$0x1] =	stream.indirect.gather [hbm4b:s4+s18], $0x40, s17, s18, $0xb8;
	[tilespmem:$0x12800] =	vst v63  }
0x163: {  	_ =	swait.ge [sflag:s20], $0x2000  }
0x164: {  	[sflag:s20] =	ssyncset.done $0x0  }
0x165: {  	[sflag:s20] =	ssyncadd.s32 $0xFFFFE000  }
.LBB2_7:
0x166: {  	_ =	swait.ge [sflag:s21], $0x400  }
0x167: {  	[sflag:s21] =	ssyncset.done $0x0  }
0x168: {  	[sflag:s21] =	ssyncadd.s32 $0xFFFFFC00  }
0x169: {  	_ =	swait.ge [sflag:s21], $0x400  }
0x16a: {  	[sflag:s21] =	ssyncset.done $0x0  }
0x16b: {  	[sflag:s21] =	ssyncadd.s32 $0xFFFFFC00  }
0x16c: {  	_ =	swait.ge [sflag:s21], $0x400  }
0x16d: {  	[sflag:s21] =	ssyncset.done $0x0  }
0x16e: {  	[sflag:s21] =	ssyncadd.s32 $0xFFFFFC00  }
0x16f: {  	_ =	swait.ge [sflag:s21], $0x400  }
0x170: {  	[sflag:s21] =	ssyncset.done $0x0  }
0x171: {  	[sflag:s21] =	ssyncadd.s32 $0xFFFFFC00  }
0x172: {  	_ =	swait.ge [sflag:s21], $0x400  }
0x173: {  	[sflag:s21] =	ssyncset.done $0x0  }
0x174: {  	[sflag:s21] =	ssyncadd.s32 $0xFFFFFC00  }
0x175: {  	_ =	swait.ge [sflag:s21], $0x400  }
0x176: {  	[sflag:s21] =	ssyncset.done $0x0  }
0x177: {  	[sflag:s21] =	ssyncadd.s32 $0xFFFFFC00  }
0x178: {  	_ =	swait.ge [sflag:s21], $0x400  }
0x179: {  	[sflag:s21] =	ssyncset.done $0x0  }
0x17a: {  	[sflag:s21] =	ssyncadd.s32 $0xFFFFFC00  }
0x17b: {  	_ =	swait.ge [sflag:s21], $0x400  }
0x17c: {  	[sflag:s21] =	ssyncset.done $0x0  }
0x17d: {  	[sflag:s21] =	ssyncadd.s32 $0xFFFFFC00  }
.LBB2_8:
0x17e: {  	s23 =	simm.s32 $0x8480;
	s17 =	simm.s32 $0x3  }
0x17f: {  	v4 =	vmov s17;
	v5 =	vld [tilespmem:s23+$0x40]  }
0x180: {  	v9 =	vand.u32 $0x7F, v4  }
0x181: {  	s19 =	simm.s32 $0x0;
	v4 =	vadd.s32 v0, v9  }
0x182: {  	s24 =	simm.s32 $0x1;
	s18 =	simm.s32 $0x2;
	v6 =	vmov s19;
	v7 =	vld [tilespmem:s23+$0xFFFFFF80]  }
0x183: {  	v10 =	vld [tilespmem:s23+$0xFFFFFFC0];
	v11 =	vmov s18;
	v8 =	vand.u32 $0x7C, v6;
	v6 =	vmov s24  }
0x184: {  	v12 =	vadd.s32 v0, v8;
	v15 =	vand.u32 $0x7D, v6;
	v6 =	vld [tilespmem:s23+$0x0];
	v5 =	vmul.f32 $8.000000000e+00, v5  }
0x185: {  	v17 =	vand.u32 $0x7E, v11;
	v13 =	vadd.s32 v0, v15  }
0x186: {  	v11 =	vadd.s32 v0, v17;
	[tilespmem:v4+s22+$0x0] =	vst.idx.msk $0xffff, v5  }
0x187: {  	v4 =	vmul.f32 $8.000000000e+00, v7;
	v5 =	vld [tilespmem:s23+$0x50]  }
0x188: {  	v7 =	vmul.f32 $8.000000000e+00, v10  }
0x189: {  	[tilespmem:v12+s22+$0x0] =	vst.idx.msk $0xffff, v4;
	v4 =	vmul.f32 $8.000000000e+00, v6;
	v6 =	vadd.s32 v1, v9  }
0x18a: {  	[tilespmem:v13+s22+$0x0] =	vst.idx.msk $0xffff, v7;
	v10 =	vld [tilespmem:s23+$0xFFFFFF90]  }
0x18b: {  	v7 =	vld [tilespmem:s23+$0xFFFFFFD0];
	[tilespmem:v11+s22+$0x0] =	vst.idx.msk $0xffff, v4  }
0x18c: {  	v11 =	vld [tilespmem:s23+$0x10];
	v4 =	vmul.f32 $8.000000000e+00, v5  }
0x18d: {  	s26 =	simm.s32 $0x4;
	s19 =	simm.s32 $0x7;
	s17 =	simm.s32 $0x8580;
	v12 =	vadd.s32 v1, v15  }
0x18e: {  	v14 =	vld [tilespmem:s17+$0x40];
	v13 =	vadd.s32 v1, v17;
	v5 =	vmov s26;
	[tilespmem:v6+s22+$0x0] =	vst.idx.msk $0xffff, v4;
	v6 =	vmov s19  }
0x18f: {  	v16 =	vadd.s32 v1, v8;
	v4 =	vand.u32 $0x7C, v5;
	v5 =	vand.u32 $0x7F, v6;
	v18 =	vld [tilespmem:s23+$0x60]  }
0x190: {  	s24 =	simm.s32 $0x5;
	v19 =	vld [tilespmem:s17+$0xFFFFFF80];
	v22 =	vadd.s32 v2, v9;
	v6 =	vmul.f32 $8.000000000e+00, v7;
	v20 =	vadd.s32 v0, v5  }
0x191: {  	v21 =	vld [tilespmem:s17+$0xFFFFFFC0];
	s26 =	simm.s32 $0x6;
	v10 =	vmul.f32 $8.000000000e+00, v10;
	v7 =	vmul.f32 $8.000000000e+00, v11;
	v11 =	vmov s24  }
0x192: {  	v23 =	vadd.s32 v0, v4;
	[tilespmem:v12+s22+$0x0] =	vst.idx.msk $0xffff, v6;
	v12 =	vmov s26;
	v6 =	vand.u32 $0x7D, v11;
	v11 =	vld [tilespmem:s17+$0x0]  }
0x193: {  	[tilespmem:v13+s22+$0x0] =	vst.idx.msk $0xffff, v7;
	v13 =	vadd.s32 v0, v6;
	v7 =	vand.u32 $0x7E, v12;
	v12 =	vmul.f32 $8.000000000e+00, v14;
	v14 =	vld [tilespmem:s23+$0xFFFFFFE0]  }
0x194: {  	[tilespmem:v16+s22+$0x0] =	vst.idx.msk $0xffff, v10;
	v10 =	vadd.s32 v0, v7;
	v16 =	vld [tilespmem:s23+$0x20];
	v18 =	vmul.f32 $8.000000000e+00, v18  }
0x195: {  	v19 =	vmul.f32 $8.000000000e+00, v19;
	[tilespmem:v20+s22+$0x0] =	vst.idx.msk $0xffff, v12;
	v12 =	vld [tilespmem:s23+$0xFFFFFFA0];
	v20 =	vadd.s32 v2, v15  }
0x196: {  	v25 =	vadd.s32 v2, v17;
	v21 =	vmul.f32 $8.000000000e+00, v21;
	v24 =	vld [tilespmem:s17+$0x50];
	[tilespmem:v22+s22+$0x0] =	vst.idx.msk $0xffff, v18  }
0x197: {  	[tilespmem:v23+s22+$0x0] =	vst.idx.msk $0xffff, v19;
	v19 =	vadd.s32 v2, v8;
	v11 =	vmul.f32 $8.000000000e+00, v11;
	v22 =	vld [tilespmem:s23+$0x70]  }
0x198: {  	v23 =	vld [tilespmem:s17+$0xFFFFFF90];
	[tilespmem:v13+s22+$0x0] =	vst.idx.msk $0xffff, v21;
	v21 =	vadd.s32 v1, v5;
	v14 =	vmul.f32 $8.000000000e+00, v14  }
0x199: {  	v27 =	vadd.s32 v3, v9;
	v26 =	vld [tilespmem:s17+$0xFFFFFFD0];
	[tilespmem:v10+s22+$0x0] =	vst.idx.msk $0xffff, v11;
	v10 =	vmul.f32 $8.000000000e+00, v16  }
0x19a: {  	v18 =	vadd.s32 v1, v4;
	v13 =	vld [tilespmem:s17+$0x10];
	v9 =	vmul.f32 $8.000000000e+00, v12;
	[tilespmem:v20+s22+$0x0] =	vst.idx.msk $0xffff, v14  }
0x19b: {  	s19 =	simm.s32 $0x8;
	v16 =	vadd.s32 v1, v6;
	[tilespmem:v25+s22+$0x0] =	vst.idx.msk $0xffff, v10;
	v14 =	vmul.f32 $8.000000000e+00, v24;
	v12 =	vld [tilespmem:s23+$0xFFFFFFF0]  }
0x19c: {  	v20 =	vmov s19;
	v10 =	vadd.s32 v1, v7;
	v11 =	vld [tilespmem:s23+$0x30];
	[tilespmem:v19+s22+$0x0] =	vst.idx.msk $0xffff, v9;
	v63 =	vmul.f32 $8.000000000e+00, v22  }
0x19d: {  	s18 =	simm.s32 $0x8680;
	s24 =	simm.s32 $0xB;
	v15 =	vadd.s32 v3, v15;
	v9 =	vand.u32 $0x7C, v20;
	v20 =	vmul.f32 $8.000000000e+00, v23;
	[tilespmem:v21+s22+$0x0] =	vst.idx.msk $0xffff, v14;
	v14 =	vld [tilespmem:s23+$0xFFFFFFB0]  }
0x19e: {  	v17 =	vadd.s32 v3, v17;
	v22 =	vmov s24;
	v19 =	vld [tilespmem:s18+$0x40];
	s23 =	simm.s32 $0xC;
	v21 =	vmul.f32 $8.000000000e+00, v26;
	[tilespmem:v27+s22+$0x0] =	vst.idx.msk $0xffff, v63  }
.LBB2_9:
0x19f: {  	p0 =	slt.u32 s23, $0x7C;
	s24 =	sadd.s32 $0x1, s19;
	v22 =	vand.u32 $0x7F, v22;
	[tilespmem:v18+s22+$0x0] =	vst.idx.msk $0xffff, v20;
	v13 =	vmul.f32 $8.000000000e+00, v13;
	v18 =	vld [tilespmem:s17+$0x60];
	v20 =	vadd.s32 v3, v8;
	v8 =	vmovc v4  }
0x1a0: {  	v4 =	vmovc v9;
	v23 =	vld [tilespmem:s18+$0xFFFFFF80];
	v24 =	vmov s24;
	s24 =	sadd.s32 $0x2, s19;
	v25 =	vadd.s32 v0, v22;
	[tilespmem:v16+s22+$0x0] =	vst.idx.msk $0xffff, v21;
	v12 =	vmul.f32 $8.000000000e+00, v12;
	s19 =	smov.u32 s23  }
0x1a1: {  	v9 =	vld [tilespmem:s18+$0xFFFFFFC0];
	v16 =	vmov s24;
	[tilespmem:v10+s22+$0x0] =	vst.idx.msk $0xffff, v13;
	v10 =	vadd.s32 v2, v5;
	v11 =	vmul.f32 $8.000000000e+00, v11  }
0x1a2: {  	v13 =	vadd.s32 v0, v4;
	v21 =	vand.u32 $0x7D, v24;
	v24 =	vld [tilespmem:s18+$0x0];
	v14 =	vmul.f32 $8.000000000e+00, v14;
	[tilespmem:v15+s22+$0x0] =	vst.idx.msk $0xffff, v12  }
0x1a3: {  	v12 =	vadd.s32 v0, v21;
	v26 =	vand.u32 $0x7E, v16;
	v15 =	vmul.f32 $8.000000000e+00, v19;
	v16 =	vld [tilespmem:s17+$0xFFFFFFE0];
	[tilespmem:v17+s22+$0x0] =	vst.idx.msk $0xffff, v11  }
0x1a4: {  	v11 =	vadd.s32 v0, v26;
	v17 =	vld [tilespmem:s17+$0x20];
	v18 =	vmul.f32 $8.000000000e+00, v18;
	[tilespmem:v20+s22+$0x0] =	vst.idx.msk $0xffff, v14  }
0x1a5: {  	v19 =	vadd.s32 v2, v6;
	v14 =	vmul.f32 $8.000000000e+00, v23;
	[tilespmem:v25+s22+$0x0] =	vst.idx.msk $0xffff, v15;
	v15 =	vld [tilespmem:s17+$0xFFFFFFA0]  }
0x1a6: {  	v23 =	vadd.s32 v2, v7;
	v9 =	vmul.f32 $8.000000000e+00, v9;
	v20 =	vld [tilespmem:s18+$0x50];
	[tilespmem:v10+s22+$0x0] =	vst.idx.msk $0xffff, v18  }
0x1a7: {  	[tilespmem:v13+s22+$0x0] =	vst.idx.msk $0xffff, v14;
	v10 =	vmul.f32 $8.000000000e+00, v24;
	v14 =	vadd.s32 v2, v8;
	v24 =	vld [tilespmem:s17+$0x70]  }
0x1a8: {  	v27 =	vadd.s32 v1, v22;
	v25 =	vld [tilespmem:s18+$0xFFFFFF90];
	[tilespmem:v12+s22+$0x0] =	vst.idx.msk $0xffff, v9;
	v9 =	vmul.f32 $8.000000000e+00, v16  }
0x1a9: {  	v29 =	vadd.s32 v3, v5;
	v5 =	vmov v22;
	v28 =	vld [tilespmem:s18+$0xFFFFFFD0];
	[tilespmem:v11+s22+$0x0] =	vst.idx.msk $0xffff, v10;
	v10 =	vmul.f32 $8.000000000e+00, v17  }
.Ltmp6:
0x1aa: {  	v18 =	vadd.s32 v1, v4;
	v13 =	vld [tilespmem:s18+$0x10];
	v11 =	vmul.f32 $8.000000000e+00, v15;
	[tilespmem:v19+s22+$0x0] =	vst.idx.msk $0xffff, v9;
	(pc) =	sbr.rel @p0 .LBB2_9-.Ltmp6, $4  }
0x1ab: {  	v16 =	vadd.s32 v1, v21;
	v15 =	vmul.f32 $8.000000000e+00, v20;
	v12 =	vld [tilespmem:s17+$0xFFFFFFF0];
	[tilespmem:v23+s22+$0x0] =	vst.idx.msk $0xffff, v10  }
0x1ac: {  	v9 =	vmov s23;
	v10 =	vadd.s32 v1, v26;
	[tilespmem:v14+s22+$0x0] =	vst.idx.msk $0xffff, v11;
	v11 =	vld [tilespmem:s17+$0x30];
	v23 =	vmul.f32 $8.000000000e+00, v24  }
0x1ad: {  	s24 =	sadd.s32 $0x3, s23;
	v9 =	vand.u32 $0x7C, v9;
	v20 =	vmul.f32 $8.000000000e+00, v25;
	[tilespmem:v27+s22+$0x0] =	vst.idx.msk $0xffff, v15;
	v14 =	vld [tilespmem:s17+$0xFFFFFFB0];
	v15 =	vadd.s32 v3, v6;
	v6 =	vmovc v21;
	s17 =	smov.u32 s18;
	s18 =	sadd.s32 $0x100, s18  }
0x1ae: {  	v22 =	vmov s24;
	v17 =	vadd.s32 v3, v7;
	v7 =	vmovc v26;
	s23 =	sadd.s32 $0x4, s23;
	v19 =	vld [tilespmem:s18+$0x40];
	v21 =	vmul.f32 $8.000000000e+00, v28;
	[tilespmem:v29+s22+$0x0] =	vst.idx.msk $0xffff, v23  }
0x1af: {  	s23 =	sadd.s32 $0x1, s19  }
0x1b0: {  	v22 =	vand.u32 $0x7F, v22;
	s26 =	sadd.s32 $0x2, s19;
	v24 =	vld [tilespmem:s18+$0xFFFFFFC0];
	v23 =	vmov s23  }
0x1b1: {  	v27 =	vld [tilespmem:s18+$0x0];
	v25 =	vadd.s32 v0, v22;
	v26 =	vmov s26;
	v23 =	vand.u32 $0x7D, v23  }
0x1b2: {  	v28 =	vld [tilespmem:s18+$0xFFFFFF80];
	v26 =	vand.u32 $0x7E, v26;
	v29 =	vadd.s32 v0, v23  }
0x1b3: {  	v30 =	vadd.s32 v0, v26  }
0x1b4: {  	[tilespmem:v18+s22+$0x0] =	vst.idx.msk $0xffff, v20;
	v18 =	vadd.s32 v0, v9;
	v19 =	vmul.f32 $8.000000000e+00, v19  }
0x1b5: {  	[tilespmem:v16+s22+$0x0] =	vst.idx.msk $0xffff, v21;
	v16 =	vmul.f32 $8.000000000e+00, v24  }
0x1b6: {  	[tilespmem:v25+s22+$0x0] =	vst.idx.msk $0xffff, v19;
	v19 =	vmul.f32 $8.000000000e+00, v27  }
0x1b7: {  	v20 =	vmul.f32 $8.000000000e+00, v28;
	[tilespmem:v29+s22+$0x0] =	vst.idx.msk $0xffff, v16;
	v16 =	vld [tilespmem:s18+$0x50]  }
0x1b8: {  	v13 =	vmul.f32 $8.000000000e+00, v13;
	v8 =	vadd.s32 v3, v8;
	[tilespmem:v30+s22+$0x0] =	vst.idx.msk $0xffff, v19;
	v21 =	vld [tilespmem:s18+$0xFFFFFFD0]  }
0x1b9: {  	v12 =	vmul.f32 $8.000000000e+00, v12;
	[tilespmem:v18+s22+$0x0] =	vst.idx.msk $0xffff, v20;
	v18 =	vadd.s32 v1, v22;
	v19 =	vld [tilespmem:s18+$0x10]  }
0x1ba: {  	[tilespmem:v10+s22+$0x0] =	vst.idx.msk $0xffff, v13;
	v10 =	vmul.f32 $8.000000000e+00, v11;
	v13 =	vadd.s32 v1, v23;
	v11 =	vld [tilespmem:s18+$0xFFFFFF90]  }
0x1bb: {  	v14 =	vmul.f32 $8.000000000e+00, v14;
	[tilespmem:v15+s22+$0x0] =	vst.idx.msk $0xffff, v12;
	v12 =	vadd.s32 v1, v26;
	v20 =	vld [tilespmem:s17+$0x60]  }
0x1bc: {  	v15 =	vld [tilespmem:s17+$0xFFFFFFE0];
	[tilespmem:v17+s22+$0x0] =	vst.idx.msk $0xffff, v10;
	v10 =	vadd.s32 v1, v9;
	v16 =	vmul.f32 $8.000000000e+00, v16  }
0x1bd: {  	v58 =	vld [tilespmem:s17+$0x20];
	v17 =	vadd.s32 v2, v5;
	[tilespmem:v8+s22+$0x0] =	vst.idx.msk $0xffff, v14;
	v8 =	vmul.f32 $8.000000000e+00, v21  }
0x1be: {  	v14 =	vld [tilespmem:s17+$0xFFFFFFA0];
	v21 =	vadd.s32 v2, v6;
	[tilespmem:v18+s22+$0x0] =	vst.idx.msk $0xffff, v16;
	v16 =	vmul.f32 $8.000000000e+00, v19  }
0x1bf: {  	v11 =	vmul.f32 $8.000000000e+00, v11;
	v18 =	vadd.s32 v2, v7;
	v19 =	vld [tilespmem:s18+$0x60];
	[tilespmem:v13+s22+$0x0] =	vst.idx.msk $0xffff, v8  }
0x1c0: {  	v8 =	vmul.f32 $8.000000000e+00, v20;
	v13 =	vadd.s32 v2, v4;
	[tilespmem:v12+s22+$0x0] =	vst.idx.msk $0xffff, v16;
	v12 =	vld [tilespmem:s18+$0xFFFFFFE0]  }
0x1c1: {  	v15 =	vmul.f32 $8.000000000e+00, v15;
	[tilespmem:v10+s22+$0x0] =	vst.idx.msk $0xffff, v11;
	v10 =	vadd.s32 v2, v22;
	v11 =	vld [tilespmem:s18+$0x20]  }
0x1c2: {  	v16 =	vld [tilespmem:s18+$0xFFFFFFA0];
	[tilespmem:v17+s22+$0x0] =	vst.idx.msk $0xffff, v8;
	v8 =	vmul.f32 $8.000000000e+00, v58;
	v17 =	vadd.s32 v2, v23  }
0x1c3: {  	v14 =	vmul.f32 $8.000000000e+00, v14;
	v20 =	vld [tilespmem:s17+$0x70];
	[tilespmem:v21+s22+$0x0] =	vst.idx.msk $0xffff, v15;
	v15 =	vadd.s32 v2, v26  }
0x1c4: {  	v21 =	vld [tilespmem:s17+$0xFFFFFFF0];
	[tilespmem:v18+s22+$0x0] =	vst.idx.msk $0xffff, v8;
	v18 =	vadd.s32 v2, v9;
	v8 =	vmul.f32 $8.000000000e+00, v19  }
0x1c5: {  	v5 =	vadd.s32 v3, v5;
	[tilespmem:v13+s22+$0x0] =	vst.idx.msk $0xffff, v14;
	v13 =	vld [tilespmem:s17+$0x30];
	v12 =	vmul.f32 $8.000000000e+00, v12  }
0x1c6: {  	v6 =	vadd.s32 v3, v6;
	v14 =	vld [tilespmem:s17+$0xFFFFFFB0];
	[tilespmem:v10+s22+$0x0] =	vst.idx.msk $0xffff, v8;
	v8 =	vmul.f32 $8.000000000e+00, v11  }
0x1c7: {  	v7 =	vadd.s32 v3, v7;
	v11 =	vmul.f32 $8.000000000e+00, v16;
	v10 =	vld [tilespmem:s18+$0x70];
	[tilespmem:v17+s22+$0x0] =	vst.idx.msk $0xffff, v12  }
0x1c8: {  	v4 =	vadd.s32 v3, v4;
	v12 =	vmul.f32 $8.000000000e+00, v20;
	v16 =	vld [tilespmem:s18+$0xFFFFFFF0];
	[tilespmem:v15+s22+$0x0] =	vst.idx.msk $0xffff, v8  }
0x1c9: {  	v8 =	vmul.f32 $8.000000000e+00, v21;
	v15 =	vadd.s32 v3, v22;
	[tilespmem:v18+s22+$0x0] =	vst.idx.msk $0xffff, v11;
	v11 =	vld [tilespmem:s18+$0x30]  }
0x1ca: {  	[tilespmem:v5+s22+$0x0] =	vst.idx.msk $0xffff, v12;
	v5 =	vmul.f32 $8.000000000e+00, v13;
	v12 =	vld [tilespmem:s18+$0xFFFFFFB0];
	v13 =	vadd.s32 v3, v23  }
0x1cb: {  	v14 =	vmul.f32 $8.000000000e+00, v14;
	[tilespmem:v6+s22+$0x0] =	vst.idx.msk $0xffff, v8;
	v6 =	vadd.s32 v3, v26  }
0x1cc: {  	[tilespmem:v7+s22+$0x0] =	vst.idx.msk $0xffff, v5;
	v7 =	vadd.s32 v3, v9;
	v5 =	vmul.f32 $8.000000000e+00, v10  }
0x1cd: {  	[tilespmem:v4+s22+$0x0] =	vst.idx.msk $0xffff, v14;
	v4 =	vmul.f32 $8.000000000e+00, v16  }
0x1ce: {  	[tilespmem:v15+s22+$0x0] =	vst.idx.msk $0xffff, v5;
	v5 =	vmul.f32 $8.000000000e+00, v11  }
0x1cf: {  	v8 =	vmul.f32 $8.000000000e+00, v12;
	[tilespmem:v13+s22+$0x0] =	vst.idx.msk $0xffff, v4  }
0x1d0: {  	[tilespmem:v6+s22+$0x0] =	vst.idx.msk $0xffff, v5  }
0x1d1: {  	[tilespmem:v7+s22+$0x0] =	vst.idx.msk $0xffff, v8  }
0x1d2: {  	s23 =	rddreg [dreg:$0xc]  }
0x1d3: {  	s17 =	sadd.s32 s16, s23  }
0x1d4: {  	[hbm4b:s17+s3] =	stream.linear.scatter [tilespmem:s22], [sflag:$0x6], $0x80, $0x38;
	[tilespmem:$0x12800] =	vst v63  }
0x1d5: {  	s26 =	simm.s32 $0x10688;
	s24 =	sadd.s32 $0x10, s17  }
0x1d6: {  	[hbm4b:s24+s3] =	stream.linear.scatter [tilespmem:s26], [sflag:$0x6], $0x80, $0x38;
	[tilespmem:$0x12800] =	vst v63  }
0x1d7: {  	s23 =	simm.s32 $0x10710;
	s19 =	sadd.s32 $0x20, s17  }
0x1d8: {  	[hbm4b:s19+s3] =	stream.linear.scatter [tilespmem:s23], [sflag:$0x6], $0x80, $0x38;
	[tilespmem:$0x12800] =	vst v63  }
0x1d9: {  	s24 =	sadd.s32 $0x30, s17;
	s26 =	simm.s32 $0x10798  }
0x1da: {  	[hbm4b:s24+s3] =	stream.linear.scatter [tilespmem:s26], [sflag:$0x6], $0x80, $0x38;
	[tilespmem:$0x12800] =	vst v63  }
0x1db: {  	s19 =	sadd.s32 $0x40, s17;
	s23 =	simm.s32 $0x10820  }
0x1dc: {  	[hbm4b:s19+s3] =	stream.linear.scatter [tilespmem:s23], [sflag:$0x6], $0x80, $0x38;
	[tilespmem:$0x12800] =	vst v63  }
0x1dd: {  	s24 =	sadd.s32 $0x50, s17;
	s26 =	simm.s32 $0x108A8  }
0x1de: {  	[hbm4b:s24+s3] =	stream.linear.scatter [tilespmem:s26], [sflag:$0x6], $0x80, $0x38;
	[tilespmem:$0x12800] =	vst v63  }
0x1df: {  	s23 =	sadd.s32 $0x60, s17;
	s24 =	simm.s32 $0x10930  }
0x1e0: {  	[hbm4b:s23+s3] =	stream.linear.scatter [tilespmem:s24], [sflag:$0x6], $0x80, $0x38;
	[tilespmem:$0x12800] =	vst v63  }
0x1e1: {  	s17 =	sadd.s32 $0x70, s17;
	s19 =	rddreg [dreg:$0xd];
	s26 =	simm.s32 $0x109B8  }
0x1e2: {  	[hbm4b:s17+s3] =	stream.linear.scatter [tilespmem:s26], [sflag:$0x6], $0x80, $0x38;
	[tilespmem:$0x12800] =	vst v63  }
0x1e3: {  	s23 =	simm.s32 $0x10A40;
	s17 =	sadd.s32 s16, s19  }
0x1e4: {  	[hbm4b:s17+s3] =	stream.linear.scatter [tilespmem:s23], [sflag:$0x6], $0x80, $0x38;
	[tilespmem:$0x12800] =	vst v63  }
0x1e5: {  	s26 =	simm.s32 $0x10AC8;
	s24 =	sadd.s32 $0x10, s17  }
0x1e6: {  	[hbm4b:s24+s3] =	stream.linear.scatter [tilespmem:s26], [sflag:$0x6], $0x80, $0x38;
	[tilespmem:$0x12800] =	vst v63  }
0x1e7: {  	s19 =	sadd.s32 $0x20, s17;
	s23 =	simm.s32 $0x10B50  }
0x1e8: {  	[hbm4b:s19+s3] =	stream.linear.scatter [tilespmem:s23], [sflag:$0x6], $0x80, $0x38;
	[tilespmem:$0x12800] =	vst v63  }
0x1e9: {  	s24 =	sadd.s32 $0x30, s17;
	s26 =	simm.s32 $0x10BD8  }
0x1ea: {  	[hbm4b:s24+s3] =	stream.linear.scatter [tilespmem:s26], [sflag:$0x6], $0x80, $0x38;
	[tilespmem:$0x12800] =	vst v63  }
0x1eb: {  	s19 =	sadd.s32 $0x40, s17;
	s23 =	simm.s32 $0x10C60  }
0x1ec: {  	[hbm4b:s19+s3] =	stream.linear.scatter [tilespmem:s23], [sflag:$0x6], $0x80, $0x38;
	[tilespmem:$0x12800] =	vst v63  }
0x1ed: {  	s24 =	sadd.s32 $0x50, s17;
	s26 =	simm.s32 $0x10CE8  }
0x1ee: {  	[hbm4b:s24+s3] =	stream.linear.scatter [tilespmem:s26], [sflag:$0x6], $0x80, $0x38;
	[tilespmem:$0x12800] =	vst v63  }
0x1ef: {  	s23 =	sadd.s32 $0x60, s17;
	s24 =	simm.s32 $0x10D70  }
0x1f0: {  	[hbm4b:s23+s3] =	stream.linear.scatter [tilespmem:s24], [sflag:$0x6], $0x80, $0x38;
	[tilespmem:$0x12800] =	vst v63  }
0x1f1: {  	s17 =	sadd.s32 $0x70, s17;
	s19 =	rddreg [dreg:$0xe];
	s26 =	simm.s32 $0x10DF8  }
0x1f2: {  	[hbm4b:s17+s3] =	stream.linear.scatter [tilespmem:s26], [sflag:$0x6], $0x80, $0x38;
	[tilespmem:$0x12800] =	vst v63  }
0x1f3: {  	s23 =	simm.s32 $0x10E80;
	s17 =	sadd.s32 s16, s19  }
0x1f4: {  	[hbm4b:s17+s3] =	stream.linear.scatter [tilespmem:s23], [sflag:$0x6], $0x80, $0x38;
	[tilespmem:$0x12800] =	vst v63  }
0x1f5: {  	s26 =	simm.s32 $0x10F08;
	s24 =	sadd.s32 $0x10, s17  }
0x1f6: {  	[hbm4b:s24+s3] =	stream.linear.scatter [tilespmem:s26], [sflag:$0x6], $0x80, $0x38;
	[tilespmem:$0x12800] =	vst v63  }
0x1f7: {  	s19 =	sadd.s32 $0x20, s17;
	s23 =	simm.s32 $0x10F90  }
0x1f8: {  	[hbm4b:s19+s3] =	stream.linear.scatter [tilespmem:s23], [sflag:$0x6], $0x80, $0x38;
	[tilespmem:$0x12800] =	vst v63  }
0x1f9: {  	s24 =	sadd.s32 $0x30, s17;
	s26 =	simm.s32 $0x11018  }
0x1fa: {  	[hbm4b:s24+s3] =	stream.linear.scatter [tilespmem:s26], [sflag:$0x6], $0x80, $0x38;
	[tilespmem:$0x12800] =	vst v63  }
0x1fb: {  	s19 =	sadd.s32 $0x40, s17;
	s23 =	simm.s32 $0x110A0  }
0x1fc: {  	[hbm4b:s19+s3] =	stream.linear.scatter [tilespmem:s23], [sflag:$0x6], $0x80, $0x38;
	[tilespmem:$0x12800] =	vst v63  }
0x1fd: {  	s24 =	sadd.s32 $0x50, s17;
	s26 =	simm.s32 $0x11128  }
0x1fe: {  	[hbm4b:s24+s3] =	stream.linear.scatter [tilespmem:s26], [sflag:$0x6], $0x80, $0x38;
	[tilespmem:$0x12800] =	vst v63  }
0x1ff: {  	s23 =	sadd.s32 $0x60, s17;
	s24 =	simm.s32 $0x111B0  }
0x200: {  	[hbm4b:s23+s3] =	stream.linear.scatter [tilespmem:s24], [sflag:$0x6], $0x80, $0x38;
	[tilespmem:$0x12800] =	vst v63  }
0x201: {  	s17 =	sadd.s32 $0x70, s17;
	s19 =	rddreg [dreg:$0xf];
	s26 =	simm.s32 $0x11238  }
0x202: {  	[hbm4b:s17+s3] =	stream.linear.scatter [tilespmem:s26], [sflag:$0x6], $0x80, $0x38;
	[tilespmem:$0x12800] =	vst v63  }
0x203: {  	s23 =	simm.s32 $0x112C0;
	s17 =	sadd.s32 s16, s19  }
0x204: {  	[hbm4b:s17+s3] =	stream.linear.scatter [tilespmem:s23], [sflag:$0x6], $0x80, $0x38;
	[tilespmem:$0x12800] =	vst v63  }
0x205: {  	s26 =	simm.s32 $0x11348;
	s24 =	sadd.s32 $0x10, s17  }
0x206: {  	[hbm4b:s24+s3] =	stream.linear.scatter [tilespmem:s26], [sflag:$0x6], $0x80, $0x38;
	[tilespmem:$0x12800] =	vst v63  }
0x207: {  	s19 =	sadd.s32 $0x20, s17;
	s23 =	simm.s32 $0x113D0  }
0x208: {  	[hbm4b:s19+s3] =	stream.linear.scatter [tilespmem:s23], [sflag:$0x6], $0x80, $0x38;
	[tilespmem:$0x12800] =	vst v63  }
0x209: {  	s24 =	sadd.s32 $0x30, s17;
	s26 =	simm.s32 $0x11458  }
0x20a: {  	[hbm4b:s24+s3] =	stream.linear.scatter [tilespmem:s26], [sflag:$0x6], $0x80, $0x38;
	[tilespmem:$0x12800] =	vst v63  }
0x20b: {  	s19 =	sadd.s32 $0x40, s17;
	s23 =	simm.s32 $0x114E0  }
0x20c: {  	[hbm4b:s19+s3] =	stream.linear.scatter [tilespmem:s23], [sflag:$0x6], $0x80, $0x38;
	[tilespmem:$0x12800] =	vst v63  }
0x20d: {  	s24 =	sadd.s32 $0x50, s17;
	s26 =	simm.s32 $0x11568  }
0x20e: {  	[hbm4b:s24+s3] =	stream.linear.scatter [tilespmem:s26], [sflag:$0x6], $0x80, $0x38;
	[tilespmem:$0x12800] =	vst v63  }
0x20f: {  	s23 =	sadd.s32 $0x60, s17;
	s24 =	simm.s32 $0x115F0  }
0x210: {  	[hbm4b:s23+s3] =	stream.linear.scatter [tilespmem:s24], [sflag:$0x6], $0x80, $0x38;
	[tilespmem:$0x12800] =	vst v63  }
0x211: {  	s17 =	sadd.s32 $0x70, s17;
	s19 =	rddreg [dreg:$0x10];
	s26 =	simm.s32 $0x11678  }
0x212: {  	[hbm4b:s17+s3] =	stream.linear.scatter [tilespmem:s26], [sflag:$0x6], $0x80, $0x38;
	[tilespmem:$0x12800] =	vst v63  }
0x213: {  	s23 =	simm.s32 $0x11700;
	s17 =	sadd.s32 s16, s19  }
0x214: {  	[hbm4b:s17+s3] =	stream.linear.scatter [tilespmem:s23], [sflag:$0x6], $0x80, $0x38;
	[tilespmem:$0x12800] =	vst v63  }
0x215: {  	s26 =	simm.s32 $0x11788;
	s24 =	sadd.s32 $0x10, s17  }
0x216: {  	[hbm4b:s24+s3] =	stream.linear.scatter [tilespmem:s26], [sflag:$0x6], $0x80, $0x38;
	[tilespmem:$0x12800] =	vst v63  }
0x217: {  	s19 =	sadd.s32 $0x20, s17;
	s23 =	simm.s32 $0x11810  }
0x218: {  	[hbm4b:s19+s3] =	stream.linear.scatter [tilespmem:s23], [sflag:$0x6], $0x80, $0x38;
	[tilespmem:$0x12800] =	vst v63  }
0x219: {  	s24 =	sadd.s32 $0x30, s17;
	s26 =	simm.s32 $0x11898  }
0x21a: {  	[hbm4b:s24+s3] =	stream.linear.scatter [tilespmem:s26], [sflag:$0x6], $0x80, $0x38;
	[tilespmem:$0x12800] =	vst v63  }
0x21b: {  	s19 =	sadd.s32 $0x40, s17;
	s23 =	simm.s32 $0x11920  }
0x21c: {  	[hbm4b:s19+s3] =	stream.linear.scatter [tilespmem:s23], [sflag:$0x6], $0x80, $0x38;
	[tilespmem:$0x12800] =	vst v63  }
0x21d: {  	s24 =	sadd.s32 $0x50, s17;
	s26 =	simm.s32 $0x119A8  }
0x21e: {  	[hbm4b:s24+s3] =	stream.linear.scatter [tilespmem:s26], [sflag:$0x6], $0x80, $0x38;
	[tilespmem:$0x12800] =	vst v63  }
0x21f: {  	s23 =	sadd.s32 $0x60, s17;
	s24 =	simm.s32 $0x11A30  }
0x220: {  	[hbm4b:s23+s3] =	stream.linear.scatter [tilespmem:s24], [sflag:$0x6], $0x80, $0x38;
	[tilespmem:$0x12800] =	vst v63  }
0x221: {  	s17 =	sadd.s32 $0x70, s17;
	s19 =	rddreg [dreg:$0x11];
	s26 =	simm.s32 $0x11AB8  }
0x222: {  	[hbm4b:s17+s3] =	stream.linear.scatter [tilespmem:s26], [sflag:$0x6], $0x80, $0x38;
	[tilespmem:$0x12800] =	vst v63  }
0x223: {  	s23 =	simm.s32 $0x11B40;
	s17 =	sadd.s32 s16, s19  }
0x224: {  	[hbm4b:s17+s3] =	stream.linear.scatter [tilespmem:s23], [sflag:$0x6], $0x80, $0x38;
	[tilespmem:$0x12800] =	vst v63  }
0x225: {  	s26 =	simm.s32 $0x11BC8;
	s24 =	sadd.s32 $0x10, s17  }
0x226: {  	[hbm4b:s24+s3] =	stream.linear.scatter [tilespmem:s26], [sflag:$0x6], $0x80, $0x38;
	[tilespmem:$0x12800] =	vst v63  }
0x227: {  	s19 =	sadd.s32 $0x20, s17;
	s23 =	simm.s32 $0x11C50  }
0x228: {  	[hbm4b:s19+s3] =	stream.linear.scatter [tilespmem:s23], [sflag:$0x6], $0x80, $0x38;
	[tilespmem:$0x12800] =	vst v63  }
0x229: {  	s24 =	sadd.s32 $0x30, s17;
	s26 =	simm.s32 $0x11CD8  }
0x22a: {  	[hbm4b:s24+s3] =	stream.linear.scatter [tilespmem:s26], [sflag:$0x6], $0x80, $0x38;
	[tilespmem:$0x12800] =	vst v63  }
0x22b: {  	s19 =	sadd.s32 $0x40, s17;
	s23 =	simm.s32 $0x11D60  }
0x22c: {  	[hbm4b:s19+s3] =	stream.linear.scatter [tilespmem:s23], [sflag:$0x6], $0x80, $0x38;
	[tilespmem:$0x12800] =	vst v63  }
0x22d: {  	s24 =	sadd.s32 $0x50, s17;
	s26 =	simm.s32 $0x11DE8  }
0x22e: {  	[hbm4b:s24+s3] =	stream.linear.scatter [tilespmem:s26], [sflag:$0x6], $0x80, $0x38;
	[tilespmem:$0x12800] =	vst v63  }
0x22f: {  	s23 =	sadd.s32 $0x60, s17;
	s24 =	simm.s32 $0x11E70  }
0x230: {  	[hbm4b:s23+s3] =	stream.linear.scatter [tilespmem:s24], [sflag:$0x6], $0x80, $0x38;
	[tilespmem:$0x12800] =	vst v63  }
0x231: {  	s17 =	sadd.s32 $0x70, s17;
	s19 =	rddreg [dreg:$0x12];
	s26 =	simm.s32 $0x11EF8  }
0x232: {  	[hbm4b:s17+s3] =	stream.linear.scatter [tilespmem:s26], [sflag:$0x6], $0x80, $0x38;
	[tilespmem:$0x12800] =	vst v63  }
0x233: {  	s23 =	simm.s32 $0x11F80;
	s17 =	sadd.s32 s16, s19  }
0x234: {  	[hbm4b:s17+s3] =	stream.linear.scatter [tilespmem:s23], [sflag:$0x6], $0x80, $0x38;
	[tilespmem:$0x12800] =	vst v63  }
0x235: {  	s26 =	simm.s32 $0x12008;
	s24 =	sadd.s32 $0x10, s17  }
0x236: {  	[hbm4b:s24+s3] =	stream.linear.scatter [tilespmem:s26], [sflag:$0x6], $0x80, $0x38;
	[tilespmem:$0x12800] =	vst v63  }
0x237: {  	s19 =	sadd.s32 $0x20, s17;
	s23 =	simm.s32 $0x12090  }
0x238: {  	[hbm4b:s19+s3] =	stream.linear.scatter [tilespmem:s23], [sflag:$0x6], $0x80, $0x38;
	[tilespmem:$0x12800] =	vst v63  }
0x239: {  	s24 =	sadd.s32 $0x30, s17;
	s26 =	simm.s32 $0x12118  }
0x23a: {  	[hbm4b:s24+s3] =	stream.linear.scatter [tilespmem:s26], [sflag:$0x6], $0x80, $0x38;
	[tilespmem:$0x12800] =	vst v63  }
0x23b: {  	s23 =	sadd.s32 $0x40, s17  }
0x23c: {  	[hbm4b:s23+s3] =	stream.linear.scatter [tilespmem:s28], [sflag:$0x6], $0x80, $0x38;
	[tilespmem:$0x12800] =	vst v63  }
0x23d: {  	s24 =	sadd.s32 $0x50, s17  }
0x23e: {  	[hbm4b:s24+s3] =	stream.linear.scatter [tilespmem:s29], [sflag:$0x6], $0x80, $0x38;
	[tilespmem:$0x12800] =	vst v63  }
0x23f: {  	s26 =	sadd.s32 $0x60, s17  }
0x240: {  	[hbm4b:s26+s3] =	stream.linear.scatter [tilespmem:s30], [sflag:$0x6], $0x80, $0x38;
	[tilespmem:$0x12800] =	vst v63  }
0x241: {  	s18 =	rddreg [dreg:$0x13];
	s17 =	sadd.s32 $0x70, s17  }
0x242: {  	[hbm4b:s17+s3] =	stream.linear.scatter [tilespmem:s31], [sflag:$0x6], $0x80, $0x38;
	[tilespmem:$0x12800] =	vst v63  }
0x243: {  	s17 =	sadd.s32 s16, s18  }
0x244: {  	[hbm4b:s17+s3] =	stream.linear.scatter [tilespmem:s1], [sflag:$0x6], $0x80, $0x38;
	[tilespmem:$0x12800] =	vst v63  }
0x245: {  	s19 =	sadd.s32 $0x10, s17  }
0x246: {  	[hbm4b:s19+s3] =	stream.linear.scatter [tilespmem:s0], [sflag:$0x6], $0x80, $0x38;
	[tilespmem:$0x12800] =	vst v63  }
0x247: {  	s23 =	sadd.s32 $0x20, s17  }
0x248: {  	[hbm4b:s23+s3] =	stream.linear.scatter [tilespmem:s5], [sflag:$0x6], $0x80, $0x38;
	[tilespmem:$0x12800] =	vst v63  }
0x249: {  	s24 =	sadd.s32 $0x30, s17  }
0x24a: {  	[hbm4b:s24+s3] =	stream.linear.scatter [tilespmem:s25], [sflag:$0x6], $0x80, $0x38;
	[tilespmem:$0x12800] =	vst v63  }
0x24b: {  	s26 =	sadd.s32 $0x40, s17  }
0x24c: {  	[hbm4b:s26+s3] =	stream.linear.scatter [tilespmem:s2], [sflag:$0x6], $0x80, $0x38;
	[tilespmem:$0x12800] =	vst v63  }
0x24d: {  	s19 =	sadd.s32 $0x50, s17  }
0x24e: {  	[hbm4b:s19+s3] =	stream.linear.scatter [tilespmem:s6], [sflag:$0x6], $0x80, $0x38;
	[tilespmem:$0x12800] =	vst v63  }
0x24f: {  	s23 =	sadd.s32 $0x60, s17  }
0x250: {  	[hbm4b:s23+s3] =	stream.linear.scatter [tilespmem:s7], [sflag:$0x6], $0x80, $0x38;
	[tilespmem:$0x12800] =	vst v63  }
0x251: {  	p0 =	seq.s32 s14, $0x31;
	s17 =	sadd.s32 $0x70, s17  }
0x252: {  	[hbm4b:s17+s3] =	stream.linear.scatter [tilespmem:s8], [sflag:$0x6], $0x80, $0x38;
	[tilespmem:$0x12800] =	vst v63  }
0x253: {  	s17 =	sshrl.u32 @!p0 s15, $0x2  }
0x254: {  	s19 =	simm.s32 @!p0 $0x80;
	s23 =	simm.s32 @!p0 $0x8400;
	s18 =	sadd.s32 @!p0 $0x280, s17  }
0x255: {  	[tilespmem:s23], [sflag:$0x2] =	stream.indirect.gather @!p0 [hbm4b:s4+s19], $0x40, s18, s19, $0xb8;
	[tilespmem:$0x12800] =	vst v63  }
0x256: {  	_ =	swait.ge [sflag:s11], $0x2000  }
0x257: {  	[sflag:s11] =	ssyncset.done $0x0  }
0x258: {  	[sflag:s11] =	ssyncadd.s32 $0xFFFFE000  }
0x259: {  	_ =	swait.ge [sflag:s12], $0x400  }
0x25a: {  	[sflag:s12] =	ssyncset.done $0x0  }
0x25b: {  	[sflag:s12] =	ssyncadd.s32 $0xFFFFFC00  }
0x25c: {  	_ =	swait.ge [sflag:s12], $0x400  }
0x25d: {  	[sflag:s12] =	ssyncset.done $0x0  }
0x25e: {  	[sflag:s12] =	ssyncadd.s32 $0xFFFFFC00  }
0x25f: {  	_ =	swait.ge [sflag:s12], $0x400  }
0x260: {  	[sflag:s12] =	ssyncset.done $0x0  }
0x261: {  	[sflag:s12] =	ssyncadd.s32 $0xFFFFFC00  }
0x262: {  	_ =	swait.ge [sflag:s12], $0x400  }
0x263: {  	[sflag:s12] =	ssyncset.done $0x0  }
0x264: {  	[sflag:s12] =	ssyncadd.s32 $0xFFFFFC00  }
0x265: {  	_ =	swait.ge [sflag:s12], $0x400  }
0x266: {  	[sflag:s12] =	ssyncset.done $0x0  }
0x267: {  	[sflag:s12] =	ssyncadd.s32 $0xFFFFFC00  }
0x268: {  	_ =	swait.ge [sflag:s12], $0x400  }
0x269: {  	[sflag:s12] =	ssyncset.done $0x0  }
0x26a: {  	[sflag:s12] =	ssyncadd.s32 $0xFFFFFC00  }
0x26b: {  	_ =	swait.ge [sflag:s12], $0x400  }
0x26c: {  	[sflag:s12] =	ssyncset.done $0x0  }
0x26d: {  	[sflag:s12] =	ssyncadd.s32 $0xFFFFFC00  }
0x26e: {  	_ =	swait.ge [sflag:s12], $0x400  }
0x26f: {  	[sflag:s12] =	ssyncset.done $0x0  }
0x270: {  	s24 =	simm.s32 $0x3;
	s19 =	simm.s32 $0xA480;
	[sflag:s12] =	ssyncadd.s32 $0xFFFFFC00  }
0x271: {  	v4 =	vmov s24;
	v5 =	vld [tilespmem:s19+$0x40]  }
0x272: {  	v9 =	vand.u32 $0x7F, v4  }
0x273: {  	s26 =	simm.s32 $0x0;
	v4 =	vadd.s32 v0, v9  }
0x274: {  	s24 =	simm.s32 $0x2;
	v6 =	vmov s26;
	s23 =	simm.s32 $0x1;
	v7 =	vld [tilespmem:s19+$0xFFFFFF80]  }
0x275: {  	v11 =	vmov s24;
	v8 =	vand.u32 $0x7C, v6;
	v6 =	vmov s23;
	v10 =	vld [tilespmem:s19+$0xFFFFFFC0]  }
0x276: {  	v12 =	vadd.s32 v0, v8;
	v15 =	vand.u32 $0x7D, v6;
	v6 =	vld [tilespmem:s19+$0x0];
	v5 =	vmul.f32 $8.000000000e+00, v5  }
0x277: {  	v17 =	vand.u32 $0x7E, v11;
	v13 =	vadd.s32 v0, v15  }
0x278: {  	v11 =	vadd.s32 v0, v17;
	[tilespmem:v4+s10+$0x0] =	vst.idx.msk $0xffff, v5  }
0x279: {  	v4 =	vmul.f32 $8.000000000e+00, v7;
	v5 =	vld [tilespmem:s19+$0x50]  }
0x27a: {  	v7 =	vmul.f32 $8.000000000e+00, v10  }
0x27b: {  	[tilespmem:v12+s10+$0x0] =	vst.idx.msk $0xffff, v4;
	v4 =	vmul.f32 $8.000000000e+00, v6;
	v6 =	vadd.s32 v1, v9  }
0x27c: {  	[tilespmem:v13+s10+$0x0] =	vst.idx.msk $0xffff, v7;
	v10 =	vld [tilespmem:s19+$0xFFFFFF90]  }
0x27d: {  	v7 =	vld [tilespmem:s19+$0xFFFFFFD0];
	[tilespmem:v11+s10+$0x0] =	vst.idx.msk $0xffff, v4  }
0x27e: {  	v11 =	vld [tilespmem:s19+$0x10];
	v4 =	vmul.f32 $8.000000000e+00, v5  }
0x27f: {  	s24 =	simm.s32 $0x7;
	s26 =	simm.s32 $0x4;
	s18 =	simm.s32 $0xA580;
	v12 =	vadd.s32 v1, v15  }
0x280: {  	v14 =	vld [tilespmem:s18+$0x40];
	v13 =	vadd.s32 v1, v17;
	v5 =	vmov s26;
	[tilespmem:v6+s10+$0x0] =	vst.idx.msk $0xffff, v4;
	v6 =	vmov s24  }
0x281: {  	v16 =	vadd.s32 v1, v8;
	v4 =	vand.u32 $0x7C, v5;
	v5 =	vand.u32 $0x7F, v6;
	v18 =	vld [tilespmem:s19+$0x60]  }
0x282: {  	v22 =	vadd.s32 v2, v9;
	v19 =	vld [tilespmem:s18+$0xFFFFFF80];
	s26 =	simm.s32 $0x5;
	v6 =	vmul.f32 $8.000000000e+00, v7;
	v20 =	vadd.s32 v0, v5  }
0x283: {  	v21 =	vld [tilespmem:s18+$0xFFFFFFC0];
	v10 =	vmul.f32 $8.000000000e+00, v10;
	s24 =	simm.s32 $0x6;
	v7 =	vmul.f32 $8.000000000e+00, v11;
	v11 =	vmov s26  }
0x284: {  	v23 =	vadd.s32 v0, v4;
	[tilespmem:v12+s10+$0x0] =	vst.idx.msk $0xffff, v6;
	v12 =	vmov s24;
	v6 =	vand.u32 $0x7D, v11;
	v11 =	vld [tilespmem:s18+$0x0]  }
0x285: {  	[tilespmem:v13+s10+$0x0] =	vst.idx.msk $0xffff, v7;
	v13 =	vadd.s32 v0, v6;
	v7 =	vand.u32 $0x7E, v12;
	v12 =	vmul.f32 $8.000000000e+00, v14;
	v14 =	vld [tilespmem:s19+$0xFFFFFFE0]  }
0x286: {  	[tilespmem:v16+s10+$0x0] =	vst.idx.msk $0xffff, v10;
	v10 =	vadd.s32 v0, v7;
	v16 =	vld [tilespmem:s19+$0x20];
	v18 =	vmul.f32 $8.000000000e+00, v18  }
0x287: {  	v19 =	vmul.f32 $8.000000000e+00, v19;
	[tilespmem:v20+s10+$0x0] =	vst.idx.msk $0xffff, v12;
	v12 =	vld [tilespmem:s19+$0xFFFFFFA0];
	v20 =	vadd.s32 v2, v15  }
0x288: {  	v60 =	vadd.s32 v2, v17;
	v21 =	vmul.f32 $8.000000000e+00, v21;
	v59 =	vld [tilespmem:s18+$0x50];
	[tilespmem:v22+s10+$0x0] =	vst.idx.msk $0xffff, v18  }
0x289: {  	[tilespmem:v23+s10+$0x0] =	vst.idx.msk $0xffff, v19;
	v19 =	vadd.s32 v2, v8;
	v11 =	vmul.f32 $8.000000000e+00, v11;
	v22 =	vld [tilespmem:s19+$0x70]  }
0x28a: {  	v23 =	vld [tilespmem:s18+$0xFFFFFF90];
	[tilespmem:v13+s10+$0x0] =	vst.idx.msk $0xffff, v21;
	v21 =	vadd.s32 v1, v5;
	v14 =	vmul.f32 $8.000000000e+00, v14  }
0x28b: {  	v62 =	vadd.s32 v3, v9;
	v61 =	vld [tilespmem:s18+$0xFFFFFFD0];
	[tilespmem:v10+s10+$0x0] =	vst.idx.msk $0xffff, v11;
	v10 =	vmul.f32 $8.000000000e+00, v16  }
0x28c: {  	v18 =	vadd.s32 v1, v4;
	v13 =	vld [tilespmem:s18+$0x10];
	v9 =	vmul.f32 $8.000000000e+00, v12;
	[tilespmem:v20+s10+$0x0] =	vst.idx.msk $0xffff, v14  }
0x28d: {  	s23 =	simm.s32 $0x8;
	v16 =	vadd.s32 v1, v6;
	[tilespmem:v60+s10+$0x0] =	vst.idx.msk $0xffff, v10;
	v14 =	vmul.f32 $8.000000000e+00, v59;
	v12 =	vld [tilespmem:s19+$0xFFFFFFF0]  }
0x28e: {  	v20 =	vmov s23;
	v10 =	vadd.s32 v1, v7;
	v11 =	vld [tilespmem:s19+$0x30];
	[tilespmem:v19+s10+$0x0] =	vst.idx.msk $0xffff, v9;
	v63 =	vmul.f32 $8.000000000e+00, v22  }
0x28f: {  	s26 =	simm.s32 $0xB;
	v15 =	vadd.s32 v3, v15;
	v9 =	vand.u32 $0x7C, v20;
	v20 =	vmul.f32 $8.000000000e+00, v23;
	[tilespmem:v21+s10+$0x0] =	vst.idx.msk $0xffff, v14;
	v14 =	vld [tilespmem:s19+$0xFFFFFFB0];
	s19 =	simm.s32 $0xA680  }
0x290: {  	v17 =	vadd.s32 v3, v17;
	s24 =	simm.s32 $0xC;
	v22 =	vmov s26;
	v21 =	vmul.f32 $8.000000000e+00, v61;
	v19 =	vld [tilespmem:s19+$0x40];
	[tilespmem:v62+s10+$0x0] =	vst.idx.msk $0xffff, v63  }
.LBB2_11:
0x291: {  	p1 =	slt.u32 s24, $0x7C;
	s26 =	sadd.s32 $0x1, s23;
	v22 =	vand.u32 $0x7F, v22;
	[tilespmem:v18+s10+$0x0] =	vst.idx.msk $0xffff, v20;
	v13 =	vmul.f32 $8.000000000e+00, v13;
	v18 =	vld [tilespmem:s18+$0x60];
	v20 =	vadd.s32 v3, v8;
	v8 =	vmovc v4  }
0x292: {  	v4 =	vmovc v9;
	v23 =	vld [tilespmem:s19+$0xFFFFFF80];
	v24 =	vmov s26;
	s26 =	sadd.s32 $0x2, s23;
	v25 =	vadd.s32 v0, v22;
	[tilespmem:v16+s10+$0x0] =	vst.idx.msk $0xffff, v21;
	v12 =	vmul.f32 $8.000000000e+00, v12;
	s23 =	smov.u32 s24  }
0x293: {  	v9 =	vld [tilespmem:s19+$0xFFFFFFC0];
	v16 =	vmov s26;
	[tilespmem:v10+s10+$0x0] =	vst.idx.msk $0xffff, v13;
	v10 =	vadd.s32 v2, v5;
	v11 =	vmul.f32 $8.000000000e+00, v11  }
0x294: {  	v13 =	vadd.s32 v0, v4;
	v21 =	vand.u32 $0x7D, v24;
	v24 =	vld [tilespmem:s19+$0x0];
	v14 =	vmul.f32 $8.000000000e+00, v14;
	[tilespmem:v15+s10+$0x0] =	vst.idx.msk $0xffff, v12  }
0x295: {  	v12 =	vadd.s32 v0, v21;
	v26 =	vand.u32 $0x7E, v16;
	v15 =	vmul.f32 $8.000000000e+00, v19;
	v16 =	vld [tilespmem:s18+$0xFFFFFFE0];
	[tilespmem:v17+s10+$0x0] =	vst.idx.msk $0xffff, v11  }
0x296: {  	v11 =	vadd.s32 v0, v26;
	v17 =	vld [tilespmem:s18+$0x20];
	v18 =	vmul.f32 $8.000000000e+00, v18;
	[tilespmem:v20+s10+$0x0] =	vst.idx.msk $0xffff, v14  }
0x297: {  	v19 =	vadd.s32 v2, v6;
	v14 =	vmul.f32 $8.000000000e+00, v23;
	[tilespmem:v25+s10+$0x0] =	vst.idx.msk $0xffff, v15;
	v15 =	vld [tilespmem:s18+$0xFFFFFFA0]  }
0x298: {  	v23 =	vadd.s32 v2, v7;
	v9 =	vmul.f32 $8.000000000e+00, v9;
	v20 =	vld [tilespmem:s19+$0x50];
	[tilespmem:v10+s10+$0x0] =	vst.idx.msk $0xffff, v18  }
0x299: {  	[tilespmem:v13+s10+$0x0] =	vst.idx.msk $0xffff, v14;
	v10 =	vmul.f32 $8.000000000e+00, v24;
	v14 =	vadd.s32 v2, v8;
	v24 =	vld [tilespmem:s18+$0x70]  }
0x29a: {  	v27 =	vadd.s32 v1, v22;
	v25 =	vld [tilespmem:s19+$0xFFFFFF90];
	[tilespmem:v12+s10+$0x0] =	vst.idx.msk $0xffff, v9;
	v9 =	vmul.f32 $8.000000000e+00, v16  }
0x29b: {  	v29 =	vadd.s32 v3, v5;
	v5 =	vmov v22;
	v28 =	vld [tilespmem:s19+$0xFFFFFFD0];
	[tilespmem:v11+s10+$0x0] =	vst.idx.msk $0xffff, v10;
	v10 =	vmul.f32 $8.000000000e+00, v17  }
.Ltmp7:
0x29c: {  	v18 =	vadd.s32 v1, v4;
	v13 =	vld [tilespmem:s19+$0x10];
	v11 =	vmul.f32 $8.000000000e+00, v15;
	[tilespmem:v19+s10+$0x0] =	vst.idx.msk $0xffff, v9;
	(pc) =	sbr.rel @p1 .LBB2_11-.Ltmp7, $4  }
0x29d: {  	v16 =	vadd.s32 v1, v21;
	v15 =	vmul.f32 $8.000000000e+00, v20;
	v12 =	vld [tilespmem:s18+$0xFFFFFFF0];
	[tilespmem:v23+s10+$0x0] =	vst.idx.msk $0xffff, v10  }
0x29e: {  	v9 =	vmov s24;
	v10 =	vadd.s32 v1, v26;
	[tilespmem:v14+s10+$0x0] =	vst.idx.msk $0xffff, v11;
	v11 =	vld [tilespmem:s18+$0x30];
	v23 =	vmul.f32 $8.000000000e+00, v24  }
0x29f: {  	s26 =	sadd.s32 $0x3, s24;
	v9 =	vand.u32 $0x7C, v9;
	v20 =	vmul.f32 $8.000000000e+00, v25;
	[tilespmem:v27+s10+$0x0] =	vst.idx.msk $0xffff, v15;
	v14 =	vld [tilespmem:s18+$0xFFFFFFB0];
	v15 =	vadd.s32 v3, v6;
	v6 =	vmovc v21;
	s18 =	smov.u32 s19;
	s19 =	sadd.s32 $0x100, s19  }
0x2a0: {  	v22 =	vmov s26;
	v17 =	vadd.s32 v3, v7;
	v7 =	vmovc v26;
	s24 =	sadd.s32 $0x4, s24;
	v19 =	vld [tilespmem:s19+$0x40];
	v21 =	vmul.f32 $8.000000000e+00, v28;
	[tilespmem:v29+s10+$0x0] =	vst.idx.msk $0xffff, v23  }
0x2a1: {  	s24 =	sadd.s32 $0x1, s23  }
0x2a2: {  	v22 =	vand.u32 $0x7F, v22;
	s26 =	sadd.s32 $0x2, s23;
	v24 =	vld [tilespmem:s19+$0xFFFFFFC0];
	v23 =	vmov s24  }
0x2a3: {  	v27 =	vld [tilespmem:s19+$0x0];
	v25 =	vadd.s32 v0, v22;
	v26 =	vmov s26;
	v23 =	vand.u32 $0x7D, v23  }
0x2a4: {  	v28 =	vld [tilespmem:s19+$0xFFFFFF80];
	v26 =	vand.u32 $0x7E, v26;
	v29 =	vadd.s32 v0, v23  }
0x2a5: {  	v30 =	vadd.s32 v0, v26  }
0x2a6: {  	[tilespmem:v18+s10+$0x0] =	vst.idx.msk $0xffff, v20;
	v18 =	vadd.s32 v0, v9;
	v19 =	vmul.f32 $8.000000000e+00, v19  }
0x2a7: {  	[tilespmem:v16+s10+$0x0] =	vst.idx.msk $0xffff, v21;
	v16 =	vmul.f32 $8.000000000e+00, v24  }
0x2a8: {  	[tilespmem:v25+s10+$0x0] =	vst.idx.msk $0xffff, v19;
	v19 =	vmul.f32 $8.000000000e+00, v27  }
0x2a9: {  	v20 =	vmul.f32 $8.000000000e+00, v28;
	[tilespmem:v29+s10+$0x0] =	vst.idx.msk $0xffff, v16;
	v16 =	vld [tilespmem:s19+$0x50]  }
0x2aa: {  	v13 =	vmul.f32 $8.000000000e+00, v13;
	v8 =	vadd.s32 v3, v8;
	[tilespmem:v30+s10+$0x0] =	vst.idx.msk $0xffff, v19;
	v21 =	vld [tilespmem:s19+$0xFFFFFFD0]  }
0x2ab: {  	v12 =	vmul.f32 $8.000000000e+00, v12;
	[tilespmem:v18+s10+$0x0] =	vst.idx.msk $0xffff, v20;
	v18 =	vadd.s32 v1, v22;
	v19 =	vld [tilespmem:s19+$0x10]  }
0x2ac: {  	[tilespmem:v10+s10+$0x0] =	vst.idx.msk $0xffff, v13;
	v10 =	vmul.f32 $8.000000000e+00, v11;
	v13 =	vadd.s32 v1, v23;
	v11 =	vld [tilespmem:s19+$0xFFFFFF90]  }
0x2ad: {  	v14 =	vmul.f32 $8.000000000e+00, v14;
	[tilespmem:v15+s10+$0x0] =	vst.idx.msk $0xffff, v12;
	v12 =	vadd.s32 v1, v26;
	v20 =	vld [tilespmem:s18+$0x60]  }
0x2ae: {  	v15 =	vld [tilespmem:s18+$0xFFFFFFE0];
	[tilespmem:v17+s10+$0x0] =	vst.idx.msk $0xffff, v10;
	v10 =	vadd.s32 v1, v9;
	v16 =	vmul.f32 $8.000000000e+00, v16  }
0x2af: {  	v58 =	vld [tilespmem:s18+$0x20];
	v17 =	vadd.s32 v2, v5;
	[tilespmem:v8+s10+$0x0] =	vst.idx.msk $0xffff, v14;
	v8 =	vmul.f32 $8.000000000e+00, v21  }
0x2b0: {  	v14 =	vld [tilespmem:s18+$0xFFFFFFA0];
	v21 =	vadd.s32 v2, v6;
	[tilespmem:v18+s10+$0x0] =	vst.idx.msk $0xffff, v16;
	v16 =	vmul.f32 $8.000000000e+00, v19  }
0x2b1: {  	v11 =	vmul.f32 $8.000000000e+00, v11;
	v18 =	vadd.s32 v2, v7;
	v19 =	vld [tilespmem:s19+$0x60];
	[tilespmem:v13+s10+$0x0] =	vst.idx.msk $0xffff, v8  }
0x2b2: {  	v8 =	vmul.f32 $8.000000000e+00, v20;
	v13 =	vadd.s32 v2, v4;
	[tilespmem:v12+s10+$0x0] =	vst.idx.msk $0xffff, v16;
	v12 =	vld [tilespmem:s19+$0xFFFFFFE0]  }
0x2b3: {  	v15 =	vmul.f32 $8.000000000e+00, v15;
	[tilespmem:v10+s10+$0x0] =	vst.idx.msk $0xffff, v11;
	v10 =	vadd.s32 v2, v22;
	v11 =	vld [tilespmem:s19+$0x20]  }
0x2b4: {  	v16 =	vld [tilespmem:s19+$0xFFFFFFA0];
	[tilespmem:v17+s10+$0x0] =	vst.idx.msk $0xffff, v8;
	v8 =	vmul.f32 $8.000000000e+00, v58;
	v17 =	vadd.s32 v2, v23  }
0x2b5: {  	v14 =	vmul.f32 $8.000000000e+00, v14;
	v20 =	vld [tilespmem:s18+$0x70];
	[tilespmem:v21+s10+$0x0] =	vst.idx.msk $0xffff, v15;
	v15 =	vadd.s32 v2, v26  }
0x2b6: {  	v21 =	vld [tilespmem:s18+$0xFFFFFFF0];
	[tilespmem:v18+s10+$0x0] =	vst.idx.msk $0xffff, v8;
	v18 =	vadd.s32 v2, v9;
	v8 =	vmul.f32 $8.000000000e+00, v19  }
0x2b7: {  	v5 =	vadd.s32 v3, v5;
	[tilespmem:v13+s10+$0x0] =	vst.idx.msk $0xffff, v14;
	v13 =	vld [tilespmem:s18+$0x30];
	v12 =	vmul.f32 $8.000000000e+00, v12  }
0x2b8: {  	v6 =	vadd.s32 v3, v6;
	v14 =	vld [tilespmem:s18+$0xFFFFFFB0];
	[tilespmem:v10+s10+$0x0] =	vst.idx.msk $0xffff, v8;
	v8 =	vmul.f32 $8.000000000e+00, v11  }
0x2b9: {  	v7 =	vadd.s32 v3, v7;
	v11 =	vmul.f32 $8.000000000e+00, v16;
	v10 =	vld [tilespmem:s19+$0x70];
	[tilespmem:v17+s10+$0x0] =	vst.idx.msk $0xffff, v12  }
0x2ba: {  	v4 =	vadd.s32 v3, v4;
	v12 =	vmul.f32 $8.000000000e+00, v20;
	v16 =	vld [tilespmem:s19+$0xFFFFFFF0];
	[tilespmem:v15+s10+$0x0] =	vst.idx.msk $0xffff, v8  }
0x2bb: {  	v8 =	vmul.f32 $8.000000000e+00, v21;
	v15 =	vadd.s32 v3, v22;
	[tilespmem:v18+s10+$0x0] =	vst.idx.msk $0xffff, v11;
	v11 =	vld [tilespmem:s19+$0x30]  }
0x2bc: {  	[tilespmem:v5+s10+$0x0] =	vst.idx.msk $0xffff, v12;
	v5 =	vmul.f32 $8.000000000e+00, v13;
	v12 =	vld [tilespmem:s19+$0xFFFFFFB0];
	v13 =	vadd.s32 v3, v23  }
0x2bd: {  	v14 =	vmul.f32 $8.000000000e+00, v14;
	[tilespmem:v6+s10+$0x0] =	vst.idx.msk $0xffff, v8;
	v6 =	vadd.s32 v3, v26  }
0x2be: {  	[tilespmem:v7+s10+$0x0] =	vst.idx.msk $0xffff, v5;
	v7 =	vadd.s32 v3, v9;
	v5 =	vmul.f32 $8.000000000e+00, v10  }
0x2bf: {  	[tilespmem:v4+s10+$0x0] =	vst.idx.msk $0xffff, v14;
	v4 =	vmul.f32 $8.000000000e+00, v16  }
0x2c0: {  	[tilespmem:v15+s10+$0x0] =	vst.idx.msk $0xffff, v5;
	v5 =	vmul.f32 $8.000000000e+00, v11  }
0x2c1: {  	v8 =	vmul.f32 $8.000000000e+00, v12;
	[tilespmem:v13+s10+$0x0] =	vst.idx.msk $0xffff, v4  }
0x2c2: {  	[tilespmem:v6+s10+$0x0] =	vst.idx.msk $0xffff, v5  }
0x2c3: {  	[tilespmem:v7+s10+$0x0] =	vst.idx.msk $0xffff, v8  }
0x2c4: {  	s23 =	rddreg [dreg:$0x14]  }
0x2c5: {  	s18 =	sadd.s32 s16, s23  }
0x2c6: {  	[hbm4b:s18+s3] =	stream.linear.scatter [tilespmem:s10], [sflag:$0x5], $0x80, $0x38;
	[tilespmem:$0x12800] =	vst v63  }
0x2c7: {  	s26 =	simm.s32 $0xE488;
	s24 =	sadd.s32 $0x10, s18  }
0x2c8: {  	[hbm4b:s24+s3] =	stream.linear.scatter [tilespmem:s26], [sflag:$0x5], $0x80, $0x38;
	[tilespmem:$0x12800] =	vst v63  }
0x2c9: {  	s23 =	sadd.s32 $0x20, s18;
	s24 =	simm.s32 $0xE510  }
0x2ca: {  	[hbm4b:s23+s3] =	stream.linear.scatter [tilespmem:s24], [sflag:$0x5], $0x80, $0x38;
	[tilespmem:$0x12800] =	vst v63  }
0x2cb: {  	s23 =	sadd.s32 $0x30, s18;
	s24 =	simm.s32 $0xE598  }
0x2cc: {  	[hbm4b:s23+s3] =	stream.linear.scatter [tilespmem:s24], [sflag:$0x5], $0x80, $0x38;
	[tilespmem:$0x12800] =	vst v63  }
0x2cd: {  	s23 =	sadd.s32 $0x40, s18;
	s24 =	simm.s32 $0xE620  }
0x2ce: {  	[hbm4b:s23+s3] =	stream.linear.scatter [tilespmem:s24], [sflag:$0x5], $0x80, $0x38;
	[tilespmem:$0x12800] =	vst v63  }
0x2cf: {  	s23 =	sadd.s32 $0x50, s18;
	s24 =	simm.s32 $0xE6A8  }
0x2d0: {  	[hbm4b:s23+s3] =	stream.linear.scatter [tilespmem:s24], [sflag:$0x5], $0x80, $0x38;
	[tilespmem:$0x12800] =	vst v63  }
0x2d1: {  	s23 =	sadd.s32 $0x60, s18;
	s24 =	simm.s32 $0xE730  }
0x2d2: {  	[hbm4b:s23+s3] =	stream.linear.scatter [tilespmem:s24], [sflag:$0x5], $0x80, $0x38;
	[tilespmem:$0x12800] =	vst v63  }
0x2d3: {  	s18 =	sadd.s32 $0x70, s18;
	s24 =	simm.s32 $0xE7B8;
	s23 =	rddreg [dreg:$0x15]  }
0x2d4: {  	[hbm4b:s18+s3] =	stream.linear.scatter [tilespmem:s24], [sflag:$0x5], $0x80, $0x38;
	[tilespmem:$0x12800] =	vst v63  }
0x2d5: {  	s18 =	sadd.s32 s16, s23;
	s24 =	simm.s32 $0xE840  }
0x2d6: {  	[hbm4b:s18+s3] =	stream.linear.scatter [tilespmem:s24], [sflag:$0x5], $0x80, $0x38;
	[tilespmem:$0x12800] =	vst v63  }
0x2d7: {  	s23 =	sadd.s32 $0x10, s18;
	s24 =	simm.s32 $0xE8C8  }
0x2d8: {  	[hbm4b:s23+s3] =	stream.linear.scatter [tilespmem:s24], [sflag:$0x5], $0x80, $0x38;
	[tilespmem:$0x12800] =	vst v63  }
0x2d9: {  	s23 =	sadd.s32 $0x20, s18;
	s24 =	simm.s32 $0xE950  }
0x2da: {  	[hbm4b:s23+s3] =	stream.linear.scatter [tilespmem:s24], [sflag:$0x5], $0x80, $0x38;
	[tilespmem:$0x12800] =	vst v63  }
0x2db: {  	s23 =	sadd.s32 $0x30, s18;
	s24 =	simm.s32 $0xE9D8  }
0x2dc: {  	[hbm4b:s23+s3] =	stream.linear.scatter [tilespmem:s24], [sflag:$0x5], $0x80, $0x38;
	[tilespmem:$0x12800] =	vst v63  }
0x2dd: {  	s23 =	sadd.s32 $0x40, s18;
	s24 =	simm.s32 $0xEA60  }
0x2de: {  	[hbm4b:s23+s3] =	stream.linear.scatter [tilespmem:s24], [sflag:$0x5], $0x80, $0x38;
	[tilespmem:$0x12800] =	vst v63  }
0x2df: {  	s23 =	sadd.s32 $0x50, s18;
	s24 =	simm.s32 $0xEAE8  }
0x2e0: {  	[hbm4b:s23+s3] =	stream.linear.scatter [tilespmem:s24], [sflag:$0x5], $0x80, $0x38;
	[tilespmem:$0x12800] =	vst v63  }
0x2e1: {  	s23 =	sadd.s32 $0x60, s18;
	s24 =	simm.s32 $0xEB70  }
0x2e2: {  	[hbm4b:s23+s3] =	stream.linear.scatter [tilespmem:s24], [sflag:$0x5], $0x80, $0x38;
	[tilespmem:$0x12800] =	vst v63  }
0x2e3: {  	s18 =	sadd.s32 $0x70, s18;
	s24 =	simm.s32 $0xEBF8;
	s23 =	rddreg [dreg:$0x16]  }
0x2e4: {  	[hbm4b:s18+s3] =	stream.linear.scatter [tilespmem:s24], [sflag:$0x5], $0x80, $0x38;
	[tilespmem:$0x12800] =	vst v63  }
0x2e5: {  	s18 =	sadd.s32 s16, s23;
	s24 =	simm.s32 $0xEC80  }
0x2e6: {  	[hbm4b:s18+s3] =	stream.linear.scatter [tilespmem:s24], [sflag:$0x5], $0x80, $0x38;
	[tilespmem:$0x12800] =	vst v63  }
0x2e7: {  	s23 =	sadd.s32 $0x10, s18;
	s24 =	simm.s32 $0xED08  }
0x2e8: {  	[hbm4b:s23+s3] =	stream.linear.scatter [tilespmem:s24], [sflag:$0x5], $0x80, $0x38;
	[tilespmem:$0x12800] =	vst v63  }
0x2e9: {  	s23 =	sadd.s32 $0x20, s18;
	s24 =	simm.s32 $0xED90  }
0x2ea: {  	[hbm4b:s23+s3] =	stream.linear.scatter [tilespmem:s24], [sflag:$0x5], $0x80, $0x38;
	[tilespmem:$0x12800] =	vst v63  }
0x2eb: {  	s23 =	sadd.s32 $0x30, s18;
	s24 =	simm.s32 $0xEE18  }
0x2ec: {  	[hbm4b:s23+s3] =	stream.linear.scatter [tilespmem:s24], [sflag:$0x5], $0x80, $0x38;
	[tilespmem:$0x12800] =	vst v63  }
0x2ed: {  	s23 =	sadd.s32 $0x40, s18;
	s24 =	simm.s32 $0xEEA0  }
0x2ee: {  	[hbm4b:s23+s3] =	stream.linear.scatter [tilespmem:s24], [sflag:$0x5], $0x80, $0x38;
	[tilespmem:$0x12800] =	vst v63  }
0x2ef: {  	s23 =	sadd.s32 $0x50, s18;
	s24 =	simm.s32 $0xEF28  }
0x2f0: {  	[hbm4b:s23+s3] =	stream.linear.scatter [tilespmem:s24], [sflag:$0x5], $0x80, $0x38;
	[tilespmem:$0x12800] =	vst v63  }
0x2f1: {  	s23 =	sadd.s32 $0x60, s18;
	s24 =	simm.s32 $0xEFB0  }
0x2f2: {  	[hbm4b:s23+s3] =	stream.linear.scatter [tilespmem:s24], [sflag:$0x5], $0x80, $0x38;
	[tilespmem:$0x12800] =	vst v63  }
0x2f3: {  	s18 =	sadd.s32 $0x70, s18;
	s24 =	simm.s32 $0xF038;
	s23 =	rddreg [dreg:$0x18]  }
0x2f4: {  	[hbm4b:s18+s3] =	stream.linear.scatter [tilespmem:s24], [sflag:$0x5], $0x80, $0x38;
	[tilespmem:$0x12800] =	vst v63  }
0x2f5: {  	s18 =	sadd.s32 s16, s23;
	s24 =	simm.s32 $0xF0C0  }
0x2f6: {  	[hbm4b:s18+s3] =	stream.linear.scatter [tilespmem:s24], [sflag:$0x5], $0x80, $0x38;
	[tilespmem:$0x12800] =	vst v63  }
0x2f7: {  	s23 =	sadd.s32 $0x10, s18;
	s24 =	simm.s32 $0xF148  }
0x2f8: {  	[hbm4b:s23+s3] =	stream.linear.scatter [tilespmem:s24], [sflag:$0x5], $0x80, $0x38;
	[tilespmem:$0x12800] =	vst v63  }
0x2f9: {  	s23 =	sadd.s32 $0x20, s18;
	s24 =	simm.s32 $0xF1D0  }
0x2fa: {  	[hbm4b:s23+s3] =	stream.linear.scatter [tilespmem:s24], [sflag:$0x5], $0x80, $0x38;
	[tilespmem:$0x12800] =	vst v63  }
0x2fb: {  	s23 =	sadd.s32 $0x30, s18;
	s24 =	simm.s32 $0xF258  }
0x2fc: {  	[hbm4b:s23+s3] =	stream.linear.scatter [tilespmem:s24], [sflag:$0x5], $0x80, $0x38;
	[tilespmem:$0x12800] =	vst v63  }
0x2fd: {  	s23 =	sadd.s32 $0x40, s18;
	s24 =	simm.s32 $0xF2E0  }
0x2fe: {  	[hbm4b:s23+s3] =	stream.linear.scatter [tilespmem:s24], [sflag:$0x5], $0x80, $0x38;
	[tilespmem:$0x12800] =	vst v63  }
0x2ff: {  	s23 =	sadd.s32 $0x50, s18;
	s24 =	simm.s32 $0xF368  }
0x300: {  	[hbm4b:s23+s3] =	stream.linear.scatter [tilespmem:s24], [sflag:$0x5], $0x80, $0x38;
	[tilespmem:$0x12800] =	vst v63  }
0x301: {  	s23 =	sadd.s32 $0x60, s18;
	s24 =	simm.s32 $0xF3F0  }
0x302: {  	[hbm4b:s23+s3] =	stream.linear.scatter [tilespmem:s24], [sflag:$0x5], $0x80, $0x38;
	[tilespmem:$0x12800] =	vst v63  }
0x303: {  	s18 =	sadd.s32 $0x70, s18;
	s24 =	simm.s32 $0xF478;
	s23 =	rddreg [dreg:$0x19]  }
0x304: {  	[hbm4b:s18+s3] =	stream.linear.scatter [tilespmem:s24], [sflag:$0x5], $0x80, $0x38;
	[tilespmem:$0x12800] =	vst v63  }
0x305: {  	s18 =	sadd.s32 s16, s23;
	s24 =	simm.s32 $0xF500  }
0x306: {  	[hbm4b:s18+s3] =	stream.linear.scatter [tilespmem:s24], [sflag:$0x5], $0x80, $0x38;
	[tilespmem:$0x12800] =	vst v63  }
0x307: {  	s23 =	sadd.s32 $0x10, s18;
	s24 =	simm.s32 $0xF588  }
0x308: {  	[hbm4b:s23+s3] =	stream.linear.scatter [tilespmem:s24], [sflag:$0x5], $0x80, $0x38;
	[tilespmem:$0x12800] =	vst v63  }
0x309: {  	s23 =	sadd.s32 $0x20, s18;
	s24 =	simm.s32 $0xF610  }
0x30a: {  	[hbm4b:s23+s3] =	stream.linear.scatter [tilespmem:s24], [sflag:$0x5], $0x80, $0x38;
	[tilespmem:$0x12800] =	vst v63  }
0x30b: {  	s23 =	sadd.s32 $0x30, s18;
	s24 =	simm.s32 $0xF698  }
0x30c: {  	[hbm4b:s23+s3] =	stream.linear.scatter [tilespmem:s24], [sflag:$0x5], $0x80, $0x38;
	[tilespmem:$0x12800] =	vst v63  }
0x30d: {  	s23 =	sadd.s32 $0x40, s18;
	s24 =	simm.s32 $0xF720  }
0x30e: {  	[hbm4b:s23+s3] =	stream.linear.scatter [tilespmem:s24], [sflag:$0x5], $0x80, $0x38;
	[tilespmem:$0x12800] =	vst v63  }
0x30f: {  	s23 =	sadd.s32 $0x50, s18;
	s24 =	simm.s32 $0xF7A8  }
0x310: {  	[hbm4b:s23+s3] =	stream.linear.scatter [tilespmem:s24], [sflag:$0x5], $0x80, $0x38;
	[tilespmem:$0x12800] =	vst v63  }
0x311: {  	s23 =	sadd.s32 $0x60, s18;
	s24 =	simm.s32 $0xF830  }
0x312: {  	[hbm4b:s23+s3] =	stream.linear.scatter [tilespmem:s24], [sflag:$0x5], $0x80, $0x38;
	[tilespmem:$0x12800] =	vst v63  }
0x313: {  	s18 =	sadd.s32 $0x70, s18;
	s24 =	simm.s32 $0xF8B8;
	s23 =	rddreg [dreg:$0x1a]  }
0x314: {  	[hbm4b:s18+s3] =	stream.linear.scatter [tilespmem:s24], [sflag:$0x5], $0x80, $0x38;
	[tilespmem:$0x12800] =	vst v63  }
0x315: {  	s18 =	sadd.s32 s16, s23;
	s24 =	simm.s32 $0xF940  }
0x316: {  	[hbm4b:s18+s3] =	stream.linear.scatter [tilespmem:s24], [sflag:$0x5], $0x80, $0x38;
	[tilespmem:$0x12800] =	vst v63  }
0x317: {  	s23 =	sadd.s32 $0x10, s18;
	s24 =	simm.s32 $0xF9C8  }
0x318: {  	[hbm4b:s23+s3] =	stream.linear.scatter [tilespmem:s24], [sflag:$0x5], $0x80, $0x38;
	[tilespmem:$0x12800] =	vst v63  }
0x319: {  	s23 =	sadd.s32 $0x20, s18;
	s24 =	simm.s32 $0xFA50  }
0x31a: {  	[hbm4b:s23+s3] =	stream.linear.scatter [tilespmem:s24], [sflag:$0x5], $0x80, $0x38;
	[tilespmem:$0x12800] =	vst v63  }
0x31b: {  	s23 =	sadd.s32 $0x30, s18;
	s24 =	simm.s32 $0xFAD8  }
0x31c: {  	[hbm4b:s23+s3] =	stream.linear.scatter [tilespmem:s24], [sflag:$0x5], $0x80, $0x38;
	[tilespmem:$0x12800] =	vst v63  }
0x31d: {  	s23 =	sadd.s32 $0x40, s18;
	s24 =	simm.s32 $0xFB60  }
0x31e: {  	[hbm4b:s23+s3] =	stream.linear.scatter [tilespmem:s24], [sflag:$0x5], $0x80, $0x38;
	[tilespmem:$0x12800] =	vst v63  }
0x31f: {  	s23 =	sadd.s32 $0x50, s18;
	s24 =	simm.s32 $0xFBE8  }
0x320: {  	[hbm4b:s23+s3] =	stream.linear.scatter [tilespmem:s24], [sflag:$0x5], $0x80, $0x38;
	[tilespmem:$0x12800] =	vst v63  }
0x321: {  	s23 =	sadd.s32 $0x60, s18;
	s24 =	simm.s32 $0xFC70  }
0x322: {  	[hbm4b:s23+s3] =	stream.linear.scatter [tilespmem:s24], [sflag:$0x5], $0x80, $0x38;
	[tilespmem:$0x12800] =	vst v63  }
0x323: {  	s18 =	sadd.s32 $0x70, s18;
	s24 =	simm.s32 $0xFCF8;
	s23 =	rddreg [dreg:$0x1b]  }
0x324: {  	[hbm4b:s18+s3] =	stream.linear.scatter [tilespmem:s24], [sflag:$0x5], $0x80, $0x38;
	[tilespmem:$0x12800] =	vst v63  }
0x325: {  	s18 =	sadd.s32 s16, s23;
	s24 =	simm.s32 $0xFD80  }
0x326: {  	[hbm4b:s18+s3] =	stream.linear.scatter [tilespmem:s24], [sflag:$0x5], $0x80, $0x38;
	[tilespmem:$0x12800] =	vst v63  }
0x327: {  	s23 =	sadd.s32 $0x10, s18;
	s24 =	simm.s32 $0xFE08  }
0x328: {  	[hbm4b:s23+s3] =	stream.linear.scatter [tilespmem:s24], [sflag:$0x5], $0x80, $0x38;
	[tilespmem:$0x12800] =	vst v63  }
0x329: {  	s23 =	sadd.s32 $0x20, s18;
	s24 =	simm.s32 $0xFE90  }
0x32a: {  	[hbm4b:s23+s3] =	stream.linear.scatter [tilespmem:s24], [sflag:$0x5], $0x80, $0x38;
	[tilespmem:$0x12800] =	vst v63  }
0x32b: {  	s23 =	sadd.s32 $0x30, s18;
	s24 =	simm.s32 $0xFF18  }
0x32c: {  	[hbm4b:s23+s3] =	stream.linear.scatter [tilespmem:s24], [sflag:$0x5], $0x80, $0x38;
	[tilespmem:$0x12800] =	vst v63  }
0x32d: {  	s23 =	sadd.s32 $0x40, s18;
	s24 =	simm.s32 $0xFFA0  }
0x32e: {  	[hbm4b:s23+s3] =	stream.linear.scatter [tilespmem:s24], [sflag:$0x5], $0x80, $0x38;
	[tilespmem:$0x12800] =	vst v63  }
0x32f: {  	s23 =	sadd.s32 $0x50, s18;
	s24 =	simm.s32 $0x10028  }
0x330: {  	[hbm4b:s23+s3] =	stream.linear.scatter [tilespmem:s24], [sflag:$0x5], $0x80, $0x38;
	[tilespmem:$0x12800] =	vst v63  }
0x331: {  	s23 =	sadd.s32 $0x60, s18;
	s24 =	simm.s32 $0x100B0  }
0x332: {  	[hbm4b:s23+s3] =	stream.linear.scatter [tilespmem:s24], [sflag:$0x5], $0x80, $0x38;
	[tilespmem:$0x12800] =	vst v63  }
0x333: {  	s18 =	sadd.s32 $0x70, s18;
	s24 =	simm.s32 $0x10138;
	s23 =	rddreg [dreg:$0x1c]  }
0x334: {  	[hbm4b:s18+s3] =	stream.linear.scatter [tilespmem:s24], [sflag:$0x5], $0x80, $0x38;
	[tilespmem:$0x12800] =	vst v63  }
0x335: {  	s18 =	sadd.s32 s16, s23;
	s24 =	simm.s32 $0x101C0  }
0x336: {  	[hbm4b:s18+s3] =	stream.linear.scatter [tilespmem:s24], [sflag:$0x5], $0x80, $0x38;
	[tilespmem:$0x12800] =	vst v63  }
0x337: {  	s23 =	sadd.s32 $0x10, s18;
	s24 =	simm.s32 $0x10248  }
0x338: {  	[hbm4b:s23+s3] =	stream.linear.scatter [tilespmem:s24], [sflag:$0x5], $0x80, $0x38;
	[tilespmem:$0x12800] =	vst v63  }
0x339: {  	s23 =	sadd.s32 $0x20, s18;
	s24 =	simm.s32 $0x102D0  }
0x33a: {  	[hbm4b:s23+s3] =	stream.linear.scatter [tilespmem:s24], [sflag:$0x5], $0x80, $0x38;
	[tilespmem:$0x12800] =	vst v63  }
0x33b: {  	s23 =	sadd.s32 $0x30, s18;
	s24 =	simm.s32 $0x10358  }
0x33c: {  	[hbm4b:s23+s3] =	stream.linear.scatter [tilespmem:s24], [sflag:$0x5], $0x80, $0x38;
	[tilespmem:$0x12800] =	vst v63  }
0x33d: {  	s23 =	sadd.s32 $0x40, s18;
	s24 =	simm.s32 $0x103E0  }
0x33e: {  	[hbm4b:s23+s3] =	stream.linear.scatter [tilespmem:s24], [sflag:$0x5], $0x80, $0x38;
	[tilespmem:$0x12800] =	vst v63  }
0x33f: {  	s23 =	sadd.s32 $0x50, s18;
	s24 =	simm.s32 $0x10468  }
0x340: {  	[hbm4b:s23+s3] =	stream.linear.scatter [tilespmem:s24], [sflag:$0x5], $0x80, $0x38;
	[tilespmem:$0x12800] =	vst v63  }
0x341: {  	s23 =	sadd.s32 $0x60, s18;
	s24 =	simm.s32 $0x104F0  }
0x342: {  	[hbm4b:s23+s3] =	stream.linear.scatter [tilespmem:s24], [sflag:$0x5], $0x80, $0x38;
	[tilespmem:$0x12800] =	vst v63  }
0x343: {  	s18 =	sadd.s32 $0x70, s18;
	s23 =	simm.s32 $0x10578  }
0x344: {  	[hbm4b:s18+s3] =	stream.linear.scatter [tilespmem:s23], [sflag:$0x5], $0x80, $0x38;
	[tilespmem:$0x12800] =	vst v63  }
0x345: {  	s17 =	sadd.s32 @!p0 $0x300, s17;
	s19 =	simm.s32 @!p0 $0xA400;
	s18 =	simm.s32 @!p0 $0x80  }
0x346: {  	[tilespmem:s19], [sflag:$0x3] =	stream.indirect.gather @!p0 [hbm4b:s4+s18], $0x40, s17, s18, $0xb8;
	[tilespmem:$0x12800] =	vst v63  }
0x347: {  	_ =	swait.ge [sflag:s13], $0x2000  }
0x348: {  	[sflag:s13] =	ssyncset.done $0x0  }
0x349: {  	[sflag:s13] =	ssyncadd.s32 $0xFFFFE000  }
0x34a: {  	_ =	swait.ge [sflag:s21], $0x400  }
0x34b: {  	[sflag:s21] =	ssyncset.done $0x0  }
0x34c: {  	[sflag:s21] =	ssyncadd.s32 $0xFFFFFC00  }
0x34d: {  	_ =	swait.ge [sflag:s21], $0x400  }
0x34e: {  	[sflag:s21] =	ssyncset.done $0x0  }
0x34f: {  	[sflag:s21] =	ssyncadd.s32 $0xFFFFFC00  }
0x350: {  	_ =	swait.ge [sflag:s21], $0x400  }
0x351: {  	[sflag:s21] =	ssyncset.done $0x0  }
0x352: {  	[sflag:s21] =	ssyncadd.s32 $0xFFFFFC00  }
0x353: {  	_ =	swait.ge [sflag:s21], $0x400  }
0x354: {  	[sflag:s21] =	ssyncset.done $0x0  }
0x355: {  	[sflag:s21] =	ssyncadd.s32 $0xFFFFFC00  }
0x356: {  	_ =	swait.ge [sflag:s21], $0x400  }
0x357: {  	[sflag:s21] =	ssyncset.done $0x0  }
0x358: {  	[sflag:s21] =	ssyncadd.s32 $0xFFFFFC00  }
0x359: {  	_ =	swait.ge [sflag:s21], $0x400  }
0x35a: {  	[sflag:s21] =	ssyncset.done $0x0  }
0x35b: {  	[sflag:s21] =	ssyncadd.s32 $0xFFFFFC00  }
0x35c: {  	_ =	swait.ge [sflag:s21], $0x400  }
0x35d: {  	[sflag:s21] =	ssyncset.done $0x0  }
0x35e: {  	[sflag:s21] =	ssyncadd.s32 $0xFFFFFC00  }
0x35f: {  	_ =	swait.ge [sflag:s21], $0x400  }
0x360: {  	[sflag:s21] =	ssyncset.done $0x0  }
0x361: {  	s24 =	simm.s32 $0x3;
	s18 =	simm.s32 $0xC480;
	[sflag:s21] =	ssyncadd.s32 $0xFFFFFC00  }
0x362: {  	v4 =	vmov s24;
	v5 =	vld [tilespmem:s18+$0x40]  }
0x363: {  	v9 =	vand.u32 $0x7F, v4  }
0x364: {  	v4 =	vadd.s32 v0, v9;
	s19 =	simm.s32 $0x0  }
0x365: {  	s24 =	simm.s32 $0x2;
	s23 =	simm.s32 $0x1;
	v6 =	vmov s19;
	v7 =	vld [tilespmem:s18+$0xFFFFFF80]  }
0x366: {  	v11 =	vmov s24;
	v8 =	vand.u32 $0x7C, v6;
	v6 =	vmov s23;
	v10 =	vld [tilespmem:s18+$0xFFFFFFC0]  }
0x367: {  	v12 =	vadd.s32 v0, v8;
	v15 =	vand.u32 $0x7D, v6;
	v6 =	vld [tilespmem:s18+$0x0];
	v5 =	vmul.f32 $8.000000000e+00, v5  }
0x368: {  	v17 =	vand.u32 $0x7E, v11;
	v13 =	vadd.s32 v0, v15  }
0x369: {  	v11 =	vadd.s32 v0, v17;
	[tilespmem:v4+s22+$0x0] =	vst.idx.msk $0xffff, v5  }
0x36a: {  	v4 =	vmul.f32 $8.000000000e+00, v7;
	v5 =	vld [tilespmem:s18+$0x50]  }
0x36b: {  	v7 =	vmul.f32 $8.000000000e+00, v10  }
0x36c: {  	[tilespmem:v12+s22+$0x0] =	vst.idx.msk $0xffff, v4;
	v4 =	vmul.f32 $8.000000000e+00, v6;
	v6 =	vadd.s32 v1, v9  }
0x36d: {  	[tilespmem:v13+s22+$0x0] =	vst.idx.msk $0xffff, v7;
	v10 =	vld [tilespmem:s18+$0xFFFFFF90]  }
0x36e: {  	v7 =	vld [tilespmem:s18+$0xFFFFFFD0];
	[tilespmem:v11+s22+$0x0] =	vst.idx.msk $0xffff, v4  }
0x36f: {  	v11 =	vld [tilespmem:s18+$0x10];
	v4 =	vmul.f32 $8.000000000e+00, v5  }
0x370: {  	s24 =	simm.s32 $0x7;
	s17 =	simm.s32 $0xC580;
	s23 =	simm.s32 $0x4;
	v12 =	vadd.s32 v1, v15  }
0x371: {  	v14 =	vld [tilespmem:s17+$0x40];
	v13 =	vadd.s32 v1, v17;
	v5 =	vmov s23;
	[tilespmem:v6+s22+$0x0] =	vst.idx.msk $0xffff, v4;
	v6 =	vmov s24  }
0x372: {  	v16 =	vadd.s32 v1, v8;
	v4 =	vand.u32 $0x7C, v5;
	v5 =	vand.u32 $0x7F, v6;
	v18 =	vld [tilespmem:s18+$0x60]  }
0x373: {  	v22 =	vadd.s32 v2, v9;
	v19 =	vld [tilespmem:s17+$0xFFFFFF80];
	s24 =	simm.s32 $0x5;
	v6 =	vmul.f32 $8.000000000e+00, v7;
	v20 =	vadd.s32 v0, v5  }
0x374: {  	v21 =	vld [tilespmem:s17+$0xFFFFFFC0];
	s23 =	simm.s32 $0x6;
	v10 =	vmul.f32 $8.000000000e+00, v10;
	v7 =	vmul.f32 $8.000000000e+00, v11;
	v11 =	vmov s24  }
0x375: {  	v23 =	vadd.s32 v0, v4;
	[tilespmem:v12+s22+$0x0] =	vst.idx.msk $0xffff, v6;
	v12 =	vmov s23;
	v6 =	vand.u32 $0x7D, v11;
	v11 =	vld [tilespmem:s17+$0x0]  }
0x376: {  	[tilespmem:v13+s22+$0x0] =	vst.idx.msk $0xffff, v7;
	v13 =	vadd.s32 v0, v6;
	v7 =	vand.u32 $0x7E, v12;
	v12 =	vmul.f32 $8.000000000e+00, v14;
	v14 =	vld [tilespmem:s18+$0xFFFFFFE0]  }
0x377: {  	[tilespmem:v16+s22+$0x0] =	vst.idx.msk $0xffff, v10;
	v10 =	vadd.s32 v0, v7;
	v16 =	vld [tilespmem:s18+$0x20];
	v18 =	vmul.f32 $8.000000000e+00, v18  }
0x378: {  	v19 =	vmul.f32 $8.000000000e+00, v19;
	[tilespmem:v20+s22+$0x0] =	vst.idx.msk $0xffff, v12;
	v12 =	vld [tilespmem:s18+$0xFFFFFFA0];
	v20 =	vadd.s32 v2, v15  }
0x379: {  	v60 =	vadd.s32 v2, v17;
	v21 =	vmul.f32 $8.000000000e+00, v21;
	v59 =	vld [tilespmem:s17+$0x50];
	[tilespmem:v22+s22+$0x0] =	vst.idx.msk $0xffff, v18  }
0x37a: {  	[tilespmem:v23+s22+$0x0] =	vst.idx.msk $0xffff, v19;
	v19 =	vadd.s32 v2, v8;
	v11 =	vmul.f32 $8.000000000e+00, v11;
	v22 =	vld [tilespmem:s18+$0x70]  }
0x37b: {  	v23 =	vld [tilespmem:s17+$0xFFFFFF90];
	[tilespmem:v13+s22+$0x0] =	vst.idx.msk $0xffff, v21;
	v21 =	vadd.s32 v1, v5;
	v14 =	vmul.f32 $8.000000000e+00, v14  }
0x37c: {  	v62 =	vadd.s32 v3, v9;
	v61 =	vld [tilespmem:s17+$0xFFFFFFD0];
	[tilespmem:v10+s22+$0x0] =	vst.idx.msk $0xffff, v11;
	v10 =	vmul.f32 $8.000000000e+00, v16  }
0x37d: {  	v18 =	vadd.s32 v1, v4;
	v13 =	vld [tilespmem:s17+$0x10];
	v9 =	vmul.f32 $8.000000000e+00, v12;
	[tilespmem:v20+s22+$0x0] =	vst.idx.msk $0xffff, v14  }
0x37e: {  	s19 =	simm.s32 $0x8;
	v16 =	vadd.s32 v1, v6;
	[tilespmem:v60+s22+$0x0] =	vst.idx.msk $0xffff, v10;
	v14 =	vmul.f32 $8.000000000e+00, v59;
	v12 =	vld [tilespmem:s18+$0xFFFFFFF0]  }
0x37f: {  	v20 =	vmov s19;
	v10 =	vadd.s32 v1, v7;
	v11 =	vld [tilespmem:s18+$0x30];
	[tilespmem:v19+s22+$0x0] =	vst.idx.msk $0xffff, v9;
	v63 =	vmul.f32 $8.000000000e+00, v22  }
0x380: {  	s24 =	simm.s32 $0xB;
	v15 =	vadd.s32 v3, v15;
	v9 =	vand.u32 $0x7C, v20;
	v20 =	vmul.f32 $8.000000000e+00, v23;
	[tilespmem:v21+s22+$0x0] =	vst.idx.msk $0xffff, v14;
	v14 =	vld [tilespmem:s18+$0xFFFFFFB0];
	s18 =	simm.s32 $0xC680  }
0x381: {  	v17 =	vadd.s32 v3, v17;
	s23 =	simm.s32 $0xC;
	v22 =	vmov s24;
	v21 =	vmul.f32 $8.000000000e+00, v61;
	v19 =	vld [tilespmem:s18+$0x40];
	[tilespmem:v62+s22+$0x0] =	vst.idx.msk $0xffff, v63  }
.LBB2_13:
0x382: {  	p1 =	slt.u32 s23, $0x7C;
	s24 =	sadd.s32 $0x1, s19;
	v22 =	vand.u32 $0x7F, v22;
	[tilespmem:v18+s22+$0x0] =	vst.idx.msk $0xffff, v20;
	v13 =	vmul.f32 $8.000000000e+00, v13;
	v18 =	vld [tilespmem:s17+$0x60];
	v20 =	vadd.s32 v3, v8;
	v8 =	vmovc v4  }
0x383: {  	v4 =	vmovc v9;
	v23 =	vld [tilespmem:s18+$0xFFFFFF80];
	v24 =	vmov s24;
	s24 =	sadd.s32 $0x2, s19;
	v25 =	vadd.s32 v0, v22;
	[tilespmem:v16+s22+$0x0] =	vst.idx.msk $0xffff, v21;
	v12 =	vmul.f32 $8.000000000e+00, v12;
	s19 =	smov.u32 s23  }
0x384: {  	v9 =	vld [tilespmem:s18+$0xFFFFFFC0];
	v16 =	vmov s24;
	[tilespmem:v10+s22+$0x0] =	vst.idx.msk $0xffff, v13;
	v10 =	vadd.s32 v2, v5;
	v11 =	vmul.f32 $8.000000000e+00, v11  }
0x385: {  	v13 =	vadd.s32 v0, v4;
	v21 =	vand.u32 $0x7D, v24;
	v24 =	vld [tilespmem:s18+$0x0];
	v14 =	vmul.f32 $8.000000000e+00, v14;
	[tilespmem:v15+s22+$0x0] =	vst.idx.msk $0xffff, v12  }
0x386: {  	v12 =	vadd.s32 v0, v21;
	v26 =	vand.u32 $0x7E, v16;
	v15 =	vmul.f32 $8.000000000e+00, v19;
	v16 =	vld [tilespmem:s17+$0xFFFFFFE0];
	[tilespmem:v17+s22+$0x0] =	vst.idx.msk $0xffff, v11  }
0x387: {  	v11 =	vadd.s32 v0, v26;
	v17 =	vld [tilespmem:s17+$0x20];
	v18 =	vmul.f32 $8.000000000e+00, v18;
	[tilespmem:v20+s22+$0x0] =	vst.idx.msk $0xffff, v14  }
0x388: {  	v19 =	vadd.s32 v2, v6;
	v14 =	vmul.f32 $8.000000000e+00, v23;
	[tilespmem:v25+s22+$0x0] =	vst.idx.msk $0xffff, v15;
	v15 =	vld [tilespmem:s17+$0xFFFFFFA0]  }
0x389: {  	v23 =	vadd.s32 v2, v7;
	v9 =	vmul.f32 $8.000000000e+00, v9;
	v20 =	vld [tilespmem:s18+$0x50];
	[tilespmem:v10+s22+$0x0] =	vst.idx.msk $0xffff, v18  }
0x38a: {  	[tilespmem:v13+s22+$0x0] =	vst.idx.msk $0xffff, v14;
	v10 =	vmul.f32 $8.000000000e+00, v24;
	v14 =	vadd.s32 v2, v8;
	v24 =	vld [tilespmem:s17+$0x70]  }
0x38b: {  	v27 =	vadd.s32 v1, v22;
	v25 =	vld [tilespmem:s18+$0xFFFFFF90];
	[tilespmem:v12+s22+$0x0] =	vst.idx.msk $0xffff, v9;
	v9 =	vmul.f32 $8.000000000e+00, v16  }
0x38c: {  	v29 =	vadd.s32 v3, v5;
	v5 =	vmov v22;
	v28 =	vld [tilespmem:s18+$0xFFFFFFD0];
	[tilespmem:v11+s22+$0x0] =	vst.idx.msk $0xffff, v10;
	v10 =	vmul.f32 $8.000000000e+00, v17  }
.Ltmp8:
0x38d: {  	v18 =	vadd.s32 v1, v4;
	v13 =	vld [tilespmem:s18+$0x10];
	v11 =	vmul.f32 $8.000000000e+00, v15;
	[tilespmem:v19+s22+$0x0] =	vst.idx.msk $0xffff, v9;
	(pc) =	sbr.rel @p1 .LBB2_13-.Ltmp8, $4  }
0x38e: {  	v16 =	vadd.s32 v1, v21;
	v15 =	vmul.f32 $8.000000000e+00, v20;
	v12 =	vld [tilespmem:s17+$0xFFFFFFF0];
	[tilespmem:v23+s22+$0x0] =	vst.idx.msk $0xffff, v10  }
0x38f: {  	v9 =	vmov s23;
	v10 =	vadd.s32 v1, v26;
	[tilespmem:v14+s22+$0x0] =	vst.idx.msk $0xffff, v11;
	v11 =	vld [tilespmem:s17+$0x30];
	v23 =	vmul.f32 $8.000000000e+00, v24  }
0x390: {  	s24 =	sadd.s32 $0x3, s23;
	v9 =	vand.u32 $0x7C, v9;
	v20 =	vmul.f32 $8.000000000e+00, v25;
	[tilespmem:v27+s22+$0x0] =	vst.idx.msk $0xffff, v15;
	v14 =	vld [tilespmem:s17+$0xFFFFFFB0];
	v15 =	vadd.s32 v3, v6;
	v6 =	vmovc v21;
	s17 =	smov.u32 s18;
	s18 =	sadd.s32 $0x100, s18  }
0x391: {  	v22 =	vmov s24;
	v17 =	vadd.s32 v3, v7;
	v7 =	vmovc v26;
	s23 =	sadd.s32 $0x4, s23;
	v19 =	vld [tilespmem:s18+$0x40];
	v21 =	vmul.f32 $8.000000000e+00, v28;
	[tilespmem:v29+s22+$0x0] =	vst.idx.msk $0xffff, v23  }
0x392: {  	s23 =	sadd.s32 $0x1, s19;
	v22 =	vand.u32 $0x7F, v22;
	v28 =	vld [tilespmem:s18+$0xFFFFFF80]  }
0x393: {  	s24 =	sadd.s32 $0x2, s19;
	v24 =	vld [tilespmem:s18+$0xFFFFFFC0];
	v23 =	vmov s23;
	v26 =	vadd.s32 v0, v22  }
0x394: {  	v27 =	vld [tilespmem:s18+$0x0];
	v51 =	vadd.s32 v0, v9;
	v25 =	vmov s24;
	v23 =	vand.u32 $0x7D, v23  }
0x395: {  	v25 =	vand.u32 $0x7E, v25;
	v29 =	vadd.s32 v0, v23  }
0x396: {  	[tilespmem:v18+s22+$0x0] =	vst.idx.msk $0xffff, v20;
	v30 =	vadd.s32 v0, v25;
	v19 =	vmul.f32 $8.000000000e+00, v19  }
0x397: {  	[tilespmem:v16+s22+$0x0] =	vst.idx.msk $0xffff, v21;
	v54 =	vmul.f32 $8.000000000e+00, v28  }
0x398: {  	v52 =	vmul.f32 $8.000000000e+00, v24;
	[tilespmem:v26+s22+$0x0] =	vst.idx.msk $0xffff, v19  }
0x399: {  	v53 =	vmul.f32 $8.000000000e+00, v27;
	v55 =	vld [tilespmem:s18+$0x50];
	[tilespmem:v51+s22+$0x0] =	vst.idx.msk $0xffff, v54  }
0x39a: {  	v13 =	vmul.f32 $8.000000000e+00, v13;
	v8 =	vadd.s32 v3, v8;
	[tilespmem:v29+s22+$0x0] =	vst.idx.msk $0xffff, v52;
	v59 =	vld [tilespmem:s18+$0xFFFFFF90]  }
0x39b: {  	v12 =	vmul.f32 $8.000000000e+00, v12;
	v57 =	vadd.s32 v1, v22;
	[tilespmem:v30+s22+$0x0] =	vst.idx.msk $0xffff, v53;
	v56 =	vld [tilespmem:s18+$0xFFFFFFD0]  }
0x39c: {  	[tilespmem:v10+s22+$0x0] =	vst.idx.msk $0xffff, v13;
	v58 =	vmul.f32 $8.000000000e+00, v11;
	v28 =	vadd.s32 v1, v9;
	v19 =	vld [tilespmem:s18+$0x10]  }
0x39d: {  	v61 =	vld [tilespmem:s17+$0x60];
	v60 =	vadd.s32 v1, v23;
	v14 =	vmul.f32 $8.000000000e+00, v14;
	[tilespmem:v15+s22+$0x0] =	vst.idx.msk $0xffff, v12  }
0x39e: {  	v32 =	vld [tilespmem:s17+$0xFFFFFFA0];
	v62 =	vadd.s32 v1, v25;
	[tilespmem:v17+s22+$0x0] =	vst.idx.msk $0xffff, v58;
	v16 =	vmul.f32 $8.000000000e+00, v55  }
0x39f: {  	[tilespmem:v8+s22+$0x0] =	vst.idx.msk $0xffff, v14;
	v29 =	vadd.s32 v2, v5;
	v30 =	vld [tilespmem:s17+$0x20];
	v11 =	vmul.f32 $8.000000000e+00, v59  }
0x3a0: {  	v38 =	vadd.s32 v2, v4;
	v63 =	vld [tilespmem:s17+$0xFFFFFFE0];
	v31 =	vmul.f32 $8.000000000e+00, v56;
	[tilespmem:v57+s22+$0x0] =	vst.idx.msk $0xffff, v16  }
0x3a1: {  	v35 =	vadd.s32 v2, v7;
	v34 =	vmul.f32 $8.000000000e+00, v19;
	v36 =	vld [tilespmem:s18+$0x60];
	[tilespmem:v28+s22+$0x0] =	vst.idx.msk $0xffff, v11  }
0x3a2: {  	v33 =	vadd.s32 v2, v6;
	v37 =	vmul.f32 $8.000000000e+00, v61;
	[tilespmem:v60+s22+$0x0] =	vst.idx.msk $0xffff, v31;
	v43 =	vld [tilespmem:s18+$0xFFFFFFA0]  }
0x3a3: {  	v40 =	vadd.s32 v2, v22;
	v14 =	vmul.f32 $8.000000000e+00, v32;
	[tilespmem:v62+s22+$0x0] =	vst.idx.msk $0xffff, v34;
	v39 =	vld [tilespmem:s18+$0xFFFFFFE0]  }
0x3a4: {  	v48 =	vadd.s32 v2, v9;
	[tilespmem:v29+s22+$0x0] =	vst.idx.msk $0xffff, v37;
	v42 =	vmul.f32 $8.000000000e+00, v30;
	v41 =	vld [tilespmem:s18+$0x20]  }
0x3a5: {  	v44 =	vadd.s32 v2, v23;
	v15 =	vmul.f32 $8.000000000e+00, v63;
	[tilespmem:v38+s22+$0x0] =	vst.idx.msk $0xffff, v14;
	v45 =	vld [tilespmem:s17+$0x70]  }
0x3a6: {  	v46 =	vadd.s32 v2, v25;
	v14 =	vld [tilespmem:s17+$0xFFFFFFB0];
	[tilespmem:v35+s22+$0x0] =	vst.idx.msk $0xffff, v42;
	v47 =	vmul.f32 $8.000000000e+00, v36  }
0x3a7: {  	v5 =	vadd.s32 v3, v5;
	[tilespmem:v33+s22+$0x0] =	vst.idx.msk $0xffff, v15;
	v49 =	vld [tilespmem:s17+$0x30];
	v53 =	vmul.f32 $8.000000000e+00, v43  }
0x3a8: {  	v4 =	vadd.s32 v3, v4;
	v21 =	vld [tilespmem:s17+$0xFFFFFFF0];
	v12 =	vmul.f32 $8.000000000e+00, v39;
	[tilespmem:v40+s22+$0x0] =	vst.idx.msk $0xffff, v47  }
0x3a9: {  	v52 =	vadd.s32 v3, v7;
	v51 =	vmul.f32 $8.000000000e+00, v41;
	v10 =	vld [tilespmem:s18+$0x70];
	[tilespmem:v48+s22+$0x0] =	vst.idx.msk $0xffff, v53  }
0x3aa: {  	v50 =	vadd.s32 v3, v6;
	v54 =	vmul.f32 $8.000000000e+00, v45;
	[tilespmem:v44+s22+$0x0] =	vst.idx.msk $0xffff, v12;
	v59 =	vld [tilespmem:s18+$0xFFFFFFB0]  }
0x3ab: {  	v57 =	vadd.s32 v3, v22;
	v14 =	vmul.f32 $8.000000000e+00, v14;
	[tilespmem:v46+s22+$0x0] =	vst.idx.msk $0xffff, v51;
	v55 =	vld [tilespmem:s18+$0xFFFFFFF0]  }
0x3ac: {  	v62 =	vadd.s32 v3, v9;
	[tilespmem:v5+s22+$0x0] =	vst.idx.msk $0xffff, v54;
	v5 =	vmul.f32 $8.000000000e+00, v49;
	v58 =	vld [tilespmem:s18+$0x30]  }
0x3ad: {  	v56 =	vmul.f32 $8.000000000e+00, v21;
	v60 =	vadd.s32 v3, v23;
	[tilespmem:v4+s22+$0x0] =	vst.idx.msk $0xffff, v14  }
0x3ae: {  	v61 =	vadd.s32 v3, v25;
	[tilespmem:v52+s22+$0x0] =	vst.idx.msk $0xffff, v5;
	v5 =	vmul.f32 $8.000000000e+00, v10  }
0x3af: {  	[tilespmem:v50+s22+$0x0] =	vst.idx.msk $0xffff, v56;
	v63 =	vmul.f32 $8.000000000e+00, v59  }
0x3b0: {  	v4 =	vmul.f32 $8.000000000e+00, v55;
	[tilespmem:v57+s22+$0x0] =	vst.idx.msk $0xffff, v5  }
0x3b1: {  	v5 =	vmul.f32 $8.000000000e+00, v58;
	[tilespmem:v62+s22+$0x0] =	vst.idx.msk $0xffff, v63  }
0x3b2: {  	[tilespmem:v60+s22+$0x0] =	vst.idx.msk $0xffff, v4  }
0x3b3: {  	[tilespmem:v61+s22+$0x0] =	vst.idx.msk $0xffff, v5  }
0x3b4: {  	s19 =	rddreg [dreg:$0x1d]  }
0x3b5: {  	s17 =	sadd.s32 s16, s19  }
0x3b6: {  	[hbm4b:s17+s3] =	stream.linear.scatter [tilespmem:s22], [sflag:$0x6], $0x80, $0x38;
	[tilespmem:$0x12800] =	vst v63  }
0x3b7: {  	s24 =	simm.s32 $0x10688;
	s23 =	sadd.s32 $0x10, s17  }
0x3b8: {  	[hbm4b:s23+s3] =	stream.linear.scatter [tilespmem:s24], [sflag:$0x6], $0x80, $0x38;
	[tilespmem:$0x12800] =	vst v63  }
0x3b9: {  	s23 =	sadd.s32 $0x20, s17;
	s24 =	simm.s32 $0x10710  }
0x3ba: {  	[hbm4b:s23+s3] =	stream.linear.scatter [tilespmem:s24], [sflag:$0x6], $0x80, $0x38;
	[tilespmem:$0x12800] =	vst v63  }
0x3bb: {  	s23 =	sadd.s32 $0x30, s17;
	s24 =	simm.s32 $0x10798  }
0x3bc: {  	[hbm4b:s23+s3] =	stream.linear.scatter [tilespmem:s24], [sflag:$0x6], $0x80, $0x38;
	[tilespmem:$0x12800] =	vst v63  }
0x3bd: {  	s23 =	sadd.s32 $0x40, s17;
	s24 =	simm.s32 $0x10820  }
0x3be: {  	[hbm4b:s23+s3] =	stream.linear.scatter [tilespmem:s24], [sflag:$0x6], $0x80, $0x38;
	[tilespmem:$0x12800] =	vst v63  }
0x3bf: {  	s23 =	sadd.s32 $0x50, s17;
	s24 =	simm.s32 $0x108A8  }
0x3c0: {  	[hbm4b:s23+s3] =	stream.linear.scatter [tilespmem:s24], [sflag:$0x6], $0x80, $0x38;
	[tilespmem:$0x12800] =	vst v63  }
0x3c1: {  	s19 =	sadd.s32 $0x60, s17;
	s23 =	simm.s32 $0x10930  }
0x3c2: {  	[hbm4b:s19+s3] =	stream.linear.scatter [tilespmem:s23], [sflag:$0x6], $0x80, $0x38;
	[tilespmem:$0x12800] =	vst v63  }
0x3c3: {  	s18 =	rddreg [dreg:$0x1e];
	s17 =	sadd.s32 $0x70, s17;
	s24 =	simm.s32 $0x109B8  }
0x3c4: {  	[hbm4b:s17+s3] =	stream.linear.scatter [tilespmem:s24], [sflag:$0x6], $0x80, $0x38;
	[tilespmem:$0x12800] =	vst v63  }
0x3c5: {  	s19 =	simm.s32 $0x10A40;
	s17 =	sadd.s32 s16, s18  }
0x3c6: {  	[hbm4b:s17+s3] =	stream.linear.scatter [tilespmem:s19], [sflag:$0x6], $0x80, $0x38;
	[tilespmem:$0x12800] =	vst v63  }
0x3c7: {  	s24 =	simm.s32 $0x10AC8;
	s23 =	sadd.s32 $0x10, s17  }
0x3c8: {  	[hbm4b:s23+s3] =	stream.linear.scatter [tilespmem:s24], [sflag:$0x6], $0x80, $0x38;
	[tilespmem:$0x12800] =	vst v63  }
0x3c9: {  	s23 =	sadd.s32 $0x20, s17;
	s24 =	simm.s32 $0x10B50  }
0x3ca: {  	[hbm4b:s23+s3] =	stream.linear.scatter [tilespmem:s24], [sflag:$0x6], $0x80, $0x38;
	[tilespmem:$0x12800] =	vst v63  }
0x3cb: {  	s23 =	sadd.s32 $0x30, s17;
	s24 =	simm.s32 $0x10BD8  }
0x3cc: {  	[hbm4b:s23+s3] =	stream.linear.scatter [tilespmem:s24], [sflag:$0x6], $0x80, $0x38;
	[tilespmem:$0x12800] =	vst v63  }
0x3cd: {  	s23 =	sadd.s32 $0x40, s17;
	s24 =	simm.s32 $0x10C60  }
0x3ce: {  	[hbm4b:s23+s3] =	stream.linear.scatter [tilespmem:s24], [sflag:$0x6], $0x80, $0x38;
	[tilespmem:$0x12800] =	vst v63  }
0x3cf: {  	s23 =	sadd.s32 $0x50, s17;
	s24 =	simm.s32 $0x10CE8  }
0x3d0: {  	[hbm4b:s23+s3] =	stream.linear.scatter [tilespmem:s24], [sflag:$0x6], $0x80, $0x38;
	[tilespmem:$0x12800] =	vst v63  }
0x3d1: {  	s19 =	sadd.s32 $0x60, s17;
	s23 =	simm.s32 $0x10D70  }
0x3d2: {  	[hbm4b:s19+s3] =	stream.linear.scatter [tilespmem:s23], [sflag:$0x6], $0x80, $0x38;
	[tilespmem:$0x12800] =	vst v63  }
0x3d3: {  	s18 =	rddreg [dreg:$0x1f];
	s17 =	sadd.s32 $0x70, s17;
	s24 =	simm.s32 $0x10DF8  }
0x3d4: {  	[hbm4b:s17+s3] =	stream.linear.scatter [tilespmem:s24], [sflag:$0x6], $0x80, $0x38;
	[tilespmem:$0x12800] =	vst v63  }
0x3d5: {  	s19 =	simm.s32 $0x10E80;
	s17 =	sadd.s32 s16, s18  }
0x3d6: {  	[hbm4b:s17+s3] =	stream.linear.scatter [tilespmem:s19], [sflag:$0x6], $0x80, $0x38;
	[tilespmem:$0x12800] =	vst v63  }
0x3d7: {  	s24 =	simm.s32 $0x10F08;
	s23 =	sadd.s32 $0x10, s17  }
0x3d8: {  	[hbm4b:s23+s3] =	stream.linear.scatter [tilespmem:s24], [sflag:$0x6], $0x80, $0x38;
	[tilespmem:$0x12800] =	vst v63  }
0x3d9: {  	s23 =	sadd.s32 $0x20, s17;
	s24 =	simm.s32 $0x10F90  }
0x3da: {  	[hbm4b:s23+s3] =	stream.linear.scatter [tilespmem:s24], [sflag:$0x6], $0x80, $0x38;
	[tilespmem:$0x12800] =	vst v63  }
0x3db: {  	s23 =	sadd.s32 $0x30, s17;
	s24 =	simm.s32 $0x11018  }
0x3dc: {  	[hbm4b:s23+s3] =	stream.linear.scatter [tilespmem:s24], [sflag:$0x6], $0x80, $0x38;
	[tilespmem:$0x12800] =	vst v63  }
0x3dd: {  	s23 =	sadd.s32 $0x40, s17;
	s24 =	simm.s32 $0x110A0  }
0x3de: {  	[hbm4b:s23+s3] =	stream.linear.scatter [tilespmem:s24], [sflag:$0x6], $0x80, $0x38;
	[tilespmem:$0x12800] =	vst v63  }
0x3df: {  	s23 =	sadd.s32 $0x50, s17;
	s24 =	simm.s32 $0x11128  }
0x3e0: {  	[hbm4b:s23+s3] =	stream.linear.scatter [tilespmem:s24], [sflag:$0x6], $0x80, $0x38;
	[tilespmem:$0x12800] =	vst v63  }
0x3e1: {  	s18 =	sld [smem:$0x7F9];
	s19 =	sadd.s32 $0x60, s17;
	s23 =	simm.s32 $0x111B0  }
0x3e2: {  	[hbm4b:s19+s3] =	stream.linear.scatter [tilespmem:s23], [sflag:$0x6], $0x80, $0x38;
	[tilespmem:$0x12800] =	vst v63  }
0x3e3: {  	s17 =	sadd.s32 $0x70, s17;
	s24 =	simm.s32 $0x11238  }
0x3e4: {  	[hbm4b:s17+s3] =	stream.linear.scatter [tilespmem:s24], [sflag:$0x6], $0x80, $0x38;
	[tilespmem:$0x12800] =	vst v63  }
0x3e5: {  	s19 =	simm.s32 $0x112C0;
	s17 =	sadd.s32 s16, s18  }
0x3e6: {  	[hbm4b:s17+s3] =	stream.linear.scatter [tilespmem:s19], [sflag:$0x6], $0x80, $0x38;
	[tilespmem:$0x12800] =	vst v63  }
0x3e7: {  	s24 =	simm.s32 $0x11348;
	s23 =	sadd.s32 $0x10, s17  }
0x3e8: {  	[hbm4b:s23+s3] =	stream.linear.scatter [tilespmem:s24], [sflag:$0x6], $0x80, $0x38;
	[tilespmem:$0x12800] =	vst v63  }
0x3e9: {  	s23 =	sadd.s32 $0x20, s17;
	s24 =	simm.s32 $0x113D0  }
0x3ea: {  	[hbm4b:s23+s3] =	stream.linear.scatter [tilespmem:s24], [sflag:$0x6], $0x80, $0x38;
	[tilespmem:$0x12800] =	vst v63  }
0x3eb: {  	s23 =	sadd.s32 $0x30, s17;
	s24 =	simm.s32 $0x11458  }
0x3ec: {  	[hbm4b:s23+s3] =	stream.linear.scatter [tilespmem:s24], [sflag:$0x6], $0x80, $0x38;
	[tilespmem:$0x12800] =	vst v63  }
0x3ed: {  	s23 =	sadd.s32 $0x40, s17;
	s24 =	simm.s32 $0x114E0  }
0x3ee: {  	[hbm4b:s23+s3] =	stream.linear.scatter [tilespmem:s24], [sflag:$0x6], $0x80, $0x38;
	[tilespmem:$0x12800] =	vst v63  }
0x3ef: {  	s23 =	sadd.s32 $0x50, s17;
	s24 =	simm.s32 $0x11568  }
0x3f0: {  	[hbm4b:s23+s3] =	stream.linear.scatter [tilespmem:s24], [sflag:$0x6], $0x80, $0x38;
	[tilespmem:$0x12800] =	vst v63  }
0x3f1: {  	s18 =	sld [smem:$0x7FA];
	s19 =	sadd.s32 $0x60, s17;
	s23 =	simm.s32 $0x115F0  }
0x3f2: {  	[hbm4b:s19+s3] =	stream.linear.scatter [tilespmem:s23], [sflag:$0x6], $0x80, $0x38;
	[tilespmem:$0x12800] =	vst v63  }
0x3f3: {  	s17 =	sadd.s32 $0x70, s17;
	s24 =	simm.s32 $0x11678  }
0x3f4: {  	[hbm4b:s17+s3] =	stream.linear.scatter [tilespmem:s24], [sflag:$0x6], $0x80, $0x38;
	[tilespmem:$0x12800] =	vst v63  }
0x3f5: {  	s19 =	simm.s32 $0x11700;
	s17 =	sadd.s32 s16, s18  }
0x3f6: {  	[hbm4b:s17+s3] =	stream.linear.scatter [tilespmem:s19], [sflag:$0x6], $0x80, $0x38;
	[tilespmem:$0x12800] =	vst v63  }
0x3f7: {  	s24 =	simm.s32 $0x11788;
	s23 =	sadd.s32 $0x10, s17  }
0x3f8: {  	[hbm4b:s23+s3] =	stream.linear.scatter [tilespmem:s24], [sflag:$0x6], $0x80, $0x38;
	[tilespmem:$0x12800] =	vst v63  }
0x3f9: {  	s23 =	sadd.s32 $0x20, s17;
	s24 =	simm.s32 $0x11810  }
0x3fa: {  	[hbm4b:s23+s3] =	stream.linear.scatter [tilespmem:s24], [sflag:$0x6], $0x80, $0x38;
	[tilespmem:$0x12800] =	vst v63  }
0x3fb: {  	s23 =	sadd.s32 $0x30, s17;
	s24 =	simm.s32 $0x11898  }
0x3fc: {  	[hbm4b:s23+s3] =	stream.linear.scatter [tilespmem:s24], [sflag:$0x6], $0x80, $0x38;
	[tilespmem:$0x12800] =	vst v63  }
0x3fd: {  	s23 =	sadd.s32 $0x40, s17;
	s24 =	simm.s32 $0x11920  }
0x3fe: {  	[hbm4b:s23+s3] =	stream.linear.scatter [tilespmem:s24], [sflag:$0x6], $0x80, $0x38;
	[tilespmem:$0x12800] =	vst v63  }
0x3ff: {  	s23 =	sadd.s32 $0x50, s17;
	s24 =	simm.s32 $0x119A8  }
0x400: {  	[hbm4b:s23+s3] =	stream.linear.scatter [tilespmem:s24], [sflag:$0x6], $0x80, $0x38;
	[tilespmem:$0x12800] =	vst v63  }
0x401: {  	s18 =	sld [smem:$0x7FB];
	s19 =	sadd.s32 $0x60, s17;
	s23 =	simm.s32 $0x11A30  }
0x402: {  	[hbm4b:s19+s3] =	stream.linear.scatter [tilespmem:s23], [sflag:$0x6], $0x80, $0x38;
	[tilespmem:$0x12800] =	vst v63  }
0x403: {  	s17 =	sadd.s32 $0x70, s17;
	s24 =	simm.s32 $0x11AB8  }
0x404: {  	[hbm4b:s17+s3] =	stream.linear.scatter [tilespmem:s24], [sflag:$0x6], $0x80, $0x38;
	[tilespmem:$0x12800] =	vst v63  }
0x405: {  	s19 =	simm.s32 $0x11B40;
	s17 =	sadd.s32 s16, s18  }
0x406: {  	[hbm4b:s17+s3] =	stream.linear.scatter [tilespmem:s19], [sflag:$0x6], $0x80, $0x38;
	[tilespmem:$0x12800] =	vst v63  }
0x407: {  	s24 =	simm.s32 $0x11BC8;
	s23 =	sadd.s32 $0x10, s17  }
0x408: {  	[hbm4b:s23+s3] =	stream.linear.scatter [tilespmem:s24], [sflag:$0x6], $0x80, $0x38;
	[tilespmem:$0x12800] =	vst v63  }
0x409: {  	s23 =	sadd.s32 $0x20, s17;
	s24 =	simm.s32 $0x11C50  }
0x40a: {  	[hbm4b:s23+s3] =	stream.linear.scatter [tilespmem:s24], [sflag:$0x6], $0x80, $0x38;
	[tilespmem:$0x12800] =	vst v63  }
0x40b: {  	s23 =	sadd.s32 $0x30, s17;
	s24 =	simm.s32 $0x11CD8  }
0x40c: {  	[hbm4b:s23+s3] =	stream.linear.scatter [tilespmem:s24], [sflag:$0x6], $0x80, $0x38;
	[tilespmem:$0x12800] =	vst v63  }
0x40d: {  	s23 =	sadd.s32 $0x40, s17;
	s24 =	simm.s32 $0x11D60  }
0x40e: {  	[hbm4b:s23+s3] =	stream.linear.scatter [tilespmem:s24], [sflag:$0x6], $0x80, $0x38;
	[tilespmem:$0x12800] =	vst v63  }
0x40f: {  	s23 =	sadd.s32 $0x50, s17;
	s24 =	simm.s32 $0x11DE8  }
0x410: {  	[hbm4b:s23+s3] =	stream.linear.scatter [tilespmem:s24], [sflag:$0x6], $0x80, $0x38;
	[tilespmem:$0x12800] =	vst v63  }
0x411: {  	s18 =	sld [smem:$0x7FC];
	s19 =	sadd.s32 $0x60, s17;
	s23 =	simm.s32 $0x11E70  }
0x412: {  	[hbm4b:s19+s3] =	stream.linear.scatter [tilespmem:s23], [sflag:$0x6], $0x80, $0x38;
	[tilespmem:$0x12800] =	vst v63  }
0x413: {  	s17 =	sadd.s32 $0x70, s17;
	s24 =	simm.s32 $0x11EF8  }
0x414: {  	[hbm4b:s17+s3] =	stream.linear.scatter [tilespmem:s24], [sflag:$0x6], $0x80, $0x38;
	[tilespmem:$0x12800] =	vst v63  }
0x415: {  	s19 =	simm.s32 $0x11F80;
	s17 =	sadd.s32 s16, s18  }
0x416: {  	[hbm4b:s17+s3] =	stream.linear.scatter [tilespmem:s19], [sflag:$0x6], $0x80, $0x38;
	[tilespmem:$0x12800] =	vst v63  }
0x417: {  	s24 =	simm.s32 $0x12008;
	s23 =	sadd.s32 $0x10, s17  }
0x418: {  	[hbm4b:s23+s3] =	stream.linear.scatter [tilespmem:s24], [sflag:$0x6], $0x80, $0x38;
	[tilespmem:$0x12800] =	vst v63  }
0x419: {  	s23 =	sadd.s32 $0x20, s17;
	s24 =	simm.s32 $0x12090  }
0x41a: {  	[hbm4b:s23+s3] =	stream.linear.scatter [tilespmem:s24], [sflag:$0x6], $0x80, $0x38;
	[tilespmem:$0x12800] =	vst v63  }
0x41b: {  	s23 =	sadd.s32 $0x30, s17;
	s24 =	simm.s32 $0x12118  }
0x41c: {  	[hbm4b:s23+s3] =	stream.linear.scatter [tilespmem:s24], [sflag:$0x6], $0x80, $0x38;
	[tilespmem:$0x12800] =	vst v63  }
0x41d: {  	s23 =	sadd.s32 $0x40, s17  }
0x41e: {  	[hbm4b:s23+s3] =	stream.linear.scatter [tilespmem:s28], [sflag:$0x6], $0x80, $0x38;
	[tilespmem:$0x12800] =	vst v63  }
0x41f: {  	s24 =	sadd.s32 $0x50, s17  }
0x420: {  	[hbm4b:s24+s3] =	stream.linear.scatter [tilespmem:s29], [sflag:$0x6], $0x80, $0x38;
	[tilespmem:$0x12800] =	vst v63  }
0x421: {  	s19 =	sadd.s32 $0x60, s17;
	s23 =	sld [smem:$0x7FD]  }
0x422: {  	[hbm4b:s19+s3] =	stream.linear.scatter [tilespmem:s30], [sflag:$0x6], $0x80, $0x38;
	[tilespmem:$0x12800] =	vst v63  }
0x423: {  	s17 =	sadd.s32 $0x70, s17  }
0x424: {  	[hbm4b:s17+s3] =	stream.linear.scatter [tilespmem:s31], [sflag:$0x6], $0x80, $0x38;
	[tilespmem:$0x12800] =	vst v63  }
0x425: {  	s16 =	sadd.s32 s16, s23  }
0x426: {  	[hbm4b:s16+s3] =	stream.linear.scatter [tilespmem:s1], [sflag:$0x6], $0x80, $0x38;
	[tilespmem:$0x12800] =	vst v63  }
0x427: {  	s17 =	sadd.s32 $0x10, s16  }
0x428: {  	[hbm4b:s17+s3] =	stream.linear.scatter [tilespmem:s0], [sflag:$0x6], $0x80, $0x38;
	[tilespmem:$0x12800] =	vst v63  }
0x429: {  	s24 =	sadd.s32 $0x20, s16  }
0x42a: {  	[hbm4b:s24+s3] =	stream.linear.scatter [tilespmem:s5], [sflag:$0x6], $0x80, $0x38;
	[tilespmem:$0x12800] =	vst v63  }
0x42b: {  	s18 =	sadd.s32 $0x30, s16  }
0x42c: {  	[hbm4b:s18+s3] =	stream.linear.scatter [tilespmem:s25], [sflag:$0x6], $0x80, $0x38;
	[tilespmem:$0x12800] =	vst v63  }
0x42d: {  	s19 =	sadd.s32 $0x40, s16  }
0x42e: {  	[hbm4b:s19+s3] =	stream.linear.scatter [tilespmem:s2], [sflag:$0x6], $0x80, $0x38;
	[tilespmem:$0x12800] =	vst v63  }
0x42f: {  	s23 =	sadd.s32 $0x50, s16  }
0x430: {  	[hbm4b:s23+s3] =	stream.linear.scatter [tilespmem:s6], [sflag:$0x6], $0x80, $0x38;
	[tilespmem:$0x12800] =	vst v63  }
.Ltmp9:
0x431: {  	_ = 	snop;
	(pc) =	sbr.rel @p0 .LBB2_16-.Ltmp9, $4  }
0x432: {  	s24 =	sadd.s32 $0x60, s16  }
0x433: {  	[hbm4b:s24+s3] =	stream.linear.scatter [tilespmem:s7], [sflag:$0x6], $0x80, $0x38;
	[tilespmem:$0x12800] =	vst v63  }
0x434: {  	s16 =	sadd.s32 $0x70, s16  }
0x435: {  	[hbm4b:s16+s3] =	stream.linear.scatter [tilespmem:s8], [sflag:$0x6], $0x80, $0x38;
	[tilespmem:$0x12800] =	vst v63  }
.Ltmp10:
0x436: {  	(pc) =	sbr.rel .LBB2_2-.Ltmp10, $4  }
0x437: {  	_ = 	snop  }
0x438: {  	s15 =	sshrl.u32 s15, $0x2;
	s16 =	simm.s32 $0x80  }
0x439: {  	s17 =	simm.s32 $0xC400;
	s14 =	sadd.s32 $0x1, s14;
	s15 =	sadd.s32 $0x380, s15  }
0x43a: {  	[tilespmem:s17], [sflag:$0x4] =	stream.indirect.gather [hbm4b:s4+s16], $0x40, s15, s16, $0xb8;
	[tilespmem:$0x12800] =	vst v63  }
.LBB2_17:
0x43b: {  	_ =	sfence.sel $0x180000  }
0x43c: {  	[bflag:$0x0] =	sbarrier.arrive $0xFFFF  }
0x43d: {  	_ =	strace $0x90000047  }
0x43e: {  	s0 =	stileid.u32;
	[bflag:$0x2] =	sbarrier.arrive $0xFFFF  }
0x43f: {  	p0 =	sne.s32 s0, $0x0;
	s0 =	rddreg [dreg:$0x2]  }
0x440: {  	s0 =	sadd.s32 @!p0 $0x100000, s0  }
0x441: {  	[sflag:s0] =	ssyncadd.tile.s32 @!p0 $0x1;
	_ =	shalt  }
.Lfunc_end2:
_tile_overlayer_lowered:
.L_overlay_start_2:
0x442: {  	(tag) =	ssettag $0x2  }
0x443: {  	s0 =	rddreg [dreg:$0x0];
	s2 =	stileid.u32  }
0x444: {  	s1 =	rddreg [dreg:$0x1];
	p0 =	sne.s32 s2, $0x0  }
0x445: {  	s3 =	rddreg [dreg:$0x2];
	[bflag:$0x3] =	sbarrier.arrive $0xFFFF;
	s2 =	simm.s32 @!p0 $0x1C07  }
0x446: {  	[timem:s3], [sflag:s2] =	dma.local @!p0 [hbm:s0], s1  }
0x447: {  	s0 =	simm.s32 @!p0 $0x7  }
0x448: {  	_ =	swait.ge @!p0 [sflag:s0], s1  }
0x449: {  	s1 =	ssub.s32 @!p0 $0x0, s1;
	[sflag:s0] =	ssyncset.done @!p0 $0x0  }
0x44a: {  	[sflag:s0] =	ssyncadd.s32 @!p0 s1  }
0x44b: {  	[bflag:$0x3] =	sbarrier.arrive $0xFFFF  }
0x44c: {  	_ =	shalt  }

</sc_bundles>
